<compile_context>
chip_gen: v7x
topology: tpu7x:2x2x1
jax: 0.10.2.dev20260603
libtpu: 0.0.44.dev20260713+nightly
codegen_flags: <defaults>
</compile_context>

<pallas_src>
import functools

import jax
import jax.numpy as jnp
from jax import lax
from jax.experimental import pallas as pl
from jax.experimental.pallas import tpu as pltpu
from jax.experimental.pallas import tpu_sc as plsc

_N = 10000
_E = 320000
_D = 128
_NW = 32
_BLK = 128
_NB = 80
_EPW = _NB * _BLK
_NPAD = 10240
_ELAST = _E - (_NW - 1) * _EPW
_IGRP = 40
_RPT = _NPAD // 16
_BN = 1000

_mesh = plsc.VectorSubcoreMesh(core_axis_name="c", subcore_axis_name="s")
_SC_PARAMS = pltpu.CompilerParams(needs_layout_passes=False)


@functools.partial(
    pl.kernel,
    out_type=(
        jax.ShapeDtypeStruct((_NW * _NB, _BLK), jnp.int32),
        jax.ShapeDtypeStruct((_NW * _NB, _BLK), jnp.int32),
        jax.ShapeDtypeStruct((2, _NPAD), jnp.float32),
    ),
    mesh=_mesh,
    compiler_params=_SC_PARAMS,
    scratch_types=[
        pltpu.VMEM((_N,), jnp.int32),
        pltpu.VMEM((_EPW,), jnp.int32),
        pltpu.VMEM((_EPW,), jnp.int32),
        pltpu.VMEM((_NB, _BLK), jnp.int32),
        pltpu.VMEM((_NB, _BLK), jnp.int32),
        pltpu.VMEM((_NB, _BLK), jnp.float32),
        pltpu.VMEM((_RPT,), jnp.float32),
        pltpu.VMEM_SHARED((_NPAD,), jnp.float32),
        pltpu.SemaphoreType.DMA,
    ],
)
def _sc_pre(edge_hbm, lev_hbm, gidx_hbm, rowadj_hbm, deg_hbm,
            lev_v, row_v, col_v, gidx_v, rowadj_v, w_v, zero_v, deg_s, sem):
    cid = lax.axis_index("c")
    sid = lax.axis_index("s")
    wid = sid * 2 + cid
    base = wid * _EPW

    pltpu.sync_copy(lev_hbm, lev_v)

    @pl.when(wid < _NW - 1)
    def _():
        pltpu.sync_copy(edge_hbm.at[pl.ds(base, _EPW)], row_v)
        pltpu.sync_copy(edge_hbm.at[pl.ds(_E + base, _EPW)], col_v)

    @pl.when(wid == _NW - 1)
    def _():
        pltpu.sync_copy(edge_hbm.at[pl.ds(base, _ELAST)],
                        row_v.at[pl.ds(0, _ELAST)])
        pltpu.sync_copy(edge_hbm.at[pl.ds(_E + base, _ELAST)],
                        col_v.at[pl.ds(0, _ELAST)])

    def zb(k, c):
        zero_v[pl.ds(k * 16, 16)] = jnp.zeros((16,), jnp.float32)
        return c
    lax.fori_loop(0, _RPT // 16, zb, 0)
    pltpu.sync_copy(zero_v, deg_s.at[pl.ds(sid * _RPT, _RPT)])

    def body(j, c):
        for u in range(8):
            off = j * _BLK + u * 16
            eid = base + off + lax.iota(jnp.int32, 16)
            valid = eid < _E
            r = jnp.where(valid, row_v[pl.ds(off, 16)], 0)
            cc = jnp.where(valid, col_v[pl.ds(off, 16)], 0)
            lr = plsc.load_gather(lev_v, [r])
            lc = plsc.load_gather(lev_v, [cc])
            d = jnp.abs(lr - lc)
            spread = jnp.bitwise_and(eid, 7)
            g = jnp.where(valid, d * _N + cc, spread)
            ra = jnp.where(valid, r, _N + spread)
            w = jnp.where(valid, 1.0 / (1.0 + d.astype(jnp.float32)),
                          jnp.zeros((16,), jnp.float32))
            co = u * 16
            gidx_v[j, pl.ds(co, 16)] = g
            rowadj_v[j, pl.ds(co, 16)] = ra
            w_v[j, pl.ds(co, 16)] = w
        return c
    lax.fori_loop(0, _NB, body, 0)

    pltpu.sync_copy(gidx_v, gidx_hbm.at[pl.ds(wid * _NB, _NB)])
    pltpu.sync_copy(rowadj_v, rowadj_hbm.at[pl.ds(wid * _NB, _NB)])

    plsc.subcore_barrier()
    descs = []
    for j in range(_NB):
        descs.append(pltpu.async_copy(
            w_v.at[j], deg_s.at[rowadj_v.at[j]], sem, add=True))
    for dsc in descs:
        dsc.wait()
    plsc.subcore_barrier()
    pltpu.sync_copy(deg_s.at[pl.ds(sid * _RPT, _RPT)],
                    deg_hbm.at[cid, pl.ds(sid * _RPT, _RPT)])


@functools.partial(
    pl.kernel,
    out_type=jax.ShapeDtypeStruct((2, _NPAD, _D), jnp.float32),
    mesh=_mesh,
    compiler_params=_SC_PARAMS,
    scratch_types=[
        pltpu.VMEM((2 * _IGRP, _BLK), jnp.int32),
        pltpu.VMEM((_BLK, _D), jnp.float32),
        pltpu.VMEM((_BLK, _D), jnp.float32),
        pltpu.VMEM_SHARED((_NPAD, _D), jnp.float32),
        pltpu.SemaphoreType.DMA,
        pltpu.SemaphoreType.DMA,
    ],
)
def _sc_edge(h3_hbm, gidx_hbm, rowadj_hbm, out_hbm,
             idx_v, buf0, buf1, agg_s, sg0, sg1):
    cid = lax.axis_index("c")
    sid = lax.axis_index("s")
    wid = sid * 2 + cid
    bb = wid * _NB

    def zb(r, c):
        for u in range(8):
            buf0[r, pl.ds(u * 16, 16)] = jnp.zeros((16,), jnp.float32)
        return c
    lax.fori_loop(0, _BLK, zb, 0)
    for t in range(_RPT // _BLK):
        pltpu.sync_copy(buf0, agg_s.at[pl.ds(sid * _RPT + t * _BLK, _BLK)])
    plsc.subcore_barrier()

    def fire(b, buf, sem):
        pltpu.async_copy(h3_hbm.at[idx_v.at[b]], buf, sem)

    def gwait(b, buf, sem):
        pltpu.make_async_copy(h3_hbm.at[idx_v.at[b]], buf, sem).wait()

    def scat(b, buf):
        pltpu.sync_copy(buf, agg_s.at[idx_v.at[_IGRP + b]], add=True)

    def group(g, c):
        gb = bb + g * _IGRP
        pltpu.sync_copy(gidx_hbm.at[pl.ds(gb, _IGRP)],
                        idx_v.at[pl.ds(0, _IGRP)])
        pltpu.sync_copy(rowadj_hbm.at[pl.ds(gb, _IGRP)],
                        idx_v.at[pl.ds(_IGRP, _IGRP)])
        fire(0, buf0, sg0)

        def body(i, c2):
            b0 = 2 * i
            fire(b0 + 1, buf1, sg1)
            gwait(b0, buf0, sg0)
            scat(b0, buf0)
            fire(b0 + 2, buf0, sg0)
            gwait(b0 + 1, buf1, sg1)
            scat(b0 + 1, buf1)
            return c2
        lax.fori_loop(0, _IGRP // 2 - 1, body, 0)
        bl = _IGRP - 2
        fire(bl + 1, buf1, sg1)
        gwait(bl, buf0, sg0)
        scat(bl, buf0)
        gwait(bl + 1, buf1, sg1)
        scat(bl + 1, buf1)
        return c
    lax.fori_loop(0, _NB // _IGRP, group, 0)

    plsc.subcore_barrier()
    pltpu.sync_copy(agg_s.at[pl.ds(sid * _RPT, _RPT)],
                    out_hbm.at[cid, pl.ds(sid * _RPT, _RPT)])


def _onehot(lev_block, n):
    return (lev_block == lax.broadcasted_iota(jnp.int32, (n, 8), 1)
            ).astype(jnp.float32)


def _dense_h(feats, lev_ref, w_ref, lev_enc_ref, b_ref):
    hp = lax.Precision.HIGHEST
    cdim1 = (((1,), (1,)), ((), ()))
    w = w_ref[...]
    m = lax.dot_general(lev_enc_ref[...], w[:, _D:], cdim1, precision=hp)
    m = jnp.pad(m, ((0, 5), (0, 0)))
    h = lax.dot_general(feats, w[:, :_D], cdim1, precision=hp)
    h = h + jnp.dot(_onehot(lev_ref[...], feats.shape[0]), m, precision=hp)
    return h + b_ref[...]


def _emit_h3(h, out_ref):
    out_ref[0] = h
    out_ref[1] = jnp.float32(0.5) * h
    out_ref[2] = jnp.float32(1.0 / 3.0) * h


def _combine(h, part_ref, deg_ref):
    agg = part_ref[0] + part_ref[1]
    deg = deg_ref[0] + deg_ref[1]
    agg = agg / (deg + 1e-8)
    o = 0.5 * (h + agg)
    nrm = jnp.sqrt(jnp.sum(o * o, axis=1, keepdims=True))
    return o / (nrm + 1e-8)


def _dense0_body(x_ref, lev_ref, w_ref, levpad_ref, b_ref, out_ref):
    _emit_h3(_dense_h(x_ref[...], lev_ref, w_ref, levpad_ref, b_ref),
             out_ref)


def _mid_body(h3_ref, part_ref, deg_ref, lev_ref, w_ref, levpad_ref,
              b_ref, out_ref):
    o = _combine(h3_ref[0], part_ref, deg_ref)
    o = jnp.maximum(o, 0.0)
    nrm = jnp.sqrt(jnp.sum(o * o, axis=1, keepdims=True))
    o = o / (nrm + 1e-8)
    _emit_h3(_dense_h(o, lev_ref, w_ref, levpad_ref, b_ref), out_ref)


def _final_body(h3_ref, part_ref, deg_ref, out_ref):
    out_ref[...] = _combine(h3_ref[0], part_ref, deg_ref)[:, :_D - 1]


def _rep(shape):
    nd = len(shape)
    return pl.BlockSpec(shape, lambda i: (0,) * nd)


_GRID = (_N // _BN,)
_s_h3blk = pl.BlockSpec((1, _BN, _D), lambda i: (0, i, 0))
_s_part = pl.BlockSpec((2, _BN, _D), lambda i: (0, i, 0))
_s_deg = pl.BlockSpec((2, _BN, 1), lambda i: (0, i, 0))
_s_lev = pl.BlockSpec((_BN, 1), lambda i: (i, 0))
_s_h3out = pl.BlockSpec((3, _BN, _D), lambda i: (0, i, 0))
_DENSE_W_SPECS = [_rep((_D, _D + 8)), _rep((3, 8)), _rep((1, _D))]


def _dense0(x, lev2d, w, levpad, b2d):
    return pl.pallas_call(
        _dense0_body,
        grid=_GRID,
        in_specs=[pl.BlockSpec((_BN, _D), lambda i: (i, 0)), _s_lev,
                  *_DENSE_W_SPECS],
        out_specs=_s_h3out,
        out_shape=jax.ShapeDtypeStruct((3, _N, _D), jnp.float32),
    )(x, lev2d, w, levpad, b2d)


def _mid(h3_0, part, deg3, lev2d, w, levpad, b2d):
    return pl.pallas_call(
        _mid_body,
        grid=_GRID,
        in_specs=[_s_h3blk, _s_part, _s_deg, _s_lev, *_DENSE_W_SPECS],
        out_specs=_s_h3out,
        out_shape=jax.ShapeDtypeStruct((3, _N, _D), jnp.float32),
    )(h3_0, part, deg3, lev2d, w, levpad, b2d)


def _final(h3_1, part, deg3):
    return pl.pallas_call(
        _final_body,
        grid=_GRID,
        in_specs=[_s_h3blk, _s_part, _s_deg],
        out_specs=pl.BlockSpec((_BN, _D - 1), lambda i: (i, 0)),
        out_shape=jax.ShapeDtypeStruct((_N, _D - 1), jnp.float32),
    )(h3_1, part, deg3)


def kernel(x, edge_index, node_levels, W0, b0, lev0, W1, b1, lev1):
    gidx, rowadj, deg2 = _sc_pre(edge_index.reshape(2 * _E), node_levels)
    deg3 = deg2[:, :, None]
    lev2d = node_levels[:, None]

    h3_0 = _dense0(x, lev2d, W0, lev0, b0[None])
    p0 = _sc_edge(h3_0.reshape(3 * _N, _D), gidx, rowadj)

    h3_1 = _mid(h3_0, p0, deg3, lev2d, W1, lev1, b1[None])
    p1 = _sc_edge(h3_1.reshape(3 * _N, _D), gidx, rowadj)

    return _final(h3_1, p1, deg3)

# --- scband reference (transcript-rebuilt; emitter-appended) ---
"""Pipeline reference for scband-projective-hierarchical-gnn-85779086836539 (READ-ONLY COPY).

The authoritative reference and input builder live on the scoring server;
editing this copy changes nothing except your own understanding.
"""

import jax, jax.numpy as jnp
import numpy as np

N = 10000
E = 320000
D_IN = 128
D_HID = 128
D_OUT = 128
NUM_LEVELS = 3
LEVEL_DIM = 8

def setup_inputs(seed: int = 0):
    key = jax.random.key(seed)
    ks = jax.random.split(key, 8)
    x = jax.random.normal(ks[0], (N, D_IN), dtype=jnp.float32)
    edge_index = jax.random.randint(ks[1], (2, E), 0, N, dtype=jnp.int32)
    node_levels = jax.random.randint(ks[2], (N,), 0, NUM_LEVELS, dtype=jnp.int32)
    s0 = 1.0 / np.sqrt(D_IN + LEVEL_DIM)
    s1 = 1.0 / np.sqrt(D_HID + LEVEL_DIM)
    W0 = jax.random.normal(ks[3], (D_HID, D_IN + LEVEL_DIM), dtype=jnp.float32) * s0
    b0 = jnp.zeros((D_HID,), dtype=jnp.float32)
    lev0 = jax.random.normal(ks[4], (NUM_LEVELS, LEVEL_DIM), dtype=jnp.float32) * 0.1
    W1 = jax.random.normal(ks[5], (D_OUT, D_HID + LEVEL_DIM), dtype=jnp.float32) * s1
    b1 = jnp.zeros((D_OUT,), dtype=jnp.float32)
    lev1 = jax.random.normal(ks[6], (NUM_LEVELS, LEVEL_DIM), dtype=jnp.float32) * 0.1
    return {"x": x, "edge_index": edge_index, "node_levels": node_levels,
            "W0": W0, "b0": b0, "lev0": lev0, "W1": W1, "b1": b1, "lev1": lev1}

def _hier_layer(x, edge_index, node_levels, W, b, lev_enc):
    # x: [N, d_in+1] with homogeneous coordinate. Projective transform on the
    # feature part augmented with per-node hierarchical level encodings, then
    # level-aware message passing (gather over src nodes, weighted scatter-add
    # onto dst nodes) and projective normalization.
    feats = x[..., :-1]
    lev = lev_enc[node_levels]
    h = jnp.concatenate([feats, lev], axis=-1) @ W.T + b
    row, col = edge_index[0], edge_index[1]
    msg = h[col]
    ldiff = jnp.abs(node_levels[row] - node_levels[col]).astype(h.dtype)
    w = 1.0 / (1.0 + ldiff)
    agg = jax.ops.segment_sum(msg * w[:, None], row, num_segments=x.shape[0])
    deg = jax.ops.segment_sum(w, row, num_segments=x.shape[0])
    agg = agg / (deg[:, None] + 1e-8)
    out = 0.5 * (h + agg)
    norm = jnp.linalg.norm(out, axis=-1, keepdims=True)
    return out / (norm + 1e-8)

def _forward(x, edge_index, node_levels, W0, b0, lev0, W1, b1, lev1):
    if x.shape[-1] == D_IN:
        x = jnp.concatenate([x, jnp.ones_like(x[..., :1])], axis=-1)
    # layer 0
    x = _hier_layer(x, edge_index, node_levels, W0, b0, lev0)
    # intermediate projective activation + normalization (i < num_layers-1)
    x = jnp.concatenate([x, jnp.ones_like(x[..., :1])], axis=-1)
    xf = jax.nn.relu(x[..., :-1])
    x = jnp.concatenate([xf, x[..., -1:]], axis=-1)
    norm = jnp.linalg.norm(x[..., :-1], axis=-1, keepdims=True)
    x = jnp.concatenate([x[..., :-1] / (norm + 1e-8), x[..., -1:]], axis=-1)
    # projective_dropout is identity in eval mode / dropout=0.0
    # layer 1 (final)
    x = _hier_layer(x, edge_index, node_levels, W1, b1, lev1)
    return x[..., :-1]

def reference(x, edge_index, node_levels, W0, b0, lev0, W1, b1, lev1):
    return _forward(x, edge_index, node_levels, W0, b0, lev0, W1, b1, lev1)

if __name__ == "__main__":
    import jax
    _d = setup_inputs()
    print(jax.jit(kernel)(*tuple(_d.values())))

</pallas_src>

<mosaic_0001>
#map = affine_map<(d0, d1) -> (0, 0)>
#map1 = affine_map<(d0, d1) -> (0, 0, 0)>
module attributes {stable_mosaic.version = 14 : i64} {
  func.func @_sc_edge(%arg0: i32, %arg1: i32, %arg2: memref<30000x128xf32, #tpu.memory_space<hbm>>, %arg3: memref<2560x128xi32, #tpu.memory_space<hbm>>, %arg4: memref<2560x128xi32, #tpu.memory_space<hbm>>, %arg5: memref<2x10240x128xf32, #tpu.memory_space<hbm>>, %arg6: memref<80x128xi32, #tpu.memory_space<vmem>>, %arg7: memref<128x128xf32, #tpu.memory_space<vmem>>, %arg8: memref<128x128xf32, #tpu.memory_space<vmem>>, %arg9: memref<10240x128xf32, #tpu.memory_space<vmem_shared>>, %arg10: memref<!tpu.dma_semaphore, #tpu.memory_space<semaphore_mem>>, %arg11: memref<!tpu.dma_semaphore, #tpu.memory_space<semaphore_mem>>) attributes {dimension_semantics = [#tpu.dimension_semantics<core_parallel>, #tpu.dimension_semantics<subcore_parallel>], iteration_bounds = array<i64: 2, 16>, scalar_prefetch = 0 : i64, scratch_operands = 6 : i64, tpu.core_type = #tpu.core_type<sc_vector_subcore>, window_params = [{transform_indices = #map}, {transform_indices = #map}, {transform_indices = #map}, {transform_indices = #map1}]} {
    %mul3A = arith.constant 2 : i32
    %mul3A_0 = arith.muli %arg1, %mul3A : i32
    %add3A = arith.addi %mul3A_0, %arg0 : i32
    %mul3A_1 = arith.constant 80 : i32
    %mul3A_2 = arith.muli %add3A, %mul3A_1 : i32
    %scan3A = arith.constant 0 : i32
    %scan3A_3 = arith.constant 0 : i32
    %scan3A_4 = arith.constant 128 : i32
    %scan3A_5 = arith.addi %scan3A_3, %scan3A_4 : i32
    %scan3A_6 = arith.constant 1 : i32
    scf.for %scan3A_39 = %scan3A_3 to %scan3A_5 step %scan3A_6  : i32 {
      %broadcast_in_dim3A = arith.constant 0.000000e+00 : f32
      %broadcast_in_dim3A_40 = vector.broadcast %broadcast_in_dim3A : f32 to vector<16xf32>
      %swap3A = arith.index_cast %scan3A_39 : i32 to index
      %swap3A_41 = arith.constant 0 : index
      %swap3A_42 = tpu.vector_load %arg7[%swap3A, %swap3A_41] {strides = array<i32>} : memref<128x128xf32, #tpu.memory_space<vmem>>, vector<16xf32>,
      tpu.vector_store %arg7[%swap3A, %swap3A_41], %broadcast_in_dim3A_40 {strides = array<i32>} : memref<128x128xf32, #tpu.memory_space<vmem>>, vector<16xf32>,
      %broadcast_in_dim3A_43 = arith.constant 0.000000e+00 : f32
      %broadcast_in_dim3A_44 = vector.broadcast %broadcast_in_dim3A_43 : f32 to vector<16xf32>
      %swap3A_45 = arith.index_cast %scan3A_39 : i32 to index
      %swap3A_46 = arith.constant 16 : index
      %swap3A_47 = tpu.vector_load %arg7[%swap3A_45, %swap3A_46] {strides = array<i32>} : memref<128x128xf32, #tpu.memory_space<vmem>>, vector<16xf32>,
      tpu.vector_store %arg7[%swap3A_45, %swap3A_46], %broadcast_in_dim3A_44 {strides = array<i32>} : memref<128x128xf32, #tpu.memory_space<vmem>>, vector<16xf32>,
      %broadcast_in_dim3A_48 = arith.constant 0.000000e+00 : f32
      %broadcast_in_dim3A_49 = vector.broadcast %broadcast_in_dim3A_48 : f32 to vector<16xf32>
      %swap3A_50 = arith.index_cast %scan3A_39 : i32 to index
      %swap3A_51 = arith.constant 32 : index
      %swap3A_52 = tpu.vector_load %arg7[%swap3A_50, %swap3A_51] {strides = array<i32>} : memref<128x128xf32, #tpu.memory_space<vmem>>, vector<16xf32>,
      tpu.vector_store %arg7[%swap3A_50, %swap3A_51], %broadcast_in_dim3A_49 {strides = array<i32>} : memref<128x128xf32, #tpu.memory_space<vmem>>, vector<16xf32>,
      %broadcast_in_dim3A_53 = arith.constant 0.000000e+00 : f32
      %broadcast_in_dim3A_54 = vector.broadcast %broadcast_in_dim3A_53 : f32 to vector<16xf32>
      %swap3A_55 = arith.index_cast %scan3A_39 : i32 to index
      %swap3A_56 = arith.constant 48 : index
      %swap3A_57 = tpu.vector_load %arg7[%swap3A_55, %swap3A_56] {strides = array<i32>} : memref<128x128xf32, #tpu.memory_space<vmem>>, vector<16xf32>,
      tpu.vector_store %arg7[%swap3A_55, %swap3A_56], %broadcast_in_dim3A_54 {strides = array<i32>} : memref<128x128xf32, #tpu.memory_space<vmem>>, vector<16xf32>,
      %broadcast_in_dim3A_58 = arith.constant 0.000000e+00 : f32
      %broadcast_in_dim3A_59 = vector.broadcast %broadcast_in_dim3A_58 : f32 to vector<16xf32>
      %swap3A_60 = arith.index_cast %scan3A_39 : i32 to index
      %swap3A_61 = arith.constant 64 : index
      %swap3A_62 = tpu.vector_load %arg7[%swap3A_60, %swap3A_61] {strides = array<i32>} : memref<128x128xf32, #tpu.memory_space<vmem>>, vector<16xf32>,
      tpu.vector_store %arg7[%swap3A_60, %swap3A_61], %broadcast_in_dim3A_59 {strides = array<i32>} : memref<128x128xf32, #tpu.memory_space<vmem>>, vector<16xf32>,
      %broadcast_in_dim3A_63 = arith.constant 0.000000e+00 : f32
      %broadcast_in_dim3A_64 = vector.broadcast %broadcast_in_dim3A_63 : f32 to vector<16xf32>
      %swap3A_65 = arith.index_cast %scan3A_39 : i32 to index
      %swap3A_66 = arith.constant 80 : index
      %swap3A_67 = tpu.vector_load %arg7[%swap3A_65, %swap3A_66] {strides = array<i32>} : memref<128x128xf32, #tpu.memory_space<vmem>>, vector<16xf32>,
      tpu.vector_store %arg7[%swap3A_65, %swap3A_66], %broadcast_in_dim3A_64 {strides = array<i32>} : memref<128x128xf32, #tpu.memory_space<vmem>>, vector<16xf32>,
      %broadcast_in_dim3A_68 = arith.constant 0.000000e+00 : f32
      %broadcast_in_dim3A_69 = vector.broadcast %broadcast_in_dim3A_68 : f32 to vector<16xf32>
      %swap3A_70 = arith.index_cast %scan3A_39 : i32 to index
      %swap3A_71 = arith.constant 96 : index
      %swap3A_72 = tpu.vector_load %arg7[%swap3A_70, %swap3A_71] {strides = array<i32>} : memref<128x128xf32, #tpu.memory_space<vmem>>, vector<16xf32>,
      tpu.vector_store %arg7[%swap3A_70, %swap3A_71], %broadcast_in_dim3A_69 {strides = array<i32>} : memref<128x128xf32, #tpu.memory_space<vmem>>, vector<16xf32>,
      %broadcast_in_dim3A_73 = arith.constant 0.000000e+00 : f32
      %broadcast_in_dim3A_74 = vector.broadcast %broadcast_in_dim3A_73 : f32 to vector<16xf32>
      %swap3A_75 = arith.index_cast %scan3A_39 : i32 to index
      %swap3A_76 = arith.constant 112 : index
      %swap3A_77 = tpu.vector_load %arg7[%swap3A_75, %swap3A_76] {strides = array<i32>} : memref<128x128xf32, #tpu.memory_space<vmem>>, vector<16xf32>,
      tpu.vector_store %arg7[%swap3A_75, %swap3A_76], %broadcast_in_dim3A_74 {strides = array<i32>} : memref<128x128xf32, #tpu.memory_space<vmem>>, vector<16xf32>,
    }
    %scan3A_7 = arith.constant 128 : i32
    %mul3A_8 = arith.constant 640 : i32
    %mul3A_9 = arith.muli %arg1, %mul3A_8 : i32
    %add3A_10 = arith.constant 0 : i32
    %add3A_11 = arith.addi %mul3A_9, %add3A_10 : i32
    "tpu.region"() ({
      %run_scoped3A = tpu.sem_alloc : memref<!tpu.dma_semaphore, #tpu.memory_space<semaphore_mem>>
      %dma_start3A = arith.constant 0 : i32
      %dma_start3A_39 = tpu.memref_slice %arg9[%add3A_11, %dma_start3A] : memref<10240x128xf32, #tpu.memory_space<vmem_shared>> -> memref<128x128xf32, #tpu.memory_space<vmem_shared>>
      %dma_start3A_40 = arith.constant 0 : i32
      %dma_start3A_41 = tpu.memref_slice %arg9[%add3A_11, %dma_start3A_40] : memref<10240x128xf32, #tpu.memory_space<vmem_shared>> -> memref<128x128xf32, #tpu.memory_space<vmem_shared>>
      tpu.enqueue_dma source(%arg7 : memref<128x128xf32, #tpu.memory_space<vmem>>) target(%dma_start3A_41 : memref<128x128xf32, #tpu.memory_space<vmem_shared>>) target_semaphore(%run_scoped3A : memref<!tpu.dma_semaphore, #tpu.memory_space<semaphore_mem>>)
      %dma_wait3A = arith.constant 0 : i32
      %dma_wait3A_42 = tpu.memref_slice %arg9[%add3A_11, %dma_wait3A] : memref<10240x128xf32, #tpu.memory_space<vmem_shared>> -> memref<128x128xf32, #tpu.memory_space<vmem_shared>>
      %dma_wait3A_43 = arith.constant 0 : i32
      %dma_wait3A_44 = tpu.memref_slice %arg9[%add3A_11, %dma_wait3A_43] : memref<10240x128xf32, #tpu.memory_space<vmem_shared>> -> memref<128x128xf32, #tpu.memory_space<vmem_shared>>
      tpu.wait_dma2 semaphore(%run_scoped3A : memref<!tpu.dma_semaphore, #tpu.memory_space<semaphore_mem>>) src(%arg7 : memref<128x128xf32, #tpu.memory_space<vmem>>) dst(%dma_wait3A_44 : memref<128x128xf32, #tpu.memory_space<vmem_shared>>)
      tpu.yield
    }) : () -> ()
    %mul3A_12 = arith.constant 640 : i32
    %mul3A_13 = arith.muli %arg1, %mul3A_12 : i32
    %add3A_14 = arith.constant 128 : i32
    %add3A_15 = arith.addi %mul3A_13, %add3A_14 : i32
    "tpu.region"() ({
      %run_scoped3A = tpu.sem_alloc : memref<!tpu.dma_semaphore, #tpu.memory_space<semaphore_mem>>
      %dma_start3A = arith.constant 0 : i32
      %dma_start3A_39 = tpu.memref_slice %arg9[%add3A_15, %dma_start3A] : memref<10240x128xf32, #tpu.memory_space<vmem_shared>> -> memref<128x128xf32, #tpu.memory_space<vmem_shared>>
      %dma_start3A_40 = arith.constant 0 : i32
      %dma_start3A_41 = tpu.memref_slice %arg9[%add3A_15, %dma_start3A_40] : memref<10240x128xf32, #tpu.memory_space<vmem_shared>> -> memref<128x128xf32, #tpu.memory_space<vmem_shared>>
      tpu.enqueue_dma source(%arg7 : memref<128x128xf32, #tpu.memory_space<vmem>>) target(%dma_start3A_41 : memref<128x128xf32, #tpu.memory_space<vmem_shared>>) target_semaphore(%run_scoped3A : memref<!tpu.dma_semaphore, #tpu.memory_space<semaphore_mem>>)
      %dma_wait3A = arith.constant 0 : i32
      %dma_wait3A_42 = tpu.memref_slice %arg9[%add3A_15, %dma_wait3A] : memref<10240x128xf32, #tpu.memory_space<vmem_shared>> -> memref<128x128xf32, #tpu.memory_space<vmem_shared>>
      %dma_wait3A_43 = arith.constant 0 : i32
      %dma_wait3A_44 = tpu.memref_slice %arg9[%add3A_15, %dma_wait3A_43] : memref<10240x128xf32, #tpu.memory_space<vmem_shared>> -> memref<128x128xf32, #tpu.memory_space<vmem_shared>>
      tpu.wait_dma2 semaphore(%run_scoped3A : memref<!tpu.dma_semaphore, #tpu.memory_space<semaphore_mem>>) src(%arg7 : memref<128x128xf32, #tpu.memory_space<vmem>>) dst(%dma_wait3A_44 : memref<128x128xf32, #tpu.memory_space<vmem_shared>>)
      tpu.yield
    }) : () -> ()
    %mul3A_16 = arith.constant 640 : i32
    %mul3A_17 = arith.muli %arg1, %mul3A_16 : i32
    %add3A_18 = arith.constant 256 : i32
    %add3A_19 = arith.addi %mul3A_17, %add3A_18 : i32
    "tpu.region"() ({
      %run_scoped3A = tpu.sem_alloc : memref<!tpu.dma_semaphore, #tpu.memory_space<semaphore_mem>>
      %dma_start3A = arith.constant 0 : i32
      %dma_start3A_39 = tpu.memref_slice %arg9[%add3A_19, %dma_start3A] : memref<10240x128xf32, #tpu.memory_space<vmem_shared>> -> memref<128x128xf32, #tpu.memory_space<vmem_shared>>
      %dma_start3A_40 = arith.constant 0 : i32
      %dma_start3A_41 = tpu.memref_slice %arg9[%add3A_19, %dma_start3A_40] : memref<10240x128xf32, #tpu.memory_space<vmem_shared>> -> memref<128x128xf32, #tpu.memory_space<vmem_shared>>
      tpu.enqueue_dma source(%arg7 : memref<128x128xf32, #tpu.memory_space<vmem>>) target(%dma_start3A_41 : memref<128x128xf32, #tpu.memory_space<vmem_shared>>) target_semaphore(%run_scoped3A : memref<!tpu.dma_semaphore, #tpu.memory_space<semaphore_mem>>)
      %dma_wait3A = arith.constant 0 : i32
      %dma_wait3A_42 = tpu.memref_slice %arg9[%add3A_19, %dma_wait3A] : memref<10240x128xf32, #tpu.memory_space<vmem_shared>> -> memref<128x128xf32, #tpu.memory_space<vmem_shared>>
      %dma_wait3A_43 = arith.constant 0 : i32
      %dma_wait3A_44 = tpu.memref_slice %arg9[%add3A_19, %dma_wait3A_43] : memref<10240x128xf32, #tpu.memory_space<vmem_shared>> -> memref<128x128xf32, #tpu.memory_space<vmem_shared>>
      tpu.wait_dma2 semaphore(%run_scoped3A : memref<!tpu.dma_semaphore, #tpu.memory_space<semaphore_mem>>) src(%arg7 : memref<128x128xf32, #tpu.memory_space<vmem>>) dst(%dma_wait3A_44 : memref<128x128xf32, #tpu.memory_space<vmem_shared>>)
      tpu.yield
    }) : () -> ()
    %mul3A_20 = arith.constant 640 : i32
    %mul3A_21 = arith.muli %arg1, %mul3A_20 : i32
    %add3A_22 = arith.constant 384 : i32
    %add3A_23 = arith.addi %mul3A_21, %add3A_22 : i32
    "tpu.region"() ({
      %run_scoped3A = tpu.sem_alloc : memref<!tpu.dma_semaphore, #tpu.memory_space<semaphore_mem>>
      %dma_start3A = arith.constant 0 : i32
      %dma_start3A_39 = tpu.memref_slice %arg9[%add3A_23, %dma_start3A] : memref<10240x128xf32, #tpu.memory_space<vmem_shared>> -> memref<128x128xf32, #tpu.memory_space<vmem_shared>>
      %dma_start3A_40 = arith.constant 0 : i32
      %dma_start3A_41 = tpu.memref_slice %arg9[%add3A_23, %dma_start3A_40] : memref<10240x128xf32, #tpu.memory_space<vmem_shared>> -> memref<128x128xf32, #tpu.memory_space<vmem_shared>>
      tpu.enqueue_dma source(%arg7 : memref<128x128xf32, #tpu.memory_space<vmem>>) target(%dma_start3A_41 : memref<128x128xf32, #tpu.memory_space<vmem_shared>>) target_semaphore(%run_scoped3A : memref<!tpu.dma_semaphore, #tpu.memory_space<semaphore_mem>>)
      %dma_wait3A = arith.constant 0 : i32
      %dma_wait3A_42 = tpu.memref_slice %arg9[%add3A_23, %dma_wait3A] : memref<10240x128xf32, #tpu.memory_space<vmem_shared>> -> memref<128x128xf32, #tpu.memory_space<vmem_shared>>
      %dma_wait3A_43 = arith.constant 0 : i32
      %dma_wait3A_44 = tpu.memref_slice %arg9[%add3A_23, %dma_wait3A_43] : memref<10240x128xf32, #tpu.memory_space<vmem_shared>> -> memref<128x128xf32, #tpu.memory_space<vmem_shared>>
      tpu.wait_dma2 semaphore(%run_scoped3A : memref<!tpu.dma_semaphore, #tpu.memory_space<semaphore_mem>>) src(%arg7 : memref<128x128xf32, #tpu.memory_space<vmem>>) dst(%dma_wait3A_44 : memref<128x128xf32, #tpu.memory_space<vmem_shared>>)
      tpu.yield
    }) : () -> ()
    %mul3A_24 = arith.constant 640 : i32
    %mul3A_25 = arith.muli %arg1, %mul3A_24 : i32
    %add3A_26 = arith.constant 512 : i32
    %add3A_27 = arith.addi %mul3A_25, %add3A_26 : i32
    "tpu.region"() ({
      %run_scoped3A = tpu.sem_alloc : memref<!tpu.dma_semaphore, #tpu.memory_space<semaphore_mem>>
      %dma_start3A = arith.constant 0 : i32
      %dma_start3A_39 = tpu.memref_slice %arg9[%add3A_27, %dma_start3A] : memref<10240x128xf32, #tpu.memory_space<vmem_shared>> -> memref<128x128xf32, #tpu.memory_space<vmem_shared>>
      %dma_start3A_40 = arith.constant 0 : i32
      %dma_start3A_41 = tpu.memref_slice %arg9[%add3A_27, %dma_start3A_40] : memref<10240x128xf32, #tpu.memory_space<vmem_shared>> -> memref<128x128xf32, #tpu.memory_space<vmem_shared>>
      tpu.enqueue_dma source(%arg7 : memref<128x128xf32, #tpu.memory_space<vmem>>) target(%dma_start3A_41 : memref<128x128xf32, #tpu.memory_space<vmem_shared>>) target_semaphore(%run_scoped3A : memref<!tpu.dma_semaphore, #tpu.memory_space<semaphore_mem>>)
      %dma_wait3A = arith.constant 0 : i32
      %dma_wait3A_42 = tpu.memref_slice %arg9[%add3A_27, %dma_wait3A] : memref<10240x128xf32, #tpu.memory_space<vmem_shared>> -> memref<128x128xf32, #tpu.memory_space<vmem_shared>>
      %dma_wait3A_43 = arith.constant 0 : i32
      %dma_wait3A_44 = tpu.memref_slice %arg9[%add3A_27, %dma_wait3A_43] : memref<10240x128xf32, #tpu.memory_space<vmem_shared>> -> memref<128x128xf32, #tpu.memory_space<vmem_shared>>
      tpu.wait_dma2 semaphore(%run_scoped3A : memref<!tpu.dma_semaphore, #tpu.memory_space<semaphore_mem>>) src(%arg7 : memref<128x128xf32, #tpu.memory_space<vmem>>) dst(%dma_wait3A_44 : memref<128x128xf32, #tpu.memory_space<vmem_shared>>)
      tpu.yield
    }) : () -> ()
    %barrier3A = arith.constant 0 : index
    tpu.barrier barrier_id(%barrier3A)
    %scan3A_28 = arith.constant 0 : i32
    %scan3A_29 = arith.constant 0 : i32
    %scan3A_30 = arith.constant 2 : i32
    %scan3A_31 = arith.addi %scan3A_29, %scan3A_30 : i32
    %scan3A_32 = arith.constant 1 : i32
    scf.for %scan3A_39 = %scan3A_29 to %scan3A_31 step %scan3A_32  : i32 {
      %mul3A_40 = arith.constant 40 : i32
      %mul3A_41 = arith.muli %scan3A_39, %mul3A_40 : i32
      %add3A_42 = arith.addi %mul3A_2, %mul3A_41 : i32
      "tpu.region"() ({
        %run_scoped3A_76 = tpu.sem_alloc : memref<!tpu.dma_semaphore, #tpu.memory_space<semaphore_mem>>
        %dma_start3A_77 = arith.constant 0 : i32
        %dma_start3A_78 = arith.constant 0 : i32
        %dma_start3A_79 = tpu.memref_slice %arg6[%dma_start3A_77, %dma_start3A_78] : memref<80x128xi32, #tpu.memory_space<vmem>> -> memref<40x128xi32, #tpu.memory_space<vmem>>
        %dma_start3A_80 = arith.constant 0 : i32
        %dma_start3A_81 = tpu.memref_slice %arg3[%add3A_42, %dma_start3A_80] : memref<2560x128xi32, #tpu.memory_space<hbm>> -> memref<40x128xi32, #tpu.memory_space<hbm>>
        %dma_start3A_82 = arith.constant 0 : i32
        %dma_start3A_83 = arith.constant 0 : i32
        %dma_start3A_84 = tpu.memref_slice %arg6[%dma_start3A_82, %dma_start3A_83] : memref<80x128xi32, #tpu.memory_space<vmem>> -> memref<40x128xi32, #tpu.memory_space<vmem>>
        %dma_start3A_85 = arith.constant 0 : i32
        %dma_start3A_86 = tpu.memref_slice %arg3[%add3A_42, %dma_start3A_85] : memref<2560x128xi32, #tpu.memory_space<hbm>> -> memref<40x128xi32, #tpu.memory_space<hbm>>
        tpu.enqueue_dma source(%dma_start3A_86 : memref<40x128xi32, #tpu.memory_space<hbm>>) target(%dma_start3A_84 : memref<40x128xi32, #tpu.memory_space<vmem>>) target_semaphore(%run_scoped3A_76 : memref<!tpu.dma_semaphore, #tpu.memory_space<semaphore_mem>>)
        %dma_wait3A_87 = arith.constant 0 : i32
        %dma_wait3A_88 = arith.constant 0 : i32
        %dma_wait3A_89 = tpu.memref_slice %arg6[%dma_wait3A_87, %dma_wait3A_88] : memref<80x128xi32, #tpu.memory_space<vmem>> -> memref<40x128xi32, #tpu.memory_space<vmem>>
        %dma_wait3A_90 = arith.constant 0 : i32
        %dma_wait3A_91 = tpu.memref_slice %arg3[%add3A_42, %dma_wait3A_90] : memref<2560x128xi32, #tpu.memory_space<hbm>> -> memref<40x128xi32, #tpu.memory_space<hbm>>
        %dma_wait3A_92 = arith.constant 0 : i32
        %dma_wait3A_93 = arith.constant 0 : i32
        %dma_wait3A_94 = tpu.memref_slice %arg6[%dma_wait3A_92, %dma_wait3A_93] : memref<80x128xi32, #tpu.memory_space<vmem>> -> memref<40x128xi32, #tpu.memory_space<vmem>>
        %dma_wait3A_95 = arith.constant 0 : i32
        %dma_wait3A_96 = tpu.memref_slice %arg3[%add3A_42, %dma_wait3A_95] : memref<2560x128xi32, #tpu.memory_space<hbm>> -> memref<40x128xi32, #tpu.memory_space<hbm>>
        tpu.wait_dma2 semaphore(%run_scoped3A_76 : memref<!tpu.dma_semaphore, #tpu.memory_space<semaphore_mem>>) src(%dma_wait3A_96 : memref<40x128xi32, #tpu.memory_space<hbm>>) dst(%dma_wait3A_94 : memref<40x128xi32, #tpu.memory_space<vmem>>)
        tpu.yield
      }) : () -> ()
      "tpu.region"() ({
        %run_scoped3A_76 = tpu.sem_alloc : memref<!tpu.dma_semaphore, #tpu.memory_space<semaphore_mem>>
        %dma_start3A_77 = arith.constant 40 : i32
        %dma_start3A_78 = arith.constant 0 : i32
        %dma_start3A_79 = tpu.memref_slice %arg6[%dma_start3A_77, %dma_start3A_78] : memref<80x128xi32, #tpu.memory_space<vmem>> -> memref<40x128xi32, #tpu.memory_space<vmem>>
        %dma_start3A_80 = arith.constant 0 : i32
        %dma_start3A_81 = tpu.memref_slice %arg4[%add3A_42, %dma_start3A_80] : memref<2560x128xi32, #tpu.memory_space<hbm>> -> memref<40x128xi32, #tpu.memory_space<hbm>>
        %dma_start3A_82 = arith.constant 40 : i32
        %dma_start3A_83 = arith.constant 0 : i32
        %dma_start3A_84 = tpu.memref_slice %arg6[%dma_start3A_82, %dma_start3A_83] : memref<80x128xi32, #tpu.memory_space<vmem>> -> memref<40x128xi32, #tpu.memory_space<vmem>>
        %dma_start3A_85 = arith.constant 0 : i32
        %dma_start3A_86 = tpu.memref_slice %arg4[%add3A_42, %dma_start3A_85] : memref<2560x128xi32, #tpu.memory_space<hbm>> -> memref<40x128xi32, #tpu.memory_space<hbm>>
        tpu.enqueue_dma source(%dma_start3A_86 : memref<40x128xi32, #tpu.memory_space<hbm>>) target(%dma_start3A_84 : memref<40x128xi32, #tpu.memory_space<vmem>>) target_semaphore(%run_scoped3A_76 : memref<!tpu.dma_semaphore, #tpu.memory_space<semaphore_mem>>)
        %dma_wait3A_87 = arith.constant 40 : i32
        %dma_wait3A_88 = arith.constant 0 : i32
        %dma_wait3A_89 = tpu.memref_slice %arg6[%dma_wait3A_87, %dma_wait3A_88] : memref<80x128xi32, #tpu.memory_space<vmem>> -> memref<40x128xi32, #tpu.memory_space<vmem>>
        %dma_wait3A_90 = arith.constant 0 : i32
        %dma_wait3A_91 = tpu.memref_slice %arg4[%add3A_42, %dma_wait3A_90] : memref<2560x128xi32, #tpu.memory_space<hbm>> -> memref<40x128xi32, #tpu.memory_space<hbm>>
        %dma_wait3A_92 = arith.constant 40 : i32
        %dma_wait3A_93 = arith.constant 0 : i32
        %dma_wait3A_94 = tpu.memref_slice %arg6[%dma_wait3A_92, %dma_wait3A_93] : memref<80x128xi32, #tpu.memory_space<vmem>> -> memref<40x128xi32, #tpu.memory_space<vmem>>
        %dma_wait3A_95 = arith.constant 0 : i32
        %dma_wait3A_96 = tpu.memref_slice %arg4[%add3A_42, %dma_wait3A_95] : memref<2560x128xi32, #tpu.memory_space<hbm>> -> memref<40x128xi32, #tpu.memory_space<hbm>>
        tpu.wait_dma2 semaphore(%run_scoped3A_76 : memref<!tpu.dma_semaphore, #tpu.memory_space<semaphore_mem>>) src(%dma_wait3A_96 : memref<40x128xi32, #tpu.memory_space<hbm>>) dst(%dma_wait3A_94 : memref<40x128xi32, #tpu.memory_space<vmem>>)
        tpu.yield
      }) : () -> ()
      %dma_start3A = arith.constant 0 : i32
      %dma_start3A_43 = arith.constant 0 : i32
      %dma_start3A_44 = tpu.memref_slice %arg6[%dma_start3A, %dma_start3A_43] : memref<80x128xi32, #tpu.memory_space<vmem>> -> memref<1x128xi32, #tpu.memory_space<vmem>>
      %dma_start3A_45 = tpu.memref_squeeze %dma_start3A_44 : memref<1x128xi32, #tpu.memory_space<vmem>> -> memref<128xi32, #tpu.memory_space<vmem>>
      %dma_start3A_46 = arith.constant 0 : i32
      %dma_start3A_47 = arith.constant 0 : i32
      %dma_start3A_48 = tpu.memref_slice %arg2[%dma_start3A_46, %dma_start3A_47] : memref<30000x128xf32, #tpu.memory_space<hbm>> -> memref<30000x128xf32, #tpu.memory_space<hbm>>
      tpu.enqueue_indirect_dma source(%dma_start3A_48 : memref<30000x128xf32, #tpu.memory_space<hbm>>) target(%arg7 : memref<128x128xf32, #tpu.memory_space<vmem>>) offsets(%dma_start3A_45 : memref<128xi32, #tpu.memory_space<vmem>>) semaphore(%arg10 : memref<!tpu.dma_semaphore, #tpu.memory_space<semaphore_mem>>)
      %scan3A_49 = arith.constant 0 : i32
      %scan3A_50 = arith.constant 0 : i32
      %scan3A_51 = arith.constant 19 : i32
      %scan3A_52 = arith.addi %scan3A_50, %scan3A_51 : i32
      %scan3A_53 = arith.constant 1 : i32
      scf.for %scan3A_76 = %scan3A_50 to %scan3A_52 step %scan3A_53  : i32 {
        %mul3A_77 = arith.constant 2 : i32
        %mul3A_78 = arith.muli %mul3A_77, %scan3A_76 : i32
        %add3A_79 = arith.constant 1 : i32
        %add3A_80 = arith.addi %mul3A_78, %add3A_79 : i32
        %dma_start3A_81 = arith.constant 0 : i32
        %dma_start3A_82 = tpu.memref_slice %arg6[%add3A_80, %dma_start3A_81] : memref<80x128xi32, #tpu.memory_space<vmem>> -> memref<1x128xi32, #tpu.memory_space<vmem>>
        %dma_start3A_83 = tpu.memref_squeeze %dma_start3A_82 : memref<1x128xi32, #tpu.memory_space<vmem>> -> memref<128xi32, #tpu.memory_space<vmem>>
        %dma_start3A_84 = arith.constant 0 : i32
        %dma_start3A_85 = arith.constant 0 : i32
        %dma_start3A_86 = tpu.memref_slice %arg2[%dma_start3A_84, %dma_start3A_85] : memref<30000x128xf32, #tpu.memory_space<hbm>> -> memref<30000x128xf32, #tpu.memory_space<hbm>>
        tpu.enqueue_indirect_dma source(%dma_start3A_86 : memref<30000x128xf32, #tpu.memory_space<hbm>>) target(%arg8 : memref<128x128xf32, #tpu.memory_space<vmem>>) offsets(%dma_start3A_83 : memref<128xi32, #tpu.memory_space<vmem>>) semaphore(%arg11 : memref<!tpu.dma_semaphore, #tpu.memory_space<semaphore_mem>>)
        %dma_wait3A_87 = arith.constant 0 : i32
        %dma_wait3A_88 = tpu.memref_slice %arg6[%mul3A_78, %dma_wait3A_87] : memref<80x128xi32, #tpu.memory_space<vmem>> -> memref<1x128xi32, #tpu.memory_space<vmem>>
        %dma_wait3A_89 = tpu.memref_squeeze %dma_wait3A_88 : memref<1x128xi32, #tpu.memory_space<vmem>> -> memref<128xi32, #tpu.memory_space<vmem>>
        %dma_wait3A_90 = arith.constant 0 : i32
        %dma_wait3A_91 = arith.constant 0 : i32
        %dma_wait3A_92 = tpu.memref_slice %arg2[%dma_wait3A_90, %dma_wait3A_91] : memref<30000x128xf32, #tpu.memory_space<hbm>> -> memref<30000x128xf32, #tpu.memory_space<hbm>>
        tpu.wait_indirect_dma semaphore(%arg10 : memref<!tpu.dma_semaphore, #tpu.memory_space<semaphore_mem>>) src(%dma_wait3A_92 : memref<30000x128xf32, #tpu.memory_space<hbm>>) dst(%arg7 : memref<128x128xf32, #tpu.memory_space<vmem>>)
        %add3A_93 = arith.constant 40 : i32
        %add3A_94 = arith.addi %add3A_93, %mul3A_78 : i32
        "tpu.region"() ({
          %run_scoped3A_115 = tpu.sem_alloc : memref<!tpu.dma_semaphore, #tpu.memory_space<semaphore_mem>>
          %dma_start3A_116 = arith.constant 0 : i32
          %dma_start3A_117 = tpu.memref_slice %arg6[%add3A_94, %dma_start3A_116] : memref<80x128xi32, #tpu.memory_space<vmem>> -> memref<1x128xi32, #tpu.memory_space<vmem>>
          %dma_start3A_118 = tpu.memref_squeeze %dma_start3A_117 : memref<1x128xi32, #tpu.memory_space<vmem>> -> memref<128xi32, #tpu.memory_space<vmem>>
          %dma_start3A_119 = arith.constant 0 : i32
          %dma_start3A_120 = arith.constant 0 : i32
          %dma_start3A_121 = tpu.memref_slice %arg9[%dma_start3A_119, %dma_start3A_120] : memref<10240x128xf32, #tpu.memory_space<vmem_shared>> -> memref<10240x128xf32, #tpu.memory_space<vmem_shared>>
          tpu.enqueue_indirect_dma source(%arg7 : memref<128x128xf32, #tpu.memory_space<vmem>>) target(%dma_start3A_121 : memref<10240x128xf32, #tpu.memory_space<vmem_shared>>) offsets(%dma_start3A_118 : memref<128xi32, #tpu.memory_space<vmem>>) semaphore(%run_scoped3A_115 : memref<!tpu.dma_semaphore, #tpu.memory_space<semaphore_mem>>) {add = true}
          %dma_wait3A_122 = arith.constant 0 : i32
          %dma_wait3A_123 = tpu.memref_slice %arg6[%add3A_94, %dma_wait3A_122] : memref<80x128xi32, #tpu.memory_space<vmem>> -> memref<1x128xi32, #tpu.memory_space<vmem>>
          %dma_wait3A_124 = tpu.memref_squeeze %dma_wait3A_123 : memref<1x128xi32, #tpu.memory_space<vmem>> -> memref<128xi32, #tpu.memory_space<vmem>>
          %dma_wait3A_125 = arith.constant 0 : i32
          %dma_wait3A_126 = arith.constant 0 : i32
          %dma_wait3A_127 = tpu.memref_slice %arg9[%dma_wait3A_125, %dma_wait3A_126] : memref<10240x128xf32, #tpu.memory_space<vmem_shared>> -> memref<10240x128xf32, #tpu.memory_space<vmem_shared>>
          tpu.wait_indirect_dma semaphore(%run_scoped3A_115 : memref<!tpu.dma_semaphore, #tpu.memory_space<semaphore_mem>>) src(%arg7 : memref<128x128xf32, #tpu.memory_space<vmem>>) dst(%dma_wait3A_127 : memref<10240x128xf32, #tpu.memory_space<vmem_shared>>)
          tpu.yield
        }) : () -> ()
        %add3A_95 = arith.constant 2 : i32
        %add3A_96 = arith.addi %mul3A_78, %add3A_95 : i32
        %dma_start3A_97 = arith.constant 0 : i32
        %dma_start3A_98 = tpu.memref_slice %arg6[%add3A_96, %dma_start3A_97] : memref<80x128xi32, #tpu.memory_space<vmem>> -> memref<1x128xi32, #tpu.memory_space<vmem>>
        %dma_start3A_99 = tpu.memref_squeeze %dma_start3A_98 : memref<1x128xi32, #tpu.memory_space<vmem>> -> memref<128xi32, #tpu.memory_space<vmem>>
        %dma_start3A_100 = arith.constant 0 : i32
        %dma_start3A_101 = arith.constant 0 : i32
        %dma_start3A_102 = tpu.memref_slice %arg2[%dma_start3A_100, %dma_start3A_101] : memref<30000x128xf32, #tpu.memory_space<hbm>> -> memref<30000x128xf32, #tpu.memory_space<hbm>>
        tpu.enqueue_indirect_dma source(%dma_start3A_102 : memref<30000x128xf32, #tpu.memory_space<hbm>>) target(%arg7 : memref<128x128xf32, #tpu.memory_space<vmem>>) offsets(%dma_start3A_99 : memref<128xi32, #tpu.memory_space<vmem>>) semaphore(%arg10 : memref<!tpu.dma_semaphore, #tpu.memory_space<semaphore_mem>>)
        %add3A_103 = arith.constant 1 : i32
        %add3A_104 = arith.addi %mul3A_78, %add3A_103 : i32
        %dma_wait3A_105 = arith.constant 0 : i32
        %dma_wait3A_106 = tpu.memref_slice %arg6[%add3A_104, %dma_wait3A_105] : memref<80x128xi32, #tpu.memory_space<vmem>> -> memref<1x128xi32, #tpu.memory_space<vmem>>
        %dma_wait3A_107 = tpu.memref_squeeze %dma_wait3A_106 : memref<1x128xi32, #tpu.memory_space<vmem>> -> memref<128xi32, #tpu.memory_space<vmem>>
        %dma_wait3A_108 = arith.constant 0 : i32
        %dma_wait3A_109 = arith.constant 0 : i32
        %dma_wait3A_110 = tpu.memref_slice %arg2[%dma_wait3A_108, %dma_wait3A_109] : memref<30000x128xf32, #tpu.memory_space<hbm>> -> memref<30000x128xf32, #tpu.memory_space<hbm>>
        tpu.wait_indirect_dma semaphore(%arg11 : memref<!tpu.dma_semaphore, #tpu.memory_space<semaphore_mem>>) src(%dma_wait3A_110 : memref<30000x128xf32, #tpu.memory_space<hbm>>) dst(%arg8 : memref<128x128xf32, #tpu.memory_space<vmem>>)
        %add3A_111 = arith.constant 1 : i32
        %add3A_112 = arith.addi %mul3A_78, %add3A_111 : i32
        %add3A_113 = arith.constant 40 : i32
        %add3A_114 = arith.addi %add3A_113, %add3A_112 : i32
        "tpu.region"() ({
          %run_scoped3A_115 = tpu.sem_alloc : memref<!tpu.dma_semaphore, #tpu.memory_space<semaphore_mem>>
          %dma_start3A_116 = arith.constant 0 : i32
          %dma_start3A_117 = tpu.memref_slice %arg6[%add3A_114, %dma_start3A_116] : memref<80x128xi32, #tpu.memory_space<vmem>> -> memref<1x128xi32, #tpu.memory_space<vmem>>
          %dma_start3A_118 = tpu.memref_squeeze %dma_start3A_117 : memref<1x128xi32, #tpu.memory_space<vmem>> -> memref<128xi32, #tpu.memory_space<vmem>>
          %dma_start3A_119 = arith.constant 0 : i32
          %dma_start3A_120 = arith.constant 0 : i32
          %dma_start3A_121 = tpu.memref_slice %arg9[%dma_start3A_119, %dma_start3A_120] : memref<10240x128xf32, #tpu.memory_space<vmem_shared>> -> memref<10240x128xf32, #tpu.memory_space<vmem_shared>>
          tpu.enqueue_indirect_dma source(%arg8 : memref<128x128xf32, #tpu.memory_space<vmem>>) target(%dma_start3A_121 : memref<10240x128xf32, #tpu.memory_space<vmem_shared>>) offsets(%dma_start3A_118 : memref<128xi32, #tpu.memory_space<vmem>>) semaphore(%run_scoped3A_115 : memref<!tpu.dma_semaphore, #tpu.memory_space<semaphore_mem>>) {add = true}
          %dma_wait3A_122 = arith.constant 0 : i32
          %dma_wait3A_123 = tpu.memref_slice %arg6[%add3A_114, %dma_wait3A_122] : memref<80x128xi32, #tpu.memory_space<vmem>> -> memref<1x128xi32, #tpu.memory_space<vmem>>
          %dma_wait3A_124 = tpu.memref_squeeze %dma_wait3A_123 : memref<1x128xi32, #tpu.memory_space<vmem>> -> memref<128xi32, #tpu.memory_space<vmem>>
          %dma_wait3A_125 = arith.constant 0 : i32
          %dma_wait3A_126 = arith.constant 0 : i32
          %dma_wait3A_127 = tpu.memref_slice %arg9[%dma_wait3A_125, %dma_wait3A_126] : memref<10240x128xf32, #tpu.memory_space<vmem_shared>> -> memref<10240x128xf32, #tpu.memory_space<vmem_shared>>
          tpu.wait_indirect_dma semaphore(%run_scoped3A_115 : memref<!tpu.dma_semaphore, #tpu.memory_space<semaphore_mem>>) src(%arg8 : memref<128x128xf32, #tpu.memory_space<vmem>>) dst(%dma_wait3A_127 : memref<10240x128xf32, #tpu.memory_space<vmem_shared>>)
          tpu.yield
        }) : () -> ()
      }
      %scan3A_54 = arith.constant 19 : i32
      %dma_start3A_55 = arith.constant 39 : i32
      %dma_start3A_56 = arith.constant 0 : i32
      %dma_start3A_57 = tpu.memref_slice %arg6[%dma_start3A_55, %dma_start3A_56] : memref<80x128xi32, #tpu.memory_space<vmem>> -> memref<1x128xi32, #tpu.memory_space<vmem>>
      %dma_start3A_58 = tpu.memref_squeeze %dma_start3A_57 : memref<1x128xi32, #tpu.memory_space<vmem>> -> memref<128xi32, #tpu.memory_space<vmem>>
      %dma_start3A_59 = arith.constant 0 : i32
      %dma_start3A_60 = arith.constant 0 : i32
      %dma_start3A_61 = tpu.memref_slice %arg2[%dma_start3A_59, %dma_start3A_60] : memref<30000x128xf32, #tpu.memory_space<hbm>> -> memref<30000x128xf32, #tpu.memory_space<hbm>>
      tpu.enqueue_indirect_dma source(%dma_start3A_61 : memref<30000x128xf32, #tpu.memory_space<hbm>>) target(%arg8 : memref<128x128xf32, #tpu.memory_space<vmem>>) offsets(%dma_start3A_58 : memref<128xi32, #tpu.memory_space<vmem>>) semaphore(%arg11 : memref<!tpu.dma_semaphore, #tpu.memory_space<semaphore_mem>>)
      %dma_wait3A = arith.constant 38 : i32
      %dma_wait3A_62 = arith.constant 0 : i32
      %dma_wait3A_63 = tpu.memref_slice %arg6[%dma_wait3A, %dma_wait3A_62] : memref<80x128xi32, #tpu.memory_space<vmem>> -> memref<1x128xi32, #tpu.memory_space<vmem>>
      %dma_wait3A_64 = tpu.memref_squeeze %dma_wait3A_63 : memref<1x128xi32, #tpu.memory_space<vmem>> -> memref<128xi32, #tpu.memory_space<vmem>>
      %dma_wait3A_65 = arith.constant 0 : i32
      %dma_wait3A_66 = arith.constant 0 : i32
      %dma_wait3A_67 = tpu.memref_slice %arg2[%dma_wait3A_65, %dma_wait3A_66] : memref<30000x128xf32, #tpu.memory_space<hbm>> -> memref<30000x128xf32, #tpu.memory_space<hbm>>
      tpu.wait_indirect_dma semaphore(%arg10 : memref<!tpu.dma_semaphore, #tpu.memory_space<semaphore_mem>>) src(%dma_wait3A_67 : memref<30000x128xf32, #tpu.memory_space<hbm>>) dst(%arg7 : memref<128x128xf32, #tpu.memory_space<vmem>>)
      %run_scoped3A = arith.constant 78 : i32
      "tpu.region"() ({
        %run_scoped3A_76 = tpu.sem_alloc : memref<!tpu.dma_semaphore, #tpu.memory_space<semaphore_mem>>
        %dma_start3A_77 = arith.constant 0 : i32
        %dma_start3A_78 = tpu.memref_slice %arg6[%run_scoped3A, %dma_start3A_77] : memref<80x128xi32, #tpu.memory_space<vmem>> -> memref<1x128xi32, #tpu.memory_space<vmem>>
        %dma_start3A_79 = tpu.memref_squeeze %dma_start3A_78 : memref<1x128xi32, #tpu.memory_space<vmem>> -> memref<128xi32, #tpu.memory_space<vmem>>
        %dma_start3A_80 = arith.constant 0 : i32
        %dma_start3A_81 = arith.constant 0 : i32
        %dma_start3A_82 = tpu.memref_slice %arg9[%dma_start3A_80, %dma_start3A_81] : memref<10240x128xf32, #tpu.memory_space<vmem_shared>> -> memref<10240x128xf32, #tpu.memory_space<vmem_shared>>
        tpu.enqueue_indirect_dma source(%arg7 : memref<128x128xf32, #tpu.memory_space<vmem>>) target(%dma_start3A_82 : memref<10240x128xf32, #tpu.memory_space<vmem_shared>>) offsets(%dma_start3A_79 : memref<128xi32, #tpu.memory_space<vmem>>) semaphore(%run_scoped3A_76 : memref<!tpu.dma_semaphore, #tpu.memory_space<semaphore_mem>>) {add = true}
        %dma_wait3A_83 = arith.constant 0 : i32
        %dma_wait3A_84 = tpu.memref_slice %arg6[%run_scoped3A, %dma_wait3A_83] : memref<80x128xi32, #tpu.memory_space<vmem>> -> memref<1x128xi32, #tpu.memory_space<vmem>>
        %dma_wait3A_85 = tpu.memref_squeeze %dma_wait3A_84 : memref<1x128xi32, #tpu.memory_space<vmem>> -> memref<128xi32, #tpu.memory_space<vmem>>
        %dma_wait3A_86 = arith.constant 0 : i32
        %dma_wait3A_87 = arith.constant 0 : i32
        %dma_wait3A_88 = tpu.memref_slice %arg9[%dma_wait3A_86, %dma_wait3A_87] : memref<10240x128xf32, #tpu.memory_space<vmem_shared>> -> memref<10240x128xf32, #tpu.memory_space<vmem_shared>>
        tpu.wait_indirect_dma semaphore(%run_scoped3A_76 : memref<!tpu.dma_semaphore, #tpu.memory_space<semaphore_mem>>) src(%arg7 : memref<128x128xf32, #tpu.memory_space<vmem>>) dst(%dma_wait3A_88 : memref<10240x128xf32, #tpu.memory_space<vmem_shared>>)
        tpu.yield
      }) : () -> ()
      %dma_wait3A_68 = arith.constant 39 : i32
      %dma_wait3A_69 = arith.constant 0 : i32
      %dma_wait3A_70 = tpu.memref_slice %arg6[%dma_wait3A_68, %dma_wait3A_69] : memref<80x128xi32, #tpu.memory_space<vmem>> -> memref<1x128xi32, #tpu.memory_space<vmem>>
      %dma_wait3A_71 = tpu.memref_squeeze %dma_wait3A_70 : memref<1x128xi32, #tpu.memory_space<vmem>> -> memref<128xi32, #tpu.memory_space<vmem>>
      %dma_wait3A_72 = arith.constant 0 : i32
      %dma_wait3A_73 = arith.constant 0 : i32
      %dma_wait3A_74 = tpu.memref_slice %arg2[%dma_wait3A_72, %dma_wait3A_73] : memref<30000x128xf32, #tpu.memory_space<hbm>> -> memref<30000x128xf32, #tpu.memory_space<hbm>>
      tpu.wait_indirect_dma semaphore(%arg11 : memref<!tpu.dma_semaphore, #tpu.memory_space<semaphore_mem>>) src(%dma_wait3A_74 : memref<30000x128xf32, #tpu.memory_space<hbm>>) dst(%arg8 : memref<128x128xf32, #tpu.memory_space<vmem>>)
      %run_scoped3A_75 = arith.constant 79 : i32
      "tpu.region"() ({
        %run_scoped3A_76 = tpu.sem_alloc : memref<!tpu.dma_semaphore, #tpu.memory_space<semaphore_mem>>
        %dma_start3A_77 = arith.constant 0 : i32
        %dma_start3A_78 = tpu.memref_slice %arg6[%run_scoped3A_75, %dma_start3A_77] : memref<80x128xi32, #tpu.memory_space<vmem>> -> memref<1x128xi32, #tpu.memory_space<vmem>>
        %dma_start3A_79 = tpu.memref_squeeze %dma_start3A_78 : memref<1x128xi32, #tpu.memory_space<vmem>> -> memref<128xi32, #tpu.memory_space<vmem>>
        %dma_start3A_80 = arith.constant 0 : i32
        %dma_start3A_81 = arith.constant 0 : i32
        %dma_start3A_82 = tpu.memref_slice %arg9[%dma_start3A_80, %dma_start3A_81] : memref<10240x128xf32, #tpu.memory_space<vmem_shared>> -> memref<10240x128xf32, #tpu.memory_space<vmem_shared>>
        tpu.enqueue_indirect_dma source(%arg8 : memref<128x128xf32, #tpu.memory_space<vmem>>) target(%dma_start3A_82 : memref<10240x128xf32, #tpu.memory_space<vmem_shared>>) offsets(%dma_start3A_79 : memref<128xi32, #tpu.memory_space<vmem>>) semaphore(%run_scoped3A_76 : memref<!tpu.dma_semaphore, #tpu.memory_space<semaphore_mem>>) {add = true}
        %dma_wait3A_83 = arith.constant 0 : i32
        %dma_wait3A_84 = tpu.memref_slice %arg6[%run_scoped3A_75, %dma_wait3A_83] : memref<80x128xi32, #tpu.memory_space<vmem>> -> memref<1x128xi32, #tpu.memory_space<vmem>>
        %dma_wait3A_85 = tpu.memref_squeeze %dma_wait3A_84 : memref<1x128xi32, #tpu.memory_space<vmem>> -> memref<128xi32, #tpu.memory_space<vmem>>
        %dma_wait3A_86 = arith.constant 0 : i32
        %dma_wait3A_87 = arith.constant 0 : i32
        %dma_wait3A_88 = tpu.memref_slice %arg9[%dma_wait3A_86, %dma_wait3A_87] : memref<10240x128xf32, #tpu.memory_space<vmem_shared>> -> memref<10240x128xf32, #tpu.memory_space<vmem_shared>>
        tpu.wait_indirect_dma semaphore(%run_scoped3A_76 : memref<!tpu.dma_semaphore, #tpu.memory_space<semaphore_mem>>) src(%arg8 : memref<128x128xf32, #tpu.memory_space<vmem>>) dst(%dma_wait3A_88 : memref<10240x128xf32, #tpu.memory_space<vmem_shared>>)
        tpu.yield
      }) : () -> ()
    }
    %scan3A_33 = arith.constant 2 : i32
    %barrier3A_34 = arith.constant 0 : index
    tpu.barrier barrier_id(%barrier3A_34)
    %mul3A_35 = arith.constant 640 : i32
    %mul3A_36 = arith.muli %arg1, %mul3A_35 : i32
    %mul3A_37 = arith.constant 640 : i32
    %mul3A_38 = arith.muli %arg1, %mul3A_37 : i32
    "tpu.region"() ({
      %run_scoped3A = tpu.sem_alloc : memref<!tpu.dma_semaphore, #tpu.memory_space<semaphore_mem>>
      %dma_start3A = arith.constant 0 : i32
      %dma_start3A_39 = tpu.memref_slice %arg5[%arg0, %mul3A_38, %dma_start3A] : memref<2x10240x128xf32, #tpu.memory_space<hbm>> -> memref<1x640x128xf32, #tpu.memory_space<hbm>>
      %dma_start3A_40 = tpu.memref_squeeze %dma_start3A_39 : memref<1x640x128xf32, #tpu.memory_space<hbm>> -> memref<640x128xf32, #tpu.memory_space<hbm>>
      %dma_start3A_41 = arith.constant 0 : i32
      %dma_start3A_42 = tpu.memref_slice %arg9[%mul3A_36, %dma_start3A_41] : memref<10240x128xf32, #tpu.memory_space<vmem_shared>> -> memref<640x128xf32, #tpu.memory_space<vmem_shared>>
      tpu.enqueue_dma source(%dma_start3A_42 : memref<640x128xf32, #tpu.memory_space<vmem_shared>>) target(%dma_start3A_40 : memref<640x128xf32, #tpu.memory_space<hbm>>) target_semaphore(%run_scoped3A : memref<!tpu.dma_semaphore, #tpu.memory_space<semaphore_mem>>)
      %dma_wait3A = arith.constant 0 : i32
      %dma_wait3A_43 = tpu.memref_slice %arg5[%arg0, %mul3A_38, %dma_wait3A] : memref<2x10240x128xf32, #tpu.memory_space<hbm>> -> memref<1x640x128xf32, #tpu.memory_space<hbm>>
      %dma_wait3A_44 = tpu.memref_squeeze %dma_wait3A_43 : memref<1x640x128xf32, #tpu.memory_space<hbm>> -> memref<640x128xf32, #tpu.memory_space<hbm>>
      %dma_wait3A_45 = arith.constant 0 : i32
      %dma_wait3A_46 = tpu.memref_slice %arg9[%mul3A_36, %dma_wait3A_45] : memref<10240x128xf32, #tpu.memory_space<vmem_shared>> -> memref<640x128xf32, #tpu.memory_space<vmem_shared>>
      tpu.wait_dma2 semaphore(%run_scoped3A : memref<!tpu.dma_semaphore, #tpu.memory_space<semaphore_mem>>) src(%dma_wait3A_46 : memref<640x128xf32, #tpu.memory_space<vmem_shared>>) dst(%dma_wait3A_44 : memref<640x128xf32, #tpu.memory_space<hbm>>)
      tpu.yield
    }) : () -> ()
    return
  }
}

#map = affine_map<(d0, d1) -> (0)>
#map1 = affine_map<(d0, d1) -> (0, 0)>
module attributes {stable_mosaic.version = 14 : i64} {
  func.func @_sc_pre(%arg0: i32, %arg1: i32, %arg2: memref<640000xi32, #tpu.memory_space<hbm>>, %arg3: memref<10000xi32, #tpu.memory_space<hbm>>, %arg4: memref<2560x128xi32, #tpu.memory_space<hbm>>, %arg5: memref<2560x128xi32, #tpu.memory_space<hbm>>, %arg6: memref<2x10240xf32, #tpu.memory_space<hbm>>, %arg7: memref<10000xi32, #tpu.memory_space<vmem>>, %arg8: memref<10240xi32, #tpu.memory_space<vmem>>, %arg9: memref<10240xi32, #tpu.memory_space<vmem>>, %arg10: memref<80x128xi32, #tpu.memory_space<vmem>>, %arg11: memref<80x128xi32, #tpu.memory_space<vmem>>, %arg12: memref<80x128xf32, #tpu.memory_space<vmem>>, %arg13: memref<640xf32, #tpu.memory_space<vmem>>, %arg14: memref<10240xf32, #tpu.memory_space<vmem_shared>>, %arg15: memref<!tpu.dma_semaphore, #tpu.memory_space<semaphore_mem>>) attributes {dimension_semantics = [#tpu.dimension_semantics<core_parallel>, #tpu.dimension_semantics<subcore_parallel>], iteration_bounds = array<i64: 2, 16>, scalar_prefetch = 0 : i64, scratch_operands = 9 : i64, tpu.core_type = #tpu.core_type<sc_vector_subcore>, window_params = [{transform_indices = #map}, {transform_indices = #map}, {transform_indices = #map1}, {transform_indices = #map1}, {transform_indices = #map1}]} {
    %mul3A = arith.constant 2 : i32
    %mul3A_0 = arith.muli %arg1, %mul3A : i32
    %add3A = arith.addi %mul3A_0, %arg0 : i32
    %mul3A_1 = arith.constant 10240 : i32
    %mul3A_2 = arith.muli %add3A, %mul3A_1 : i32
    "tpu.region"() ({
      %run_scoped3A = tpu.sem_alloc : memref<!tpu.dma_semaphore, #tpu.memory_space<semaphore_mem>>
      tpu.enqueue_dma source(%arg3 : memref<10000xi32, #tpu.memory_space<hbm>>) target(%arg7 : memref<10000xi32, #tpu.memory_space<vmem>>) target_semaphore(%run_scoped3A : memref<!tpu.dma_semaphore, #tpu.memory_space<semaphore_mem>>)
      tpu.wait_dma2 semaphore(%run_scoped3A : memref<!tpu.dma_semaphore, #tpu.memory_space<semaphore_mem>>) src(%arg3 : memref<10000xi32, #tpu.memory_space<hbm>>) dst(%arg7 : memref<10000xi32, #tpu.memory_space<vmem>>)
      tpu.yield
    }) : () -> ()
    %lt3A = arith.constant 31 : i32
    %lt3A_3 = arith.cmpi slt, %add3A, %lt3A : i32
    %convert_element_type3A = arith.extui %lt3A_3 : i1 to i32
    %cond3A = arith.constant 0 : i32
    %cond3A_4 = arith.cmpi ne, %convert_element_type3A, %cond3A : i32
    scf.if %cond3A_4 {
      "tpu.region"() ({
        %run_scoped3A = tpu.sem_alloc : memref<!tpu.dma_semaphore, #tpu.memory_space<semaphore_mem>>
        %dma_start3A_1631 = tpu.memref_slice %arg2[%mul3A_2] : memref<640000xi32, #tpu.memory_space<hbm>> -> memref<10240xi32, #tpu.memory_space<hbm>>
        %dma_start3A_1632 = tpu.memref_slice %arg2[%mul3A_2] : memref<640000xi32, #tpu.memory_space<hbm>> -> memref<10240xi32, #tpu.memory_space<hbm>>
        tpu.enqueue_dma source(%dma_start3A_1632 : memref<10240xi32, #tpu.memory_space<hbm>>) target(%arg8 : memref<10240xi32, #tpu.memory_space<vmem>>) target_semaphore(%run_scoped3A : memref<!tpu.dma_semaphore, #tpu.memory_space<semaphore_mem>>)
        %dma_wait3A_1633 = tpu.memref_slice %arg2[%mul3A_2] : memref<640000xi32, #tpu.memory_space<hbm>> -> memref<10240xi32, #tpu.memory_space<hbm>>
        %dma_wait3A_1634 = tpu.memref_slice %arg2[%mul3A_2] : memref<640000xi32, #tpu.memory_space<hbm>> -> memref<10240xi32, #tpu.memory_space<hbm>>
        tpu.wait_dma2 semaphore(%run_scoped3A : memref<!tpu.dma_semaphore, #tpu.memory_space<semaphore_mem>>) src(%dma_wait3A_1634 : memref<10240xi32, #tpu.memory_space<hbm>>) dst(%arg8 : memref<10240xi32, #tpu.memory_space<vmem>>)
        tpu.yield
      }) : () -> ()
      %add3A_1629 = arith.constant 320000 : i32
      %add3A_1630 = arith.addi %add3A_1629, %mul3A_2 : i32
      "tpu.region"() ({
        %run_scoped3A = tpu.sem_alloc : memref<!tpu.dma_semaphore, #tpu.memory_space<semaphore_mem>>
        %dma_start3A_1631 = tpu.memref_slice %arg2[%add3A_1630] : memref<640000xi32, #tpu.memory_space<hbm>> -> memref<10240xi32, #tpu.memory_space<hbm>>
        %dma_start3A_1632 = tpu.memref_slice %arg2[%add3A_1630] : memref<640000xi32, #tpu.memory_space<hbm>> -> memref<10240xi32, #tpu.memory_space<hbm>>
        tpu.enqueue_dma source(%dma_start3A_1632 : memref<10240xi32, #tpu.memory_space<hbm>>) target(%arg9 : memref<10240xi32, #tpu.memory_space<vmem>>) target_semaphore(%run_scoped3A : memref<!tpu.dma_semaphore, #tpu.memory_space<semaphore_mem>>)
        %dma_wait3A_1633 = tpu.memref_slice %arg2[%add3A_1630] : memref<640000xi32, #tpu.memory_space<hbm>> -> memref<10240xi32, #tpu.memory_space<hbm>>
        %dma_wait3A_1634 = tpu.memref_slice %arg2[%add3A_1630] : memref<640000xi32, #tpu.memory_space<hbm>> -> memref<10240xi32, #tpu.memory_space<hbm>>
        tpu.wait_dma2 semaphore(%run_scoped3A : memref<!tpu.dma_semaphore, #tpu.memory_space<semaphore_mem>>) src(%dma_wait3A_1634 : memref<10240xi32, #tpu.memory_space<hbm>>) dst(%arg9 : memref<10240xi32, #tpu.memory_space<vmem>>)
        tpu.yield
      }) : () -> ()
    } else {
    }
    %eq3A = arith.constant 31 : i32
    %eq3A_5 = arith.cmpi eq, %add3A, %eq3A : i32
    %convert_element_type3A_6 = arith.extui %eq3A_5 : i1 to i32
    %cond3A_7 = arith.constant 0 : i32
    %cond3A_8 = arith.cmpi ne, %convert_element_type3A_6, %cond3A_7 : i32
    scf.if %cond3A_8 {
      "tpu.region"() ({
        %run_scoped3A = tpu.sem_alloc : memref<!tpu.dma_semaphore, #tpu.memory_space<semaphore_mem>>
        %dma_start3A_1631 = arith.constant 0 : i32
        %dma_start3A_1632 = tpu.memref_slice %arg8[%dma_start3A_1631] : memref<10240xi32, #tpu.memory_space<vmem>> -> memref<2560xi32, #tpu.memory_space<vmem>>
        %dma_start3A_1633 = tpu.memref_slice %arg2[%mul3A_2] : memref<640000xi32, #tpu.memory_space<hbm>> -> memref<2560xi32, #tpu.memory_space<hbm>>
        %dma_start3A_1634 = arith.constant 0 : i32
        %dma_start3A_1635 = tpu.memref_slice %arg8[%dma_start3A_1634] : memref<10240xi32, #tpu.memory_space<vmem>> -> memref<2560xi32, #tpu.memory_space<vmem>>
        %dma_start3A_1636 = tpu.memref_slice %arg2[%mul3A_2] : memref<640000xi32, #tpu.memory_space<hbm>> -> memref<2560xi32, #tpu.memory_space<hbm>>
        tpu.enqueue_dma source(%dma_start3A_1636 : memref<2560xi32, #tpu.memory_space<hbm>>) target(%dma_start3A_1635 : memref<2560xi32, #tpu.memory_space<vmem>>) target_semaphore(%run_scoped3A : memref<!tpu.dma_semaphore, #tpu.memory_space<semaphore_mem>>)
        %dma_wait3A_1637 = arith.constant 0 : i32
        %dma_wait3A_1638 = tpu.memref_slice %arg8[%dma_wait3A_1637] : memref<10240xi32, #tpu.memory_space<vmem>> -> memref<2560xi32, #tpu.memory_space<vmem>>
        %dma_wait3A_1639 = tpu.memref_slice %arg2[%mul3A_2] : memref<640000xi32, #tpu.memory_space<hbm>> -> memref<2560xi32, #tpu.memory_space<hbm>>
        %dma_wait3A_1640 = arith.constant 0 : i32
        %dma_wait3A_1641 = tpu.memref_slice %arg8[%dma_wait3A_1640] : memref<10240xi32, #tpu.memory_space<vmem>> -> memref<2560xi32, #tpu.memory_space<vmem>>
        %dma_wait3A_1642 = tpu.memref_slice %arg2[%mul3A_2] : memref<640000xi32, #tpu.memory_space<hbm>> -> memref<2560xi32, #tpu.memory_space<hbm>>
        tpu.wait_dma2 semaphore(%run_scoped3A : memref<!tpu.dma_semaphore, #tpu.memory_space<semaphore_mem>>) src(%dma_wait3A_1642 : memref<2560xi32, #tpu.memory_space<hbm>>) dst(%dma_wait3A_1641 : memref<2560xi32, #tpu.memory_space<vmem>>)
        tpu.yield
      }) : () -> ()
      %add3A_1629 = arith.constant 320000 : i32
      %add3A_1630 = arith.addi %add3A_1629, %mul3A_2 : i32
      "tpu.region"() ({
        %run_scoped3A = tpu.sem_alloc : memref<!tpu.dma_semaphore, #tpu.memory_space<semaphore_mem>>
        %dma_start3A_1631 = arith.constant 0 : i32
        %dma_start3A_1632 = tpu.memref_slice %arg9[%dma_start3A_1631] : memref<10240xi32, #tpu.memory_space<vmem>> -> memref<2560xi32, #tpu.memory_space<vmem>>
        %dma_start3A_1633 = tpu.memref_slice %arg2[%add3A_1630] : memref<640000xi32, #tpu.memory_space<hbm>> -> memref<2560xi32, #tpu.memory_space<hbm>>
        %dma_start3A_1634 = arith.constant 0 : i32
        %dma_start3A_1635 = tpu.memref_slice %arg9[%dma_start3A_1634] : memref<10240xi32, #tpu.memory_space<vmem>> -> memref<2560xi32, #tpu.memory_space<vmem>>
        %dma_start3A_1636 = tpu.memref_slice %arg2[%add3A_1630] : memref<640000xi32, #tpu.memory_space<hbm>> -> memref<2560xi32, #tpu.memory_space<hbm>>
        tpu.enqueue_dma source(%dma_start3A_1636 : memref<2560xi32, #tpu.memory_space<hbm>>) target(%dma_start3A_1635 : memref<2560xi32, #tpu.memory_space<vmem>>) target_semaphore(%run_scoped3A : memref<!tpu.dma_semaphore, #tpu.memory_space<semaphore_mem>>)
        %dma_wait3A_1637 = arith.constant 0 : i32
        %dma_wait3A_1638 = tpu.memref_slice %arg9[%dma_wait3A_1637] : memref<10240xi32, #tpu.memory_space<vmem>> -> memref<2560xi32, #tpu.memory_space<vmem>>
        %dma_wait3A_1639 = tpu.memref_slice %arg2[%add3A_1630] : memref<640000xi32, #tpu.memory_space<hbm>> -> memref<2560xi32, #tpu.memory_space<hbm>>
        %dma_wait3A_1640 = arith.constant 0 : i32
        %dma_wait3A_1641 = tpu.memref_slice %arg9[%dma_wait3A_1640] : memref<10240xi32, #tpu.memory_space<vmem>> -> memref<2560xi32, #tpu.memory_space<vmem>>
        %dma_wait3A_1642 = tpu.memref_slice %arg2[%add3A_1630] : memref<640000xi32, #tpu.memory_space<hbm>> -> memref<2560xi32, #tpu.memory_space<hbm>>
        tpu.wait_dma2 semaphore(%run_scoped3A : memref<!tpu.dma_semaphore, #tpu.memory_space<semaphore_mem>>) src(%dma_wait3A_1642 : memref<2560xi32, #tpu.memory_space<hbm>>) dst(%dma_wait3A_1641 : memref<2560xi32, #tpu.memory_space<vmem>>)
        tpu.yield
      }) : () -> ()
    } else {
    }
    %scan3A = arith.constant 0 : i32
    %scan3A_9 = arith.constant 0 : i32
    %scan3A_10 = arith.constant 40 : i32
    %scan3A_11 = arith.addi %scan3A_9, %scan3A_10 : i32
    %scan3A_12 = arith.constant 1 : i32
    scf.for %scan3A_1629 = %scan3A_9 to %scan3A_11 step %scan3A_12  : i32 {
      %broadcast_in_dim3A = arith.constant 0.000000e+00 : f32
      %broadcast_in_dim3A_1630 = vector.broadcast %broadcast_in_dim3A : f32 to vector<16xf32>
      %mul3A_1631 = arith.constant 16 : i32
      %mul3A_1632 = arith.muli %scan3A_1629, %mul3A_1631 : i32
      %swap3A = arith.index_cast %mul3A_1632 : i32 to index
      %swap3A_1633 = tpu.vector_load %arg13[%swap3A] {strides = array<i32>} : memref<640xf32, #tpu.memory_space<vmem>>, vector<16xf32>,
      tpu.vector_store %arg13[%swap3A], %broadcast_in_dim3A_1630 {strides = array<i32>} : memref<640xf32, #tpu.memory_space<vmem>>, vector<16xf32>,
    }
    %scan3A_13 = arith.constant 40 : i32
    %mul3A_14 = arith.constant 640 : i32
    %mul3A_15 = arith.muli %arg1, %mul3A_14 : i32
    "tpu.region"() ({
      %run_scoped3A = tpu.sem_alloc : memref<!tpu.dma_semaphore, #tpu.memory_space<semaphore_mem>>
      %dma_start3A_1629 = tpu.memref_slice %arg14[%mul3A_15] : memref<10240xf32, #tpu.memory_space<vmem_shared>> -> memref<640xf32, #tpu.memory_space<vmem_shared>>
      %dma_start3A_1630 = tpu.memref_slice %arg14[%mul3A_15] : memref<10240xf32, #tpu.memory_space<vmem_shared>> -> memref<640xf32, #tpu.memory_space<vmem_shared>>
      tpu.enqueue_dma source(%arg13 : memref<640xf32, #tpu.memory_space<vmem>>) target(%dma_start3A_1630 : memref<640xf32, #tpu.memory_space<vmem_shared>>) target_semaphore(%run_scoped3A : memref<!tpu.dma_semaphore, #tpu.memory_space<semaphore_mem>>)
      %dma_wait3A_1631 = tpu.memref_slice %arg14[%mul3A_15] : memref<10240xf32, #tpu.memory_space<vmem_shared>> -> memref<640xf32, #tpu.memory_space<vmem_shared>>
      %dma_wait3A_1632 = tpu.memref_slice %arg14[%mul3A_15] : memref<10240xf32, #tpu.memory_space<vmem_shared>> -> memref<640xf32, #tpu.memory_space<vmem_shared>>
      tpu.wait_dma2 semaphore(%run_scoped3A : memref<!tpu.dma_semaphore, #tpu.memory_space<semaphore_mem>>) src(%arg13 : memref<640xf32, #tpu.memory_space<vmem>>) dst(%dma_wait3A_1632 : memref<640xf32, #tpu.memory_space<vmem_shared>>)
      tpu.yield
    }) : () -> ()
    %scan3A_16 = arith.constant 0 : i32
    %scan3A_17 = arith.constant 0 : i32
    %scan3A_18 = arith.constant 80 : i32
    %scan3A_19 = arith.addi %scan3A_17, %scan3A_18 : i32
    %scan3A_20 = arith.constant 1 : i32
    scf.for %scan3A_1629 = %scan3A_17 to %scan3A_19 step %scan3A_20  : i32 {
      %mul3A_1630 = arith.constant 128 : i32
      %mul3A_1631 = arith.muli %scan3A_1629, %mul3A_1630 : i32
      %add3A_1632 = arith.constant 0 : i32
      %add3A_1633 = arith.addi %mul3A_1631, %add3A_1632 : i32
      %add3A_1634 = arith.addi %mul3A_2, %add3A_1633 : i32
      %iota3A = tpu.iota {dimensions = array<i32: 0>} : vector<16xi32>
      %add3A_1635 = vector.broadcast %add3A_1634 : i32 to vector<16xi32>
      %add3A_1636 = arith.addi %add3A_1635, %iota3A : vector<16xi32>
      %lt3A_1637 = arith.constant 320000 : i32
      %lt3A_1638 = vector.broadcast %lt3A_1637 : i32 to vector<16xi32>
      %lt3A_1639 = arith.cmpi slt, %add3A_1636, %lt3A_1638 : vector<16xi32>
      %get3A = arith.index_cast %add3A_1633 : i32 to index
      %get3A_1640 = tpu.vector_load %arg8[%get3A] {strides = array<i32>} : memref<10240xi32, #tpu.memory_space<vmem>>, vector<16xi32>,
      %jit3A = arith.constant 0 : i32
      %broadcast_in_dim3A = vector.broadcast %jit3A : i32 to vector<16xi32>
      %select_n3A = arith.select %lt3A_1639, %get3A_1640, %broadcast_in_dim3A : vector<16xi1>, vector<16xi32>
      %get3A_1641 = arith.index_cast %add3A_1633 : i32 to index
      %get3A_1642 = tpu.vector_load %arg9[%get3A_1641] {strides = array<i32>} : memref<10240xi32, #tpu.memory_space<vmem>>, vector<16xi32>,
      %jit3A_1643 = arith.constant 0 : i32
      %broadcast_in_dim3A_1644 = vector.broadcast %jit3A_1643 : i32 to vector<16xi32>
      %select_n3A_1645 = arith.select %lt3A_1639, %get3A_1642, %broadcast_in_dim3A_1644 : vector<16xi1>, vector<16xi32>
      %gather3A = tpu.vector_load_idx %arg7[%select_n3A] : memref<10000xi32, #tpu.memory_space<vmem>>[vector<16xi32>], vector<16xi32>,
      %gather3A_1646 = tpu.vector_load_idx %arg7[%select_n3A_1645] : memref<10000xi32, #tpu.memory_space<vmem>>[vector<16xi32>], vector<16xi32>,
      %sub3A = arith.subi %gather3A, %gather3A_1646 : vector<16xi32>
      %abs3A = math.absi %sub3A : vector<16xi32>
      %and3A = arith.constant 7 : i32
      %and3A_1647 = vector.broadcast %and3A : i32 to vector<16xi32>
      %and3A_1648 = arith.andi %add3A_1636, %and3A_1647 : vector<16xi32>
      %mul3A_1649 = arith.constant 10000 : i32
      %mul3A_1650 = vector.broadcast %mul3A_1649 : i32 to vector<16xi32>
      %mul3A_1651 = arith.muli %abs3A, %mul3A_1650 : vector<16xi32>
      %add3A_1652 = arith.addi %mul3A_1651, %select_n3A_1645 : vector<16xi32>
      %select_n3A_1653 = arith.select %lt3A_1639, %add3A_1652, %and3A_1648 : vector<16xi1>, vector<16xi32>
      %add3A_1654 = arith.constant 10000 : i32
      %add3A_1655 = vector.broadcast %add3A_1654 : i32 to vector<16xi32>
      %add3A_1656 = arith.addi %add3A_1655, %and3A_1648 : vector<16xi32>
      %select_n3A_1657 = arith.select %lt3A_1639, %select_n3A, %add3A_1656 : vector<16xi1>, vector<16xi32>
      %convert_element_type3A_1658 = arith.sitofp %abs3A : vector<16xi32> to vector<16xf32>
      %add3A_1659 = arith.constant 1.000000e+00 : f32
      %add3A_1660 = vector.broadcast %add3A_1659 : f32 to vector<16xf32>
      %add3A_1661 = arith.addf %add3A_1660, %convert_element_type3A_1658 : vector<16xf32>
      %div3A = arith.constant 1.000000e+00 : f32
      %div3A_1662 = vector.broadcast %div3A : f32 to vector<16xf32>
      %div3A_1663 = arith.divf %div3A_1662, %add3A_1661 : vector<16xf32>
      %broadcast_in_dim3A_1664 = arith.constant 0.000000e+00 : f32
      %broadcast_in_dim3A_1665 = vector.broadcast %broadcast_in_dim3A_1664 : f32 to vector<16xf32>
      %select_n3A_1666 = arith.select %lt3A_1639, %div3A_1663, %broadcast_in_dim3A_1665 : vector<16xi1>, vector<16xf32>
      %swap3A = arith.index_cast %scan3A_1629 : i32 to index
      %swap3A_1667 = arith.constant 0 : index
      %swap3A_1668 = tpu.vector_load %arg10[%swap3A, %swap3A_1667] {strides = array<i32>} : memref<80x128xi32, #tpu.memory_space<vmem>>, vector<16xi32>,
      tpu.vector_store %arg10[%swap3A, %swap3A_1667], %select_n3A_1653 {strides = array<i32>} : memref<80x128xi32, #tpu.memory_space<vmem>>, vector<16xi32>,
      %swap3A_1669 = arith.index_cast %scan3A_1629 : i32 to index
      %swap3A_1670 = arith.constant 0 : index
      %swap3A_1671 = tpu.vector_load %arg11[%swap3A_1669, %swap3A_1670] {strides = array<i32>} : memref<80x128xi32, #tpu.memory_space<vmem>>, vector<16xi32>,
      tpu.vector_store %arg11[%swap3A_1669, %swap3A_1670], %select_n3A_1657 {strides = array<i32>} : memref<80x128xi32, #tpu.memory_space<vmem>>, vector<16xi32>,
      %swap3A_1672 = arith.index_cast %scan3A_1629 : i32 to index
      %swap3A_1673 = arith.constant 0 : index
      %swap3A_1674 = tpu.vector_load %arg12[%swap3A_1672, %swap3A_1673] {strides = array<i32>} : memref<80x128xf32, #tpu.memory_space<vmem>>, vector<16xf32>,
      tpu.vector_store %arg12[%swap3A_1672, %swap3A_1673], %select_n3A_1666 {strides = array<i32>} : memref<80x128xf32, #tpu.memory_space<vmem>>, vector<16xf32>,
      %mul3A_1675 = arith.constant 128 : i32
      %mul3A_1676 = arith.muli %scan3A_1629, %mul3A_1675 : i32
      %add3A_1677 = arith.constant 16 : i32
      %add3A_1678 = arith.addi %mul3A_1676, %add3A_1677 : i32
      %add3A_1679 = arith.addi %mul3A_2, %add3A_1678 : i32
      %iota3A_1680 = tpu.iota {dimensions = array<i32: 0>} : vector<16xi32>
      %add3A_1681 = vector.broadcast %add3A_1679 : i32 to vector<16xi32>
      %add3A_1682 = arith.addi %add3A_1681, %iota3A_1680 : vector<16xi32>
      %lt3A_1683 = arith.constant 320000 : i32
      %lt3A_1684 = vector.broadcast %lt3A_1683 : i32 to vector<16xi32>
      %lt3A_1685 = arith.cmpi slt, %add3A_1682, %lt3A_1684 : vector<16xi32>
      %get3A_1686 = arith.index_cast %add3A_1678 : i32 to index
      %get3A_1687 = tpu.vector_load %arg8[%get3A_1686] {strides = array<i32>} : memref<10240xi32, #tpu.memory_space<vmem>>, vector<16xi32>,
      %jit3A_1688 = arith.constant 0 : i32
      %broadcast_in_dim3A_1689 = vector.broadcast %jit3A_1688 : i32 to vector<16xi32>
      %select_n3A_1690 = arith.select %lt3A_1685, %get3A_1687, %broadcast_in_dim3A_1689 : vector<16xi1>, vector<16xi32>
      %get3A_1691 = arith.index_cast %add3A_1678 : i32 to index
      %get3A_1692 = tpu.vector_load %arg9[%get3A_1691] {strides = array<i32>} : memref<10240xi32, #tpu.memory_space<vmem>>, vector<16xi32>,
      %jit3A_1693 = arith.constant 0 : i32
      %broadcast_in_dim3A_1694 = vector.broadcast %jit3A_1693 : i32 to vector<16xi32>
      %select_n3A_1695 = arith.select %lt3A_1685, %get3A_1692, %broadcast_in_dim3A_1694 : vector<16xi1>, vector<16xi32>
      %gather3A_1696 = tpu.vector_load_idx %arg7[%select_n3A_1690] : memref<10000xi32, #tpu.memory_space<vmem>>[vector<16xi32>], vector<16xi32>,
      %gather3A_1697 = tpu.vector_load_idx %arg7[%select_n3A_1695] : memref<10000xi32, #tpu.memory_space<vmem>>[vector<16xi32>], vector<16xi32>,
      %sub3A_1698 = arith.subi %gather3A_1696, %gather3A_1697 : vector<16xi32>
      %abs3A_1699 = math.absi %sub3A_1698 : vector<16xi32>
      %and3A_1700 = arith.constant 7 : i32
      %and3A_1701 = vector.broadcast %and3A_1700 : i32 to vector<16xi32>
      %and3A_1702 = arith.andi %add3A_1682, %and3A_1701 : vector<16xi32>
      %mul3A_1703 = arith.constant 10000 : i32
      %mul3A_1704 = vector.broadcast %mul3A_1703 : i32 to vector<16xi32>
      %mul3A_1705 = arith.muli %abs3A_1699, %mul3A_1704 : vector<16xi32>
      %add3A_1706 = arith.addi %mul3A_1705, %select_n3A_1695 : vector<16xi32>
      %select_n3A_1707 = arith.select %lt3A_1685, %add3A_1706, %and3A_1702 : vector<16xi1>, vector<16xi32>
      %add3A_1708 = arith.constant 10000 : i32
      %add3A_1709 = vector.broadcast %add3A_1708 : i32 to vector<16xi32>
      %add3A_1710 = arith.addi %add3A_1709, %and3A_1702 : vector<16xi32>
      %select_n3A_1711 = arith.select %lt3A_1685, %select_n3A_1690, %add3A_1710 : vector<16xi1>, vector<16xi32>
      %convert_element_type3A_1712 = arith.sitofp %abs3A_1699 : vector<16xi32> to vector<16xf32>
      %add3A_1713 = arith.constant 1.000000e+00 : f32
      %add3A_1714 = vector.broadcast %add3A_1713 : f32 to vector<16xf32>
      %add3A_1715 = arith.addf %add3A_1714, %convert_element_type3A_1712 : vector<16xf32>
      %div3A_1716 = arith.constant 1.000000e+00 : f32
      %div3A_1717 = vector.broadcast %div3A_1716 : f32 to vector<16xf32>
      %div3A_1718 = arith.divf %div3A_1717, %add3A_1715 : vector<16xf32>
      %broadcast_in_dim3A_1719 = arith.constant 0.000000e+00 : f32
      %broadcast_in_dim3A_1720 = vector.broadcast %broadcast_in_dim3A_1719 : f32 to vector<16xf32>
      %select_n3A_1721 = arith.select %lt3A_1685, %div3A_1718, %broadcast_in_dim3A_1720 : vector<16xi1>, vector<16xf32>
      %swap3A_1722 = arith.index_cast %scan3A_1629 : i32 to index
      %swap3A_1723 = arith.constant 16 : index
      %swap3A_1724 = tpu.vector_load %arg10[%swap3A_1722, %swap3A_1723] {strides = array<i32>} : memref<80x128xi32, #tpu.memory_space<vmem>>, vector<16xi32>,
      tpu.vector_store %arg10[%swap3A_1722, %swap3A_1723], %select_n3A_1707 {strides = array<i32>} : memref<80x128xi32, #tpu.memory_space<vmem>>, vector<16xi32>,
      %swap3A_1725 = arith.index_cast %scan3A_1629 : i32 to index
      %swap3A_1726 = arith.constant 16 : index
      %swap3A_1727 = tpu.vector_load %arg11[%swap3A_1725, %swap3A_1726] {strides = array<i32>} : memref<80x128xi32, #tpu.memory_space<vmem>>, vector<16xi32>,
      tpu.vector_store %arg11[%swap3A_1725, %swap3A_1726], %select_n3A_1711 {strides = array<i32>} : memref<80x128xi32, #tpu.memory_space<vmem>>, vector<16xi32>,
      %swap3A_1728 = arith.index_cast %scan3A_1629 : i32 to index
      %swap3A_1729 = arith.constant 16 : index
      %swap3A_1730 = tpu.vector_load %arg12[%swap3A_1728, %swap3A_1729] {strides = array<i32>} : memref<80x128xf32, #tpu.memory_space<vmem>>, vector<16xf32>,
      tpu.vector_store %arg12[%swap3A_1728, %swap3A_1729], %select_n3A_1721 {strides = array<i32>} : memref<80x128xf32, #tpu.memory_space<vmem>>, vector<16xf32>,
      %mul3A_1731 = arith.constant 128 : i32
      %mul3A_1732 = arith.muli %scan3A_1629, %mul3A_1731 : i32
      %add3A_1733 = arith.constant 32 : i32
      %add3A_1734 = arith.addi %mul3A_1732, %add3A_1733 : i32
      %add3A_1735 = arith.addi %mul3A_2, %add3A_1734 : i32
      %iota3A_1736 = tpu.iota {dimensions = array<i32: 0>} : vector<16xi32>
      %add3A_1737 = vector.broadcast %add3A_1735 : i32 to vector<16xi32>
      %add3A_1738 = arith.addi %add3A_1737, %iota3A_1736 : vector<16xi32>
      %lt3A_1739 = arith.constant 320000 : i32
      %lt3A_1740 = vector.broadcast %lt3A_1739 : i32 to vector<16xi32>
      %lt3A_1741 = arith.cmpi slt, %add3A_1738, %lt3A_1740 : vector<16xi32>
      %get3A_1742 = arith.index_cast %add3A_1734 : i32 to index
      %get3A_1743 = tpu.vector_load %arg8[%get3A_1742] {strides = array<i32>} : memref<10240xi32, #tpu.memory_space<vmem>>, vector<16xi32>,
      %jit3A_1744 = arith.constant 0 : i32
      %broadcast_in_dim3A_1745 = vector.broadcast %jit3A_1744 : i32 to vector<16xi32>
      %select_n3A_1746 = arith.select %lt3A_1741, %get3A_1743, %broadcast_in_dim3A_1745 : vector<16xi1>, vector<16xi32>
      %get3A_1747 = arith.index_cast %add3A_1734 : i32 to index
      %get3A_1748 = tpu.vector_load %arg9[%get3A_1747] {strides = array<i32>} : memref<10240xi32, #tpu.memory_space<vmem>>, vector<16xi32>,
      %jit3A_1749 = arith.constant 0 : i32
      %broadcast_in_dim3A_1750 = vector.broadcast %jit3A_1749 : i32 to vector<16xi32>
      %select_n3A_1751 = arith.select %lt3A_1741, %get3A_1748, %broadcast_in_dim3A_1750 : vector<16xi1>, vector<16xi32>
      %gather3A_1752 = tpu.vector_load_idx %arg7[%select_n3A_1746] : memref<10000xi32, #tpu.memory_space<vmem>>[vector<16xi32>], vector<16xi32>,
      %gather3A_1753 = tpu.vector_load_idx %arg7[%select_n3A_1751] : memref<10000xi32, #tpu.memory_space<vmem>>[vector<16xi32>], vector<16xi32>,
      %sub3A_1754 = arith.subi %gather3A_1752, %gather3A_1753 : vector<16xi32>
      %abs3A_1755 = math.absi %sub3A_1754 : vector<16xi32>
      %and3A_1756 = arith.constant 7 : i32
      %and3A_1757 = vector.broadcast %and3A_1756 : i32 to vector<16xi32>
      %and3A_1758 = arith.andi %add3A_1738, %and3A_1757 : vector<16xi32>
      %mul3A_1759 = arith.constant 10000 : i32
      %mul3A_1760 = vector.broadcast %mul3A_1759 : i32 to vector<16xi32>
      %mul3A_1761 = arith.muli %abs3A_1755, %mul3A_1760 : vector<16xi32>
      %add3A_1762 = arith.addi %mul3A_1761, %select_n3A_1751 : vector<16xi32>
      %select_n3A_1763 = arith.select %lt3A_1741, %add3A_1762, %and3A_1758 : vector<16xi1>, vector<16xi32>
      %add3A_1764 = arith.constant 10000 : i32
      %add3A_1765 = vector.broadcast %add3A_1764 : i32 to vector<16xi32>
      %add3A_1766 = arith.addi %add3A_1765, %and3A_1758 : vector<16xi32>
      %select_n3A_1767 = arith.select %lt3A_1741, %select_n3A_1746, %add3A_1766 : vector<16xi1>, vector<16xi32>
      %convert_element_type3A_1768 = arith.sitofp %abs3A_1755 : vector<16xi32> to vector<16xf32>
      %add3A_1769 = arith.constant 1.000000e+00 : f32
      %add3A_1770 = vector.broadcast %add3A_1769 : f32 to vector<16xf32>
      %add3A_1771 = arith.addf %add3A_1770, %convert_element_type3A_1768 : vector<16xf32>
      %div3A_1772 = arith.constant 1.000000e+00 : f32
      %div3A_1773 = vector.broadcast %div3A_1772 : f32 to vector<16xf32>
      %div3A_1774 = arith.divf %div3A_1773, %add3A_1771 : vector<16xf32>
      %broadcast_in_dim3A_1775 = arith.constant 0.000000e+00 : f32
      %broadcast_in_dim3A_1776 = vector.broadcast %broadcast_in_dim3A_1775 : f32 to vector<16xf32>
      %select_n3A_1777 = arith.select %lt3A_1741, %div3A_1774, %broadcast_in_dim3A_1776 : vector<16xi1>, vector<16xf32>
      %swap3A_1778 = arith.index_cast %scan3A_1629 : i32 to index
      %swap3A_1779 = arith.constant 32 : index
      %swap3A_1780 = tpu.vector_load %arg10[%swap3A_1778, %swap3A_1779] {strides = array<i32>} : memref<80x128xi32, #tpu.memory_space<vmem>>, vector<16xi32>,
      tpu.vector_store %arg10[%swap3A_1778, %swap3A_1779], %select_n3A_1763 {strides = array<i32>} : memref<80x128xi32, #tpu.memory_space<vmem>>, vector<16xi32>,
      %swap3A_1781 = arith.index_cast %scan3A_1629 : i32 to index
      %swap3A_1782 = arith.constant 32 : index
      %swap3A_1783 = tpu.vector_load %arg11[%swap3A_1781, %swap3A_1782] {strides = array<i32>} : memref<80x128xi32, #tpu.memory_space<vmem>>, vector<16xi32>,
      tpu.vector_store %arg11[%swap3A_1781, %swap3A_1782], %select_n3A_1767 {strides = array<i32>} : memref<80x128xi32, #tpu.memory_space<vmem>>, vector<16xi32>,
      %swap3A_1784 = arith.index_cast %scan3A_1629 : i32 to index
      %swap3A_1785 = arith.constant 32 : index
      %swap3A_1786 = tpu.vector_load %arg12[%swap3A_1784, %swap3A_1785] {strides = array<i32>} : memref<80x128xf32, #tpu.memory_space<vmem>>, vector<16xf32>,
      tpu.vector_store %arg12[%swap3A_1784, %swap3A_1785], %select_n3A_1777 {strides = array<i32>} : memref<80x128xf32, #tpu.memory_space<vmem>>, vector<16xf32>,
      %mul3A_1787 = arith.constant 128 : i32
      %mul3A_1788 = arith.muli %scan3A_1629, %mul3A_1787 : i32
      %add3A_1789 = arith.constant 48 : i32
      %add3A_1790 = arith.addi %mul3A_1788, %add3A_1789 : i32
      %add3A_1791 = arith.addi %mul3A_2, %add3A_1790 : i32
      %iota3A_1792 = tpu.iota {dimensions = array<i32: 0>} : vector<16xi32>
      %add3A_1793 = vector.broadcast %add3A_1791 : i32 to vector<16xi32>
      %add3A_1794 = arith.addi %add3A_1793, %iota3A_1792 : vector<16xi32>
      %lt3A_1795 = arith.constant 320000 : i32
      %lt3A_1796 = vector.broadcast %lt3A_1795 : i32 to vector<16xi32>
      %lt3A_1797 = arith.cmpi slt, %add3A_1794, %lt3A_1796 : vector<16xi32>
      %get3A_1798 = arith.index_cast %add3A_1790 : i32 to index
      %get3A_1799 = tpu.vector_load %arg8[%get3A_1798] {strides = array<i32>} : memref<10240xi32, #tpu.memory_space<vmem>>, vector<16xi32>,
      %jit3A_1800 = arith.constant 0 : i32
      %broadcast_in_dim3A_1801 = vector.broadcast %jit3A_1800 : i32 to vector<16xi32>
      %select_n3A_1802 = arith.select %lt3A_1797, %get3A_1799, %broadcast_in_dim3A_1801 : vector<16xi1>, vector<16xi32>
      %get3A_1803 = arith.index_cast %add3A_1790 : i32 to index
      %get3A_1804 = tpu.vector_load %arg9[%get3A_1803] {strides = array<i32>} : memref<10240xi32, #tpu.memory_space<vmem>>, vector<16xi32>,
      %jit3A_1805 = arith.constant 0 : i32
      %broadcast_in_dim3A_1806 = vector.broadcast %jit3A_1805 : i32 to vector<16xi32>
      %select_n3A_1807 = arith.select %lt3A_1797, %get3A_1804, %broadcast_in_dim3A_1806 : vector<16xi1>, vector<16xi32>
      %gather3A_1808 = tpu.vector_load_idx %arg7[%select_n3A_1802] : memref<10000xi32, #tpu.memory_space<vmem>>[vector<16xi32>], vector<16xi32>,
      %gather3A_1809 = tpu.vector_load_idx %arg7[%select_n3A_1807] : memref<10000xi32, #tpu.memory_space<vmem>>[vector<16xi32>], vector<16xi32>,
      %sub3A_1810 = arith.subi %gather3A_1808, %gather3A_1809 : vector<16xi32>
      %abs3A_1811 = math.absi %sub3A_1810 : vector<16xi32>
      %and3A_1812 = arith.constant 7 : i32
      %and3A_1813 = vector.broadcast %and3A_1812 : i32 to vector<16xi32>
      %and3A_1814 = arith.andi %add3A_1794, %and3A_1813 : vector<16xi32>
      %mul3A_1815 = arith.constant 10000 : i32
      %mul3A_1816 = vector.broadcast %mul3A_1815 : i32 to vector<16xi32>
      %mul3A_1817 = arith.muli %abs3A_1811, %mul3A_1816 : vector<16xi32>
      %add3A_1818 = arith.addi %mul3A_1817, %select_n3A_1807 : vector<16xi32>
      %select_n3A_1819 = arith.select %lt3A_1797, %add3A_1818, %and3A_1814 : vector<16xi1>, vector<16xi32>
      %add3A_1820 = arith.constant 10000 : i32
      %add3A_1821 = vector.broadcast %add3A_1820 : i32 to vector<16xi32>
      %add3A_1822 = arith.addi %add3A_1821, %and3A_1814 : vector<16xi32>
      %select_n3A_1823 = arith.select %lt3A_1797, %select_n3A_1802, %add3A_1822 : vector<16xi1>, vector<16xi32>
      %convert_element_type3A_1824 = arith.sitofp %abs3A_1811 : vector<16xi32> to vector<16xf32>
      %add3A_1825 = arith.constant 1.000000e+00 : f32
      %add3A_1826 = vector.broadcast %add3A_1825 : f32 to vector<16xf32>
      %add3A_1827 = arith.addf %add3A_1826, %convert_element_type3A_1824 : vector<16xf32>
      %div3A_1828 = arith.constant 1.000000e+00 : f32
      %div3A_1829 = vector.broadcast %div3A_1828 : f32 to vector<16xf32>
      %div3A_1830 = arith.divf %div3A_1829, %add3A_1827 : vector<16xf32>
      %broadcast_in_dim3A_1831 = arith.constant 0.000000e+00 : f32
      %broadcast_in_dim3A_1832 = vector.broadcast %broadcast_in_dim3A_1831 : f32 to vector<16xf32>
      %select_n3A_1833 = arith.select %lt3A_1797, %div3A_1830, %broadcast_in_dim3A_1832 : vector<16xi1>, vector<16xf32>
      %swap3A_1834 = arith.index_cast %scan3A_1629 : i32 to index
      %swap3A_1835 = arith.constant 48 : index
      %swap3A_1836 = tpu.vector_load %arg10[%swap3A_1834, %swap3A_1835] {strides = array<i32>} : memref<80x128xi32, #tpu.memory_space<vmem>>, vector<16xi32>,
      tpu.vector_store %arg10[%swap3A_1834, %swap3A_1835], %select_n3A_1819 {strides = array<i32>} : memref<80x128xi32, #tpu.memory_space<vmem>>, vector<16xi32>,
      %swap3A_1837 = arith.index_cast %scan3A_1629 : i32 to index
      %swap3A_1838 = arith.constant 48 : index
      %swap3A_1839 = tpu.vector_load %arg11[%swap3A_1837, %swap3A_1838] {strides = array<i32>} : memref<80x128xi32, #tpu.memory_space<vmem>>, vector<16xi32>,
      tpu.vector_store %arg11[%swap3A_1837, %swap3A_1838], %select_n3A_1823 {strides = array<i32>} : memref<80x128xi32, #tpu.memory_space<vmem>>, vector<16xi32>,
      %swap3A_1840 = arith.index_cast %scan3A_1629 : i32 to index
      %swap3A_1841 = arith.constant 48 : index
      %swap3A_1842 = tpu.vector_load %arg12[%swap3A_1840, %swap3A_1841] {strides = array<i32>} : memref<80x128xf32, #tpu.memory_space<vmem>>, vector<16xf32>,
      tpu.vector_store %arg12[%swap3A_1840, %swap3A_1841], %select_n3A_1833 {strides = array<i32>} : memref<80x128xf32, #tpu.memory_space<vmem>>, vector<16xf32>,
      %mul3A_1843 = arith.constant 128 : i32
      %mul3A_1844 = arith.muli %scan3A_1629, %mul3A_1843 : i32
      %add3A_1845 = arith.constant 64 : i32
      %add3A_1846 = arith.addi %mul3A_1844, %add3A_1845 : i32
      %add3A_1847 = arith.addi %mul3A_2, %add3A_1846 : i32
      %iota3A_1848 = tpu.iota {dimensions = array<i32: 0>} : vector<16xi32>
      %add3A_1849 = vector.broadcast %add3A_1847 : i32 to vector<16xi32>
      %add3A_1850 = arith.addi %add3A_1849, %iota3A_1848 : vector<16xi32>
      %lt3A_1851 = arith.constant 320000 : i32
      %lt3A_1852 = vector.broadcast %lt3A_1851 : i32 to vector<16xi32>
      %lt3A_1853 = arith.cmpi slt, %add3A_1850, %lt3A_1852 : vector<16xi32>
      %get3A_1854 = arith.index_cast %add3A_1846 : i32 to index
      %get3A_1855 = tpu.vector_load %arg8[%get3A_1854] {strides = array<i32>} : memref<10240xi32, #tpu.memory_space<vmem>>, vector<16xi32>,
      %jit3A_1856 = arith.constant 0 : i32
      %broadcast_in_dim3A_1857 = vector.broadcast %jit3A_1856 : i32 to vector<16xi32>
      %select_n3A_1858 = arith.select %lt3A_1853, %get3A_1855, %broadcast_in_dim3A_1857 : vector<16xi1>, vector<16xi32>
      %get3A_1859 = arith.index_cast %add3A_1846 : i32 to index
      %get3A_1860 = tpu.vector_load %arg9[%get3A_1859] {strides = array<i32>} : memref<10240xi32, #tpu.memory_space<vmem>>, vector<16xi32>,
      %jit3A_1861 = arith.constant 0 : i32
      %broadcast_in_dim3A_1862 = vector.broadcast %jit3A_1861 : i32 to vector<16xi32>
      %select_n3A_1863 = arith.select %lt3A_1853, %get3A_1860, %broadcast_in_dim3A_1862 : vector<16xi1>, vector<16xi32>
      %gather3A_1864 = tpu.vector_load_idx %arg7[%select_n3A_1858] : memref<10000xi32, #tpu.memory_space<vmem>>[vector<16xi32>], vector<16xi32>,
      %gather3A_1865 = tpu.vector_load_idx %arg7[%select_n3A_1863] : memref<10000xi32, #tpu.memory_space<vmem>>[vector<16xi32>], vector<16xi32>,
      %sub3A_1866 = arith.subi %gather3A_1864, %gather3A_1865 : vector<16xi32>
      %abs3A_1867 = math.absi %sub3A_1866 : vector<16xi32>
      %and3A_1868 = arith.constant 7 : i32
      %and3A_1869 = vector.broadcast %and3A_1868 : i32 to vector<16xi32>
      %and3A_1870 = arith.andi %add3A_1850, %and3A_1869 : vector<16xi32>
      %mul3A_1871 = arith.constant 10000 : i32
      %mul3A_1872 = vector.broadcast %mul3A_1871 : i32 to vector<16xi32>
      %mul3A_1873 = arith.muli %abs3A_1867, %mul3A_1872 : vector<16xi32>
      %add3A_1874 = arith.addi %mul3A_1873, %select_n3A_1863 : vector<16xi32>
      %select_n3A_1875 = arith.select %lt3A_1853, %add3A_1874, %and3A_1870 : vector<16xi1>, vector<16xi32>
      %add3A_1876 = arith.constant 10000 : i32
      %add3A_1877 = vector.broadcast %add3A_1876 : i32 to vector<16xi32>
      %add3A_1878 = arith.addi %add3A_1877, %and3A_1870 : vector<16xi32>
      %select_n3A_1879 = arith.select %lt3A_1853, %select_n3A_1858, %add3A_1878 : vector<16xi1>, vector<16xi32>
      %convert_element_type3A_1880 = arith.sitofp %abs3A_1867 : vector<16xi32> to vector<16xf32>
      %add3A_1881 = arith.constant 1.000000e+00 : f32
      %add3A_1882 = vector.broadcast %add3A_1881 : f32 to vector<16xf32>
      %add3A_1883 = arith.addf %add3A_1882, %convert_element_type3A_1880 : vector<16xf32>
      %div3A_1884 = arith.constant 1.000000e+00 : f32
      %div3A_1885 = vector.broadcast %div3A_1884 : f32 to vector<16xf32>
      %div3A_1886 = arith.divf %div3A_1885, %add3A_1883 : vector<16xf32>
      %broadcast_in_dim3A_1887 = arith.constant 0.000000e+00 : f32
      %broadcast_in_dim3A_1888 = vector.broadcast %broadcast_in_dim3A_1887 : f32 to vector<16xf32>
      %select_n3A_1889 = arith.select %lt3A_1853, %div3A_1886, %broadcast_in_dim3A_1888 : vector<16xi1>, vector<16xf32>
      %swap3A_1890 = arith.index_cast %scan3A_1629 : i32 to index
      %swap3A_1891 = arith.constant 64 : index
      %swap3A_1892 = tpu.vector_load %arg10[%swap3A_1890, %swap3A_1891] {strides = array<i32>} : memref<80x128xi32, #tpu.memory_space<vmem>>, vector<16xi32>,
      tpu.vector_store %arg10[%swap3A_1890, %swap3A_1891], %select_n3A_1875 {strides = array<i32>} : memref<80x128xi32, #tpu.memory_space<vmem>>, vector<16xi32>,
      %swap3A_1893 = arith.index_cast %scan3A_1629 : i32 to index
      %swap3A_1894 = arith.constant 64 : index
      %swap3A_1895 = tpu.vector_load %arg11[%swap3A_1893, %swap3A_1894] {strides = array<i32>} : memref<80x128xi32, #tpu.memory_space<vmem>>, vector<16xi32>,
      tpu.vector_store %arg11[%swap3A_1893, %swap3A_1894], %select_n3A_1879 {strides = array<i32>} : memref<80x128xi32, #tpu.memory_space<vmem>>, vector<16xi32>,
      %swap3A_1896 = arith.index_cast %scan3A_1629 : i32 to index
      %swap3A_1897 = arith.constant 64 : index
      %swap3A_1898 = tpu.vector_load %arg12[%swap3A_1896, %swap3A_1897] {strides = array<i32>} : memref<80x128xf32, #tpu.memory_space<vmem>>, vector<16xf32>,
      tpu.vector_store %arg12[%swap3A_1896, %swap3A_1897], %select_n3A_1889 {strides = array<i32>} : memref<80x128xf32, #tpu.memory_space<vmem>>, vector<16xf32>,
      %mul3A_1899 = arith.constant 128 : i32
      %mul3A_1900 = arith.muli %scan3A_1629, %mul3A_1899 : i32
      %add3A_1901 = arith.constant 80 : i32
      %add3A_1902 = arith.addi %mul3A_1900, %add3A_1901 : i32
      %add3A_1903 = arith.addi %mul3A_2, %add3A_1902 : i32
      %iota3A_1904 = tpu.iota {dimensions = array<i32: 0>} : vector<16xi32>
      %add3A_1905 = vector.broadcast %add3A_1903 : i32 to vector<16xi32>
      %add3A_1906 = arith.addi %add3A_1905, %iota3A_1904 : vector<16xi32>
      %lt3A_1907 = arith.constant 320000 : i32
      %lt3A_1908 = vector.broadcast %lt3A_1907 : i32 to vector<16xi32>
      %lt3A_1909 = arith.cmpi slt, %add3A_1906, %lt3A_1908 : vector<16xi32>
      %get3A_1910 = arith.index_cast %add3A_1902 : i32 to index
      %get3A_1911 = tpu.vector_load %arg8[%get3A_1910] {strides = array<i32>} : memref<10240xi32, #tpu.memory_space<vmem>>, vector<16xi32>,
      %jit3A_1912 = arith.constant 0 : i32
      %broadcast_in_dim3A_1913 = vector.broadcast %jit3A_1912 : i32 to vector<16xi32>
      %select_n3A_1914 = arith.select %lt3A_1909, %get3A_1911, %broadcast_in_dim3A_1913 : vector<16xi1>, vector<16xi32>
      %get3A_1915 = arith.index_cast %add3A_1902 : i32 to index
      %get3A_1916 = tpu.vector_load %arg9[%get3A_1915] {strides = array<i32>} : memref<10240xi32, #tpu.memory_space<vmem>>, vector<16xi32>,
      %jit3A_1917 = arith.constant 0 : i32
      %broadcast_in_dim3A_1918 = vector.broadcast %jit3A_1917 : i32 to vector<16xi32>
      %select_n3A_1919 = arith.select %lt3A_1909, %get3A_1916, %broadcast_in_dim3A_1918 : vector<16xi1>, vector<16xi32>
      %gather3A_1920 = tpu.vector_load_idx %arg7[%select_n3A_1914] : memref<10000xi32, #tpu.memory_space<vmem>>[vector<16xi32>], vector<16xi32>,
      %gather3A_1921 = tpu.vector_load_idx %arg7[%select_n3A_1919] : memref<10000xi32, #tpu.memory_space<vmem>>[vector<16xi32>], vector<16xi32>,
      %sub3A_1922 = arith.subi %gather3A_1920, %gather3A_1921 : vector<16xi32>
      %abs3A_1923 = math.absi %sub3A_1922 : vector<16xi32>
      %and3A_1924 = arith.constant 7 : i32
      %and3A_1925 = vector.broadcast %and3A_1924 : i32 to vector<16xi32>
      %and3A_1926 = arith.andi %add3A_1906, %and3A_1925 : vector<16xi32>
      %mul3A_1927 = arith.constant 10000 : i32
      %mul3A_1928 = vector.broadcast %mul3A_1927 : i32 to vector<16xi32>
      %mul3A_1929 = arith.muli %abs3A_1923, %mul3A_1928 : vector<16xi32>
      %add3A_1930 = arith.addi %mul3A_1929, %select_n3A_1919 : vector<16xi32>
      %select_n3A_1931 = arith.select %lt3A_1909, %add3A_1930, %and3A_1926 : vector<16xi1>, vector<16xi32>
      %add3A_1932 = arith.constant 10000 : i32
      %add3A_1933 = vector.broadcast %add3A_1932 : i32 to vector<16xi32>
      %add3A_1934 = arith.addi %add3A_1933, %and3A_1926 : vector<16xi32>
      %select_n3A_1935 = arith.select %lt3A_1909, %select_n3A_1914, %add3A_1934 : vector<16xi1>, vector<16xi32>
      %convert_element_type3A_1936 = arith.sitofp %abs3A_1923 : vector<16xi32> to vector<16xf32>
      %add3A_1937 = arith.constant 1.000000e+00 : f32
      %add3A_1938 = vector.broadcast %add3A_1937 : f32 to vector<16xf32>
      %add3A_1939 = arith.addf %add3A_1938, %convert_element_type3A_1936 : vector<16xf32>
      %div3A_1940 = arith.constant 1.000000e+00 : f32
      %div3A_1941 = vector.broadcast %div3A_1940 : f32 to vector<16xf32>
      %div3A_1942 = arith.divf %div3A_1941, %add3A_1939 : vector<16xf32>
      %broadcast_in_dim3A_1943 = arith.constant 0.000000e+00 : f32
      %broadcast_in_dim3A_1944 = vector.broadcast %broadcast_in_dim3A_1943 : f32 to vector<16xf32>
      %select_n3A_1945 = arith.select %lt3A_1909, %div3A_1942, %broadcast_in_dim3A_1944 : vector<16xi1>, vector<16xf32>
      %swap3A_1946 = arith.index_cast %scan3A_1629 : i32 to index
      %swap3A_1947 = arith.constant 80 : index
      %swap3A_1948 = tpu.vector_load %arg10[%swap3A_1946, %swap3A_1947] {strides = array<i32>} : memref<80x128xi32, #tpu.memory_space<vmem>>, vector<16xi32>,
      tpu.vector_store %arg10[%swap3A_1946, %swap3A_1947], %select_n3A_1931 {strides = array<i32>} : memref<80x128xi32, #tpu.memory_space<vmem>>, vector<16xi32>,
      %swap3A_1949 = arith.index_cast %scan3A_1629 : i32 to index
      %swap3A_1950 = arith.constant 80 : index
      %swap3A_1951 = tpu.vector_load %arg11[%swap3A_1949, %swap3A_1950] {strides = array<i32>} : memref<80x128xi32, #tpu.memory_space<vmem>>, vector<16xi32>,
      tpu.vector_store %arg11[%swap3A_1949, %swap3A_1950], %select_n3A_1935 {strides = array<i32>} : memref<80x128xi32, #tpu.memory_space<vmem>>, vector<16xi32>,
      %swap3A_1952 = arith.index_cast %scan3A_1629 : i32 to index
      %swap3A_1953 = arith.constant 80 : index
      %swap3A_1954 = tpu.vector_load %arg12[%swap3A_1952, %swap3A_1953] {strides = array<i32>} : memref<80x128xf32, #tpu.memory_space<vmem>>, vector<16xf32>,
      tpu.vector_store %arg12[%swap3A_1952, %swap3A_1953], %select_n3A_1945 {strides = array<i32>} : memref<80x128xf32, #tpu.memory_space<vmem>>, vector<16xf32>,
      %mul3A_1955 = arith.constant 128 : i32
      %mul3A_1956 = arith.muli %scan3A_1629, %mul3A_1955 : i32
      %add3A_1957 = arith.constant 96 : i32
      %add3A_1958 = arith.addi %mul3A_1956, %add3A_1957 : i32
      %add3A_1959 = arith.addi %mul3A_2, %add3A_1958 : i32
      %iota3A_1960 = tpu.iota {dimensions = array<i32: 0>} : vector<16xi32>
      %add3A_1961 = vector.broadcast %add3A_1959 : i32 to vector<16xi32>
      %add3A_1962 = arith.addi %add3A_1961, %iota3A_1960 : vector<16xi32>
      %lt3A_1963 = arith.constant 320000 : i32
      %lt3A_1964 = vector.broadcast %lt3A_1963 : i32 to vector<16xi32>
      %lt3A_1965 = arith.cmpi slt, %add3A_1962, %lt3A_1964 : vector<16xi32>
      %get3A_1966 = arith.index_cast %add3A_1958 : i32 to index
      %get3A_1967 = tpu.vector_load %arg8[%get3A_1966] {strides = array<i32>} : memref<10240xi32, #tpu.memory_space<vmem>>, vector<16xi32>,
      %jit3A_1968 = arith.constant 0 : i32
      %broadcast_in_dim3A_1969 = vector.broadcast %jit3A_1968 : i32 to vector<16xi32>
      %select_n3A_1970 = arith.select %lt3A_1965, %get3A_1967, %broadcast_in_dim3A_1969 : vector<16xi1>, vector<16xi32>
      %get3A_1971 = arith.index_cast %add3A_1958 : i32 to index
      %get3A_1972 = tpu.vector_load %arg9[%get3A_1971] {strides = array<i32>} : memref<10240xi32, #tpu.memory_space<vmem>>, vector<16xi32>,
      %jit3A_1973 = arith.constant 0 : i32
      %broadcast_in_dim3A_1974 = vector.broadcast %jit3A_1973 : i32 to vector<16xi32>
      %select_n3A_1975 = arith.select %lt3A_1965, %get3A_1972, %broadcast_in_dim3A_1974 : vector<16xi1>, vector<16xi32>
      %gather3A_1976 = tpu.vector_load_idx %arg7[%select_n3A_1970] : memref<10000xi32, #tpu.memory_space<vmem>>[vector<16xi32>], vector<16xi32>,
      %gather3A_1977 = tpu.vector_load_idx %arg7[%select_n3A_1975] : memref<10000xi32, #tpu.memory_space<vmem>>[vector<16xi32>], vector<16xi32>,
      %sub3A_1978 = arith.subi %gather3A_1976, %gather3A_1977 : vector<16xi32>
      %abs3A_1979 = math.absi %sub3A_1978 : vector<16xi32>
      %and3A_1980 = arith.constant 7 : i32
      %and3A_1981 = vector.broadcast %and3A_1980 : i32 to vector<16xi32>
      %and3A_1982 = arith.andi %add3A_1962, %and3A_1981 : vector<16xi32>
      %mul3A_1983 = arith.constant 10000 : i32
      %mul3A_1984 = vector.broadcast %mul3A_1983 : i32 to vector<16xi32>
      %mul3A_1985 = arith.muli %abs3A_1979, %mul3A_1984 : vector<16xi32>
      %add3A_1986 = arith.addi %mul3A_1985, %select_n3A_1975 : vector<16xi32>
      %select_n3A_1987 = arith.select %lt3A_1965, %add3A_1986, %and3A_1982 : vector<16xi1>, vector<16xi32>
      %add3A_1988 = arith.constant 10000 : i32
      %add3A_1989 = vector.broadcast %add3A_1988 : i32 to vector<16xi32>
      %add3A_1990 = arith.addi %add3A_1989, %and3A_1982 : vector<16xi32>
      %select_n3A_1991 = arith.select %lt3A_1965, %select_n3A_1970, %add3A_1990 : vector<16xi1>, vector<16xi32>
      %convert_element_type3A_1992 = arith.sitofp %abs3A_1979 : vector<16xi32> to vector<16xf32>
      %add3A_1993 = arith.constant 1.000000e+00 : f32
      %add3A_1994 = vector.broadcast %add3A_1993 : f32 to vector<16xf32>
      %add3A_1995 = arith.addf %add3A_1994, %convert_element_type3A_1992 : vector<16xf32>
      %div3A_1996 = arith.constant 1.000000e+00 : f32
      %div3A_1997 = vector.broadcast %div3A_1996 : f32 to vector<16xf32>
      %div3A_1998 = arith.divf %div3A_1997, %add3A_1995 : vector<16xf32>
      %broadcast_in_dim3A_1999 = arith.constant 0.000000e+00 : f32
      %broadcast_in_dim3A_2000 = vector.broadcast %broadcast_in_dim3A_1999 : f32 to vector<16xf32>
      %select_n3A_2001 = arith.select %lt3A_1965, %div3A_1998, %broadcast_in_dim3A_2000 : vector<16xi1>, vector<16xf32>
      %swap3A_2002 = arith.index_cast %scan3A_1629 : i32 to index
      %swap3A_2003 = arith.constant 96 : index
      %swap3A_2004 = tpu.vector_load %arg10[%swap3A_2002, %swap3A_2003] {strides = array<i32>} : memref<80x128xi32, #tpu.memory_space<vmem>>, vector<16xi32>,
      tpu.vector_store %arg10[%swap3A_2002, %swap3A_2003], %select_n3A_1987 {strides = array<i32>} : memref<80x128xi32, #tpu.memory_space<vmem>>, vector<16xi32>,
      %swap3A_2005 = arith.index_cast %scan3A_1629 : i32 to index
      %swap3A_2006 = arith.constant 96 : index
      %swap3A_2007 = tpu.vector_load %arg11[%swap3A_2005, %swap3A_2006] {strides = array<i32>} : memref<80x128xi32, #tpu.memory_space<vmem>>, vector<16xi32>,
      tpu.vector_store %arg11[%swap3A_2005, %swap3A_2006], %select_n3A_1991 {strides = array<i32>} : memref<80x128xi32, #tpu.memory_space<vmem>>, vector<16xi32>,
      %swap3A_2008 = arith.index_cast %scan3A_1629 : i32 to index
      %swap3A_2009 = arith.constant 96 : index
      %swap3A_2010 = tpu.vector_load %arg12[%swap3A_2008, %swap3A_2009] {strides = array<i32>} : memref<80x128xf32, #tpu.memory_space<vmem>>, vector<16xf32>,
      tpu.vector_store %arg12[%swap3A_2008, %swap3A_2009], %select_n3A_2001 {strides = array<i32>} : memref<80x128xf32, #tpu.memory_space<vmem>>, vector<16xf32>,
      %mul3A_2011 = arith.constant 128 : i32
      %mul3A_2012 = arith.muli %scan3A_1629, %mul3A_2011 : i32
      %add3A_2013 = arith.constant 112 : i32
      %add3A_2014 = arith.addi %mul3A_2012, %add3A_2013 : i32
      %add3A_2015 = arith.addi %mul3A_2, %add3A_2014 : i32
      %iota3A_2016 = tpu.iota {dimensions = array<i32: 0>} : vector<16xi32>
      %add3A_2017 = vector.broadcast %add3A_2015 : i32 to vector<16xi32>
      %add3A_2018 = arith.addi %add3A_2017, %iota3A_2016 : vector<16xi32>
      %lt3A_2019 = arith.constant 320000 : i32
      %lt3A_2020 = vector.broadcast %lt3A_2019 : i32 to vector<16xi32>
      %lt3A_2021 = arith.cmpi slt, %add3A_2018, %lt3A_2020 : vector<16xi32>
      %get3A_2022 = arith.index_cast %add3A_2014 : i32 to index
      %get3A_2023 = tpu.vector_load %arg8[%get3A_2022] {strides = array<i32>} : memref<10240xi32, #tpu.memory_space<vmem>>, vector<16xi32>,
      %jit3A_2024 = arith.constant 0 : i32
      %broadcast_in_dim3A_2025 = vector.broadcast %jit3A_2024 : i32 to vector<16xi32>
      %select_n3A_2026 = arith.select %lt3A_2021, %get3A_2023, %broadcast_in_dim3A_2025 : vector<16xi1>, vector<16xi32>
      %get3A_2027 = arith.index_cast %add3A_2014 : i32 to index
      %get3A_2028 = tpu.vector_load %arg9[%get3A_2027] {strides = array<i32>} : memref<10240xi32, #tpu.memory_space<vmem>>, vector<16xi32>,
      %jit3A_2029 = arith.constant 0 : i32
      %broadcast_in_dim3A_2030 = vector.broadcast %jit3A_2029 : i32 to vector<16xi32>
      %select_n3A_2031 = arith.select %lt3A_2021, %get3A_2028, %broadcast_in_dim3A_2030 : vector<16xi1>, vector<16xi32>
      %gather3A_2032 = tpu.vector_load_idx %arg7[%select_n3A_2026] : memref<10000xi32, #tpu.memory_space<vmem>>[vector<16xi32>], vector<16xi32>,
      %gather3A_2033 = tpu.vector_load_idx %arg7[%select_n3A_2031] : memref<10000xi32, #tpu.memory_space<vmem>>[vector<16xi32>], vector<16xi32>,
      %sub3A_2034 = arith.subi %gather3A_2032, %gather3A_2033 : vector<16xi32>
      %abs3A_2035 = math.absi %sub3A_2034 : vector<16xi32>
      %and3A_2036 = arith.constant 7 : i32
      %and3A_2037 = vector.broadcast %and3A_2036 : i32 to vector<16xi32>
      %and3A_2038 = arith.andi %add3A_2018, %and3A_2037 : vector<16xi32>
      %mul3A_2039 = arith.constant 10000 : i32
      %mul3A_2040 = vector.broadcast %mul3A_2039 : i32 to vector<16xi32>
      %mul3A_2041 = arith.muli %abs3A_2035, %mul3A_2040 : vector<16xi32>
      %add3A_2042 = arith.addi %mul3A_2041, %select_n3A_2031 : vector<16xi32>
      %select_n3A_2043 = arith.select %lt3A_2021, %add3A_2042, %and3A_2038 : vector<16xi1>, vector<16xi32>
      %add3A_2044 = arith.constant 10000 : i32
      %add3A_2045 = vector.broadcast %add3A_2044 : i32 to vector<16xi32>
      %add3A_2046 = arith.addi %add3A_2045, %and3A_2038 : vector<16xi32>
      %select_n3A_2047 = arith.select %lt3A_2021, %select_n3A_2026, %add3A_2046 : vector<16xi1>, vector<16xi32>
      %convert_element_type3A_2048 = arith.sitofp %abs3A_2035 : vector<16xi32> to vector<16xf32>
      %add3A_2049 = arith.constant 1.000000e+00 : f32
      %add3A_2050 = vector.broadcast %add3A_2049 : f32 to vector<16xf32>
      %add3A_2051 = arith.addf %add3A_2050, %convert_element_type3A_2048 : vector<16xf32>
      %div3A_2052 = arith.constant 1.000000e+00 : f32
      %div3A_2053 = vector.broadcast %div3A_2052 : f32 to vector<16xf32>
      %div3A_2054 = arith.divf %div3A_2053, %add3A_2051 : vector<16xf32>
      %broadcast_in_dim3A_2055 = arith.constant 0.000000e+00 : f32
      %broadcast_in_dim3A_2056 = vector.broadcast %broadcast_in_dim3A_2055 : f32 to vector<16xf32>
      %select_n3A_2057 = arith.select %lt3A_2021, %div3A_2054, %broadcast_in_dim3A_2056 : vector<16xi1>, vector<16xf32>
      %swap3A_2058 = arith.index_cast %scan3A_1629 : i32 to index
      %swap3A_2059 = arith.constant 112 : index
      %swap3A_2060 = tpu.vector_load %arg10[%swap3A_2058, %swap3A_2059] {strides = array<i32>} : memref<80x128xi32, #tpu.memory_space<vmem>>, vector<16xi32>,
      tpu.vector_store %arg10[%swap3A_2058, %swap3A_2059], %select_n3A_2043 {strides = array<i32>} : memref<80x128xi32, #tpu.memory_space<vmem>>, vector<16xi32>,
      %swap3A_2061 = arith.index_cast %scan3A_1629 : i32 to index
      %swap3A_2062 = arith.constant 112 : index
      %swap3A_2063 = tpu.vector_load %arg11[%swap3A_2061, %swap3A_2062] {strides = array<i32>} : memref<80x128xi32, #tpu.memory_space<vmem>>, vector<16xi32>,
      tpu.vector_store %arg11[%swap3A_2061, %swap3A_2062], %select_n3A_2047 {strides = array<i32>} : memref<80x128xi32, #tpu.memory_space<vmem>>, vector<16xi32>,
      %swap3A_2064 = arith.index_cast %scan3A_1629 : i32 to index
      %swap3A_2065 = arith.constant 112 : index
      %swap3A_2066 = tpu.vector_load %arg12[%swap3A_2064, %swap3A_2065] {strides = array<i32>} : memref<80x128xf32, #tpu.memory_space<vmem>>, vector<16xf32>,
      tpu.vector_store %arg12[%swap3A_2064, %swap3A_2065], %select_n3A_2057 {strides = array<i32>} : memref<80x128xf32, #tpu.memory_space<vmem>>, vector<16xf32>,
    }
    %scan3A_21 = arith.constant 80 : i32
    %mul3A_22 = arith.constant 80 : i32
    %mul3A_23 = arith.muli %add3A, %mul3A_22 : i32
    "tpu.region"() ({
      %run_scoped3A = tpu.sem_alloc : memref<!tpu.dma_semaphore, #tpu.memory_space<semaphore_mem>>
      %dma_start3A_1629 = arith.constant 0 : i32
      %dma_start3A_1630 = tpu.memref_slice %arg4[%mul3A_23, %dma_start3A_1629] : memref<2560x128xi32, #tpu.memory_space<hbm>> -> memref<80x128xi32, #tpu.memory_space<hbm>>
      %dma_start3A_1631 = arith.constant 0 : i32
      %dma_start3A_1632 = tpu.memref_slice %arg4[%mul3A_23, %dma_start3A_1631] : memref<2560x128xi32, #tpu.memory_space<hbm>> -> memref<80x128xi32, #tpu.memory_space<hbm>>
      tpu.enqueue_dma source(%arg10 : memref<80x128xi32, #tpu.memory_space<vmem>>) target(%dma_start3A_1632 : memref<80x128xi32, #tpu.memory_space<hbm>>) target_semaphore(%run_scoped3A : memref<!tpu.dma_semaphore, #tpu.memory_space<semaphore_mem>>)
      %dma_wait3A_1633 = arith.constant 0 : i32
      %dma_wait3A_1634 = tpu.memref_slice %arg4[%mul3A_23, %dma_wait3A_1633] : memref<2560x128xi32, #tpu.memory_space<hbm>> -> memref<80x128xi32, #tpu.memory_space<hbm>>
      %dma_wait3A_1635 = arith.constant 0 : i32
      %dma_wait3A_1636 = tpu.memref_slice %arg4[%mul3A_23, %dma_wait3A_1635] : memref<2560x128xi32, #tpu.memory_space<hbm>> -> memref<80x128xi32, #tpu.memory_space<hbm>>
      tpu.wait_dma2 semaphore(%run_scoped3A : memref<!tpu.dma_semaphore, #tpu.memory_space<semaphore_mem>>) src(%arg10 : memref<80x128xi32, #tpu.memory_space<vmem>>) dst(%dma_wait3A_1636 : memref<80x128xi32, #tpu.memory_space<hbm>>)
      tpu.yield
    }) : () -> ()
    %mul3A_24 = arith.constant 80 : i32
    %mul3A_25 = arith.muli %add3A, %mul3A_24 : i32
    "tpu.region"() ({
      %run_scoped3A = tpu.sem_alloc : memref<!tpu.dma_semaphore, #tpu.memory_space<semaphore_mem>>
      %dma_start3A_1629 = arith.constant 0 : i32
      %dma_start3A_1630 = tpu.memref_slice %arg5[%mul3A_25, %dma_start3A_1629] : memref<2560x128xi32, #tpu.memory_space<hbm>> -> memref<80x128xi32, #tpu.memory_space<hbm>>
      %dma_start3A_1631 = arith.constant 0 : i32
      %dma_start3A_1632 = tpu.memref_slice %arg5[%mul3A_25, %dma_start3A_1631] : memref<2560x128xi32, #tpu.memory_space<hbm>> -> memref<80x128xi32, #tpu.memory_space<hbm>>
      tpu.enqueue_dma source(%arg11 : memref<80x128xi32, #tpu.memory_space<vmem>>) target(%dma_start3A_1632 : memref<80x128xi32, #tpu.memory_space<hbm>>) target_semaphore(%run_scoped3A : memref<!tpu.dma_semaphore, #tpu.memory_space<semaphore_mem>>)
      %dma_wait3A_1633 = arith.constant 0 : i32
      %dma_wait3A_1634 = tpu.memref_slice %arg5[%mul3A_25, %dma_wait3A_1633] : memref<2560x128xi32, #tpu.memory_space<hbm>> -> memref<80x128xi32, #tpu.memory_space<hbm>>
      %dma_wait3A_1635 = arith.constant 0 : i32
      %dma_wait3A_1636 = tpu.memref_slice %arg5[%mul3A_25, %dma_wait3A_1635] : memref<2560x128xi32, #tpu.memory_space<hbm>> -> memref<80x128xi32, #tpu.memory_space<hbm>>
      tpu.wait_dma2 semaphore(%run_scoped3A : memref<!tpu.dma_semaphore, #tpu.memory_space<semaphore_mem>>) src(%arg11 : memref<80x128xi32, #tpu.memory_space<vmem>>) dst(%dma_wait3A_1636 : memref<80x128xi32, #tpu.memory_space<hbm>>)
      tpu.yield
    }) : () -> ()
    %barrier3A = arith.constant 0 : index
    tpu.barrier barrier_id(%barrier3A)
    %dma_start3A = arith.constant 0 : i32
    %dma_start3A_26 = arith.constant 0 : i32
    %dma_start3A_27 = arith.constant 0 : i32
    %dma_start3A_28 = tpu.memref_slice %arg12[%dma_start3A, %dma_start3A_27] : memref<80x128xf32, #tpu.memory_space<vmem>> -> memref<1x128xf32, #tpu.memory_space<vmem>>
    %dma_start3A_29 = tpu.memref_squeeze %dma_start3A_28 : memref<1x128xf32, #tpu.memory_space<vmem>> -> memref<128xf32, #tpu.memory_space<vmem>>
    %dma_start3A_30 = arith.constant 0 : i32
    %dma_start3A_31 = tpu.memref_slice %arg11[%dma_start3A_26, %dma_start3A_30] : memref<80x128xi32, #tpu.memory_space<vmem>> -> memref<1x128xi32, #tpu.memory_space<vmem>>
    %dma_start3A_32 = tpu.memref_squeeze %dma_start3A_31 : memref<1x128xi32, #tpu.memory_space<vmem>> -> memref<128xi32, #tpu.memory_space<vmem>>
    %dma_start3A_33 = arith.constant 0 : i32
    %dma_start3A_34 = tpu.memref_slice %arg14[%dma_start3A_33] : memref<10240xf32, #tpu.memory_space<vmem_shared>> -> memref<10240xf32, #tpu.memory_space<vmem_shared>>
    tpu.enqueue_indirect_dma source(%dma_start3A_29 : memref<128xf32, #tpu.memory_space<vmem>>) target(%dma_start3A_34 : memref<10240xf32, #tpu.memory_space<vmem_shared>>) offsets(%dma_start3A_32 : memref<128xi32, #tpu.memory_space<vmem>>) semaphore(%arg15 : memref<!tpu.dma_semaphore, #tpu.memory_space<semaphore_mem>>) {add = true}
    %dma_start3A_35 = arith.constant 1 : i32
    %dma_start3A_36 = arith.constant 1 : i32
    %dma_start3A_37 = arith.constant 0 : i32
    %dma_start3A_38 = tpu.memref_slice %arg12[%dma_start3A_35, %dma_start3A_37] : memref<80x128xf32, #tpu.memory_space<vmem>> -> memref<1x128xf32, #tpu.memory_space<vmem>>
    %dma_start3A_39 = tpu.memref_squeeze %dma_start3A_38 : memref<1x128xf32, #tpu.memory_space<vmem>> -> memref<128xf32, #tpu.memory_space<vmem>>
    %dma_start3A_40 = arith.constant 0 : i32
    %dma_start3A_41 = tpu.memref_slice %arg11[%dma_start3A_36, %dma_start3A_40] : memref<80x128xi32, #tpu.memory_space<vmem>> -> memref<1x128xi32, #tpu.memory_space<vmem>>
    %dma_start3A_42 = tpu.memref_squeeze %dma_start3A_41 : memref<1x128xi32, #tpu.memory_space<vmem>> -> memref<128xi32, #tpu.memory_space<vmem>>
    %dma_start3A_43 = arith.constant 0 : i32
    %dma_start3A_44 = tpu.memref_slice %arg14[%dma_start3A_43] : memref<10240xf32, #tpu.memory_space<vmem_shared>> -> memref<10240xf32, #tpu.memory_space<vmem_shared>>
    tpu.enqueue_indirect_dma source(%dma_start3A_39 : memref<128xf32, #tpu.memory_space<vmem>>) target(%dma_start3A_44 : memref<10240xf32, #tpu.memory_space<vmem_shared>>) offsets(%dma_start3A_42 : memref<128xi32, #tpu.memory_space<vmem>>) semaphore(%arg15 : memref<!tpu.dma_semaphore, #tpu.memory_space<semaphore_mem>>) {add = true}
    %dma_start3A_45 = arith.constant 2 : i32
    %dma_start3A_46 = arith.constant 2 : i32
    %dma_start3A_47 = arith.constant 0 : i32
    %dma_start3A_48 = tpu.memref_slice %arg12[%dma_start3A_45, %dma_start3A_47] : memref<80x128xf32, #tpu.memory_space<vmem>> -> memref<1x128xf32, #tpu.memory_space<vmem>>
    %dma_start3A_49 = tpu.memref_squeeze %dma_start3A_48 : memref<1x128xf32, #tpu.memory_space<vmem>> -> memref<128xf32, #tpu.memory_space<vmem>>
    %dma_start3A_50 = arith.constant 0 : i32
    %dma_start3A_51 = tpu.memref_slice %arg11[%dma_start3A_46, %dma_start3A_50] : memref<80x128xi32, #tpu.memory_space<vmem>> -> memref<1x128xi32, #tpu.memory_space<vmem>>
    %dma_start3A_52 = tpu.memref_squeeze %dma_start3A_51 : memref<1x128xi32, #tpu.memory_space<vmem>> -> memref<128xi32, #tpu.memory_space<vmem>>
    %dma_start3A_53 = arith.constant 0 : i32
    %dma_start3A_54 = tpu.memref_slice %arg14[%dma_start3A_53] : memref<10240xf32, #tpu.memory_space<vmem_shared>> -> memref<10240xf32, #tpu.memory_space<vmem_shared>>
    tpu.enqueue_indirect_dma source(%dma_start3A_49 : memref<128xf32, #tpu.memory_space<vmem>>) target(%dma_start3A_54 : memref<10240xf32, #tpu.memory_space<vmem_shared>>) offsets(%dma_start3A_52 : memref<128xi32, #tpu.memory_space<vmem>>) semaphore(%arg15 : memref<!tpu.dma_semaphore, #tpu.memory_space<semaphore_mem>>) {add = true}
    %dma_start3A_55 = arith.constant 3 : i32
    %dma_start3A_56 = arith.constant 3 : i32
    %dma_start3A_57 = arith.constant 0 : i32
    %dma_start3A_58 = tpu.memref_slice %arg12[%dma_start3A_55, %dma_start3A_57] : memref<80x128xf32, #tpu.memory_space<vmem>> -> memref<1x128xf32, #tpu.memory_space<vmem>>
    %dma_start3A_59 = tpu.memref_squeeze %dma_start3A_58 : memref<1x128xf32, #tpu.memory_space<vmem>> -> memref<128xf32, #tpu.memory_space<vmem>>
    %dma_start3A_60 = arith.constant 0 : i32
    %dma_start3A_61 = tpu.memref_slice %arg11[%dma_start3A_56, %dma_start3A_60] : memref<80x128xi32, #tpu.memory_space<vmem>> -> memref<1x128xi32, #tpu.memory_space<vmem>>
    %dma_start3A_62 = tpu.memref_squeeze %dma_start3A_61 : memref<1x128xi32, #tpu.memory_space<vmem>> -> memref<128xi32, #tpu.memory_space<vmem>>
    %dma_start3A_63 = arith.constant 0 : i32
    %dma_start3A_64 = tpu.memref_slice %arg14[%dma_start3A_63] : memref<10240xf32, #tpu.memory_space<vmem_shared>> -> memref<10240xf32, #tpu.memory_space<vmem_shared>>
    tpu.enqueue_indirect_dma source(%dma_start3A_59 : memref<128xf32, #tpu.memory_space<vmem>>) target(%dma_start3A_64 : memref<10240xf32, #tpu.memory_space<vmem_shared>>) offsets(%dma_start3A_62 : memref<128xi32, #tpu.memory_space<vmem>>) semaphore(%arg15 : memref<!tpu.dma_semaphore, #tpu.memory_space<semaphore_mem>>) {add = true}
    %dma_start3A_65 = arith.constant 4 : i32
    %dma_start3A_66 = arith.constant 4 : i32
    %dma_start3A_67 = arith.constant 0 : i32
    %dma_start3A_68 = tpu.memref_slice %arg12[%dma_start3A_65, %dma_start3A_67] : memref<80x128xf32, #tpu.memory_space<vmem>> -> memref<1x128xf32, #tpu.memory_space<vmem>>
    %dma_start3A_69 = tpu.memref_squeeze %dma_start3A_68 : memref<1x128xf32, #tpu.memory_space<vmem>> -> memref<128xf32, #tpu.memory_space<vmem>>
    %dma_start3A_70 = arith.constant 0 : i32
    %dma_start3A_71 = tpu.memref_slice %arg11[%dma_start3A_66, %dma_start3A_70] : memref<80x128xi32, #tpu.memory_space<vmem>> -> memref<1x128xi32, #tpu.memory_space<vmem>>
    %dma_start3A_72 = tpu.memref_squeeze %dma_start3A_71 : memref<1x128xi32, #tpu.memory_space<vmem>> -> memref<128xi32, #tpu.memory_space<vmem>>
    %dma_start3A_73 = arith.constant 0 : i32
    %dma_start3A_74 = tpu.memref_slice %arg14[%dma_start3A_73] : memref<10240xf32, #tpu.memory_space<vmem_shared>> -> memref<10240xf32, #tpu.memory_space<vmem_shared>>
    tpu.enqueue_indirect_dma source(%dma_start3A_69 : memref<128xf32, #tpu.memory_space<vmem>>) target(%dma_start3A_74 : memref<10240xf32, #tpu.memory_space<vmem_shared>>) offsets(%dma_start3A_72 : memref<128xi32, #tpu.memory_space<vmem>>) semaphore(%arg15 : memref<!tpu.dma_semaphore, #tpu.memory_space<semaphore_mem>>) {add = true}
    %dma_start3A_75 = arith.constant 5 : i32
    %dma_start3A_76 = arith.constant 5 : i32
    %dma_start3A_77 = arith.constant 0 : i32
    %dma_start3A_78 = tpu.memref_slice %arg12[%dma_start3A_75, %dma_start3A_77] : memref<80x128xf32, #tpu.memory_space<vmem>> -> memref<1x128xf32, #tpu.memory_space<vmem>>
    %dma_start3A_79 = tpu.memref_squeeze %dma_start3A_78 : memref<1x128xf32, #tpu.memory_space<vmem>> -> memref<128xf32, #tpu.memory_space<vmem>>
    %dma_start3A_80 = arith.constant 0 : i32
    %dma_start3A_81 = tpu.memref_slice %arg11[%dma_start3A_76, %dma_start3A_80] : memref<80x128xi32, #tpu.memory_space<vmem>> -> memref<1x128xi32, #tpu.memory_space<vmem>>
    %dma_start3A_82 = tpu.memref_squeeze %dma_start3A_81 : memref<1x128xi32, #tpu.memory_space<vmem>> -> memref<128xi32, #tpu.memory_space<vmem>>
    %dma_start3A_83 = arith.constant 0 : i32
    %dma_start3A_84 = tpu.memref_slice %arg14[%dma_start3A_83] : memref<10240xf32, #tpu.memory_space<vmem_shared>> -> memref<10240xf32, #tpu.memory_space<vmem_shared>>
    tpu.enqueue_indirect_dma source(%dma_start3A_79 : memref<128xf32, #tpu.memory_space<vmem>>) target(%dma_start3A_84 : memref<10240xf32, #tpu.memory_space<vmem_shared>>) offsets(%dma_start3A_82 : memref<128xi32, #tpu.memory_space<vmem>>) semaphore(%arg15 : memref<!tpu.dma_semaphore, #tpu.memory_space<semaphore_mem>>) {add = true}
    %dma_start3A_85 = arith.constant 6 : i32
    %dma_start3A_86 = arith.constant 6 : i32
    %dma_start3A_87 = arith.constant 0 : i32
    %dma_start3A_88 = tpu.memref_slice %arg12[%dma_start3A_85, %dma_start3A_87] : memref<80x128xf32, #tpu.memory_space<vmem>> -> memref<1x128xf32, #tpu.memory_space<vmem>>
    %dma_start3A_89 = tpu.memref_squeeze %dma_start3A_88 : memref<1x128xf32, #tpu.memory_space<vmem>> -> memref<128xf32, #tpu.memory_space<vmem>>
    %dma_start3A_90 = arith.constant 0 : i32
    %dma_start3A_91 = tpu.memref_slice %arg11[%dma_start3A_86, %dma_start3A_90] : memref<80x128xi32, #tpu.memory_space<vmem>> -> memref<1x128xi32, #tpu.memory_space<vmem>>
    %dma_start3A_92 = tpu.memref_squeeze %dma_start3A_91 : memref<1x128xi32, #tpu.memory_space<vmem>> -> memref<128xi32, #tpu.memory_space<vmem>>
    %dma_start3A_93 = arith.constant 0 : i32
    %dma_start3A_94 = tpu.memref_slice %arg14[%dma_start3A_93] : memref<10240xf32, #tpu.memory_space<vmem_shared>> -> memref<10240xf32, #tpu.memory_space<vmem_shared>>
    tpu.enqueue_indirect_dma source(%dma_start3A_89 : memref<128xf32, #tpu.memory_space<vmem>>) target(%dma_start3A_94 : memref<10240xf32, #tpu.memory_space<vmem_shared>>) offsets(%dma_start3A_92 : memref<128xi32, #tpu.memory_space<vmem>>) semaphore(%arg15 : memref<!tpu.dma_semaphore, #tpu.memory_space<semaphore_mem>>) {add = true}
    %dma_start3A_95 = arith.constant 7 : i32
    %dma_start3A_96 = arith.constant 7 : i32
    %dma_start3A_97 = arith.constant 0 : i32
    %dma_start3A_98 = tpu.memref_slice %arg12[%dma_start3A_95, %dma_start3A_97] : memref<80x128xf32, #tpu.memory_space<vmem>> -> memref<1x128xf32, #tpu.memory_space<vmem>>
    %dma_start3A_99 = tpu.memref_squeeze %dma_start3A_98 : memref<1x128xf32, #tpu.memory_space<vmem>> -> memref<128xf32, #tpu.memory_space<vmem>>
    %dma_start3A_100 = arith.constant 0 : i32
    %dma_start3A_101 = tpu.memref_slice %arg11[%dma_start3A_96, %dma_start3A_100] : memref<80x128xi32, #tpu.memory_space<vmem>> -> memref<1x128xi32, #tpu.memory_space<vmem>>
    %dma_start3A_102 = tpu.memref_squeeze %dma_start3A_101 : memref<1x128xi32, #tpu.memory_space<vmem>> -> memref<128xi32, #tpu.memory_space<vmem>>
    %dma_start3A_103 = arith.constant 0 : i32
    %dma_start3A_104 = tpu.memref_slice %arg14[%dma_start3A_103] : memref<10240xf32, #tpu.memory_space<vmem_shared>> -> memref<10240xf32, #tpu.memory_space<vmem_shared>>
    tpu.enqueue_indirect_dma source(%dma_start3A_99 : memref<128xf32, #tpu.memory_space<vmem>>) target(%dma_start3A_104 : memref<10240xf32, #tpu.memory_space<vmem_shared>>) offsets(%dma_start3A_102 : memref<128xi32, #tpu.memory_space<vmem>>) semaphore(%arg15 : memref<!tpu.dma_semaphore, #tpu.memory_space<semaphore_mem>>) {add = true}
    %dma_start3A_105 = arith.constant 8 : i32
    %dma_start3A_106 = arith.constant 8 : i32
    %dma_start3A_107 = arith.constant 0 : i32
    %dma_start3A_108 = tpu.memref_slice %arg12[%dma_start3A_105, %dma_start3A_107] : memref<80x128xf32, #tpu.memory_space<vmem>> -> memref<1x128xf32, #tpu.memory_space<vmem>>
    %dma_start3A_109 = tpu.memref_squeeze %dma_start3A_108 : memref<1x128xf32, #tpu.memory_space<vmem>> -> memref<128xf32, #tpu.memory_space<vmem>>
    %dma_start3A_110 = arith.constant 0 : i32
    %dma_start3A_111 = tpu.memref_slice %arg11[%dma_start3A_106, %dma_start3A_110] : memref<80x128xi32, #tpu.memory_space<vmem>> -> memref<1x128xi32, #tpu.memory_space<vmem>>
    %dma_start3A_112 = tpu.memref_squeeze %dma_start3A_111 : memref<1x128xi32, #tpu.memory_space<vmem>> -> memref<128xi32, #tpu.memory_space<vmem>>
    %dma_start3A_113 = arith.constant 0 : i32
    %dma_start3A_114 = tpu.memref_slice %arg14[%dma_start3A_113] : memref<10240xf32, #tpu.memory_space<vmem_shared>> -> memref<10240xf32, #tpu.memory_space<vmem_shared>>
    tpu.enqueue_indirect_dma source(%dma_start3A_109 : memref<128xf32, #tpu.memory_space<vmem>>) target(%dma_start3A_114 : memref<10240xf32, #tpu.memory_space<vmem_shared>>) offsets(%dma_start3A_112 : memref<128xi32, #tpu.memory_space<vmem>>) semaphore(%arg15 : memref<!tpu.dma_semaphore, #tpu.memory_space<semaphore_mem>>) {add = true}
    %dma_start3A_115 = arith.constant 9 : i32
    %dma_start3A_116 = arith.constant 9 : i32
    %dma_start3A_117 = arith.constant 0 : i32
    %dma_start3A_118 = tpu.memref_slice %arg12[%dma_start3A_115, %dma_start3A_117] : memref<80x128xf32, #tpu.memory_space<vmem>> -> memref<1x128xf32, #tpu.memory_space<vmem>>
    %dma_start3A_119 = tpu.memref_squeeze %dma_start3A_118 : memref<1x128xf32, #tpu.memory_space<vmem>> -> memref<128xf32, #tpu.memory_space<vmem>>
    %dma_start3A_120 = arith.constant 0 : i32
    %dma_start3A_121 = tpu.memref_slice %arg11[%dma_start3A_116, %dma_start3A_120] : memref<80x128xi32, #tpu.memory_space<vmem>> -> memref<1x128xi32, #tpu.memory_space<vmem>>
    %dma_start3A_122 = tpu.memref_squeeze %dma_start3A_121 : memref<1x128xi32, #tpu.memory_space<vmem>> -> memref<128xi32, #tpu.memory_space<vmem>>
    %dma_start3A_123 = arith.constant 0 : i32
    %dma_start3A_124 = tpu.memref_slice %arg14[%dma_start3A_123] : memref<10240xf32, #tpu.memory_space<vmem_shared>> -> memref<10240xf32, #tpu.memory_space<vmem_shared>>
    tpu.enqueue_indirect_dma source(%dma_start3A_119 : memref<128xf32, #tpu.memory_space<vmem>>) target(%dma_start3A_124 : memref<10240xf32, #tpu.memory_space<vmem_shared>>) offsets(%dma_start3A_122 : memref<128xi32, #tpu.memory_space<vmem>>) semaphore(%arg15 : memref<!tpu.dma_semaphore, #tpu.memory_space<semaphore_mem>>) {add = true}
    %dma_start3A_125 = arith.constant 10 : i32
    %dma_start3A_126 = arith.constant 10 : i32
    %dma_start3A_127 = arith.constant 0 : i32
    %dma_start3A_128 = tpu.memref_slice %arg12[%dma_start3A_125, %dma_start3A_127] : memref<80x128xf32, #tpu.memory_space<vmem>> -> memref<1x128xf32, #tpu.memory_space<vmem>>
    %dma_start3A_129 = tpu.memref_squeeze %dma_start3A_128 : memref<1x128xf32, #tpu.memory_space<vmem>> -> memref<128xf32, #tpu.memory_space<vmem>>
    %dma_start3A_130 = arith.constant 0 : i32
    %dma_start3A_131 = tpu.memref_slice %arg11[%dma_start3A_126, %dma_start3A_130] : memref<80x128xi32, #tpu.memory_space<vmem>> -> memref<1x128xi32, #tpu.memory_space<vmem>>
    %dma_start3A_132 = tpu.memref_squeeze %dma_start3A_131 : memref<1x128xi32, #tpu.memory_space<vmem>> -> memref<128xi32, #tpu.memory_space<vmem>>
    %dma_start3A_133 = arith.constant 0 : i32
    %dma_start3A_134 = tpu.memref_slice %arg14[%dma_start3A_133] : memref<10240xf32, #tpu.memory_space<vmem_shared>> -> memref<10240xf32, #tpu.memory_space<vmem_shared>>
    tpu.enqueue_indirect_dma source(%dma_start3A_129 : memref<128xf32, #tpu.memory_space<vmem>>) target(%dma_start3A_134 : memref<10240xf32, #tpu.memory_space<vmem_shared>>) offsets(%dma_start3A_132 : memref<128xi32, #tpu.memory_space<vmem>>) semaphore(%arg15 : memref<!tpu.dma_semaphore, #tpu.memory_space<semaphore_mem>>) {add = true}
    %dma_start3A_135 = arith.constant 11 : i32
    %dma_start3A_136 = arith.constant 11 : i32
    %dma_start3A_137 = arith.constant 0 : i32
    %dma_start3A_138 = tpu.memref_slice %arg12[%dma_start3A_135, %dma_start3A_137] : memref<80x128xf32, #tpu.memory_space<vmem>> -> memref<1x128xf32, #tpu.memory_space<vmem>>
    %dma_start3A_139 = tpu.memref_squeeze %dma_start3A_138 : memref<1x128xf32, #tpu.memory_space<vmem>> -> memref<128xf32, #tpu.memory_space<vmem>>
    %dma_start3A_140 = arith.constant 0 : i32
    %dma_start3A_141 = tpu.memref_slice %arg11[%dma_start3A_136, %dma_start3A_140] : memref<80x128xi32, #tpu.memory_space<vmem>> -> memref<1x128xi32, #tpu.memory_space<vmem>>
    %dma_start3A_142 = tpu.memref_squeeze %dma_start3A_141 : memref<1x128xi32, #tpu.memory_space<vmem>> -> memref<128xi32, #tpu.memory_space<vmem>>
    %dma_start3A_143 = arith.constant 0 : i32
    %dma_start3A_144 = tpu.memref_slice %arg14[%dma_start3A_143] : memref<10240xf32, #tpu.memory_space<vmem_shared>> -> memref<10240xf32, #tpu.memory_space<vmem_shared>>
    tpu.enqueue_indirect_dma source(%dma_start3A_139 : memref<128xf32, #tpu.memory_space<vmem>>) target(%dma_start3A_144 : memref<10240xf32, #tpu.memory_space<vmem_shared>>) offsets(%dma_start3A_142 : memref<128xi32, #tpu.memory_space<vmem>>) semaphore(%arg15 : memref<!tpu.dma_semaphore, #tpu.memory_space<semaphore_mem>>) {add = true}
    %dma_start3A_145 = arith.constant 12 : i32
    %dma_start3A_146 = arith.constant 12 : i32
    %dma_start3A_147 = arith.constant 0 : i32
    %dma_start3A_148 = tpu.memref_slice %arg12[%dma_start3A_145, %dma_start3A_147] : memref<80x128xf32, #tpu.memory_space<vmem>> -> memref<1x128xf32, #tpu.memory_space<vmem>>
    %dma_start3A_149 = tpu.memref_squeeze %dma_start3A_148 : memref<1x128xf32, #tpu.memory_space<vmem>> -> memref<128xf32, #tpu.memory_space<vmem>>
    %dma_start3A_150 = arith.constant 0 : i32
    %dma_start3A_151 = tpu.memref_slice %arg11[%dma_start3A_146, %dma_start3A_150] : memref<80x128xi32, #tpu.memory_space<vmem>> -> memref<1x128xi32, #tpu.memory_space<vmem>>
    %dma_start3A_152 = tpu.memref_squeeze %dma_start3A_151 : memref<1x128xi32, #tpu.memory_space<vmem>> -> memref<128xi32, #tpu.memory_space<vmem>>
    %dma_start3A_153 = arith.constant 0 : i32
    %dma_start3A_154 = tpu.memref_slice %arg14[%dma_start3A_153] : memref<10240xf32, #tpu.memory_space<vmem_shared>> -> memref<10240xf32, #tpu.memory_space<vmem_shared>>
    tpu.enqueue_indirect_dma source(%dma_start3A_149 : memref<128xf32, #tpu.memory_space<vmem>>) target(%dma_start3A_154 : memref<10240xf32, #tpu.memory_space<vmem_shared>>) offsets(%dma_start3A_152 : memref<128xi32, #tpu.memory_space<vmem>>) semaphore(%arg15 : memref<!tpu.dma_semaphore, #tpu.memory_space<semaphore_mem>>) {add = true}
    %dma_start3A_155 = arith.constant 13 : i32
    %dma_start3A_156 = arith.constant 13 : i32
    %dma_start3A_157 = arith.constant 0 : i32
    %dma_start3A_158 = tpu.memref_slice %arg12[%dma_start3A_155, %dma_start3A_157] : memref<80x128xf32, #tpu.memory_space<vmem>> -> memref<1x128xf32, #tpu.memory_space<vmem>>
    %dma_start3A_159 = tpu.memref_squeeze %dma_start3A_158 : memref<1x128xf32, #tpu.memory_space<vmem>> -> memref<128xf32, #tpu.memory_space<vmem>>
    %dma_start3A_160 = arith.constant 0 : i32
    %dma_start3A_161 = tpu.memref_slice %arg11[%dma_start3A_156, %dma_start3A_160] : memref<80x128xi32, #tpu.memory_space<vmem>> -> memref<1x128xi32, #tpu.memory_space<vmem>>
    %dma_start3A_162 = tpu.memref_squeeze %dma_start3A_161 : memref<1x128xi32, #tpu.memory_space<vmem>> -> memref<128xi32, #tpu.memory_space<vmem>>
    %dma_start3A_163 = arith.constant 0 : i32
    %dma_start3A_164 = tpu.memref_slice %arg14[%dma_start3A_163] : memref<10240xf32, #tpu.memory_space<vmem_shared>> -> memref<10240xf32, #tpu.memory_space<vmem_shared>>
    tpu.enqueue_indirect_dma source(%dma_start3A_159 : memref<128xf32, #tpu.memory_space<vmem>>) target(%dma_start3A_164 : memref<10240xf32, #tpu.memory_space<vmem_shared>>) offsets(%dma_start3A_162 : memref<128xi32, #tpu.memory_space<vmem>>) semaphore(%arg15 : memref<!tpu.dma_semaphore, #tpu.memory_space<semaphore_mem>>) {add = true}
    %dma_start3A_165 = arith.constant 14 : i32
    %dma_start3A_166 = arith.constant 14 : i32
    %dma_start3A_167 = arith.constant 0 : i32
    %dma_start3A_168 = tpu.memref_slice %arg12[%dma_start3A_165, %dma_start3A_167] : memref<80x128xf32, #tpu.memory_space<vmem>> -> memref<1x128xf32, #tpu.memory_space<vmem>>
    %dma_start3A_169 = tpu.memref_squeeze %dma_start3A_168 : memref<1x128xf32, #tpu.memory_space<vmem>> -> memref<128xf32, #tpu.memory_space<vmem>>
    %dma_start3A_170 = arith.constant 0 : i32
    %dma_start3A_171 = tpu.memref_slice %arg11[%dma_start3A_166, %dma_start3A_170] : memref<80x128xi32, #tpu.memory_space<vmem>> -> memref<1x128xi32, #tpu.memory_space<vmem>>
    %dma_start3A_172 = tpu.memref_squeeze %dma_start3A_171 : memref<1x128xi32, #tpu.memory_space<vmem>> -> memref<128xi32, #tpu.memory_space<vmem>>
    %dma_start3A_173 = arith.constant 0 : i32
    %dma_start3A_174 = tpu.memref_slice %arg14[%dma_start3A_173] : memref<10240xf32, #tpu.memory_space<vmem_shared>> -> memref<10240xf32, #tpu.memory_space<vmem_shared>>
    tpu.enqueue_indirect_dma source(%dma_start3A_169 : memref<128xf32, #tpu.memory_space<vmem>>) target(%dma_start3A_174 : memref<10240xf32, #tpu.memory_space<vmem_shared>>) offsets(%dma_start3A_172 : memref<128xi32, #tpu.memory_space<vmem>>) semaphore(%arg15 : memref<!tpu.dma_semaphore, #tpu.memory_space<semaphore_mem>>) {add = true}
    %dma_start3A_175 = arith.constant 15 : i32
    %dma_start3A_176 = arith.constant 15 : i32
    %dma_start3A_177 = arith.constant 0 : i32
    %dma_start3A_178 = tpu.memref_slice %arg12[%dma_start3A_175, %dma_start3A_177] : memref<80x128xf32, #tpu.memory_space<vmem>> -> memref<1x128xf32, #tpu.memory_space<vmem>>
    %dma_start3A_179 = tpu.memref_squeeze %dma_start3A_178 : memref<1x128xf32, #tpu.memory_space<vmem>> -> memref<128xf32, #tpu.memory_space<vmem>>
    %dma_start3A_180 = arith.constant 0 : i32
    %dma_start3A_181 = tpu.memref_slice %arg11[%dma_start3A_176, %dma_start3A_180] : memref<80x128xi32, #tpu.memory_space<vmem>> -> memref<1x128xi32, #tpu.memory_space<vmem>>
    %dma_start3A_182 = tpu.memref_squeeze %dma_start3A_181 : memref<1x128xi32, #tpu.memory_space<vmem>> -> memref<128xi32, #tpu.memory_space<vmem>>
    %dma_start3A_183 = arith.constant 0 : i32
    %dma_start3A_184 = tpu.memref_slice %arg14[%dma_start3A_183] : memref<10240xf32, #tpu.memory_space<vmem_shared>> -> memref<10240xf32, #tpu.memory_space<vmem_shared>>
    tpu.enqueue_indirect_dma source(%dma_start3A_179 : memref<128xf32, #tpu.memory_space<vmem>>) target(%dma_start3A_184 : memref<10240xf32, #tpu.memory_space<vmem_shared>>) offsets(%dma_start3A_182 : memref<128xi32, #tpu.memory_space<vmem>>) semaphore(%arg15 : memref<!tpu.dma_semaphore, #tpu.memory_space<semaphore_mem>>) {add = true}
    %dma_start3A_185 = arith.constant 16 : i32
    %dma_start3A_186 = arith.constant 16 : i32
    %dma_start3A_187 = arith.constant 0 : i32
    %dma_start3A_188 = tpu.memref_slice %arg12[%dma_start3A_185, %dma_start3A_187] : memref<80x128xf32, #tpu.memory_space<vmem>> -> memref<1x128xf32, #tpu.memory_space<vmem>>
    %dma_start3A_189 = tpu.memref_squeeze %dma_start3A_188 : memref<1x128xf32, #tpu.memory_space<vmem>> -> memref<128xf32, #tpu.memory_space<vmem>>
    %dma_start3A_190 = arith.constant 0 : i32
    %dma_start3A_191 = tpu.memref_slice %arg11[%dma_start3A_186, %dma_start3A_190] : memref<80x128xi32, #tpu.memory_space<vmem>> -> memref<1x128xi32, #tpu.memory_space<vmem>>
    %dma_start3A_192 = tpu.memref_squeeze %dma_start3A_191 : memref<1x128xi32, #tpu.memory_space<vmem>> -> memref<128xi32, #tpu.memory_space<vmem>>
    %dma_start3A_193 = arith.constant 0 : i32
    %dma_start3A_194 = tpu.memref_slice %arg14[%dma_start3A_193] : memref<10240xf32, #tpu.memory_space<vmem_shared>> -> memref<10240xf32, #tpu.memory_space<vmem_shared>>
    tpu.enqueue_indirect_dma source(%dma_start3A_189 : memref<128xf32, #tpu.memory_space<vmem>>) target(%dma_start3A_194 : memref<10240xf32, #tpu.memory_space<vmem_shared>>) offsets(%dma_start3A_192 : memref<128xi32, #tpu.memory_space<vmem>>) semaphore(%arg15 : memref<!tpu.dma_semaphore, #tpu.memory_space<semaphore_mem>>) {add = true}
    %dma_start3A_195 = arith.constant 17 : i32
    %dma_start3A_196 = arith.constant 17 : i32
    %dma_start3A_197 = arith.constant 0 : i32
    %dma_start3A_198 = tpu.memref_slice %arg12[%dma_start3A_195, %dma_start3A_197] : memref<80x128xf32, #tpu.memory_space<vmem>> -> memref<1x128xf32, #tpu.memory_space<vmem>>
    %dma_start3A_199 = tpu.memref_squeeze %dma_start3A_198 : memref<1x128xf32, #tpu.memory_space<vmem>> -> memref<128xf32, #tpu.memory_space<vmem>>
    %dma_start3A_200 = arith.constant 0 : i32
    %dma_start3A_201 = tpu.memref_slice %arg11[%dma_start3A_196, %dma_start3A_200] : memref<80x128xi32, #tpu.memory_space<vmem>> -> memref<1x128xi32, #tpu.memory_space<vmem>>
    %dma_start3A_202 = tpu.memref_squeeze %dma_start3A_201 : memref<1x128xi32, #tpu.memory_space<vmem>> -> memref<128xi32, #tpu.memory_space<vmem>>
    %dma_start3A_203 = arith.constant 0 : i32
    %dma_start3A_204 = tpu.memref_slice %arg14[%dma_start3A_203] : memref<10240xf32, #tpu.memory_space<vmem_shared>> -> memref<10240xf32, #tpu.memory_space<vmem_shared>>
    tpu.enqueue_indirect_dma source(%dma_start3A_199 : memref<128xf32, #tpu.memory_space<vmem>>) target(%dma_start3A_204 : memref<10240xf32, #tpu.memory_space<vmem_shared>>) offsets(%dma_start3A_202 : memref<128xi32, #tpu.memory_space<vmem>>) semaphore(%arg15 : memref<!tpu.dma_semaphore, #tpu.memory_space<semaphore_mem>>) {add = true}
    %dma_start3A_205 = arith.constant 18 : i32
    %dma_start3A_206 = arith.constant 18 : i32
    %dma_start3A_207 = arith.constant 0 : i32
    %dma_start3A_208 = tpu.memref_slice %arg12[%dma_start3A_205, %dma_start3A_207] : memref<80x128xf32, #tpu.memory_space<vmem>> -> memref<1x128xf32, #tpu.memory_space<vmem>>
    %dma_start3A_209 = tpu.memref_squeeze %dma_start3A_208 : memref<1x128xf32, #tpu.memory_space<vmem>> -> memref<128xf32, #tpu.memory_space<vmem>>
    %dma_start3A_210 = arith.constant 0 : i32
    %dma_start3A_211 = tpu.memref_slice %arg11[%dma_start3A_206, %dma_start3A_210] : memref<80x128xi32, #tpu.memory_space<vmem>> -> memref<1x128xi32, #tpu.memory_space<vmem>>
    %dma_start3A_212 = tpu.memref_squeeze %dma_start3A_211 : memref<1x128xi32, #tpu.memory_space<vmem>> -> memref<128xi32, #tpu.memory_space<vmem>>
    %dma_start3A_213 = arith.constant 0 : i32
    %dma_start3A_214 = tpu.memref_slice %arg14[%dma_start3A_213] : memref<10240xf32, #tpu.memory_space<vmem_shared>> -> memref<10240xf32, #tpu.memory_space<vmem_shared>>
    tpu.enqueue_indirect_dma source(%dma_start3A_209 : memref<128xf32, #tpu.memory_space<vmem>>) target(%dma_start3A_214 : memref<10240xf32, #tpu.memory_space<vmem_shared>>) offsets(%dma_start3A_212 : memref<128xi32, #tpu.memory_space<vmem>>) semaphore(%arg15 : memref<!tpu.dma_semaphore, #tpu.memory_space<semaphore_mem>>) {add = true}
    %dma_start3A_215 = arith.constant 19 : i32
    %dma_start3A_216 = arith.constant 19 : i32
    %dma_start3A_217 = arith.constant 0 : i32
    %dma_start3A_218 = tpu.memref_slice %arg12[%dma_start3A_215, %dma_start3A_217] : memref<80x128xf32, #tpu.memory_space<vmem>> -> memref<1x128xf32, #tpu.memory_space<vmem>>
    %dma_start3A_219 = tpu.memref_squeeze %dma_start3A_218 : memref<1x128xf32, #tpu.memory_space<vmem>> -> memref<128xf32, #tpu.memory_space<vmem>>
    %dma_start3A_220 = arith.constant 0 : i32
    %dma_start3A_221 = tpu.memref_slice %arg11[%dma_start3A_216, %dma_start3A_220] : memref<80x128xi32, #tpu.memory_space<vmem>> -> memref<1x128xi32, #tpu.memory_space<vmem>>
    %dma_start3A_222 = tpu.memref_squeeze %dma_start3A_221 : memref<1x128xi32, #tpu.memory_space<vmem>> -> memref<128xi32, #tpu.memory_space<vmem>>
    %dma_start3A_223 = arith.constant 0 : i32
    %dma_start3A_224 = tpu.memref_slice %arg14[%dma_start3A_223] : memref<10240xf32, #tpu.memory_space<vmem_shared>> -> memref<10240xf32, #tpu.memory_space<vmem_shared>>
    tpu.enqueue_indirect_dma source(%dma_start3A_219 : memref<128xf32, #tpu.memory_space<vmem>>) target(%dma_start3A_224 : memref<10240xf32, #tpu.memory_space<vmem_shared>>) offsets(%dma_start3A_222 : memref<128xi32, #tpu.memory_space<vmem>>) semaphore(%arg15 : memref<!tpu.dma_semaphore, #tpu.memory_space<semaphore_mem>>) {add = true}
    %dma_start3A_225 = arith.constant 20 : i32
    %dma_start3A_226 = arith.constant 20 : i32
    %dma_start3A_227 = arith.constant 0 : i32
    %dma_start3A_228 = tpu.memref_slice %arg12[%dma_start3A_225, %dma_start3A_227] : memref<80x128xf32, #tpu.memory_space<vmem>> -> memref<1x128xf32, #tpu.memory_space<vmem>>
    %dma_start3A_229 = tpu.memref_squeeze %dma_start3A_228 : memref<1x128xf32, #tpu.memory_space<vmem>> -> memref<128xf32, #tpu.memory_space<vmem>>
    %dma_start3A_230 = arith.constant 0 : i32
    %dma_start3A_231 = tpu.memref_slice %arg11[%dma_start3A_226, %dma_start3A_230] : memref<80x128xi32, #tpu.memory_space<vmem>> -> memref<1x128xi32, #tpu.memory_space<vmem>>
    %dma_start3A_232 = tpu.memref_squeeze %dma_start3A_231 : memref<1x128xi32, #tpu.memory_space<vmem>> -> memref<128xi32, #tpu.memory_space<vmem>>
    %dma_start3A_233 = arith.constant 0 : i32
    %dma_start3A_234 = tpu.memref_slice %arg14[%dma_start3A_233] : memref<10240xf32, #tpu.memory_space<vmem_shared>> -> memref<10240xf32, #tpu.memory_space<vmem_shared>>
    tpu.enqueue_indirect_dma source(%dma_start3A_229 : memref<128xf32, #tpu.memory_space<vmem>>) target(%dma_start3A_234 : memref<10240xf32, #tpu.memory_space<vmem_shared>>) offsets(%dma_start3A_232 : memref<128xi32, #tpu.memory_space<vmem>>) semaphore(%arg15 : memref<!tpu.dma_semaphore, #tpu.memory_space<semaphore_mem>>) {add = true}
    %dma_start3A_235 = arith.constant 21 : i32
    %dma_start3A_236 = arith.constant 21 : i32
    %dma_start3A_237 = arith.constant 0 : i32
    %dma_start3A_238 = tpu.memref_slice %arg12[%dma_start3A_235, %dma_start3A_237] : memref<80x128xf32, #tpu.memory_space<vmem>> -> memref<1x128xf32, #tpu.memory_space<vmem>>
    %dma_start3A_239 = tpu.memref_squeeze %dma_start3A_238 : memref<1x128xf32, #tpu.memory_space<vmem>> -> memref<128xf32, #tpu.memory_space<vmem>>
    %dma_start3A_240 = arith.constant 0 : i32
    %dma_start3A_241 = tpu.memref_slice %arg11[%dma_start3A_236, %dma_start3A_240] : memref<80x128xi32, #tpu.memory_space<vmem>> -> memref<1x128xi32, #tpu.memory_space<vmem>>
    %dma_start3A_242 = tpu.memref_squeeze %dma_start3A_241 : memref<1x128xi32, #tpu.memory_space<vmem>> -> memref<128xi32, #tpu.memory_space<vmem>>
    %dma_start3A_243 = arith.constant 0 : i32
    %dma_start3A_244 = tpu.memref_slice %arg14[%dma_start3A_243] : memref<10240xf32, #tpu.memory_space<vmem_shared>> -> memref<10240xf32, #tpu.memory_space<vmem_shared>>
    tpu.enqueue_indirect_dma source(%dma_start3A_239 : memref<128xf32, #tpu.memory_space<vmem>>) target(%dma_start3A_244 : memref<10240xf32, #tpu.memory_space<vmem_shared>>) offsets(%dma_start3A_242 : memref<128xi32, #tpu.memory_space<vmem>>) semaphore(%arg15 : memref<!tpu.dma_semaphore, #tpu.memory_space<semaphore_mem>>) {add = true}
    %dma_start3A_245 = arith.constant 22 : i32
    %dma_start3A_246 = arith.constant 22 : i32
    %dma_start3A_247 = arith.constant 0 : i32
    %dma_start3A_248 = tpu.memref_slice %arg12[%dma_start3A_245, %dma_start3A_247] : memref<80x128xf32, #tpu.memory_space<vmem>> -> memref<1x128xf32, #tpu.memory_space<vmem>>
    %dma_start3A_249 = tpu.memref_squeeze %dma_start3A_248 : memref<1x128xf32, #tpu.memory_space<vmem>> -> memref<128xf32, #tpu.memory_space<vmem>>
    %dma_start3A_250 = arith.constant 0 : i32
    %dma_start3A_251 = tpu.memref_slice %arg11[%dma_start3A_246, %dma_start3A_250] : memref<80x128xi32, #tpu.memory_space<vmem>> -> memref<1x128xi32, #tpu.memory_space<vmem>>
    %dma_start3A_252 = tpu.memref_squeeze %dma_start3A_251 : memref<1x128xi32, #tpu.memory_space<vmem>> -> memref<128xi32, #tpu.memory_space<vmem>>
    %dma_start3A_253 = arith.constant 0 : i32
    %dma_start3A_254 = tpu.memref_slice %arg14[%dma_start3A_253] : memref<10240xf32, #tpu.memory_space<vmem_shared>> -> memref<10240xf32, #tpu.memory_space<vmem_shared>>
    tpu.enqueue_indirect_dma source(%dma_start3A_249 : memref<128xf32, #tpu.memory_space<vmem>>) target(%dma_start3A_254 : memref<10240xf32, #tpu.memory_space<vmem_shared>>) offsets(%dma_start3A_252 : memref<128xi32, #tpu.memory_space<vmem>>) semaphore(%arg15 : memref<!tpu.dma_semaphore, #tpu.memory_space<semaphore_mem>>) {add = true}
    %dma_start3A_255 = arith.constant 23 : i32
    %dma_start3A_256 = arith.constant 23 : i32
    %dma_start3A_257 = arith.constant 0 : i32
    %dma_start3A_258 = tpu.memref_slice %arg12[%dma_start3A_255, %dma_start3A_257] : memref<80x128xf32, #tpu.memory_space<vmem>> -> memref<1x128xf32, #tpu.memory_space<vmem>>
    %dma_start3A_259 = tpu.memref_squeeze %dma_start3A_258 : memref<1x128xf32, #tpu.memory_space<vmem>> -> memref<128xf32, #tpu.memory_space<vmem>>
    %dma_start3A_260 = arith.constant 0 : i32
    %dma_start3A_261 = tpu.memref_slice %arg11[%dma_start3A_256, %dma_start3A_260] : memref<80x128xi32, #tpu.memory_space<vmem>> -> memref<1x128xi32, #tpu.memory_space<vmem>>
    %dma_start3A_262 = tpu.memref_squeeze %dma_start3A_261 : memref<1x128xi32, #tpu.memory_space<vmem>> -> memref<128xi32, #tpu.memory_space<vmem>>
    %dma_start3A_263 = arith.constant 0 : i32
    %dma_start3A_264 = tpu.memref_slice %arg14[%dma_start3A_263] : memref<10240xf32, #tpu.memory_space<vmem_shared>> -> memref<10240xf32, #tpu.memory_space<vmem_shared>>
    tpu.enqueue_indirect_dma source(%dma_start3A_259 : memref<128xf32, #tpu.memory_space<vmem>>) target(%dma_start3A_264 : memref<10240xf32, #tpu.memory_space<vmem_shared>>) offsets(%dma_start3A_262 : memref<128xi32, #tpu.memory_space<vmem>>) semaphore(%arg15 : memref<!tpu.dma_semaphore, #tpu.memory_space<semaphore_mem>>) {add = true}
    %dma_start3A_265 = arith.constant 24 : i32
    %dma_start3A_266 = arith.constant 24 : i32
    %dma_start3A_267 = arith.constant 0 : i32
    %dma_start3A_268 = tpu.memref_slice %arg12[%dma_start3A_265, %dma_start3A_267] : memref<80x128xf32, #tpu.memory_space<vmem>> -> memref<1x128xf32, #tpu.memory_space<vmem>>
    %dma_start3A_269 = tpu.memref_squeeze %dma_start3A_268 : memref<1x128xf32, #tpu.memory_space<vmem>> -> memref<128xf32, #tpu.memory_space<vmem>>
    %dma_start3A_270 = arith.constant 0 : i32
    %dma_start3A_271 = tpu.memref_slice %arg11[%dma_start3A_266, %dma_start3A_270] : memref<80x128xi32, #tpu.memory_space<vmem>> -> memref<1x128xi32, #tpu.memory_space<vmem>>
    %dma_start3A_272 = tpu.memref_squeeze %dma_start3A_271 : memref<1x128xi32, #tpu.memory_space<vmem>> -> memref<128xi32, #tpu.memory_space<vmem>>
    %dma_start3A_273 = arith.constant 0 : i32
    %dma_start3A_274 = tpu.memref_slice %arg14[%dma_start3A_273] : memref<10240xf32, #tpu.memory_space<vmem_shared>> -> memref<10240xf32, #tpu.memory_space<vmem_shared>>
    tpu.enqueue_indirect_dma source(%dma_start3A_269 : memref<128xf32, #tpu.memory_space<vmem>>) target(%dma_start3A_274 : memref<10240xf32, #tpu.memory_space<vmem_shared>>) offsets(%dma_start3A_272 : memref<128xi32, #tpu.memory_space<vmem>>) semaphore(%arg15 : memref<!tpu.dma_semaphore, #tpu.memory_space<semaphore_mem>>) {add = true}
    %dma_start3A_275 = arith.constant 25 : i32
    %dma_start3A_276 = arith.constant 25 : i32
    %dma_start3A_277 = arith.constant 0 : i32
    %dma_start3A_278 = tpu.memref_slice %arg12[%dma_start3A_275, %dma_start3A_277] : memref<80x128xf32, #tpu.memory_space<vmem>> -> memref<1x128xf32, #tpu.memory_space<vmem>>
    %dma_start3A_279 = tpu.memref_squeeze %dma_start3A_278 : memref<1x128xf32, #tpu.memory_space<vmem>> -> memref<128xf32, #tpu.memory_space<vmem>>
    %dma_start3A_280 = arith.constant 0 : i32
    %dma_start3A_281 = tpu.memref_slice %arg11[%dma_start3A_276, %dma_start3A_280] : memref<80x128xi32, #tpu.memory_space<vmem>> -> memref<1x128xi32, #tpu.memory_space<vmem>>
    %dma_start3A_282 = tpu.memref_squeeze %dma_start3A_281 : memref<1x128xi32, #tpu.memory_space<vmem>> -> memref<128xi32, #tpu.memory_space<vmem>>
    %dma_start3A_283 = arith.constant 0 : i32
    %dma_start3A_284 = tpu.memref_slice %arg14[%dma_start3A_283] : memref<10240xf32, #tpu.memory_space<vmem_shared>> -> memref<10240xf32, #tpu.memory_space<vmem_shared>>
    tpu.enqueue_indirect_dma source(%dma_start3A_279 : memref<128xf32, #tpu.memory_space<vmem>>) target(%dma_start3A_284 : memref<10240xf32, #tpu.memory_space<vmem_shared>>) offsets(%dma_start3A_282 : memref<128xi32, #tpu.memory_space<vmem>>) semaphore(%arg15 : memref<!tpu.dma_semaphore, #tpu.memory_space<semaphore_mem>>) {add = true}
    %dma_start3A_285 = arith.constant 26 : i32
    %dma_start3A_286 = arith.constant 26 : i32
    %dma_start3A_287 = arith.constant 0 : i32
    %dma_start3A_288 = tpu.memref_slice %arg12[%dma_start3A_285, %dma_start3A_287] : memref<80x128xf32, #tpu.memory_space<vmem>> -> memref<1x128xf32, #tpu.memory_space<vmem>>
    %dma_start3A_289 = tpu.memref_squeeze %dma_start3A_288 : memref<1x128xf32, #tpu.memory_space<vmem>> -> memref<128xf32, #tpu.memory_space<vmem>>
    %dma_start3A_290 = arith.constant 0 : i32
    %dma_start3A_291 = tpu.memref_slice %arg11[%dma_start3A_286, %dma_start3A_290] : memref<80x128xi32, #tpu.memory_space<vmem>> -> memref<1x128xi32, #tpu.memory_space<vmem>>
    %dma_start3A_292 = tpu.memref_squeeze %dma_start3A_291 : memref<1x128xi32, #tpu.memory_space<vmem>> -> memref<128xi32, #tpu.memory_space<vmem>>
    %dma_start3A_293 = arith.constant 0 : i32
    %dma_start3A_294 = tpu.memref_slice %arg14[%dma_start3A_293] : memref<10240xf32, #tpu.memory_space<vmem_shared>> -> memref<10240xf32, #tpu.memory_space<vmem_shared>>
    tpu.enqueue_indirect_dma source(%dma_start3A_289 : memref<128xf32, #tpu.memory_space<vmem>>) target(%dma_start3A_294 : memref<10240xf32, #tpu.memory_space<vmem_shared>>) offsets(%dma_start3A_292 : memref<128xi32, #tpu.memory_space<vmem>>) semaphore(%arg15 : memref<!tpu.dma_semaphore, #tpu.memory_space<semaphore_mem>>) {add = true}
    %dma_start3A_295 = arith.constant 27 : i32
    %dma_start3A_296 = arith.constant 27 : i32
    %dma_start3A_297 = arith.constant 0 : i32
    %dma_start3A_298 = tpu.memref_slice %arg12[%dma_start3A_295, %dma_start3A_297] : memref<80x128xf32, #tpu.memory_space<vmem>> -> memref<1x128xf32, #tpu.memory_space<vmem>>
    %dma_start3A_299 = tpu.memref_squeeze %dma_start3A_298 : memref<1x128xf32, #tpu.memory_space<vmem>> -> memref<128xf32, #tpu.memory_space<vmem>>
    %dma_start3A_300 = arith.constant 0 : i32
    %dma_start3A_301 = tpu.memref_slice %arg11[%dma_start3A_296, %dma_start3A_300] : memref<80x128xi32, #tpu.memory_space<vmem>> -> memref<1x128xi32, #tpu.memory_space<vmem>>
    %dma_start3A_302 = tpu.memref_squeeze %dma_start3A_301 : memref<1x128xi32, #tpu.memory_space<vmem>> -> memref<128xi32, #tpu.memory_space<vmem>>
    %dma_start3A_303 = arith.constant 0 : i32
    %dma_start3A_304 = tpu.memref_slice %arg14[%dma_start3A_303] : memref<10240xf32, #tpu.memory_space<vmem_shared>> -> memref<10240xf32, #tpu.memory_space<vmem_shared>>
    tpu.enqueue_indirect_dma source(%dma_start3A_299 : memref<128xf32, #tpu.memory_space<vmem>>) target(%dma_start3A_304 : memref<10240xf32, #tpu.memory_space<vmem_shared>>) offsets(%dma_start3A_302 : memref<128xi32, #tpu.memory_space<vmem>>) semaphore(%arg15 : memref<!tpu.dma_semaphore, #tpu.memory_space<semaphore_mem>>) {add = true}
    %dma_start3A_305 = arith.constant 28 : i32
    %dma_start3A_306 = arith.constant 28 : i32
    %dma_start3A_307 = arith.constant 0 : i32
    %dma_start3A_308 = tpu.memref_slice %arg12[%dma_start3A_305, %dma_start3A_307] : memref<80x128xf32, #tpu.memory_space<vmem>> -> memref<1x128xf32, #tpu.memory_space<vmem>>
    %dma_start3A_309 = tpu.memref_squeeze %dma_start3A_308 : memref<1x128xf32, #tpu.memory_space<vmem>> -> memref<128xf32, #tpu.memory_space<vmem>>
    %dma_start3A_310 = arith.constant 0 : i32
    %dma_start3A_311 = tpu.memref_slice %arg11[%dma_start3A_306, %dma_start3A_310] : memref<80x128xi32, #tpu.memory_space<vmem>> -> memref<1x128xi32, #tpu.memory_space<vmem>>
    %dma_start3A_312 = tpu.memref_squeeze %dma_start3A_311 : memref<1x128xi32, #tpu.memory_space<vmem>> -> memref<128xi32, #tpu.memory_space<vmem>>
    %dma_start3A_313 = arith.constant 0 : i32
    %dma_start3A_314 = tpu.memref_slice %arg14[%dma_start3A_313] : memref<10240xf32, #tpu.memory_space<vmem_shared>> -> memref<10240xf32, #tpu.memory_space<vmem_shared>>
    tpu.enqueue_indirect_dma source(%dma_start3A_309 : memref<128xf32, #tpu.memory_space<vmem>>) target(%dma_start3A_314 : memref<10240xf32, #tpu.memory_space<vmem_shared>>) offsets(%dma_start3A_312 : memref<128xi32, #tpu.memory_space<vmem>>) semaphore(%arg15 : memref<!tpu.dma_semaphore, #tpu.memory_space<semaphore_mem>>) {add = true}
    %dma_start3A_315 = arith.constant 29 : i32
    %dma_start3A_316 = arith.constant 29 : i32
    %dma_start3A_317 = arith.constant 0 : i32
    %dma_start3A_318 = tpu.memref_slice %arg12[%dma_start3A_315, %dma_start3A_317] : memref<80x128xf32, #tpu.memory_space<vmem>> -> memref<1x128xf32, #tpu.memory_space<vmem>>
    %dma_start3A_319 = tpu.memref_squeeze %dma_start3A_318 : memref<1x128xf32, #tpu.memory_space<vmem>> -> memref<128xf32, #tpu.memory_space<vmem>>
    %dma_start3A_320 = arith.constant 0 : i32
    %dma_start3A_321 = tpu.memref_slice %arg11[%dma_start3A_316, %dma_start3A_320] : memref<80x128xi32, #tpu.memory_space<vmem>> -> memref<1x128xi32, #tpu.memory_space<vmem>>
    %dma_start3A_322 = tpu.memref_squeeze %dma_start3A_321 : memref<1x128xi32, #tpu.memory_space<vmem>> -> memref<128xi32, #tpu.memory_space<vmem>>
    %dma_start3A_323 = arith.constant 0 : i32
    %dma_start3A_324 = tpu.memref_slice %arg14[%dma_start3A_323] : memref<10240xf32, #tpu.memory_space<vmem_shared>> -> memref<10240xf32, #tpu.memory_space<vmem_shared>>
    tpu.enqueue_indirect_dma source(%dma_start3A_319 : memref<128xf32, #tpu.memory_space<vmem>>) target(%dma_start3A_324 : memref<10240xf32, #tpu.memory_space<vmem_shared>>) offsets(%dma_start3A_322 : memref<128xi32, #tpu.memory_space<vmem>>) semaphore(%arg15 : memref<!tpu.dma_semaphore, #tpu.memory_space<semaphore_mem>>) {add = true}
    %dma_start3A_325 = arith.constant 30 : i32
    %dma_start3A_326 = arith.constant 30 : i32
    %dma_start3A_327 = arith.constant 0 : i32
    %dma_start3A_328 = tpu.memref_slice %arg12[%dma_start3A_325, %dma_start3A_327] : memref<80x128xf32, #tpu.memory_space<vmem>> -> memref<1x128xf32, #tpu.memory_space<vmem>>
    %dma_start3A_329 = tpu.memref_squeeze %dma_start3A_328 : memref<1x128xf32, #tpu.memory_space<vmem>> -> memref<128xf32, #tpu.memory_space<vmem>>
    %dma_start3A_330 = arith.constant 0 : i32
    %dma_start3A_331 = tpu.memref_slice %arg11[%dma_start3A_326, %dma_start3A_330] : memref<80x128xi32, #tpu.memory_space<vmem>> -> memref<1x128xi32, #tpu.memory_space<vmem>>
    %dma_start3A_332 = tpu.memref_squeeze %dma_start3A_331 : memref<1x128xi32, #tpu.memory_space<vmem>> -> memref<128xi32, #tpu.memory_space<vmem>>
    %dma_start3A_333 = arith.constant 0 : i32
    %dma_start3A_334 = tpu.memref_slice %arg14[%dma_start3A_333] : memref<10240xf32, #tpu.memory_space<vmem_shared>> -> memref<10240xf32, #tpu.memory_space<vmem_shared>>
    tpu.enqueue_indirect_dma source(%dma_start3A_329 : memref<128xf32, #tpu.memory_space<vmem>>) target(%dma_start3A_334 : memref<10240xf32, #tpu.memory_space<vmem_shared>>) offsets(%dma_start3A_332 : memref<128xi32, #tpu.memory_space<vmem>>) semaphore(%arg15 : memref<!tpu.dma_semaphore, #tpu.memory_space<semaphore_mem>>) {add = true}
    %dma_start3A_335 = arith.constant 31 : i32
    %dma_start3A_336 = arith.constant 31 : i32
    %dma_start3A_337 = arith.constant 0 : i32
    %dma_start3A_338 = tpu.memref_slice %arg12[%dma_start3A_335, %dma_start3A_337] : memref<80x128xf32, #tpu.memory_space<vmem>> -> memref<1x128xf32, #tpu.memory_space<vmem>>
    %dma_start3A_339 = tpu.memref_squeeze %dma_start3A_338 : memref<1x128xf32, #tpu.memory_space<vmem>> -> memref<128xf32, #tpu.memory_space<vmem>>
    %dma_start3A_340 = arith.constant 0 : i32
    %dma_start3A_341 = tpu.memref_slice %arg11[%dma_start3A_336, %dma_start3A_340] : memref<80x128xi32, #tpu.memory_space<vmem>> -> memref<1x128xi32, #tpu.memory_space<vmem>>
    %dma_start3A_342 = tpu.memref_squeeze %dma_start3A_341 : memref<1x128xi32, #tpu.memory_space<vmem>> -> memref<128xi32, #tpu.memory_space<vmem>>
    %dma_start3A_343 = arith.constant 0 : i32
    %dma_start3A_344 = tpu.memref_slice %arg14[%dma_start3A_343] : memref<10240xf32, #tpu.memory_space<vmem_shared>> -> memref<10240xf32, #tpu.memory_space<vmem_shared>>
    tpu.enqueue_indirect_dma source(%dma_start3A_339 : memref<128xf32, #tpu.memory_space<vmem>>) target(%dma_start3A_344 : memref<10240xf32, #tpu.memory_space<vmem_shared>>) offsets(%dma_start3A_342 : memref<128xi32, #tpu.memory_space<vmem>>) semaphore(%arg15 : memref<!tpu.dma_semaphore, #tpu.memory_space<semaphore_mem>>) {add = true}
    %dma_start3A_345 = arith.constant 32 : i32
    %dma_start3A_346 = arith.constant 32 : i32
    %dma_start3A_347 = arith.constant 0 : i32
    %dma_start3A_348 = tpu.memref_slice %arg12[%dma_start3A_345, %dma_start3A_347] : memref<80x128xf32, #tpu.memory_space<vmem>> -> memref<1x128xf32, #tpu.memory_space<vmem>>
    %dma_start3A_349 = tpu.memref_squeeze %dma_start3A_348 : memref<1x128xf32, #tpu.memory_space<vmem>> -> memref<128xf32, #tpu.memory_space<vmem>>
    %dma_start3A_350 = arith.constant 0 : i32
    %dma_start3A_351 = tpu.memref_slice %arg11[%dma_start3A_346, %dma_start3A_350] : memref<80x128xi32, #tpu.memory_space<vmem>> -> memref<1x128xi32, #tpu.memory_space<vmem>>
    %dma_start3A_352 = tpu.memref_squeeze %dma_start3A_351 : memref<1x128xi32, #tpu.memory_space<vmem>> -> memref<128xi32, #tpu.memory_space<vmem>>
    %dma_start3A_353 = arith.constant 0 : i32
    %dma_start3A_354 = tpu.memref_slice %arg14[%dma_start3A_353] : memref<10240xf32, #tpu.memory_space<vmem_shared>> -> memref<10240xf32, #tpu.memory_space<vmem_shared>>
    tpu.enqueue_indirect_dma source(%dma_start3A_349 : memref<128xf32, #tpu.memory_space<vmem>>) target(%dma_start3A_354 : memref<10240xf32, #tpu.memory_space<vmem_shared>>) offsets(%dma_start3A_352 : memref<128xi32, #tpu.memory_space<vmem>>) semaphore(%arg15 : memref<!tpu.dma_semaphore, #tpu.memory_space<semaphore_mem>>) {add = true}
    %dma_start3A_355 = arith.constant 33 : i32
    %dma_start3A_356 = arith.constant 33 : i32
    %dma_start3A_357 = arith.constant 0 : i32
    %dma_start3A_358 = tpu.memref_slice %arg12[%dma_start3A_355, %dma_start3A_357] : memref<80x128xf32, #tpu.memory_space<vmem>> -> memref<1x128xf32, #tpu.memory_space<vmem>>
    %dma_start3A_359 = tpu.memref_squeeze %dma_start3A_358 : memref<1x128xf32, #tpu.memory_space<vmem>> -> memref<128xf32, #tpu.memory_space<vmem>>
    %dma_start3A_360 = arith.constant 0 : i32
    %dma_start3A_361 = tpu.memref_slice %arg11[%dma_start3A_356, %dma_start3A_360] : memref<80x128xi32, #tpu.memory_space<vmem>> -> memref<1x128xi32, #tpu.memory_space<vmem>>
    %dma_start3A_362 = tpu.memref_squeeze %dma_start3A_361 : memref<1x128xi32, #tpu.memory_space<vmem>> -> memref<128xi32, #tpu.memory_space<vmem>>
    %dma_start3A_363 = arith.constant 0 : i32
    %dma_start3A_364 = tpu.memref_slice %arg14[%dma_start3A_363] : memref<10240xf32, #tpu.memory_space<vmem_shared>> -> memref<10240xf32, #tpu.memory_space<vmem_shared>>
    tpu.enqueue_indirect_dma source(%dma_start3A_359 : memref<128xf32, #tpu.memory_space<vmem>>) target(%dma_start3A_364 : memref<10240xf32, #tpu.memory_space<vmem_shared>>) offsets(%dma_start3A_362 : memref<128xi32, #tpu.memory_space<vmem>>) semaphore(%arg15 : memref<!tpu.dma_semaphore, #tpu.memory_space<semaphore_mem>>) {add = true}
    %dma_start3A_365 = arith.constant 34 : i32
    %dma_start3A_366 = arith.constant 34 : i32
    %dma_start3A_367 = arith.constant 0 : i32
    %dma_start3A_368 = tpu.memref_slice %arg12[%dma_start3A_365, %dma_start3A_367] : memref<80x128xf32, #tpu.memory_space<vmem>> -> memref<1x128xf32, #tpu.memory_space<vmem>>
    %dma_start3A_369 = tpu.memref_squeeze %dma_start3A_368 : memref<1x128xf32, #tpu.memory_space<vmem>> -> memref<128xf32, #tpu.memory_space<vmem>>
    %dma_start3A_370 = arith.constant 0 : i32
    %dma_start3A_371 = tpu.memref_slice %arg11[%dma_start3A_366, %dma_start3A_370] : memref<80x128xi32, #tpu.memory_space<vmem>> -> memref<1x128xi32, #tpu.memory_space<vmem>>
    %dma_start3A_372 = tpu.memref_squeeze %dma_start3A_371 : memref<1x128xi32, #tpu.memory_space<vmem>> -> memref<128xi32, #tpu.memory_space<vmem>>
    %dma_start3A_373 = arith.constant 0 : i32
    %dma_start3A_374 = tpu.memref_slice %arg14[%dma_start3A_373] : memref<10240xf32, #tpu.memory_space<vmem_shared>> -> memref<10240xf32, #tpu.memory_space<vmem_shared>>
    tpu.enqueue_indirect_dma source(%dma_start3A_369 : memref<128xf32, #tpu.memory_space<vmem>>) target(%dma_start3A_374 : memref<10240xf32, #tpu.memory_space<vmem_shared>>) offsets(%dma_start3A_372 : memref<128xi32, #tpu.memory_space<vmem>>) semaphore(%arg15 : memref<!tpu.dma_semaphore, #tpu.memory_space<semaphore_mem>>) {add = true}
    %dma_start3A_375 = arith.constant 35 : i32
    %dma_start3A_376 = arith.constant 35 : i32
    %dma_start3A_377 = arith.constant 0 : i32
    %dma_start3A_378 = tpu.memref_slice %arg12[%dma_start3A_375, %dma_start3A_377] : memref<80x128xf32, #tpu.memory_space<vmem>> -> memref<1x128xf32, #tpu.memory_space<vmem>>
    %dma_start3A_379 = tpu.memref_squeeze %dma_start3A_378 : memref<1x128xf32, #tpu.memory_space<vmem>> -> memref<128xf32, #tpu.memory_space<vmem>>
    %dma_start3A_380 = arith.constant 0 : i32
    %dma_start3A_381 = tpu.memref_slice %arg11[%dma_start3A_376, %dma_start3A_380] : memref<80x128xi32, #tpu.memory_space<vmem>> -> memref<1x128xi32, #tpu.memory_space<vmem>>
    %dma_start3A_382 = tpu.memref_squeeze %dma_start3A_381 : memref<1x128xi32, #tpu.memory_space<vmem>> -> memref<128xi32, #tpu.memory_space<vmem>>
    %dma_start3A_383 = arith.constant 0 : i32
    %dma_start3A_384 = tpu.memref_slice %arg14[%dma_start3A_383] : memref<10240xf32, #tpu.memory_space<vmem_shared>> -> memref<10240xf32, #tpu.memory_space<vmem_shared>>
    tpu.enqueue_indirect_dma source(%dma_start3A_379 : memref<128xf32, #tpu.memory_space<vmem>>) target(%dma_start3A_384 : memref<10240xf32, #tpu.memory_space<vmem_shared>>) offsets(%dma_start3A_382 : memref<128xi32, #tpu.memory_space<vmem>>) semaphore(%arg15 : memref<!tpu.dma_semaphore, #tpu.memory_space<semaphore_mem>>) {add = true}
    %dma_start3A_385 = arith.constant 36 : i32
    %dma_start3A_386 = arith.constant 36 : i32
    %dma_start3A_387 = arith.constant 0 : i32
    %dma_start3A_388 = tpu.memref_slice %arg12[%dma_start3A_385, %dma_start3A_387] : memref<80x128xf32, #tpu.memory_space<vmem>> -> memref<1x128xf32, #tpu.memory_space<vmem>>
    %dma_start3A_389 = tpu.memref_squeeze %dma_start3A_388 : memref<1x128xf32, #tpu.memory_space<vmem>> -> memref<128xf32, #tpu.memory_space<vmem>>
    %dma_start3A_390 = arith.constant 0 : i32
    %dma_start3A_391 = tpu.memref_slice %arg11[%dma_start3A_386, %dma_start3A_390] : memref<80x128xi32, #tpu.memory_space<vmem>> -> memref<1x128xi32, #tpu.memory_space<vmem>>
    %dma_start3A_392 = tpu.memref_squeeze %dma_start3A_391 : memref<1x128xi32, #tpu.memory_space<vmem>> -> memref<128xi32, #tpu.memory_space<vmem>>
    %dma_start3A_393 = arith.constant 0 : i32
    %dma_start3A_394 = tpu.memref_slice %arg14[%dma_start3A_393] : memref<10240xf32, #tpu.memory_space<vmem_shared>> -> memref<10240xf32, #tpu.memory_space<vmem_shared>>
    tpu.enqueue_indirect_dma source(%dma_start3A_389 : memref<128xf32, #tpu.memory_space<vmem>>) target(%dma_start3A_394 : memref<10240xf32, #tpu.memory_space<vmem_shared>>) offsets(%dma_start3A_392 : memref<128xi32, #tpu.memory_space<vmem>>) semaphore(%arg15 : memref<!tpu.dma_semaphore, #tpu.memory_space<semaphore_mem>>) {add = true}
    %dma_start3A_395 = arith.constant 37 : i32
    %dma_start3A_396 = arith.constant 37 : i32
    %dma_start3A_397 = arith.constant 0 : i32
    %dma_start3A_398 = tpu.memref_slice %arg12[%dma_start3A_395, %dma_start3A_397] : memref<80x128xf32, #tpu.memory_space<vmem>> -> memref<1x128xf32, #tpu.memory_space<vmem>>
    %dma_start3A_399 = tpu.memref_squeeze %dma_start3A_398 : memref<1x128xf32, #tpu.memory_space<vmem>> -> memref<128xf32, #tpu.memory_space<vmem>>
    %dma_start3A_400 = arith.constant 0 : i32
    %dma_start3A_401 = tpu.memref_slice %arg11[%dma_start3A_396, %dma_start3A_400] : memref<80x128xi32, #tpu.memory_space<vmem>> -> memref<1x128xi32, #tpu.memory_space<vmem>>
    %dma_start3A_402 = tpu.memref_squeeze %dma_start3A_401 : memref<1x128xi32, #tpu.memory_space<vmem>> -> memref<128xi32, #tpu.memory_space<vmem>>
    %dma_start3A_403 = arith.constant 0 : i32
    %dma_start3A_404 = tpu.memref_slice %arg14[%dma_start3A_403] : memref<10240xf32, #tpu.memory_space<vmem_shared>> -> memref<10240xf32, #tpu.memory_space<vmem_shared>>
    tpu.enqueue_indirect_dma source(%dma_start3A_399 : memref<128xf32, #tpu.memory_space<vmem>>) target(%dma_start3A_404 : memref<10240xf32, #tpu.memory_space<vmem_shared>>) offsets(%dma_start3A_402 : memref<128xi32, #tpu.memory_space<vmem>>) semaphore(%arg15 : memref<!tpu.dma_semaphore, #tpu.memory_space<semaphore_mem>>) {add = true}
    %dma_start3A_405 = arith.constant 38 : i32
    %dma_start3A_406 = arith.constant 38 : i32
    %dma_start3A_407 = arith.constant 0 : i32
    %dma_start3A_408 = tpu.memref_slice %arg12[%dma_start3A_405, %dma_start3A_407] : memref<80x128xf32, #tpu.memory_space<vmem>> -> memref<1x128xf32, #tpu.memory_space<vmem>>
    %dma_start3A_409 = tpu.memref_squeeze %dma_start3A_408 : memref<1x128xf32, #tpu.memory_space<vmem>> -> memref<128xf32, #tpu.memory_space<vmem>>
    %dma_start3A_410 = arith.constant 0 : i32
    %dma_start3A_411 = tpu.memref_slice %arg11[%dma_start3A_406, %dma_start3A_410] : memref<80x128xi32, #tpu.memory_space<vmem>> -> memref<1x128xi32, #tpu.memory_space<vmem>>
    %dma_start3A_412 = tpu.memref_squeeze %dma_start3A_411 : memref<1x128xi32, #tpu.memory_space<vmem>> -> memref<128xi32, #tpu.memory_space<vmem>>
    %dma_start3A_413 = arith.constant 0 : i32
    %dma_start3A_414 = tpu.memref_slice %arg14[%dma_start3A_413] : memref<10240xf32, #tpu.memory_space<vmem_shared>> -> memref<10240xf32, #tpu.memory_space<vmem_shared>>
    tpu.enqueue_indirect_dma source(%dma_start3A_409 : memref<128xf32, #tpu.memory_space<vmem>>) target(%dma_start3A_414 : memref<10240xf32, #tpu.memory_space<vmem_shared>>) offsets(%dma_start3A_412 : memref<128xi32, #tpu.memory_space<vmem>>) semaphore(%arg15 : memref<!tpu.dma_semaphore, #tpu.memory_space<semaphore_mem>>) {add = true}
    %dma_start3A_415 = arith.constant 39 : i32
    %dma_start3A_416 = arith.constant 39 : i32
    %dma_start3A_417 = arith.constant 0 : i32
    %dma_start3A_418 = tpu.memref_slice %arg12[%dma_start3A_415, %dma_start3A_417] : memref<80x128xf32, #tpu.memory_space<vmem>> -> memref<1x128xf32, #tpu.memory_space<vmem>>
    %dma_start3A_419 = tpu.memref_squeeze %dma_start3A_418 : memref<1x128xf32, #tpu.memory_space<vmem>> -> memref<128xf32, #tpu.memory_space<vmem>>
    %dma_start3A_420 = arith.constant 0 : i32
    %dma_start3A_421 = tpu.memref_slice %arg11[%dma_start3A_416, %dma_start3A_420] : memref<80x128xi32, #tpu.memory_space<vmem>> -> memref<1x128xi32, #tpu.memory_space<vmem>>
    %dma_start3A_422 = tpu.memref_squeeze %dma_start3A_421 : memref<1x128xi32, #tpu.memory_space<vmem>> -> memref<128xi32, #tpu.memory_space<vmem>>
    %dma_start3A_423 = arith.constant 0 : i32
    %dma_start3A_424 = tpu.memref_slice %arg14[%dma_start3A_423] : memref<10240xf32, #tpu.memory_space<vmem_shared>> -> memref<10240xf32, #tpu.memory_space<vmem_shared>>
    tpu.enqueue_indirect_dma source(%dma_start3A_419 : memref<128xf32, #tpu.memory_space<vmem>>) target(%dma_start3A_424 : memref<10240xf32, #tpu.memory_space<vmem_shared>>) offsets(%dma_start3A_422 : memref<128xi32, #tpu.memory_space<vmem>>) semaphore(%arg15 : memref<!tpu.dma_semaphore, #tpu.memory_space<semaphore_mem>>) {add = true}
    %dma_start3A_425 = arith.constant 40 : i32
    %dma_start3A_426 = arith.constant 40 : i32
    %dma_start3A_427 = arith.constant 0 : i32
    %dma_start3A_428 = tpu.memref_slice %arg12[%dma_start3A_425, %dma_start3A_427] : memref<80x128xf32, #tpu.memory_space<vmem>> -> memref<1x128xf32, #tpu.memory_space<vmem>>
    %dma_start3A_429 = tpu.memref_squeeze %dma_start3A_428 : memref<1x128xf32, #tpu.memory_space<vmem>> -> memref<128xf32, #tpu.memory_space<vmem>>
    %dma_start3A_430 = arith.constant 0 : i32
    %dma_start3A_431 = tpu.memref_slice %arg11[%dma_start3A_426, %dma_start3A_430] : memref<80x128xi32, #tpu.memory_space<vmem>> -> memref<1x128xi32, #tpu.memory_space<vmem>>
    %dma_start3A_432 = tpu.memref_squeeze %dma_start3A_431 : memref<1x128xi32, #tpu.memory_space<vmem>> -> memref<128xi32, #tpu.memory_space<vmem>>
    %dma_start3A_433 = arith.constant 0 : i32
    %dma_start3A_434 = tpu.memref_slice %arg14[%dma_start3A_433] : memref<10240xf32, #tpu.memory_space<vmem_shared>> -> memref<10240xf32, #tpu.memory_space<vmem_shared>>
    tpu.enqueue_indirect_dma source(%dma_start3A_429 : memref<128xf32, #tpu.memory_space<vmem>>) target(%dma_start3A_434 : memref<10240xf32, #tpu.memory_space<vmem_shared>>) offsets(%dma_start3A_432 : memref<128xi32, #tpu.memory_space<vmem>>) semaphore(%arg15 : memref<!tpu.dma_semaphore, #tpu.memory_space<semaphore_mem>>) {add = true}
    %dma_start3A_435 = arith.constant 41 : i32
    %dma_start3A_436 = arith.constant 41 : i32
    %dma_start3A_437 = arith.constant 0 : i32
    %dma_start3A_438 = tpu.memref_slice %arg12[%dma_start3A_435, %dma_start3A_437] : memref<80x128xf32, #tpu.memory_space<vmem>> -> memref<1x128xf32, #tpu.memory_space<vmem>>
    %dma_start3A_439 = tpu.memref_squeeze %dma_start3A_438 : memref<1x128xf32, #tpu.memory_space<vmem>> -> memref<128xf32, #tpu.memory_space<vmem>>
    %dma_start3A_440 = arith.constant 0 : i32
    %dma_start3A_441 = tpu.memref_slice %arg11[%dma_start3A_436, %dma_start3A_440] : memref<80x128xi32, #tpu.memory_space<vmem>> -> memref<1x128xi32, #tpu.memory_space<vmem>>
    %dma_start3A_442 = tpu.memref_squeeze %dma_start3A_441 : memref<1x128xi32, #tpu.memory_space<vmem>> -> memref<128xi32, #tpu.memory_space<vmem>>
    %dma_start3A_443 = arith.constant 0 : i32
    %dma_start3A_444 = tpu.memref_slice %arg14[%dma_start3A_443] : memref<10240xf32, #tpu.memory_space<vmem_shared>> -> memref<10240xf32, #tpu.memory_space<vmem_shared>>
    tpu.enqueue_indirect_dma source(%dma_start3A_439 : memref<128xf32, #tpu.memory_space<vmem>>) target(%dma_start3A_444 : memref<10240xf32, #tpu.memory_space<vmem_shared>>) offsets(%dma_start3A_442 : memref<128xi32, #tpu.memory_space<vmem>>) semaphore(%arg15 : memref<!tpu.dma_semaphore, #tpu.memory_space<semaphore_mem>>) {add = true}
    %dma_start3A_445 = arith.constant 42 : i32
    %dma_start3A_446 = arith.constant 42 : i32
    %dma_start3A_447 = arith.constant 0 : i32
    %dma_start3A_448 = tpu.memref_slice %arg12[%dma_start3A_445, %dma_start3A_447] : memref<80x128xf32, #tpu.memory_space<vmem>> -> memref<1x128xf32, #tpu.memory_space<vmem>>
    %dma_start3A_449 = tpu.memref_squeeze %dma_start3A_448 : memref<1x128xf32, #tpu.memory_space<vmem>> -> memref<128xf32, #tpu.memory_space<vmem>>
    %dma_start3A_450 = arith.constant 0 : i32
    %dma_start3A_451 = tpu.memref_slice %arg11[%dma_start3A_446, %dma_start3A_450] : memref<80x128xi32, #tpu.memory_space<vmem>> -> memref<1x128xi32, #tpu.memory_space<vmem>>
    %dma_start3A_452 = tpu.memref_squeeze %dma_start3A_451 : memref<1x128xi32, #tpu.memory_space<vmem>> -> memref<128xi32, #tpu.memory_space<vmem>>
    %dma_start3A_453 = arith.constant 0 : i32
    %dma_start3A_454 = tpu.memref_slice %arg14[%dma_start3A_453] : memref<10240xf32, #tpu.memory_space<vmem_shared>> -> memref<10240xf32, #tpu.memory_space<vmem_shared>>
    tpu.enqueue_indirect_dma source(%dma_start3A_449 : memref<128xf32, #tpu.memory_space<vmem>>) target(%dma_start3A_454 : memref<10240xf32, #tpu.memory_space<vmem_shared>>) offsets(%dma_start3A_452 : memref<128xi32, #tpu.memory_space<vmem>>) semaphore(%arg15 : memref<!tpu.dma_semaphore, #tpu.memory_space<semaphore_mem>>) {add = true}
    %dma_start3A_455 = arith.constant 43 : i32
    %dma_start3A_456 = arith.constant 43 : i32
    %dma_start3A_457 = arith.constant 0 : i32
    %dma_start3A_458 = tpu.memref_slice %arg12[%dma_start3A_455, %dma_start3A_457] : memref<80x128xf32, #tpu.memory_space<vmem>> -> memref<1x128xf32, #tpu.memory_space<vmem>>
    %dma_start3A_459 = tpu.memref_squeeze %dma_start3A_458 : memref<1x128xf32, #tpu.memory_space<vmem>> -> memref<128xf32, #tpu.memory_space<vmem>>
    %dma_start3A_460 = arith.constant 0 : i32
    %dma_start3A_461 = tpu.memref_slice %arg11[%dma_start3A_456, %dma_start3A_460] : memref<80x128xi32, #tpu.memory_space<vmem>> -> memref<1x128xi32, #tpu.memory_space<vmem>>
    %dma_start3A_462 = tpu.memref_squeeze %dma_start3A_461 : memref<1x128xi32, #tpu.memory_space<vmem>> -> memref<128xi32, #tpu.memory_space<vmem>>
    %dma_start3A_463 = arith.constant 0 : i32
    %dma_start3A_464 = tpu.memref_slice %arg14[%dma_start3A_463] : memref<10240xf32, #tpu.memory_space<vmem_shared>> -> memref<10240xf32, #tpu.memory_space<vmem_shared>>
    tpu.enqueue_indirect_dma source(%dma_start3A_459 : memref<128xf32, #tpu.memory_space<vmem>>) target(%dma_start3A_464 : memref<10240xf32, #tpu.memory_space<vmem_shared>>) offsets(%dma_start3A_462 : memref<128xi32, #tpu.memory_space<vmem>>) semaphore(%arg15 : memref<!tpu.dma_semaphore, #tpu.memory_space<semaphore_mem>>) {add = true}
    %dma_start3A_465 = arith.constant 44 : i32
    %dma_start3A_466 = arith.constant 44 : i32
    %dma_start3A_467 = arith.constant 0 : i32
    %dma_start3A_468 = tpu.memref_slice %arg12[%dma_start3A_465, %dma_start3A_467] : memref<80x128xf32, #tpu.memory_space<vmem>> -> memref<1x128xf32, #tpu.memory_space<vmem>>
    %dma_start3A_469 = tpu.memref_squeeze %dma_start3A_468 : memref<1x128xf32, #tpu.memory_space<vmem>> -> memref<128xf32, #tpu.memory_space<vmem>>
    %dma_start3A_470 = arith.constant 0 : i32
    %dma_start3A_471 = tpu.memref_slice %arg11[%dma_start3A_466, %dma_start3A_470] : memref<80x128xi32, #tpu.memory_space<vmem>> -> memref<1x128xi32, #tpu.memory_space<vmem>>
    %dma_start3A_472 = tpu.memref_squeeze %dma_start3A_471 : memref<1x128xi32, #tpu.memory_space<vmem>> -> memref<128xi32, #tpu.memory_space<vmem>>
    %dma_start3A_473 = arith.constant 0 : i32
    %dma_start3A_474 = tpu.memref_slice %arg14[%dma_start3A_473] : memref<10240xf32, #tpu.memory_space<vmem_shared>> -> memref<10240xf32, #tpu.memory_space<vmem_shared>>
    tpu.enqueue_indirect_dma source(%dma_start3A_469 : memref<128xf32, #tpu.memory_space<vmem>>) target(%dma_start3A_474 : memref<10240xf32, #tpu.memory_space<vmem_shared>>) offsets(%dma_start3A_472 : memref<128xi32, #tpu.memory_space<vmem>>) semaphore(%arg15 : memref<!tpu.dma_semaphore, #tpu.memory_space<semaphore_mem>>) {add = true}
    %dma_start3A_475 = arith.constant 45 : i32
    %dma_start3A_476 = arith.constant 45 : i32
    %dma_start3A_477 = arith.constant 0 : i32
    %dma_start3A_478 = tpu.memref_slice %arg12[%dma_start3A_475, %dma_start3A_477] : memref<80x128xf32, #tpu.memory_space<vmem>> -> memref<1x128xf32, #tpu.memory_space<vmem>>
    %dma_start3A_479 = tpu.memref_squeeze %dma_start3A_478 : memref<1x128xf32, #tpu.memory_space<vmem>> -> memref<128xf32, #tpu.memory_space<vmem>>
    %dma_start3A_480 = arith.constant 0 : i32
    %dma_start3A_481 = tpu.memref_slice %arg11[%dma_start3A_476, %dma_start3A_480] : memref<80x128xi32, #tpu.memory_space<vmem>> -> memref<1x128xi32, #tpu.memory_space<vmem>>
    %dma_start3A_482 = tpu.memref_squeeze %dma_start3A_481 : memref<1x128xi32, #tpu.memory_space<vmem>> -> memref<128xi32, #tpu.memory_space<vmem>>
    %dma_start3A_483 = arith.constant 0 : i32
    %dma_start3A_484 = tpu.memref_slice %arg14[%dma_start3A_483] : memref<10240xf32, #tpu.memory_space<vmem_shared>> -> memref<10240xf32, #tpu.memory_space<vmem_shared>>
    tpu.enqueue_indirect_dma source(%dma_start3A_479 : memref<128xf32, #tpu.memory_space<vmem>>) target(%dma_start3A_484 : memref<10240xf32, #tpu.memory_space<vmem_shared>>) offsets(%dma_start3A_482 : memref<128xi32, #tpu.memory_space<vmem>>) semaphore(%arg15 : memref<!tpu.dma_semaphore, #tpu.memory_space<semaphore_mem>>) {add = true}
    %dma_start3A_485 = arith.constant 46 : i32
    %dma_start3A_486 = arith.constant 46 : i32
    %dma_start3A_487 = arith.constant 0 : i32
    %dma_start3A_488 = tpu.memref_slice %arg12[%dma_start3A_485, %dma_start3A_487] : memref<80x128xf32, #tpu.memory_space<vmem>> -> memref<1x128xf32, #tpu.memory_space<vmem>>
    %dma_start3A_489 = tpu.memref_squeeze %dma_start3A_488 : memref<1x128xf32, #tpu.memory_space<vmem>> -> memref<128xf32, #tpu.memory_space<vmem>>
    %dma_start3A_490 = arith.constant 0 : i32
    %dma_start3A_491 = tpu.memref_slice %arg11[%dma_start3A_486, %dma_start3A_490] : memref<80x128xi32, #tpu.memory_space<vmem>> -> memref<1x128xi32, #tpu.memory_space<vmem>>
    %dma_start3A_492 = tpu.memref_squeeze %dma_start3A_491 : memref<1x128xi32, #tpu.memory_space<vmem>> -> memref<128xi32, #tpu.memory_space<vmem>>
    %dma_start3A_493 = arith.constant 0 : i32
    %dma_start3A_494 = tpu.memref_slice %arg14[%dma_start3A_493] : memref<10240xf32, #tpu.memory_space<vmem_shared>> -> memref<10240xf32, #tpu.memory_space<vmem_shared>>
    tpu.enqueue_indirect_dma source(%dma_start3A_489 : memref<128xf32, #tpu.memory_space<vmem>>) target(%dma_start3A_494 : memref<10240xf32, #tpu.memory_space<vmem_shared>>) offsets(%dma_start3A_492 : memref<128xi32, #tpu.memory_space<vmem>>) semaphore(%arg15 : memref<!tpu.dma_semaphore, #tpu.memory_space<semaphore_mem>>) {add = true}
    %dma_start3A_495 = arith.constant 47 : i32
    %dma_start3A_496 = arith.constant 47 : i32
    %dma_start3A_497 = arith.constant 0 : i32
    %dma_start3A_498 = tpu.memref_slice %arg12[%dma_start3A_495, %dma_start3A_497] : memref<80x128xf32, #tpu.memory_space<vmem>> -> memref<1x128xf32, #tpu.memory_space<vmem>>
    %dma_start3A_499 = tpu.memref_squeeze %dma_start3A_498 : memref<1x128xf32, #tpu.memory_space<vmem>> -> memref<128xf32, #tpu.memory_space<vmem>>
    %dma_start3A_500 = arith.constant 0 : i32
    %dma_start3A_501 = tpu.memref_slice %arg11[%dma_start3A_496, %dma_start3A_500] : memref<80x128xi32, #tpu.memory_space<vmem>> -> memref<1x128xi32, #tpu.memory_space<vmem>>
    %dma_start3A_502 = tpu.memref_squeeze %dma_start3A_501 : memref<1x128xi32, #tpu.memory_space<vmem>> -> memref<128xi32, #tpu.memory_space<vmem>>
    %dma_start3A_503 = arith.constant 0 : i32
    %dma_start3A_504 = tpu.memref_slice %arg14[%dma_start3A_503] : memref<10240xf32, #tpu.memory_space<vmem_shared>> -> memref<10240xf32, #tpu.memory_space<vmem_shared>>
    tpu.enqueue_indirect_dma source(%dma_start3A_499 : memref<128xf32, #tpu.memory_space<vmem>>) target(%dma_start3A_504 : memref<10240xf32, #tpu.memory_space<vmem_shared>>) offsets(%dma_start3A_502 : memref<128xi32, #tpu.memory_space<vmem>>) semaphore(%arg15 : memref<!tpu.dma_semaphore, #tpu.memory_space<semaphore_mem>>) {add = true}
    %dma_start3A_505 = arith.constant 48 : i32
    %dma_start3A_506 = arith.constant 48 : i32
    %dma_start3A_507 = arith.constant 0 : i32
    %dma_start3A_508 = tpu.memref_slice %arg12[%dma_start3A_505, %dma_start3A_507] : memref<80x128xf32, #tpu.memory_space<vmem>> -> memref<1x128xf32, #tpu.memory_space<vmem>>
    %dma_start3A_509 = tpu.memref_squeeze %dma_start3A_508 : memref<1x128xf32, #tpu.memory_space<vmem>> -> memref<128xf32, #tpu.memory_space<vmem>>
    %dma_start3A_510 = arith.constant 0 : i32
    %dma_start3A_511 = tpu.memref_slice %arg11[%dma_start3A_506, %dma_start3A_510] : memref<80x128xi32, #tpu.memory_space<vmem>> -> memref<1x128xi32, #tpu.memory_space<vmem>>
    %dma_start3A_512 = tpu.memref_squeeze %dma_start3A_511 : memref<1x128xi32, #tpu.memory_space<vmem>> -> memref<128xi32, #tpu.memory_space<vmem>>
    %dma_start3A_513 = arith.constant 0 : i32
    %dma_start3A_514 = tpu.memref_slice %arg14[%dma_start3A_513] : memref<10240xf32, #tpu.memory_space<vmem_shared>> -> memref<10240xf32, #tpu.memory_space<vmem_shared>>
    tpu.enqueue_indirect_dma source(%dma_start3A_509 : memref<128xf32, #tpu.memory_space<vmem>>) target(%dma_start3A_514 : memref<10240xf32, #tpu.memory_space<vmem_shared>>) offsets(%dma_start3A_512 : memref<128xi32, #tpu.memory_space<vmem>>) semaphore(%arg15 : memref<!tpu.dma_semaphore, #tpu.memory_space<semaphore_mem>>) {add = true}
    %dma_start3A_515 = arith.constant 49 : i32
    %dma_start3A_516 = arith.constant 49 : i32
    %dma_start3A_517 = arith.constant 0 : i32
    %dma_start3A_518 = tpu.memref_slice %arg12[%dma_start3A_515, %dma_start3A_517] : memref<80x128xf32, #tpu.memory_space<vmem>> -> memref<1x128xf32, #tpu.memory_space<vmem>>
    %dma_start3A_519 = tpu.memref_squeeze %dma_start3A_518 : memref<1x128xf32, #tpu.memory_space<vmem>> -> memref<128xf32, #tpu.memory_space<vmem>>
    %dma_start3A_520 = arith.constant 0 : i32
    %dma_start3A_521 = tpu.memref_slice %arg11[%dma_start3A_516, %dma_start3A_520] : memref<80x128xi32, #tpu.memory_space<vmem>> -> memref<1x128xi32, #tpu.memory_space<vmem>>
    %dma_start3A_522 = tpu.memref_squeeze %dma_start3A_521 : memref<1x128xi32, #tpu.memory_space<vmem>> -> memref<128xi32, #tpu.memory_space<vmem>>
    %dma_start3A_523 = arith.constant 0 : i32
    %dma_start3A_524 = tpu.memref_slice %arg14[%dma_start3A_523] : memref<10240xf32, #tpu.memory_space<vmem_shared>> -> memref<10240xf32, #tpu.memory_space<vmem_shared>>
    tpu.enqueue_indirect_dma source(%dma_start3A_519 : memref<128xf32, #tpu.memory_space<vmem>>) target(%dma_start3A_524 : memref<10240xf32, #tpu.memory_space<vmem_shared>>) offsets(%dma_start3A_522 : memref<128xi32, #tpu.memory_space<vmem>>) semaphore(%arg15 : memref<!tpu.dma_semaphore, #tpu.memory_space<semaphore_mem>>) {add = true}
    %dma_start3A_525 = arith.constant 50 : i32
    %dma_start3A_526 = arith.constant 50 : i32
    %dma_start3A_527 = arith.constant 0 : i32
    %dma_start3A_528 = tpu.memref_slice %arg12[%dma_start3A_525, %dma_start3A_527] : memref<80x128xf32, #tpu.memory_space<vmem>> -> memref<1x128xf32, #tpu.memory_space<vmem>>
    %dma_start3A_529 = tpu.memref_squeeze %dma_start3A_528 : memref<1x128xf32, #tpu.memory_space<vmem>> -> memref<128xf32, #tpu.memory_space<vmem>>
    %dma_start3A_530 = arith.constant 0 : i32
    %dma_start3A_531 = tpu.memref_slice %arg11[%dma_start3A_526, %dma_start3A_530] : memref<80x128xi32, #tpu.memory_space<vmem>> -> memref<1x128xi32, #tpu.memory_space<vmem>>
    %dma_start3A_532 = tpu.memref_squeeze %dma_start3A_531 : memref<1x128xi32, #tpu.memory_space<vmem>> -> memref<128xi32, #tpu.memory_space<vmem>>
    %dma_start3A_533 = arith.constant 0 : i32
    %dma_start3A_534 = tpu.memref_slice %arg14[%dma_start3A_533] : memref<10240xf32, #tpu.memory_space<vmem_shared>> -> memref<10240xf32, #tpu.memory_space<vmem_shared>>
    tpu.enqueue_indirect_dma source(%dma_start3A_529 : memref<128xf32, #tpu.memory_space<vmem>>) target(%dma_start3A_534 : memref<10240xf32, #tpu.memory_space<vmem_shared>>) offsets(%dma_start3A_532 : memref<128xi32, #tpu.memory_space<vmem>>) semaphore(%arg15 : memref<!tpu.dma_semaphore, #tpu.memory_space<semaphore_mem>>) {add = true}
    %dma_start3A_535 = arith.constant 51 : i32
    %dma_start3A_536 = arith.constant 51 : i32
    %dma_start3A_537 = arith.constant 0 : i32
    %dma_start3A_538 = tpu.memref_slice %arg12[%dma_start3A_535, %dma_start3A_537] : memref<80x128xf32, #tpu.memory_space<vmem>> -> memref<1x128xf32, #tpu.memory_space<vmem>>
    %dma_start3A_539 = tpu.memref_squeeze %dma_start3A_538 : memref<1x128xf32, #tpu.memory_space<vmem>> -> memref<128xf32, #tpu.memory_space<vmem>>
    %dma_start3A_540 = arith.constant 0 : i32
    %dma_start3A_541 = tpu.memref_slice %arg11[%dma_start3A_536, %dma_start3A_540] : memref<80x128xi32, #tpu.memory_space<vmem>> -> memref<1x128xi32, #tpu.memory_space<vmem>>
    %dma_start3A_542 = tpu.memref_squeeze %dma_start3A_541 : memref<1x128xi32, #tpu.memory_space<vmem>> -> memref<128xi32, #tpu.memory_space<vmem>>
    %dma_start3A_543 = arith.constant 0 : i32
    %dma_start3A_544 = tpu.memref_slice %arg14[%dma_start3A_543] : memref<10240xf32, #tpu.memory_space<vmem_shared>> -> memref<10240xf32, #tpu.memory_space<vmem_shared>>
    tpu.enqueue_indirect_dma source(%dma_start3A_539 : memref<128xf32, #tpu.memory_space<vmem>>) target(%dma_start3A_544 : memref<10240xf32, #tpu.memory_space<vmem_shared>>) offsets(%dma_start3A_542 : memref<128xi32, #tpu.memory_space<vmem>>) semaphore(%arg15 : memref<!tpu.dma_semaphore, #tpu.memory_space<semaphore_mem>>) {add = true}
    %dma_start3A_545 = arith.constant 52 : i32
    %dma_start3A_546 = arith.constant 52 : i32
    %dma_start3A_547 = arith.constant 0 : i32
    %dma_start3A_548 = tpu.memref_slice %arg12[%dma_start3A_545, %dma_start3A_547] : memref<80x128xf32, #tpu.memory_space<vmem>> -> memref<1x128xf32, #tpu.memory_space<vmem>>
    %dma_start3A_549 = tpu.memref_squeeze %dma_start3A_548 : memref<1x128xf32, #tpu.memory_space<vmem>> -> memref<128xf32, #tpu.memory_space<vmem>>
    %dma_start3A_550 = arith.constant 0 : i32
    %dma_start3A_551 = tpu.memref_slice %arg11[%dma_start3A_546, %dma_start3A_550] : memref<80x128xi32, #tpu.memory_space<vmem>> -> memref<1x128xi32, #tpu.memory_space<vmem>>
    %dma_start3A_552 = tpu.memref_squeeze %dma_start3A_551 : memref<1x128xi32, #tpu.memory_space<vmem>> -> memref<128xi32, #tpu.memory_space<vmem>>
    %dma_start3A_553 = arith.constant 0 : i32
    %dma_start3A_554 = tpu.memref_slice %arg14[%dma_start3A_553] : memref<10240xf32, #tpu.memory_space<vmem_shared>> -> memref<10240xf32, #tpu.memory_space<vmem_shared>>
    tpu.enqueue_indirect_dma source(%dma_start3A_549 : memref<128xf32, #tpu.memory_space<vmem>>) target(%dma_start3A_554 : memref<10240xf32, #tpu.memory_space<vmem_shared>>) offsets(%dma_start3A_552 : memref<128xi32, #tpu.memory_space<vmem>>) semaphore(%arg15 : memref<!tpu.dma_semaphore, #tpu.memory_space<semaphore_mem>>) {add = true}
    %dma_start3A_555 = arith.constant 53 : i32
    %dma_start3A_556 = arith.constant 53 : i32
    %dma_start3A_557 = arith.constant 0 : i32
    %dma_start3A_558 = tpu.memref_slice %arg12[%dma_start3A_555, %dma_start3A_557] : memref<80x128xf32, #tpu.memory_space<vmem>> -> memref<1x128xf32, #tpu.memory_space<vmem>>
    %dma_start3A_559 = tpu.memref_squeeze %dma_start3A_558 : memref<1x128xf32, #tpu.memory_space<vmem>> -> memref<128xf32, #tpu.memory_space<vmem>>
    %dma_start3A_560 = arith.constant 0 : i32
    %dma_start3A_561 = tpu.memref_slice %arg11[%dma_start3A_556, %dma_start3A_560] : memref<80x128xi32, #tpu.memory_space<vmem>> -> memref<1x128xi32, #tpu.memory_space<vmem>>
    %dma_start3A_562 = tpu.memref_squeeze %dma_start3A_561 : memref<1x128xi32, #tpu.memory_space<vmem>> -> memref<128xi32, #tpu.memory_space<vmem>>
    %dma_start3A_563 = arith.constant 0 : i32
    %dma_start3A_564 = tpu.memref_slice %arg14[%dma_start3A_563] : memref<10240xf32, #tpu.memory_space<vmem_shared>> -> memref<10240xf32, #tpu.memory_space<vmem_shared>>
    tpu.enqueue_indirect_dma source(%dma_start3A_559 : memref<128xf32, #tpu.memory_space<vmem>>) target(%dma_start3A_564 : memref<10240xf32, #tpu.memory_space<vmem_shared>>) offsets(%dma_start3A_562 : memref<128xi32, #tpu.memory_space<vmem>>) semaphore(%arg15 : memref<!tpu.dma_semaphore, #tpu.memory_space<semaphore_mem>>) {add = true}
    %dma_start3A_565 = arith.constant 54 : i32
    %dma_start3A_566 = arith.constant 54 : i32
    %dma_start3A_567 = arith.constant 0 : i32
    %dma_start3A_568 = tpu.memref_slice %arg12[%dma_start3A_565, %dma_start3A_567] : memref<80x128xf32, #tpu.memory_space<vmem>> -> memref<1x128xf32, #tpu.memory_space<vmem>>
    %dma_start3A_569 = tpu.memref_squeeze %dma_start3A_568 : memref<1x128xf32, #tpu.memory_space<vmem>> -> memref<128xf32, #tpu.memory_space<vmem>>
    %dma_start3A_570 = arith.constant 0 : i32
    %dma_start3A_571 = tpu.memref_slice %arg11[%dma_start3A_566, %dma_start3A_570] : memref<80x128xi32, #tpu.memory_space<vmem>> -> memref<1x128xi32, #tpu.memory_space<vmem>>
    %dma_start3A_572 = tpu.memref_squeeze %dma_start3A_571 : memref<1x128xi32, #tpu.memory_space<vmem>> -> memref<128xi32, #tpu.memory_space<vmem>>
    %dma_start3A_573 = arith.constant 0 : i32
    %dma_start3A_574 = tpu.memref_slice %arg14[%dma_start3A_573] : memref<10240xf32, #tpu.memory_space<vmem_shared>> -> memref<10240xf32, #tpu.memory_space<vmem_shared>>
    tpu.enqueue_indirect_dma source(%dma_start3A_569 : memref<128xf32, #tpu.memory_space<vmem>>) target(%dma_start3A_574 : memref<10240xf32, #tpu.memory_space<vmem_shared>>) offsets(%dma_start3A_572 : memref<128xi32, #tpu.memory_space<vmem>>) semaphore(%arg15 : memref<!tpu.dma_semaphore, #tpu.memory_space<semaphore_mem>>) {add = true}
    %dma_start3A_575 = arith.constant 55 : i32
    %dma_start3A_576 = arith.constant 55 : i32
    %dma_start3A_577 = arith.constant 0 : i32
    %dma_start3A_578 = tpu.memref_slice %arg12[%dma_start3A_575, %dma_start3A_577] : memref<80x128xf32, #tpu.memory_space<vmem>> -> memref<1x128xf32, #tpu.memory_space<vmem>>
    %dma_start3A_579 = tpu.memref_squeeze %dma_start3A_578 : memref<1x128xf32, #tpu.memory_space<vmem>> -> memref<128xf32, #tpu.memory_space<vmem>>
    %dma_start3A_580 = arith.constant 0 : i32
    %dma_start3A_581 = tpu.memref_slice %arg11[%dma_start3A_576, %dma_start3A_580] : memref<80x128xi32, #tpu.memory_space<vmem>> -> memref<1x128xi32, #tpu.memory_space<vmem>>
    %dma_start3A_582 = tpu.memref_squeeze %dma_start3A_581 : memref<1x128xi32, #tpu.memory_space<vmem>> -> memref<128xi32, #tpu.memory_space<vmem>>
    %dma_start3A_583 = arith.constant 0 : i32
    %dma_start3A_584 = tpu.memref_slice %arg14[%dma_start3A_583] : memref<10240xf32, #tpu.memory_space<vmem_shared>> -> memref<10240xf32, #tpu.memory_space<vmem_shared>>
    tpu.enqueue_indirect_dma source(%dma_start3A_579 : memref<128xf32, #tpu.memory_space<vmem>>) target(%dma_start3A_584 : memref<10240xf32, #tpu.memory_space<vmem_shared>>) offsets(%dma_start3A_582 : memref<128xi32, #tpu.memory_space<vmem>>) semaphore(%arg15 : memref<!tpu.dma_semaphore, #tpu.memory_space<semaphore_mem>>) {add = true}
    %dma_start3A_585 = arith.constant 56 : i32
    %dma_start3A_586 = arith.constant 56 : i32
    %dma_start3A_587 = arith.constant 0 : i32
    %dma_start3A_588 = tpu.memref_slice %arg12[%dma_start3A_585, %dma_start3A_587] : memref<80x128xf32, #tpu.memory_space<vmem>> -> memref<1x128xf32, #tpu.memory_space<vmem>>
    %dma_start3A_589 = tpu.memref_squeeze %dma_start3A_588 : memref<1x128xf32, #tpu.memory_space<vmem>> -> memref<128xf32, #tpu.memory_space<vmem>>
    %dma_start3A_590 = arith.constant 0 : i32
    %dma_start3A_591 = tpu.memref_slice %arg11[%dma_start3A_586, %dma_start3A_590] : memref<80x128xi32, #tpu.memory_space<vmem>> -> memref<1x128xi32, #tpu.memory_space<vmem>>
    %dma_start3A_592 = tpu.memref_squeeze %dma_start3A_591 : memref<1x128xi32, #tpu.memory_space<vmem>> -> memref<128xi32, #tpu.memory_space<vmem>>
    %dma_start3A_593 = arith.constant 0 : i32
    %dma_start3A_594 = tpu.memref_slice %arg14[%dma_start3A_593] : memref<10240xf32, #tpu.memory_space<vmem_shared>> -> memref<10240xf32, #tpu.memory_space<vmem_shared>>
    tpu.enqueue_indirect_dma source(%dma_start3A_589 : memref<128xf32, #tpu.memory_space<vmem>>) target(%dma_start3A_594 : memref<10240xf32, #tpu.memory_space<vmem_shared>>) offsets(%dma_start3A_592 : memref<128xi32, #tpu.memory_space<vmem>>) semaphore(%arg15 : memref<!tpu.dma_semaphore, #tpu.memory_space<semaphore_mem>>) {add = true}
    %dma_start3A_595 = arith.constant 57 : i32
    %dma_start3A_596 = arith.constant 57 : i32
    %dma_start3A_597 = arith.constant 0 : i32
    %dma_start3A_598 = tpu.memref_slice %arg12[%dma_start3A_595, %dma_start3A_597] : memref<80x128xf32, #tpu.memory_space<vmem>> -> memref<1x128xf32, #tpu.memory_space<vmem>>
    %dma_start3A_599 = tpu.memref_squeeze %dma_start3A_598 : memref<1x128xf32, #tpu.memory_space<vmem>> -> memref<128xf32, #tpu.memory_space<vmem>>
    %dma_start3A_600 = arith.constant 0 : i32
    %dma_start3A_601 = tpu.memref_slice %arg11[%dma_start3A_596, %dma_start3A_600] : memref<80x128xi32, #tpu.memory_space<vmem>> -> memref<1x128xi32, #tpu.memory_space<vmem>>
    %dma_start3A_602 = tpu.memref_squeeze %dma_start3A_601 : memref<1x128xi32, #tpu.memory_space<vmem>> -> memref<128xi32, #tpu.memory_space<vmem>>
    %dma_start3A_603 = arith.constant 0 : i32
    %dma_start3A_604 = tpu.memref_slice %arg14[%dma_start3A_603] : memref<10240xf32, #tpu.memory_space<vmem_shared>> -> memref<10240xf32, #tpu.memory_space<vmem_shared>>
    tpu.enqueue_indirect_dma source(%dma_start3A_599 : memref<128xf32, #tpu.memory_space<vmem>>) target(%dma_start3A_604 : memref<10240xf32, #tpu.memory_space<vmem_shared>>) offsets(%dma_start3A_602 : memref<128xi32, #tpu.memory_space<vmem>>) semaphore(%arg15 : memref<!tpu.dma_semaphore, #tpu.memory_space<semaphore_mem>>) {add = true}
    %dma_start3A_605 = arith.constant 58 : i32
    %dma_start3A_606 = arith.constant 58 : i32
    %dma_start3A_607 = arith.constant 0 : i32
    %dma_start3A_608 = tpu.memref_slice %arg12[%dma_start3A_605, %dma_start3A_607] : memref<80x128xf32, #tpu.memory_space<vmem>> -> memref<1x128xf32, #tpu.memory_space<vmem>>
    %dma_start3A_609 = tpu.memref_squeeze %dma_start3A_608 : memref<1x128xf32, #tpu.memory_space<vmem>> -> memref<128xf32, #tpu.memory_space<vmem>>
    %dma_start3A_610 = arith.constant 0 : i32
    %dma_start3A_611 = tpu.memref_slice %arg11[%dma_start3A_606, %dma_start3A_610] : memref<80x128xi32, #tpu.memory_space<vmem>> -> memref<1x128xi32, #tpu.memory_space<vmem>>
    %dma_start3A_612 = tpu.memref_squeeze %dma_start3A_611 : memref<1x128xi32, #tpu.memory_space<vmem>> -> memref<128xi32, #tpu.memory_space<vmem>>
    %dma_start3A_613 = arith.constant 0 : i32
    %dma_start3A_614 = tpu.memref_slice %arg14[%dma_start3A_613] : memref<10240xf32, #tpu.memory_space<vmem_shared>> -> memref<10240xf32, #tpu.memory_space<vmem_shared>>
    tpu.enqueue_indirect_dma source(%dma_start3A_609 : memref<128xf32, #tpu.memory_space<vmem>>) target(%dma_start3A_614 : memref<10240xf32, #tpu.memory_space<vmem_shared>>) offsets(%dma_start3A_612 : memref<128xi32, #tpu.memory_space<vmem>>) semaphore(%arg15 : memref<!tpu.dma_semaphore, #tpu.memory_space<semaphore_mem>>) {add = true}
    %dma_start3A_615 = arith.constant 59 : i32
    %dma_start3A_616 = arith.constant 59 : i32
    %dma_start3A_617 = arith.constant 0 : i32
    %dma_start3A_618 = tpu.memref_slice %arg12[%dma_start3A_615, %dma_start3A_617] : memref<80x128xf32, #tpu.memory_space<vmem>> -> memref<1x128xf32, #tpu.memory_space<vmem>>
    %dma_start3A_619 = tpu.memref_squeeze %dma_start3A_618 : memref<1x128xf32, #tpu.memory_space<vmem>> -> memref<128xf32, #tpu.memory_space<vmem>>
    %dma_start3A_620 = arith.constant 0 : i32
    %dma_start3A_621 = tpu.memref_slice %arg11[%dma_start3A_616, %dma_start3A_620] : memref<80x128xi32, #tpu.memory_space<vmem>> -> memref<1x128xi32, #tpu.memory_space<vmem>>
    %dma_start3A_622 = tpu.memref_squeeze %dma_start3A_621 : memref<1x128xi32, #tpu.memory_space<vmem>> -> memref<128xi32, #tpu.memory_space<vmem>>
    %dma_start3A_623 = arith.constant 0 : i32
    %dma_start3A_624 = tpu.memref_slice %arg14[%dma_start3A_623] : memref<10240xf32, #tpu.memory_space<vmem_shared>> -> memref<10240xf32, #tpu.memory_space<vmem_shared>>
    tpu.enqueue_indirect_dma source(%dma_start3A_619 : memref<128xf32, #tpu.memory_space<vmem>>) target(%dma_start3A_624 : memref<10240xf32, #tpu.memory_space<vmem_shared>>) offsets(%dma_start3A_622 : memref<128xi32, #tpu.memory_space<vmem>>) semaphore(%arg15 : memref<!tpu.dma_semaphore, #tpu.memory_space<semaphore_mem>>) {add = true}
    %dma_start3A_625 = arith.constant 60 : i32
    %dma_start3A_626 = arith.constant 60 : i32
    %dma_start3A_627 = arith.constant 0 : i32
    %dma_start3A_628 = tpu.memref_slice %arg12[%dma_start3A_625, %dma_start3A_627] : memref<80x128xf32, #tpu.memory_space<vmem>> -> memref<1x128xf32, #tpu.memory_space<vmem>>
    %dma_start3A_629 = tpu.memref_squeeze %dma_start3A_628 : memref<1x128xf32, #tpu.memory_space<vmem>> -> memref<128xf32, #tpu.memory_space<vmem>>
    %dma_start3A_630 = arith.constant 0 : i32
    %dma_start3A_631 = tpu.memref_slice %arg11[%dma_start3A_626, %dma_start3A_630] : memref<80x128xi32, #tpu.memory_space<vmem>> -> memref<1x128xi32, #tpu.memory_space<vmem>>
    %dma_start3A_632 = tpu.memref_squeeze %dma_start3A_631 : memref<1x128xi32, #tpu.memory_space<vmem>> -> memref<128xi32, #tpu.memory_space<vmem>>
    %dma_start3A_633 = arith.constant 0 : i32
    %dma_start3A_634 = tpu.memref_slice %arg14[%dma_start3A_633] : memref<10240xf32, #tpu.memory_space<vmem_shared>> -> memref<10240xf32, #tpu.memory_space<vmem_shared>>
    tpu.enqueue_indirect_dma source(%dma_start3A_629 : memref<128xf32, #tpu.memory_space<vmem>>) target(%dma_start3A_634 : memref<10240xf32, #tpu.memory_space<vmem_shared>>) offsets(%dma_start3A_632 : memref<128xi32, #tpu.memory_space<vmem>>) semaphore(%arg15 : memref<!tpu.dma_semaphore, #tpu.memory_space<semaphore_mem>>) {add = true}
    %dma_start3A_635 = arith.constant 61 : i32
    %dma_start3A_636 = arith.constant 61 : i32
    %dma_start3A_637 = arith.constant 0 : i32
    %dma_start3A_638 = tpu.memref_slice %arg12[%dma_start3A_635, %dma_start3A_637] : memref<80x128xf32, #tpu.memory_space<vmem>> -> memref<1x128xf32, #tpu.memory_space<vmem>>
    %dma_start3A_639 = tpu.memref_squeeze %dma_start3A_638 : memref<1x128xf32, #tpu.memory_space<vmem>> -> memref<128xf32, #tpu.memory_space<vmem>>
    %dma_start3A_640 = arith.constant 0 : i32
    %dma_start3A_641 = tpu.memref_slice %arg11[%dma_start3A_636, %dma_start3A_640] : memref<80x128xi32, #tpu.memory_space<vmem>> -> memref<1x128xi32, #tpu.memory_space<vmem>>
    %dma_start3A_642 = tpu.memref_squeeze %dma_start3A_641 : memref<1x128xi32, #tpu.memory_space<vmem>> -> memref<128xi32, #tpu.memory_space<vmem>>
    %dma_start3A_643 = arith.constant 0 : i32
    %dma_start3A_644 = tpu.memref_slice %arg14[%dma_start3A_643] : memref<10240xf32, #tpu.memory_space<vmem_shared>> -> memref<10240xf32, #tpu.memory_space<vmem_shared>>
    tpu.enqueue_indirect_dma source(%dma_start3A_639 : memref<128xf32, #tpu.memory_space<vmem>>) target(%dma_start3A_644 : memref<10240xf32, #tpu.memory_space<vmem_shared>>) offsets(%dma_start3A_642 : memref<128xi32, #tpu.memory_space<vmem>>) semaphore(%arg15 : memref<!tpu.dma_semaphore, #tpu.memory_space<semaphore_mem>>) {add = true}
    %dma_start3A_645 = arith.constant 62 : i32
    %dma_start3A_646 = arith.constant 62 : i32
    %dma_start3A_647 = arith.constant 0 : i32
    %dma_start3A_648 = tpu.memref_slice %arg12[%dma_start3A_645, %dma_start3A_647] : memref<80x128xf32, #tpu.memory_space<vmem>> -> memref<1x128xf32, #tpu.memory_space<vmem>>
    %dma_start3A_649 = tpu.memref_squeeze %dma_start3A_648 : memref<1x128xf32, #tpu.memory_space<vmem>> -> memref<128xf32, #tpu.memory_space<vmem>>
    %dma_start3A_650 = arith.constant 0 : i32
    %dma_start3A_651 = tpu.memref_slice %arg11[%dma_start3A_646, %dma_start3A_650] : memref<80x128xi32, #tpu.memory_space<vmem>> -> memref<1x128xi32, #tpu.memory_space<vmem>>
    %dma_start3A_652 = tpu.memref_squeeze %dma_start3A_651 : memref<1x128xi32, #tpu.memory_space<vmem>> -> memref<128xi32, #tpu.memory_space<vmem>>
    %dma_start3A_653 = arith.constant 0 : i32
    %dma_start3A_654 = tpu.memref_slice %arg14[%dma_start3A_653] : memref<10240xf32, #tpu.memory_space<vmem_shared>> -> memref<10240xf32, #tpu.memory_space<vmem_shared>>
    tpu.enqueue_indirect_dma source(%dma_start3A_649 : memref<128xf32, #tpu.memory_space<vmem>>) target(%dma_start3A_654 : memref<10240xf32, #tpu.memory_space<vmem_shared>>) offsets(%dma_start3A_652 : memref<128xi32, #tpu.memory_space<vmem>>) semaphore(%arg15 : memref<!tpu.dma_semaphore, #tpu.memory_space<semaphore_mem>>) {add = true}
    %dma_start3A_655 = arith.constant 63 : i32
    %dma_start3A_656 = arith.constant 63 : i32
    %dma_start3A_657 = arith.constant 0 : i32
    %dma_start3A_658 = tpu.memref_slice %arg12[%dma_start3A_655, %dma_start3A_657] : memref<80x128xf32, #tpu.memory_space<vmem>> -> memref<1x128xf32, #tpu.memory_space<vmem>>
    %dma_start3A_659 = tpu.memref_squeeze %dma_start3A_658 : memref<1x128xf32, #tpu.memory_space<vmem>> -> memref<128xf32, #tpu.memory_space<vmem>>
    %dma_start3A_660 = arith.constant 0 : i32
    %dma_start3A_661 = tpu.memref_slice %arg11[%dma_start3A_656, %dma_start3A_660] : memref<80x128xi32, #tpu.memory_space<vmem>> -> memref<1x128xi32, #tpu.memory_space<vmem>>
    %dma_start3A_662 = tpu.memref_squeeze %dma_start3A_661 : memref<1x128xi32, #tpu.memory_space<vmem>> -> memref<128xi32, #tpu.memory_space<vmem>>
    %dma_start3A_663 = arith.constant 0 : i32
    %dma_start3A_664 = tpu.memref_slice %arg14[%dma_start3A_663] : memref<10240xf32, #tpu.memory_space<vmem_shared>> -> memref<10240xf32, #tpu.memory_space<vmem_shared>>
    tpu.enqueue_indirect_dma source(%dma_start3A_659 : memref<128xf32, #tpu.memory_space<vmem>>) target(%dma_start3A_664 : memref<10240xf32, #tpu.memory_space<vmem_shared>>) offsets(%dma_start3A_662 : memref<128xi32, #tpu.memory_space<vmem>>) semaphore(%arg15 : memref<!tpu.dma_semaphore, #tpu.memory_space<semaphore_mem>>) {add = true}
    %dma_start3A_665 = arith.constant 64 : i32
    %dma_start3A_666 = arith.constant 64 : i32
    %dma_start3A_667 = arith.constant 0 : i32
    %dma_start3A_668 = tpu.memref_slice %arg12[%dma_start3A_665, %dma_start3A_667] : memref<80x128xf32, #tpu.memory_space<vmem>> -> memref<1x128xf32, #tpu.memory_space<vmem>>
    %dma_start3A_669 = tpu.memref_squeeze %dma_start3A_668 : memref<1x128xf32, #tpu.memory_space<vmem>> -> memref<128xf32, #tpu.memory_space<vmem>>
    %dma_start3A_670 = arith.constant 0 : i32
    %dma_start3A_671 = tpu.memref_slice %arg11[%dma_start3A_666, %dma_start3A_670] : memref<80x128xi32, #tpu.memory_space<vmem>> -> memref<1x128xi32, #tpu.memory_space<vmem>>
    %dma_start3A_672 = tpu.memref_squeeze %dma_start3A_671 : memref<1x128xi32, #tpu.memory_space<vmem>> -> memref<128xi32, #tpu.memory_space<vmem>>
    %dma_start3A_673 = arith.constant 0 : i32
    %dma_start3A_674 = tpu.memref_slice %arg14[%dma_start3A_673] : memref<10240xf32, #tpu.memory_space<vmem_shared>> -> memref<10240xf32, #tpu.memory_space<vmem_shared>>
    tpu.enqueue_indirect_dma source(%dma_start3A_669 : memref<128xf32, #tpu.memory_space<vmem>>) target(%dma_start3A_674 : memref<10240xf32, #tpu.memory_space<vmem_shared>>) offsets(%dma_start3A_672 : memref<128xi32, #tpu.memory_space<vmem>>) semaphore(%arg15 : memref<!tpu.dma_semaphore, #tpu.memory_space<semaphore_mem>>) {add = true}
    %dma_start3A_675 = arith.constant 65 : i32
    %dma_start3A_676 = arith.constant 65 : i32
    %dma_start3A_677 = arith.constant 0 : i32
    %dma_start3A_678 = tpu.memref_slice %arg12[%dma_start3A_675, %dma_start3A_677] : memref<80x128xf32, #tpu.memory_space<vmem>> -> memref<1x128xf32, #tpu.memory_space<vmem>>
    %dma_start3A_679 = tpu.memref_squeeze %dma_start3A_678 : memref<1x128xf32, #tpu.memory_space<vmem>> -> memref<128xf32, #tpu.memory_space<vmem>>
    %dma_start3A_680 = arith.constant 0 : i32
    %dma_start3A_681 = tpu.memref_slice %arg11[%dma_start3A_676, %dma_start3A_680] : memref<80x128xi32, #tpu.memory_space<vmem>> -> memref<1x128xi32, #tpu.memory_space<vmem>>
    %dma_start3A_682 = tpu.memref_squeeze %dma_start3A_681 : memref<1x128xi32, #tpu.memory_space<vmem>> -> memref<128xi32, #tpu.memory_space<vmem>>
    %dma_start3A_683 = arith.constant 0 : i32
    %dma_start3A_684 = tpu.memref_slice %arg14[%dma_start3A_683] : memref<10240xf32, #tpu.memory_space<vmem_shared>> -> memref<10240xf32, #tpu.memory_space<vmem_shared>>
    tpu.enqueue_indirect_dma source(%dma_start3A_679 : memref<128xf32, #tpu.memory_space<vmem>>) target(%dma_start3A_684 : memref<10240xf32, #tpu.memory_space<vmem_shared>>) offsets(%dma_start3A_682 : memref<128xi32, #tpu.memory_space<vmem>>) semaphore(%arg15 : memref<!tpu.dma_semaphore, #tpu.memory_space<semaphore_mem>>) {add = true}
    %dma_start3A_685 = arith.constant 66 : i32
    %dma_start3A_686 = arith.constant 66 : i32
    %dma_start3A_687 = arith.constant 0 : i32
    %dma_start3A_688 = tpu.memref_slice %arg12[%dma_start3A_685, %dma_start3A_687] : memref<80x128xf32, #tpu.memory_space<vmem>> -> memref<1x128xf32, #tpu.memory_space<vmem>>
    %dma_start3A_689 = tpu.memref_squeeze %dma_start3A_688 : memref<1x128xf32, #tpu.memory_space<vmem>> -> memref<128xf32, #tpu.memory_space<vmem>>
    %dma_start3A_690 = arith.constant 0 : i32
    %dma_start3A_691 = tpu.memref_slice %arg11[%dma_start3A_686, %dma_start3A_690] : memref<80x128xi32, #tpu.memory_space<vmem>> -> memref<1x128xi32, #tpu.memory_space<vmem>>
    %dma_start3A_692 = tpu.memref_squeeze %dma_start3A_691 : memref<1x128xi32, #tpu.memory_space<vmem>> -> memref<128xi32, #tpu.memory_space<vmem>>
    %dma_start3A_693 = arith.constant 0 : i32
    %dma_start3A_694 = tpu.memref_slice %arg14[%dma_start3A_693] : memref<10240xf32, #tpu.memory_space<vmem_shared>> -> memref<10240xf32, #tpu.memory_space<vmem_shared>>
    tpu.enqueue_indirect_dma source(%dma_start3A_689 : memref<128xf32, #tpu.memory_space<vmem>>) target(%dma_start3A_694 : memref<10240xf32, #tpu.memory_space<vmem_shared>>) offsets(%dma_start3A_692 : memref<128xi32, #tpu.memory_space<vmem>>) semaphore(%arg15 : memref<!tpu.dma_semaphore, #tpu.memory_space<semaphore_mem>>) {add = true}
    %dma_start3A_695 = arith.constant 67 : i32
    %dma_start3A_696 = arith.constant 67 : i32
    %dma_start3A_697 = arith.constant 0 : i32
    %dma_start3A_698 = tpu.memref_slice %arg12[%dma_start3A_695, %dma_start3A_697] : memref<80x128xf32, #tpu.memory_space<vmem>> -> memref<1x128xf32, #tpu.memory_space<vmem>>
    %dma_start3A_699 = tpu.memref_squeeze %dma_start3A_698 : memref<1x128xf32, #tpu.memory_space<vmem>> -> memref<128xf32, #tpu.memory_space<vmem>>
    %dma_start3A_700 = arith.constant 0 : i32
    %dma_start3A_701 = tpu.memref_slice %arg11[%dma_start3A_696, %dma_start3A_700] : memref<80x128xi32, #tpu.memory_space<vmem>> -> memref<1x128xi32, #tpu.memory_space<vmem>>
    %dma_start3A_702 = tpu.memref_squeeze %dma_start3A_701 : memref<1x128xi32, #tpu.memory_space<vmem>> -> memref<128xi32, #tpu.memory_space<vmem>>
    %dma_start3A_703 = arith.constant 0 : i32
    %dma_start3A_704 = tpu.memref_slice %arg14[%dma_start3A_703] : memref<10240xf32, #tpu.memory_space<vmem_shared>> -> memref<10240xf32, #tpu.memory_space<vmem_shared>>
    tpu.enqueue_indirect_dma source(%dma_start3A_699 : memref<128xf32, #tpu.memory_space<vmem>>) target(%dma_start3A_704 : memref<10240xf32, #tpu.memory_space<vmem_shared>>) offsets(%dma_start3A_702 : memref<128xi32, #tpu.memory_space<vmem>>) semaphore(%arg15 : memref<!tpu.dma_semaphore, #tpu.memory_space<semaphore_mem>>) {add = true}
    %dma_start3A_705 = arith.constant 68 : i32
    %dma_start3A_706 = arith.constant 68 : i32
    %dma_start3A_707 = arith.constant 0 : i32
    %dma_start3A_708 = tpu.memref_slice %arg12[%dma_start3A_705, %dma_start3A_707] : memref<80x128xf32, #tpu.memory_space<vmem>> -> memref<1x128xf32, #tpu.memory_space<vmem>>
    %dma_start3A_709 = tpu.memref_squeeze %dma_start3A_708 : memref<1x128xf32, #tpu.memory_space<vmem>> -> memref<128xf32, #tpu.memory_space<vmem>>
    %dma_start3A_710 = arith.constant 0 : i32
    %dma_start3A_711 = tpu.memref_slice %arg11[%dma_start3A_706, %dma_start3A_710] : memref<80x128xi32, #tpu.memory_space<vmem>> -> memref<1x128xi32, #tpu.memory_space<vmem>>
    %dma_start3A_712 = tpu.memref_squeeze %dma_start3A_711 : memref<1x128xi32, #tpu.memory_space<vmem>> -> memref<128xi32, #tpu.memory_space<vmem>>
    %dma_start3A_713 = arith.constant 0 : i32
    %dma_start3A_714 = tpu.memref_slice %arg14[%dma_start3A_713] : memref<10240xf32, #tpu.memory_space<vmem_shared>> -> memref<10240xf32, #tpu.memory_space<vmem_shared>>
    tpu.enqueue_indirect_dma source(%dma_start3A_709 : memref<128xf32, #tpu.memory_space<vmem>>) target(%dma_start3A_714 : memref<10240xf32, #tpu.memory_space<vmem_shared>>) offsets(%dma_start3A_712 : memref<128xi32, #tpu.memory_space<vmem>>) semaphore(%arg15 : memref<!tpu.dma_semaphore, #tpu.memory_space<semaphore_mem>>) {add = true}
    %dma_start3A_715 = arith.constant 69 : i32
    %dma_start3A_716 = arith.constant 69 : i32
    %dma_start3A_717 = arith.constant 0 : i32
    %dma_start3A_718 = tpu.memref_slice %arg12[%dma_start3A_715, %dma_start3A_717] : memref<80x128xf32, #tpu.memory_space<vmem>> -> memref<1x128xf32, #tpu.memory_space<vmem>>
    %dma_start3A_719 = tpu.memref_squeeze %dma_start3A_718 : memref<1x128xf32, #tpu.memory_space<vmem>> -> memref<128xf32, #tpu.memory_space<vmem>>
    %dma_start3A_720 = arith.constant 0 : i32
    %dma_start3A_721 = tpu.memref_slice %arg11[%dma_start3A_716, %dma_start3A_720] : memref<80x128xi32, #tpu.memory_space<vmem>> -> memref<1x128xi32, #tpu.memory_space<vmem>>
    %dma_start3A_722 = tpu.memref_squeeze %dma_start3A_721 : memref<1x128xi32, #tpu.memory_space<vmem>> -> memref<128xi32, #tpu.memory_space<vmem>>
    %dma_start3A_723 = arith.constant 0 : i32
    %dma_start3A_724 = tpu.memref_slice %arg14[%dma_start3A_723] : memref<10240xf32, #tpu.memory_space<vmem_shared>> -> memref<10240xf32, #tpu.memory_space<vmem_shared>>
    tpu.enqueue_indirect_dma source(%dma_start3A_719 : memref<128xf32, #tpu.memory_space<vmem>>) target(%dma_start3A_724 : memref<10240xf32, #tpu.memory_space<vmem_shared>>) offsets(%dma_start3A_722 : memref<128xi32, #tpu.memory_space<vmem>>) semaphore(%arg15 : memref<!tpu.dma_semaphore, #tpu.memory_space<semaphore_mem>>) {add = true}
    %dma_start3A_725 = arith.constant 70 : i32
    %dma_start3A_726 = arith.constant 70 : i32
    %dma_start3A_727 = arith.constant 0 : i32
    %dma_start3A_728 = tpu.memref_slice %arg12[%dma_start3A_725, %dma_start3A_727] : memref<80x128xf32, #tpu.memory_space<vmem>> -> memref<1x128xf32, #tpu.memory_space<vmem>>
    %dma_start3A_729 = tpu.memref_squeeze %dma_start3A_728 : memref<1x128xf32, #tpu.memory_space<vmem>> -> memref<128xf32, #tpu.memory_space<vmem>>
    %dma_start3A_730 = arith.constant 0 : i32
    %dma_start3A_731 = tpu.memref_slice %arg11[%dma_start3A_726, %dma_start3A_730] : memref<80x128xi32, #tpu.memory_space<vmem>> -> memref<1x128xi32, #tpu.memory_space<vmem>>
    %dma_start3A_732 = tpu.memref_squeeze %dma_start3A_731 : memref<1x128xi32, #tpu.memory_space<vmem>> -> memref<128xi32, #tpu.memory_space<vmem>>
    %dma_start3A_733 = arith.constant 0 : i32
    %dma_start3A_734 = tpu.memref_slice %arg14[%dma_start3A_733] : memref<10240xf32, #tpu.memory_space<vmem_shared>> -> memref<10240xf32, #tpu.memory_space<vmem_shared>>
    tpu.enqueue_indirect_dma source(%dma_start3A_729 : memref<128xf32, #tpu.memory_space<vmem>>) target(%dma_start3A_734 : memref<10240xf32, #tpu.memory_space<vmem_shared>>) offsets(%dma_start3A_732 : memref<128xi32, #tpu.memory_space<vmem>>) semaphore(%arg15 : memref<!tpu.dma_semaphore, #tpu.memory_space<semaphore_mem>>) {add = true}
    %dma_start3A_735 = arith.constant 71 : i32
    %dma_start3A_736 = arith.constant 71 : i32
    %dma_start3A_737 = arith.constant 0 : i32
    %dma_start3A_738 = tpu.memref_slice %arg12[%dma_start3A_735, %dma_start3A_737] : memref<80x128xf32, #tpu.memory_space<vmem>> -> memref<1x128xf32, #tpu.memory_space<vmem>>
    %dma_start3A_739 = tpu.memref_squeeze %dma_start3A_738 : memref<1x128xf32, #tpu.memory_space<vmem>> -> memref<128xf32, #tpu.memory_space<vmem>>
    %dma_start3A_740 = arith.constant 0 : i32
    %dma_start3A_741 = tpu.memref_slice %arg11[%dma_start3A_736, %dma_start3A_740] : memref<80x128xi32, #tpu.memory_space<vmem>> -> memref<1x128xi32, #tpu.memory_space<vmem>>
    %dma_start3A_742 = tpu.memref_squeeze %dma_start3A_741 : memref<1x128xi32, #tpu.memory_space<vmem>> -> memref<128xi32, #tpu.memory_space<vmem>>
    %dma_start3A_743 = arith.constant 0 : i32
    %dma_start3A_744 = tpu.memref_slice %arg14[%dma_start3A_743] : memref<10240xf32, #tpu.memory_space<vmem_shared>> -> memref<10240xf32, #tpu.memory_space<vmem_shared>>
    tpu.enqueue_indirect_dma source(%dma_start3A_739 : memref<128xf32, #tpu.memory_space<vmem>>) target(%dma_start3A_744 : memref<10240xf32, #tpu.memory_space<vmem_shared>>) offsets(%dma_start3A_742 : memref<128xi32, #tpu.memory_space<vmem>>) semaphore(%arg15 : memref<!tpu.dma_semaphore, #tpu.memory_space<semaphore_mem>>) {add = true}
    %dma_start3A_745 = arith.constant 72 : i32
    %dma_start3A_746 = arith.constant 72 : i32
    %dma_start3A_747 = arith.constant 0 : i32
    %dma_start3A_748 = tpu.memref_slice %arg12[%dma_start3A_745, %dma_start3A_747] : memref<80x128xf32, #tpu.memory_space<vmem>> -> memref<1x128xf32, #tpu.memory_space<vmem>>
    %dma_start3A_749 = tpu.memref_squeeze %dma_start3A_748 : memref<1x128xf32, #tpu.memory_space<vmem>> -> memref<128xf32, #tpu.memory_space<vmem>>
    %dma_start3A_750 = arith.constant 0 : i32
    %dma_start3A_751 = tpu.memref_slice %arg11[%dma_start3A_746, %dma_start3A_750] : memref<80x128xi32, #tpu.memory_space<vmem>> -> memref<1x128xi32, #tpu.memory_space<vmem>>
    %dma_start3A_752 = tpu.memref_squeeze %dma_start3A_751 : memref<1x128xi32, #tpu.memory_space<vmem>> -> memref<128xi32, #tpu.memory_space<vmem>>
    %dma_start3A_753 = arith.constant 0 : i32
    %dma_start3A_754 = tpu.memref_slice %arg14[%dma_start3A_753] : memref<10240xf32, #tpu.memory_space<vmem_shared>> -> memref<10240xf32, #tpu.memory_space<vmem_shared>>
    tpu.enqueue_indirect_dma source(%dma_start3A_749 : memref<128xf32, #tpu.memory_space<vmem>>) target(%dma_start3A_754 : memref<10240xf32, #tpu.memory_space<vmem_shared>>) offsets(%dma_start3A_752 : memref<128xi32, #tpu.memory_space<vmem>>) semaphore(%arg15 : memref<!tpu.dma_semaphore, #tpu.memory_space<semaphore_mem>>) {add = true}
    %dma_start3A_755 = arith.constant 73 : i32
    %dma_start3A_756 = arith.constant 73 : i32
    %dma_start3A_757 = arith.constant 0 : i32
    %dma_start3A_758 = tpu.memref_slice %arg12[%dma_start3A_755, %dma_start3A_757] : memref<80x128xf32, #tpu.memory_space<vmem>> -> memref<1x128xf32, #tpu.memory_space<vmem>>
    %dma_start3A_759 = tpu.memref_squeeze %dma_start3A_758 : memref<1x128xf32, #tpu.memory_space<vmem>> -> memref<128xf32, #tpu.memory_space<vmem>>
    %dma_start3A_760 = arith.constant 0 : i32
    %dma_start3A_761 = tpu.memref_slice %arg11[%dma_start3A_756, %dma_start3A_760] : memref<80x128xi32, #tpu.memory_space<vmem>> -> memref<1x128xi32, #tpu.memory_space<vmem>>
    %dma_start3A_762 = tpu.memref_squeeze %dma_start3A_761 : memref<1x128xi32, #tpu.memory_space<vmem>> -> memref<128xi32, #tpu.memory_space<vmem>>
    %dma_start3A_763 = arith.constant 0 : i32
    %dma_start3A_764 = tpu.memref_slice %arg14[%dma_start3A_763] : memref<10240xf32, #tpu.memory_space<vmem_shared>> -> memref<10240xf32, #tpu.memory_space<vmem_shared>>
    tpu.enqueue_indirect_dma source(%dma_start3A_759 : memref<128xf32, #tpu.memory_space<vmem>>) target(%dma_start3A_764 : memref<10240xf32, #tpu.memory_space<vmem_shared>>) offsets(%dma_start3A_762 : memref<128xi32, #tpu.memory_space<vmem>>) semaphore(%arg15 : memref<!tpu.dma_semaphore, #tpu.memory_space<semaphore_mem>>) {add = true}
    %dma_start3A_765 = arith.constant 74 : i32
    %dma_start3A_766 = arith.constant 74 : i32
    %dma_start3A_767 = arith.constant 0 : i32
    %dma_start3A_768 = tpu.memref_slice %arg12[%dma_start3A_765, %dma_start3A_767] : memref<80x128xf32, #tpu.memory_space<vmem>> -> memref<1x128xf32, #tpu.memory_space<vmem>>
    %dma_start3A_769 = tpu.memref_squeeze %dma_start3A_768 : memref<1x128xf32, #tpu.memory_space<vmem>> -> memref<128xf32, #tpu.memory_space<vmem>>
    %dma_start3A_770 = arith.constant 0 : i32
    %dma_start3A_771 = tpu.memref_slice %arg11[%dma_start3A_766, %dma_start3A_770] : memref<80x128xi32, #tpu.memory_space<vmem>> -> memref<1x128xi32, #tpu.memory_space<vmem>>
    %dma_start3A_772 = tpu.memref_squeeze %dma_start3A_771 : memref<1x128xi32, #tpu.memory_space<vmem>> -> memref<128xi32, #tpu.memory_space<vmem>>
    %dma_start3A_773 = arith.constant 0 : i32
    %dma_start3A_774 = tpu.memref_slice %arg14[%dma_start3A_773] : memref<10240xf32, #tpu.memory_space<vmem_shared>> -> memref<10240xf32, #tpu.memory_space<vmem_shared>>
    tpu.enqueue_indirect_dma source(%dma_start3A_769 : memref<128xf32, #tpu.memory_space<vmem>>) target(%dma_start3A_774 : memref<10240xf32, #tpu.memory_space<vmem_shared>>) offsets(%dma_start3A_772 : memref<128xi32, #tpu.memory_space<vmem>>) semaphore(%arg15 : memref<!tpu.dma_semaphore, #tpu.memory_space<semaphore_mem>>) {add = true}
    %dma_start3A_775 = arith.constant 75 : i32
    %dma_start3A_776 = arith.constant 75 : i32
    %dma_start3A_777 = arith.constant 0 : i32
    %dma_start3A_778 = tpu.memref_slice %arg12[%dma_start3A_775, %dma_start3A_777] : memref<80x128xf32, #tpu.memory_space<vmem>> -> memref<1x128xf32, #tpu.memory_space<vmem>>
    %dma_start3A_779 = tpu.memref_squeeze %dma_start3A_778 : memref<1x128xf32, #tpu.memory_space<vmem>> -> memref<128xf32, #tpu.memory_space<vmem>>
    %dma_start3A_780 = arith.constant 0 : i32
    %dma_start3A_781 = tpu.memref_slice %arg11[%dma_start3A_776, %dma_start3A_780] : memref<80x128xi32, #tpu.memory_space<vmem>> -> memref<1x128xi32, #tpu.memory_space<vmem>>
    %dma_start3A_782 = tpu.memref_squeeze %dma_start3A_781 : memref<1x128xi32, #tpu.memory_space<vmem>> -> memref<128xi32, #tpu.memory_space<vmem>>
    %dma_start3A_783 = arith.constant 0 : i32
    %dma_start3A_784 = tpu.memref_slice %arg14[%dma_start3A_783] : memref<10240xf32, #tpu.memory_space<vmem_shared>> -> memref<10240xf32, #tpu.memory_space<vmem_shared>>
    tpu.enqueue_indirect_dma source(%dma_start3A_779 : memref<128xf32, #tpu.memory_space<vmem>>) target(%dma_start3A_784 : memref<10240xf32, #tpu.memory_space<vmem_shared>>) offsets(%dma_start3A_782 : memref<128xi32, #tpu.memory_space<vmem>>) semaphore(%arg15 : memref<!tpu.dma_semaphore, #tpu.memory_space<semaphore_mem>>) {add = true}
    %dma_start3A_785 = arith.constant 76 : i32
    %dma_start3A_786 = arith.constant 76 : i32
    %dma_start3A_787 = arith.constant 0 : i32
    %dma_start3A_788 = tpu.memref_slice %arg12[%dma_start3A_785, %dma_start3A_787] : memref<80x128xf32, #tpu.memory_space<vmem>> -> memref<1x128xf32, #tpu.memory_space<vmem>>
    %dma_start3A_789 = tpu.memref_squeeze %dma_start3A_788 : memref<1x128xf32, #tpu.memory_space<vmem>> -> memref<128xf32, #tpu.memory_space<vmem>>
    %dma_start3A_790 = arith.constant 0 : i32
    %dma_start3A_791 = tpu.memref_slice %arg11[%dma_start3A_786, %dma_start3A_790] : memref<80x128xi32, #tpu.memory_space<vmem>> -> memref<1x128xi32, #tpu.memory_space<vmem>>
    %dma_start3A_792 = tpu.memref_squeeze %dma_start3A_791 : memref<1x128xi32, #tpu.memory_space<vmem>> -> memref<128xi32, #tpu.memory_space<vmem>>
    %dma_start3A_793 = arith.constant 0 : i32
    %dma_start3A_794 = tpu.memref_slice %arg14[%dma_start3A_793] : memref<10240xf32, #tpu.memory_space<vmem_shared>> -> memref<10240xf32, #tpu.memory_space<vmem_shared>>
    tpu.enqueue_indirect_dma source(%dma_start3A_789 : memref<128xf32, #tpu.memory_space<vmem>>) target(%dma_start3A_794 : memref<10240xf32, #tpu.memory_space<vmem_shared>>) offsets(%dma_start3A_792 : memref<128xi32, #tpu.memory_space<vmem>>) semaphore(%arg15 : memref<!tpu.dma_semaphore, #tpu.memory_space<semaphore_mem>>) {add = true}
    %dma_start3A_795 = arith.constant 77 : i32
    %dma_start3A_796 = arith.constant 77 : i32
    %dma_start3A_797 = arith.constant 0 : i32
    %dma_start3A_798 = tpu.memref_slice %arg12[%dma_start3A_795, %dma_start3A_797] : memref<80x128xf32, #tpu.memory_space<vmem>> -> memref<1x128xf32, #tpu.memory_space<vmem>>
    %dma_start3A_799 = tpu.memref_squeeze %dma_start3A_798 : memref<1x128xf32, #tpu.memory_space<vmem>> -> memref<128xf32, #tpu.memory_space<vmem>>
    %dma_start3A_800 = arith.constant 0 : i32
    %dma_start3A_801 = tpu.memref_slice %arg11[%dma_start3A_796, %dma_start3A_800] : memref<80x128xi32, #tpu.memory_space<vmem>> -> memref<1x128xi32, #tpu.memory_space<vmem>>
    %dma_start3A_802 = tpu.memref_squeeze %dma_start3A_801 : memref<1x128xi32, #tpu.memory_space<vmem>> -> memref<128xi32, #tpu.memory_space<vmem>>
    %dma_start3A_803 = arith.constant 0 : i32
    %dma_start3A_804 = tpu.memref_slice %arg14[%dma_start3A_803] : memref<10240xf32, #tpu.memory_space<vmem_shared>> -> memref<10240xf32, #tpu.memory_space<vmem_shared>>
    tpu.enqueue_indirect_dma source(%dma_start3A_799 : memref<128xf32, #tpu.memory_space<vmem>>) target(%dma_start3A_804 : memref<10240xf32, #tpu.memory_space<vmem_shared>>) offsets(%dma_start3A_802 : memref<128xi32, #tpu.memory_space<vmem>>) semaphore(%arg15 : memref<!tpu.dma_semaphore, #tpu.memory_space<semaphore_mem>>) {add = true}
    %dma_start3A_805 = arith.constant 78 : i32
    %dma_start3A_806 = arith.constant 78 : i32
    %dma_start3A_807 = arith.constant 0 : i32
    %dma_start3A_808 = tpu.memref_slice %arg12[%dma_start3A_805, %dma_start3A_807] : memref<80x128xf32, #tpu.memory_space<vmem>> -> memref<1x128xf32, #tpu.memory_space<vmem>>
    %dma_start3A_809 = tpu.memref_squeeze %dma_start3A_808 : memref<1x128xf32, #tpu.memory_space<vmem>> -> memref<128xf32, #tpu.memory_space<vmem>>
    %dma_start3A_810 = arith.constant 0 : i32
    %dma_start3A_811 = tpu.memref_slice %arg11[%dma_start3A_806, %dma_start3A_810] : memref<80x128xi32, #tpu.memory_space<vmem>> -> memref<1x128xi32, #tpu.memory_space<vmem>>
    %dma_start3A_812 = tpu.memref_squeeze %dma_start3A_811 : memref<1x128xi32, #tpu.memory_space<vmem>> -> memref<128xi32, #tpu.memory_space<vmem>>
    %dma_start3A_813 = arith.constant 0 : i32
    %dma_start3A_814 = tpu.memref_slice %arg14[%dma_start3A_813] : memref<10240xf32, #tpu.memory_space<vmem_shared>> -> memref<10240xf32, #tpu.memory_space<vmem_shared>>
    tpu.enqueue_indirect_dma source(%dma_start3A_809 : memref<128xf32, #tpu.memory_space<vmem>>) target(%dma_start3A_814 : memref<10240xf32, #tpu.memory_space<vmem_shared>>) offsets(%dma_start3A_812 : memref<128xi32, #tpu.memory_space<vmem>>) semaphore(%arg15 : memref<!tpu.dma_semaphore, #tpu.memory_space<semaphore_mem>>) {add = true}
    %dma_start3A_815 = arith.constant 79 : i32
    %dma_start3A_816 = arith.constant 79 : i32
    %dma_start3A_817 = arith.constant 0 : i32
    %dma_start3A_818 = tpu.memref_slice %arg12[%dma_start3A_815, %dma_start3A_817] : memref<80x128xf32, #tpu.memory_space<vmem>> -> memref<1x128xf32, #tpu.memory_space<vmem>>
    %dma_start3A_819 = tpu.memref_squeeze %dma_start3A_818 : memref<1x128xf32, #tpu.memory_space<vmem>> -> memref<128xf32, #tpu.memory_space<vmem>>
    %dma_start3A_820 = arith.constant 0 : i32
    %dma_start3A_821 = tpu.memref_slice %arg11[%dma_start3A_816, %dma_start3A_820] : memref<80x128xi32, #tpu.memory_space<vmem>> -> memref<1x128xi32, #tpu.memory_space<vmem>>
    %dma_start3A_822 = tpu.memref_squeeze %dma_start3A_821 : memref<1x128xi32, #tpu.memory_space<vmem>> -> memref<128xi32, #tpu.memory_space<vmem>>
    %dma_start3A_823 = arith.constant 0 : i32
    %dma_start3A_824 = tpu.memref_slice %arg14[%dma_start3A_823] : memref<10240xf32, #tpu.memory_space<vmem_shared>> -> memref<10240xf32, #tpu.memory_space<vmem_shared>>
    tpu.enqueue_indirect_dma source(%dma_start3A_819 : memref<128xf32, #tpu.memory_space<vmem>>) target(%dma_start3A_824 : memref<10240xf32, #tpu.memory_space<vmem_shared>>) offsets(%dma_start3A_822 : memref<128xi32, #tpu.memory_space<vmem>>) semaphore(%arg15 : memref<!tpu.dma_semaphore, #tpu.memory_space<semaphore_mem>>) {add = true}
    %dma_wait3A = arith.constant 0 : i32
    %dma_wait3A_825 = arith.constant 0 : i32
    %dma_wait3A_826 = arith.constant 0 : i32
    %dma_wait3A_827 = tpu.memref_slice %arg12[%dma_wait3A, %dma_wait3A_826] : memref<80x128xf32, #tpu.memory_space<vmem>> -> memref<1x128xf32, #tpu.memory_space<vmem>>
    %dma_wait3A_828 = tpu.memref_squeeze %dma_wait3A_827 : memref<1x128xf32, #tpu.memory_space<vmem>> -> memref<128xf32, #tpu.memory_space<vmem>>
    %dma_wait3A_829 = arith.constant 0 : i32
    %dma_wait3A_830 = tpu.memref_slice %arg11[%dma_wait3A_825, %dma_wait3A_829] : memref<80x128xi32, #tpu.memory_space<vmem>> -> memref<1x128xi32, #tpu.memory_space<vmem>>
    %dma_wait3A_831 = tpu.memref_squeeze %dma_wait3A_830 : memref<1x128xi32, #tpu.memory_space<vmem>> -> memref<128xi32, #tpu.memory_space<vmem>>
    %dma_wait3A_832 = arith.constant 0 : i32
    %dma_wait3A_833 = tpu.memref_slice %arg14[%dma_wait3A_832] : memref<10240xf32, #tpu.memory_space<vmem_shared>> -> memref<10240xf32, #tpu.memory_space<vmem_shared>>
    tpu.wait_indirect_dma semaphore(%arg15 : memref<!tpu.dma_semaphore, #tpu.memory_space<semaphore_mem>>) src(%dma_wait3A_828 : memref<128xf32, #tpu.memory_space<vmem>>) dst(%dma_wait3A_833 : memref<10240xf32, #tpu.memory_space<vmem_shared>>)
    %dma_wait3A_834 = arith.constant 1 : i32
    %dma_wait3A_835 = arith.constant 1 : i32
    %dma_wait3A_836 = arith.constant 0 : i32
    %dma_wait3A_837 = tpu.memref_slice %arg12[%dma_wait3A_834, %dma_wait3A_836] : memref<80x128xf32, #tpu.memory_space<vmem>> -> memref<1x128xf32, #tpu.memory_space<vmem>>
    %dma_wait3A_838 = tpu.memref_squeeze %dma_wait3A_837 : memref<1x128xf32, #tpu.memory_space<vmem>> -> memref<128xf32, #tpu.memory_space<vmem>>
    %dma_wait3A_839 = arith.constant 0 : i32
    %dma_wait3A_840 = tpu.memref_slice %arg11[%dma_wait3A_835, %dma_wait3A_839] : memref<80x128xi32, #tpu.memory_space<vmem>> -> memref<1x128xi32, #tpu.memory_space<vmem>>
    %dma_wait3A_841 = tpu.memref_squeeze %dma_wait3A_840 : memref<1x128xi32, #tpu.memory_space<vmem>> -> memref<128xi32, #tpu.memory_space<vmem>>
    %dma_wait3A_842 = arith.constant 0 : i32
    %dma_wait3A_843 = tpu.memref_slice %arg14[%dma_wait3A_842] : memref<10240xf32, #tpu.memory_space<vmem_shared>> -> memref<10240xf32, #tpu.memory_space<vmem_shared>>
    tpu.wait_indirect_dma semaphore(%arg15 : memref<!tpu.dma_semaphore, #tpu.memory_space<semaphore_mem>>) src(%dma_wait3A_838 : memref<128xf32, #tpu.memory_space<vmem>>) dst(%dma_wait3A_843 : memref<10240xf32, #tpu.memory_space<vmem_shared>>)
    %dma_wait3A_844 = arith.constant 2 : i32
    %dma_wait3A_845 = arith.constant 2 : i32
    %dma_wait3A_846 = arith.constant 0 : i32
    %dma_wait3A_847 = tpu.memref_slice %arg12[%dma_wait3A_844, %dma_wait3A_846] : memref<80x128xf32, #tpu.memory_space<vmem>> -> memref<1x128xf32, #tpu.memory_space<vmem>>
    %dma_wait3A_848 = tpu.memref_squeeze %dma_wait3A_847 : memref<1x128xf32, #tpu.memory_space<vmem>> -> memref<128xf32, #tpu.memory_space<vmem>>
    %dma_wait3A_849 = arith.constant 0 : i32
    %dma_wait3A_850 = tpu.memref_slice %arg11[%dma_wait3A_845, %dma_wait3A_849] : memref<80x128xi32, #tpu.memory_space<vmem>> -> memref<1x128xi32, #tpu.memory_space<vmem>>
    %dma_wait3A_851 = tpu.memref_squeeze %dma_wait3A_850 : memref<1x128xi32, #tpu.memory_space<vmem>> -> memref<128xi32, #tpu.memory_space<vmem>>
    %dma_wait3A_852 = arith.constant 0 : i32
    %dma_wait3A_853 = tpu.memref_slice %arg14[%dma_wait3A_852] : memref<10240xf32, #tpu.memory_space<vmem_shared>> -> memref<10240xf32, #tpu.memory_space<vmem_shared>>
    tpu.wait_indirect_dma semaphore(%arg15 : memref<!tpu.dma_semaphore, #tpu.memory_space<semaphore_mem>>) src(%dma_wait3A_848 : memref<128xf32, #tpu.memory_space<vmem>>) dst(%dma_wait3A_853 : memref<10240xf32, #tpu.memory_space<vmem_shared>>)
    %dma_wait3A_854 = arith.constant 3 : i32
    %dma_wait3A_855 = arith.constant 3 : i32
    %dma_wait3A_856 = arith.constant 0 : i32
    %dma_wait3A_857 = tpu.memref_slice %arg12[%dma_wait3A_854, %dma_wait3A_856] : memref<80x128xf32, #tpu.memory_space<vmem>> -> memref<1x128xf32, #tpu.memory_space<vmem>>
    %dma_wait3A_858 = tpu.memref_squeeze %dma_wait3A_857 : memref<1x128xf32, #tpu.memory_space<vmem>> -> memref<128xf32, #tpu.memory_space<vmem>>
    %dma_wait3A_859 = arith.constant 0 : i32
    %dma_wait3A_860 = tpu.memref_slice %arg11[%dma_wait3A_855, %dma_wait3A_859] : memref<80x128xi32, #tpu.memory_space<vmem>> -> memref<1x128xi32, #tpu.memory_space<vmem>>
    %dma_wait3A_861 = tpu.memref_squeeze %dma_wait3A_860 : memref<1x128xi32, #tpu.memory_space<vmem>> -> memref<128xi32, #tpu.memory_space<vmem>>
    %dma_wait3A_862 = arith.constant 0 : i32
    %dma_wait3A_863 = tpu.memref_slice %arg14[%dma_wait3A_862] : memref<10240xf32, #tpu.memory_space<vmem_shared>> -> memref<10240xf32, #tpu.memory_space<vmem_shared>>
    tpu.wait_indirect_dma semaphore(%arg15 : memref<!tpu.dma_semaphore, #tpu.memory_space<semaphore_mem>>) src(%dma_wait3A_858 : memref<128xf32, #tpu.memory_space<vmem>>) dst(%dma_wait3A_863 : memref<10240xf32, #tpu.memory_space<vmem_shared>>)
    %dma_wait3A_864 = arith.constant 4 : i32
    %dma_wait3A_865 = arith.constant 4 : i32
    %dma_wait3A_866 = arith.constant 0 : i32
    %dma_wait3A_867 = tpu.memref_slice %arg12[%dma_wait3A_864, %dma_wait3A_866] : memref<80x128xf32, #tpu.memory_space<vmem>> -> memref<1x128xf32, #tpu.memory_space<vmem>>
    %dma_wait3A_868 = tpu.memref_squeeze %dma_wait3A_867 : memref<1x128xf32, #tpu.memory_space<vmem>> -> memref<128xf32, #tpu.memory_space<vmem>>
    %dma_wait3A_869 = arith.constant 0 : i32
    %dma_wait3A_870 = tpu.memref_slice %arg11[%dma_wait3A_865, %dma_wait3A_869] : memref<80x128xi32, #tpu.memory_space<vmem>> -> memref<1x128xi32, #tpu.memory_space<vmem>>
    %dma_wait3A_871 = tpu.memref_squeeze %dma_wait3A_870 : memref<1x128xi32, #tpu.memory_space<vmem>> -> memref<128xi32, #tpu.memory_space<vmem>>
    %dma_wait3A_872 = arith.constant 0 : i32
    %dma_wait3A_873 = tpu.memref_slice %arg14[%dma_wait3A_872] : memref<10240xf32, #tpu.memory_space<vmem_shared>> -> memref<10240xf32, #tpu.memory_space<vmem_shared>>
    tpu.wait_indirect_dma semaphore(%arg15 : memref<!tpu.dma_semaphore, #tpu.memory_space<semaphore_mem>>) src(%dma_wait3A_868 : memref<128xf32, #tpu.memory_space<vmem>>) dst(%dma_wait3A_873 : memref<10240xf32, #tpu.memory_space<vmem_shared>>)
    %dma_wait3A_874 = arith.constant 5 : i32
    %dma_wait3A_875 = arith.constant 5 : i32
    %dma_wait3A_876 = arith.constant 0 : i32
    %dma_wait3A_877 = tpu.memref_slice %arg12[%dma_wait3A_874, %dma_wait3A_876] : memref<80x128xf32, #tpu.memory_space<vmem>> -> memref<1x128xf32, #tpu.memory_space<vmem>>
    %dma_wait3A_878 = tpu.memref_squeeze %dma_wait3A_877 : memref<1x128xf32, #tpu.memory_space<vmem>> -> memref<128xf32, #tpu.memory_space<vmem>>
    %dma_wait3A_879 = arith.constant 0 : i32
    %dma_wait3A_880 = tpu.memref_slice %arg11[%dma_wait3A_875, %dma_wait3A_879] : memref<80x128xi32, #tpu.memory_space<vmem>> -> memref<1x128xi32, #tpu.memory_space<vmem>>
    %dma_wait3A_881 = tpu.memref_squeeze %dma_wait3A_880 : memref<1x128xi32, #tpu.memory_space<vmem>> -> memref<128xi32, #tpu.memory_space<vmem>>
    %dma_wait3A_882 = arith.constant 0 : i32
    %dma_wait3A_883 = tpu.memref_slice %arg14[%dma_wait3A_882] : memref<10240xf32, #tpu.memory_space<vmem_shared>> -> memref<10240xf32, #tpu.memory_space<vmem_shared>>
    tpu.wait_indirect_dma semaphore(%arg15 : memref<!tpu.dma_semaphore, #tpu.memory_space<semaphore_mem>>) src(%dma_wait3A_878 : memref<128xf32, #tpu.memory_space<vmem>>) dst(%dma_wait3A_883 : memref<10240xf32, #tpu.memory_space<vmem_shared>>)
    %dma_wait3A_884 = arith.constant 6 : i32
    %dma_wait3A_885 = arith.constant 6 : i32
    %dma_wait3A_886 = arith.constant 0 : i32
    %dma_wait3A_887 = tpu.memref_slice %arg12[%dma_wait3A_884, %dma_wait3A_886] : memref<80x128xf32, #tpu.memory_space<vmem>> -> memref<1x128xf32, #tpu.memory_space<vmem>>
    %dma_wait3A_888 = tpu.memref_squeeze %dma_wait3A_887 : memref<1x128xf32, #tpu.memory_space<vmem>> -> memref<128xf32, #tpu.memory_space<vmem>>
    %dma_wait3A_889 = arith.constant 0 : i32
    %dma_wait3A_890 = tpu.memref_slice %arg11[%dma_wait3A_885, %dma_wait3A_889] : memref<80x128xi32, #tpu.memory_space<vmem>> -> memref<1x128xi32, #tpu.memory_space<vmem>>
    %dma_wait3A_891 = tpu.memref_squeeze %dma_wait3A_890 : memref<1x128xi32, #tpu.memory_space<vmem>> -> memref<128xi32, #tpu.memory_space<vmem>>
    %dma_wait3A_892 = arith.constant 0 : i32
    %dma_wait3A_893 = tpu.memref_slice %arg14[%dma_wait3A_892] : memref<10240xf32, #tpu.memory_space<vmem_shared>> -> memref<10240xf32, #tpu.memory_space<vmem_shared>>
    tpu.wait_indirect_dma semaphore(%arg15 : memref<!tpu.dma_semaphore, #tpu.memory_space<semaphore_mem>>) src(%dma_wait3A_888 : memref<128xf32, #tpu.memory_space<vmem>>) dst(%dma_wait3A_893 : memref<10240xf32, #tpu.memory_space<vmem_shared>>)
    %dma_wait3A_894 = arith.constant 7 : i32
    %dma_wait3A_895 = arith.constant 7 : i32
    %dma_wait3A_896 = arith.constant 0 : i32
    %dma_wait3A_897 = tpu.memref_slice %arg12[%dma_wait3A_894, %dma_wait3A_896] : memref<80x128xf32, #tpu.memory_space<vmem>> -> memref<1x128xf32, #tpu.memory_space<vmem>>
    %dma_wait3A_898 = tpu.memref_squeeze %dma_wait3A_897 : memref<1x128xf32, #tpu.memory_space<vmem>> -> memref<128xf32, #tpu.memory_space<vmem>>
    %dma_wait3A_899 = arith.constant 0 : i32
    %dma_wait3A_900 = tpu.memref_slice %arg11[%dma_wait3A_895, %dma_wait3A_899] : memref<80x128xi32, #tpu.memory_space<vmem>> -> memref<1x128xi32, #tpu.memory_space<vmem>>
    %dma_wait3A_901 = tpu.memref_squeeze %dma_wait3A_900 : memref<1x128xi32, #tpu.memory_space<vmem>> -> memref<128xi32, #tpu.memory_space<vmem>>
    %dma_wait3A_902 = arith.constant 0 : i32
    %dma_wait3A_903 = tpu.memref_slice %arg14[%dma_wait3A_902] : memref<10240xf32, #tpu.memory_space<vmem_shared>> -> memref<10240xf32, #tpu.memory_space<vmem_shared>>
    tpu.wait_indirect_dma semaphore(%arg15 : memref<!tpu.dma_semaphore, #tpu.memory_space<semaphore_mem>>) src(%dma_wait3A_898 : memref<128xf32, #tpu.memory_space<vmem>>) dst(%dma_wait3A_903 : memref<10240xf32, #tpu.memory_space<vmem_shared>>)
    %dma_wait3A_904 = arith.constant 8 : i32
    %dma_wait3A_905 = arith.constant 8 : i32
    %dma_wait3A_906 = arith.constant 0 : i32
    %dma_wait3A_907 = tpu.memref_slice %arg12[%dma_wait3A_904, %dma_wait3A_906] : memref<80x128xf32, #tpu.memory_space<vmem>> -> memref<1x128xf32, #tpu.memory_space<vmem>>
    %dma_wait3A_908 = tpu.memref_squeeze %dma_wait3A_907 : memref<1x128xf32, #tpu.memory_space<vmem>> -> memref<128xf32, #tpu.memory_space<vmem>>
    %dma_wait3A_909 = arith.constant 0 : i32
    %dma_wait3A_910 = tpu.memref_slice %arg11[%dma_wait3A_905, %dma_wait3A_909] : memref<80x128xi32, #tpu.memory_space<vmem>> -> memref<1x128xi32, #tpu.memory_space<vmem>>
    %dma_wait3A_911 = tpu.memref_squeeze %dma_wait3A_910 : memref<1x128xi32, #tpu.memory_space<vmem>> -> memref<128xi32, #tpu.memory_space<vmem>>
    %dma_wait3A_912 = arith.constant 0 : i32
    %dma_wait3A_913 = tpu.memref_slice %arg14[%dma_wait3A_912] : memref<10240xf32, #tpu.memory_space<vmem_shared>> -> memref<10240xf32, #tpu.memory_space<vmem_shared>>
    tpu.wait_indirect_dma semaphore(%arg15 : memref<!tpu.dma_semaphore, #tpu.memory_space<semaphore_mem>>) src(%dma_wait3A_908 : memref<128xf32, #tpu.memory_space<vmem>>) dst(%dma_wait3A_913 : memref<10240xf32, #tpu.memory_space<vmem_shared>>)
    %dma_wait3A_914 = arith.constant 9 : i32
    %dma_wait3A_915 = arith.constant 9 : i32
    %dma_wait3A_916 = arith.constant 0 : i32
    %dma_wait3A_917 = tpu.memref_slice %arg12[%dma_wait3A_914, %dma_wait3A_916] : memref<80x128xf32, #tpu.memory_space<vmem>> -> memref<1x128xf32, #tpu.memory_space<vmem>>
    %dma_wait3A_918 = tpu.memref_squeeze %dma_wait3A_917 : memref<1x128xf32, #tpu.memory_space<vmem>> -> memref<128xf32, #tpu.memory_space<vmem>>
    %dma_wait3A_919 = arith.constant 0 : i32
    %dma_wait3A_920 = tpu.memref_slice %arg11[%dma_wait3A_915, %dma_wait3A_919] : memref<80x128xi32, #tpu.memory_space<vmem>> -> memref<1x128xi32, #tpu.memory_space<vmem>>
    %dma_wait3A_921 = tpu.memref_squeeze %dma_wait3A_920 : memref<1x128xi32, #tpu.memory_space<vmem>> -> memref<128xi32, #tpu.memory_space<vmem>>
    %dma_wait3A_922 = arith.constant 0 : i32
    %dma_wait3A_923 = tpu.memref_slice %arg14[%dma_wait3A_922] : memref<10240xf32, #tpu.memory_space<vmem_shared>> -> memref<10240xf32, #tpu.memory_space<vmem_shared>>
    tpu.wait_indirect_dma semaphore(%arg15 : memref<!tpu.dma_semaphore, #tpu.memory_space<semaphore_mem>>) src(%dma_wait3A_918 : memref<128xf32, #tpu.memory_space<vmem>>) dst(%dma_wait3A_923 : memref<10240xf32, #tpu.memory_space<vmem_shared>>)
    %dma_wait3A_924 = arith.constant 10 : i32
    %dma_wait3A_925 = arith.constant 10 : i32
    %dma_wait3A_926 = arith.constant 0 : i32
    %dma_wait3A_927 = tpu.memref_slice %arg12[%dma_wait3A_924, %dma_wait3A_926] : memref<80x128xf32, #tpu.memory_space<vmem>> -> memref<1x128xf32, #tpu.memory_space<vmem>>
    %dma_wait3A_928 = tpu.memref_squeeze %dma_wait3A_927 : memref<1x128xf32, #tpu.memory_space<vmem>> -> memref<128xf32, #tpu.memory_space<vmem>>
    %dma_wait3A_929 = arith.constant 0 : i32
    %dma_wait3A_930 = tpu.memref_slice %arg11[%dma_wait3A_925, %dma_wait3A_929] : memref<80x128xi32, #tpu.memory_space<vmem>> -> memref<1x128xi32, #tpu.memory_space<vmem>>
    %dma_wait3A_931 = tpu.memref_squeeze %dma_wait3A_930 : memref<1x128xi32, #tpu.memory_space<vmem>> -> memref<128xi32, #tpu.memory_space<vmem>>
    %dma_wait3A_932 = arith.constant 0 : i32
    %dma_wait3A_933 = tpu.memref_slice %arg14[%dma_wait3A_932] : memref<10240xf32, #tpu.memory_space<vmem_shared>> -> memref<10240xf32, #tpu.memory_space<vmem_shared>>
    tpu.wait_indirect_dma semaphore(%arg15 : memref<!tpu.dma_semaphore, #tpu.memory_space<semaphore_mem>>) src(%dma_wait3A_928 : memref<128xf32, #tpu.memory_space<vmem>>) dst(%dma_wait3A_933 : memref<10240xf32, #tpu.memory_space<vmem_shared>>)
    %dma_wait3A_934 = arith.constant 11 : i32
    %dma_wait3A_935 = arith.constant 11 : i32
    %dma_wait3A_936 = arith.constant 0 : i32
    %dma_wait3A_937 = tpu.memref_slice %arg12[%dma_wait3A_934, %dma_wait3A_936] : memref<80x128xf32, #tpu.memory_space<vmem>> -> memref<1x128xf32, #tpu.memory_space<vmem>>
    %dma_wait3A_938 = tpu.memref_squeeze %dma_wait3A_937 : memref<1x128xf32, #tpu.memory_space<vmem>> -> memref<128xf32, #tpu.memory_space<vmem>>
    %dma_wait3A_939 = arith.constant 0 : i32
    %dma_wait3A_940 = tpu.memref_slice %arg11[%dma_wait3A_935, %dma_wait3A_939] : memref<80x128xi32, #tpu.memory_space<vmem>> -> memref<1x128xi32, #tpu.memory_space<vmem>>
    %dma_wait3A_941 = tpu.memref_squeeze %dma_wait3A_940 : memref<1x128xi32, #tpu.memory_space<vmem>> -> memref<128xi32, #tpu.memory_space<vmem>>
    %dma_wait3A_942 = arith.constant 0 : i32
    %dma_wait3A_943 = tpu.memref_slice %arg14[%dma_wait3A_942] : memref<10240xf32, #tpu.memory_space<vmem_shared>> -> memref<10240xf32, #tpu.memory_space<vmem_shared>>
    tpu.wait_indirect_dma semaphore(%arg15 : memref<!tpu.dma_semaphore, #tpu.memory_space<semaphore_mem>>) src(%dma_wait3A_938 : memref<128xf32, #tpu.memory_space<vmem>>) dst(%dma_wait3A_943 : memref<10240xf32, #tpu.memory_space<vmem_shared>>)
    %dma_wait3A_944 = arith.constant 12 : i32
    %dma_wait3A_945 = arith.constant 12 : i32
    %dma_wait3A_946 = arith.constant 0 : i32
    %dma_wait3A_947 = tpu.memref_slice %arg12[%dma_wait3A_944, %dma_wait3A_946] : memref<80x128xf32, #tpu.memory_space<vmem>> -> memref<1x128xf32, #tpu.memory_space<vmem>>
    %dma_wait3A_948 = tpu.memref_squeeze %dma_wait3A_947 : memref<1x128xf32, #tpu.memory_space<vmem>> -> memref<128xf32, #tpu.memory_space<vmem>>
    %dma_wait3A_949 = arith.constant 0 : i32
    %dma_wait3A_950 = tpu.memref_slice %arg11[%dma_wait3A_945, %dma_wait3A_949] : memref<80x128xi32, #tpu.memory_space<vmem>> -> memref<1x128xi32, #tpu.memory_space<vmem>>
    %dma_wait3A_951 = tpu.memref_squeeze %dma_wait3A_950 : memref<1x128xi32, #tpu.memory_space<vmem>> -> memref<128xi32, #tpu.memory_space<vmem>>
    %dma_wait3A_952 = arith.constant 0 : i32
    %dma_wait3A_953 = tpu.memref_slice %arg14[%dma_wait3A_952] : memref<10240xf32, #tpu.memory_space<vmem_shared>> -> memref<10240xf32, #tpu.memory_space<vmem_shared>>
    tpu.wait_indirect_dma semaphore(%arg15 : memref<!tpu.dma_semaphore, #tpu.memory_space<semaphore_mem>>) src(%dma_wait3A_948 : memref<128xf32, #tpu.memory_space<vmem>>) dst(%dma_wait3A_953 : memref<10240xf32, #tpu.memory_space<vmem_shared>>)
    %dma_wait3A_954 = arith.constant 13 : i32
    %dma_wait3A_955 = arith.constant 13 : i32
    %dma_wait3A_956 = arith.constant 0 : i32
    %dma_wait3A_957 = tpu.memref_slice %arg12[%dma_wait3A_954, %dma_wait3A_956] : memref<80x128xf32, #tpu.memory_space<vmem>> -> memref<1x128xf32, #tpu.memory_space<vmem>>
    %dma_wait3A_958 = tpu.memref_squeeze %dma_wait3A_957 : memref<1x128xf32, #tpu.memory_space<vmem>> -> memref<128xf32, #tpu.memory_space<vmem>>
    %dma_wait3A_959 = arith.constant 0 : i32
    %dma_wait3A_960 = tpu.memref_slice %arg11[%dma_wait3A_955, %dma_wait3A_959] : memref<80x128xi32, #tpu.memory_space<vmem>> -> memref<1x128xi32, #tpu.memory_space<vmem>>
    %dma_wait3A_961 = tpu.memref_squeeze %dma_wait3A_960 : memref<1x128xi32, #tpu.memory_space<vmem>> -> memref<128xi32, #tpu.memory_space<vmem>>
    %dma_wait3A_962 = arith.constant 0 : i32
    %dma_wait3A_963 = tpu.memref_slice %arg14[%dma_wait3A_962] : memref<10240xf32, #tpu.memory_space<vmem_shared>> -> memref<10240xf32, #tpu.memory_space<vmem_shared>>
    tpu.wait_indirect_dma semaphore(%arg15 : memref<!tpu.dma_semaphore, #tpu.memory_space<semaphore_mem>>) src(%dma_wait3A_958 : memref<128xf32, #tpu.memory_space<vmem>>) dst(%dma_wait3A_963 : memref<10240xf32, #tpu.memory_space<vmem_shared>>)
    %dma_wait3A_964 = arith.constant 14 : i32
    %dma_wait3A_965 = arith.constant 14 : i32
    %dma_wait3A_966 = arith.constant 0 : i32
    %dma_wait3A_967 = tpu.memref_slice %arg12[%dma_wait3A_964, %dma_wait3A_966] : memref<80x128xf32, #tpu.memory_space<vmem>> -> memref<1x128xf32, #tpu.memory_space<vmem>>
    %dma_wait3A_968 = tpu.memref_squeeze %dma_wait3A_967 : memref<1x128xf32, #tpu.memory_space<vmem>> -> memref<128xf32, #tpu.memory_space<vmem>>
    %dma_wait3A_969 = arith.constant 0 : i32
    %dma_wait3A_970 = tpu.memref_slice %arg11[%dma_wait3A_965, %dma_wait3A_969] : memref<80x128xi32, #tpu.memory_space<vmem>> -> memref<1x128xi32, #tpu.memory_space<vmem>>
    %dma_wait3A_971 = tpu.memref_squeeze %dma_wait3A_970 : memref<1x128xi32, #tpu.memory_space<vmem>> -> memref<128xi32, #tpu.memory_space<vmem>>
    %dma_wait3A_972 = arith.constant 0 : i32
    %dma_wait3A_973 = tpu.memref_slice %arg14[%dma_wait3A_972] : memref<10240xf32, #tpu.memory_space<vmem_shared>> -> memref<10240xf32, #tpu.memory_space<vmem_shared>>
    tpu.wait_indirect_dma semaphore(%arg15 : memref<!tpu.dma_semaphore, #tpu.memory_space<semaphore_mem>>) src(%dma_wait3A_968 : memref<128xf32, #tpu.memory_space<vmem>>) dst(%dma_wait3A_973 : memref<10240xf32, #tpu.memory_space<vmem_shared>>)
    %dma_wait3A_974 = arith.constant 15 : i32
    %dma_wait3A_975 = arith.constant 15 : i32
    %dma_wait3A_976 = arith.constant 0 : i32
    %dma_wait3A_977 = tpu.memref_slice %arg12[%dma_wait3A_974, %dma_wait3A_976] : memref<80x128xf32, #tpu.memory_space<vmem>> -> memref<1x128xf32, #tpu.memory_space<vmem>>
    %dma_wait3A_978 = tpu.memref_squeeze %dma_wait3A_977 : memref<1x128xf32, #tpu.memory_space<vmem>> -> memref<128xf32, #tpu.memory_space<vmem>>
    %dma_wait3A_979 = arith.constant 0 : i32
    %dma_wait3A_980 = tpu.memref_slice %arg11[%dma_wait3A_975, %dma_wait3A_979] : memref<80x128xi32, #tpu.memory_space<vmem>> -> memref<1x128xi32, #tpu.memory_space<vmem>>
    %dma_wait3A_981 = tpu.memref_squeeze %dma_wait3A_980 : memref<1x128xi32, #tpu.memory_space<vmem>> -> memref<128xi32, #tpu.memory_space<vmem>>
    %dma_wait3A_982 = arith.constant 0 : i32
    %dma_wait3A_983 = tpu.memref_slice %arg14[%dma_wait3A_982] : memref<10240xf32, #tpu.memory_space<vmem_shared>> -> memref<10240xf32, #tpu.memory_space<vmem_shared>>
    tpu.wait_indirect_dma semaphore(%arg15 : memref<!tpu.dma_semaphore, #tpu.memory_space<semaphore_mem>>) src(%dma_wait3A_978 : memref<128xf32, #tpu.memory_space<vmem>>) dst(%dma_wait3A_983 : memref<10240xf32, #tpu.memory_space<vmem_shared>>)
    %dma_wait3A_984 = arith.constant 16 : i32
    %dma_wait3A_985 = arith.constant 16 : i32
    %dma_wait3A_986 = arith.constant 0 : i32
    %dma_wait3A_987 = tpu.memref_slice %arg12[%dma_wait3A_984, %dma_wait3A_986] : memref<80x128xf32, #tpu.memory_space<vmem>> -> memref<1x128xf32, #tpu.memory_space<vmem>>
    %dma_wait3A_988 = tpu.memref_squeeze %dma_wait3A_987 : memref<1x128xf32, #tpu.memory_space<vmem>> -> memref<128xf32, #tpu.memory_space<vmem>>
    %dma_wait3A_989 = arith.constant 0 : i32
    %dma_wait3A_990 = tpu.memref_slice %arg11[%dma_wait3A_985, %dma_wait3A_989] : memref<80x128xi32, #tpu.memory_space<vmem>> -> memref<1x128xi32, #tpu.memory_space<vmem>>
    %dma_wait3A_991 = tpu.memref_squeeze %dma_wait3A_990 : memref<1x128xi32, #tpu.memory_space<vmem>> -> memref<128xi32, #tpu.memory_space<vmem>>
    %dma_wait3A_992 = arith.constant 0 : i32
    %dma_wait3A_993 = tpu.memref_slice %arg14[%dma_wait3A_992] : memref<10240xf32, #tpu.memory_space<vmem_shared>> -> memref<10240xf32, #tpu.memory_space<vmem_shared>>
    tpu.wait_indirect_dma semaphore(%arg15 : memref<!tpu.dma_semaphore, #tpu.memory_space<semaphore_mem>>) src(%dma_wait3A_988 : memref<128xf32, #tpu.memory_space<vmem>>) dst(%dma_wait3A_993 : memref<10240xf32, #tpu.memory_space<vmem_shared>>)
    %dma_wait3A_994 = arith.constant 17 : i32
    %dma_wait3A_995 = arith.constant 17 : i32
    %dma_wait3A_996 = arith.constant 0 : i32
    %dma_wait3A_997 = tpu.memref_slice %arg12[%dma_wait3A_994, %dma_wait3A_996] : memref<80x128xf32, #tpu.memory_space<vmem>> -> memref<1x128xf32, #tpu.memory_space<vmem>>
    %dma_wait3A_998 = tpu.memref_squeeze %dma_wait3A_997 : memref<1x128xf32, #tpu.memory_space<vmem>> -> memref<128xf32, #tpu.memory_space<vmem>>
    %dma_wait3A_999 = arith.constant 0 : i32
    %dma_wait3A_1000 = tpu.memref_slice %arg11[%dma_wait3A_995, %dma_wait3A_999] : memref<80x128xi32, #tpu.memory_space<vmem>> -> memref<1x128xi32, #tpu.memory_space<vmem>>
    %dma_wait3A_1001 = tpu.memref_squeeze %dma_wait3A_1000 : memref<1x128xi32, #tpu.memory_space<vmem>> -> memref<128xi32, #tpu.memory_space<vmem>>
    %dma_wait3A_1002 = arith.constant 0 : i32
    %dma_wait3A_1003 = tpu.memref_slice %arg14[%dma_wait3A_1002] : memref<10240xf32, #tpu.memory_space<vmem_shared>> -> memref<10240xf32, #tpu.memory_space<vmem_shared>>
    tpu.wait_indirect_dma semaphore(%arg15 : memref<!tpu.dma_semaphore, #tpu.memory_space<semaphore_mem>>) src(%dma_wait3A_998 : memref<128xf32, #tpu.memory_space<vmem>>) dst(%dma_wait3A_1003 : memref<10240xf32, #tpu.memory_space<vmem_shared>>)
    %dma_wait3A_1004 = arith.constant 18 : i32
    %dma_wait3A_1005 = arith.constant 18 : i32
    %dma_wait3A_1006 = arith.constant 0 : i32
    %dma_wait3A_1007 = tpu.memref_slice %arg12[%dma_wait3A_1004, %dma_wait3A_1006] : memref<80x128xf32, #tpu.memory_space<vmem>> -> memref<1x128xf32, #tpu.memory_space<vmem>>
    %dma_wait3A_1008 = tpu.memref_squeeze %dma_wait3A_1007 : memref<1x128xf32, #tpu.memory_space<vmem>> -> memref<128xf32, #tpu.memory_space<vmem>>
    %dma_wait3A_1009 = arith.constant 0 : i32
    %dma_wait3A_1010 = tpu.memref_slice %arg11[%dma_wait3A_1005, %dma_wait3A_1009] : memref<80x128xi32, #tpu.memory_space<vmem>> -> memref<1x128xi32, #tpu.memory_space<vmem>>
    %dma_wait3A_1011 = tpu.memref_squeeze %dma_wait3A_1010 : memref<1x128xi32, #tpu.memory_space<vmem>> -> memref<128xi32, #tpu.memory_space<vmem>>
    %dma_wait3A_1012 = arith.constant 0 : i32
    %dma_wait3A_1013 = tpu.memref_slice %arg14[%dma_wait3A_1012] : memref<10240xf32, #tpu.memory_space<vmem_shared>> -> memref<10240xf32, #tpu.memory_space<vmem_shared>>
    tpu.wait_indirect_dma semaphore(%arg15 : memref<!tpu.dma_semaphore, #tpu.memory_space<semaphore_mem>>) src(%dma_wait3A_1008 : memref<128xf32, #tpu.memory_space<vmem>>) dst(%dma_wait3A_1013 : memref<10240xf32, #tpu.memory_space<vmem_shared>>)
    %dma_wait3A_1014 = arith.constant 19 : i32
    %dma_wait3A_1015 = arith.constant 19 : i32
    %dma_wait3A_1016 = arith.constant 0 : i32
    %dma_wait3A_1017 = tpu.memref_slice %arg12[%dma_wait3A_1014, %dma_wait3A_1016] : memref<80x128xf32, #tpu.memory_space<vmem>> -> memref<1x128xf32, #tpu.memory_space<vmem>>
    %dma_wait3A_1018 = tpu.memref_squeeze %dma_wait3A_1017 : memref<1x128xf32, #tpu.memory_space<vmem>> -> memref<128xf32, #tpu.memory_space<vmem>>
    %dma_wait3A_1019 = arith.constant 0 : i32
    %dma_wait3A_1020 = tpu.memref_slice %arg11[%dma_wait3A_1015, %dma_wait3A_1019] : memref<80x128xi32, #tpu.memory_space<vmem>> -> memref<1x128xi32, #tpu.memory_space<vmem>>
    %dma_wait3A_1021 = tpu.memref_squeeze %dma_wait3A_1020 : memref<1x128xi32, #tpu.memory_space<vmem>> -> memref<128xi32, #tpu.memory_space<vmem>>
    %dma_wait3A_1022 = arith.constant 0 : i32
    %dma_wait3A_1023 = tpu.memref_slice %arg14[%dma_wait3A_1022] : memref<10240xf32, #tpu.memory_space<vmem_shared>> -> memref<10240xf32, #tpu.memory_space<vmem_shared>>
    tpu.wait_indirect_dma semaphore(%arg15 : memref<!tpu.dma_semaphore, #tpu.memory_space<semaphore_mem>>) src(%dma_wait3A_1018 : memref<128xf32, #tpu.memory_space<vmem>>) dst(%dma_wait3A_1023 : memref<10240xf32, #tpu.memory_space<vmem_shared>>)
    %dma_wait3A_1024 = arith.constant 20 : i32
    %dma_wait3A_1025 = arith.constant 20 : i32
    %dma_wait3A_1026 = arith.constant 0 : i32
    %dma_wait3A_1027 = tpu.memref_slice %arg12[%dma_wait3A_1024, %dma_wait3A_1026] : memref<80x128xf32, #tpu.memory_space<vmem>> -> memref<1x128xf32, #tpu.memory_space<vmem>>
    %dma_wait3A_1028 = tpu.memref_squeeze %dma_wait3A_1027 : memref<1x128xf32, #tpu.memory_space<vmem>> -> memref<128xf32, #tpu.memory_space<vmem>>
    %dma_wait3A_1029 = arith.constant 0 : i32
    %dma_wait3A_1030 = tpu.memref_slice %arg11[%dma_wait3A_1025, %dma_wait3A_1029] : memref<80x128xi32, #tpu.memory_space<vmem>> -> memref<1x128xi32, #tpu.memory_space<vmem>>
    %dma_wait3A_1031 = tpu.memref_squeeze %dma_wait3A_1030 : memref<1x128xi32, #tpu.memory_space<vmem>> -> memref<128xi32, #tpu.memory_space<vmem>>
    %dma_wait3A_1032 = arith.constant 0 : i32
    %dma_wait3A_1033 = tpu.memref_slice %arg14[%dma_wait3A_1032] : memref<10240xf32, #tpu.memory_space<vmem_shared>> -> memref<10240xf32, #tpu.memory_space<vmem_shared>>
    tpu.wait_indirect_dma semaphore(%arg15 : memref<!tpu.dma_semaphore, #tpu.memory_space<semaphore_mem>>) src(%dma_wait3A_1028 : memref<128xf32, #tpu.memory_space<vmem>>) dst(%dma_wait3A_1033 : memref<10240xf32, #tpu.memory_space<vmem_shared>>)
    %dma_wait3A_1034 = arith.constant 21 : i32
    %dma_wait3A_1035 = arith.constant 21 : i32
    %dma_wait3A_1036 = arith.constant 0 : i32
    %dma_wait3A_1037 = tpu.memref_slice %arg12[%dma_wait3A_1034, %dma_wait3A_1036] : memref<80x128xf32, #tpu.memory_space<vmem>> -> memref<1x128xf32, #tpu.memory_space<vmem>>
    %dma_wait3A_1038 = tpu.memref_squeeze %dma_wait3A_1037 : memref<1x128xf32, #tpu.memory_space<vmem>> -> memref<128xf32, #tpu.memory_space<vmem>>
    %dma_wait3A_1039 = arith.constant 0 : i32
    %dma_wait3A_1040 = tpu.memref_slice %arg11[%dma_wait3A_1035, %dma_wait3A_1039] : memref<80x128xi32, #tpu.memory_space<vmem>> -> memref<1x128xi32, #tpu.memory_space<vmem>>
    %dma_wait3A_1041 = tpu.memref_squeeze %dma_wait3A_1040 : memref<1x128xi32, #tpu.memory_space<vmem>> -> memref<128xi32, #tpu.memory_space<vmem>>
    %dma_wait3A_1042 = arith.constant 0 : i32
    %dma_wait3A_1043 = tpu.memref_slice %arg14[%dma_wait3A_1042] : memref<10240xf32, #tpu.memory_space<vmem_shared>> -> memref<10240xf32, #tpu.memory_space<vmem_shared>>
    tpu.wait_indirect_dma semaphore(%arg15 : memref<!tpu.dma_semaphore, #tpu.memory_space<semaphore_mem>>) src(%dma_wait3A_1038 : memref<128xf32, #tpu.memory_space<vmem>>) dst(%dma_wait3A_1043 : memref<10240xf32, #tpu.memory_space<vmem_shared>>)
    %dma_wait3A_1044 = arith.constant 22 : i32
    %dma_wait3A_1045 = arith.constant 22 : i32
    %dma_wait3A_1046 = arith.constant 0 : i32
    %dma_wait3A_1047 = tpu.memref_slice %arg12[%dma_wait3A_1044, %dma_wait3A_1046] : memref<80x128xf32, #tpu.memory_space<vmem>> -> memref<1x128xf32, #tpu.memory_space<vmem>>
    %dma_wait3A_1048 = tpu.memref_squeeze %dma_wait3A_1047 : memref<1x128xf32, #tpu.memory_space<vmem>> -> memref<128xf32, #tpu.memory_space<vmem>>
    %dma_wait3A_1049 = arith.constant 0 : i32
    %dma_wait3A_1050 = tpu.memref_slice %arg11[%dma_wait3A_1045, %dma_wait3A_1049] : memref<80x128xi32, #tpu.memory_space<vmem>> -> memref<1x128xi32, #tpu.memory_space<vmem>>
    %dma_wait3A_1051 = tpu.memref_squeeze %dma_wait3A_1050 : memref<1x128xi32, #tpu.memory_space<vmem>> -> memref<128xi32, #tpu.memory_space<vmem>>
    %dma_wait3A_1052 = arith.constant 0 : i32
    %dma_wait3A_1053 = tpu.memref_slice %arg14[%dma_wait3A_1052] : memref<10240xf32, #tpu.memory_space<vmem_shared>> -> memref<10240xf32, #tpu.memory_space<vmem_shared>>
    tpu.wait_indirect_dma semaphore(%arg15 : memref<!tpu.dma_semaphore, #tpu.memory_space<semaphore_mem>>) src(%dma_wait3A_1048 : memref<128xf32, #tpu.memory_space<vmem>>) dst(%dma_wait3A_1053 : memref<10240xf32, #tpu.memory_space<vmem_shared>>)
    %dma_wait3A_1054 = arith.constant 23 : i32
    %dma_wait3A_1055 = arith.constant 23 : i32
    %dma_wait3A_1056 = arith.constant 0 : i32
    %dma_wait3A_1057 = tpu.memref_slice %arg12[%dma_wait3A_1054, %dma_wait3A_1056] : memref<80x128xf32, #tpu.memory_space<vmem>> -> memref<1x128xf32, #tpu.memory_space<vmem>>
    %dma_wait3A_1058 = tpu.memref_squeeze %dma_wait3A_1057 : memref<1x128xf32, #tpu.memory_space<vmem>> -> memref<128xf32, #tpu.memory_space<vmem>>
    %dma_wait3A_1059 = arith.constant 0 : i32
    %dma_wait3A_1060 = tpu.memref_slice %arg11[%dma_wait3A_1055, %dma_wait3A_1059] : memref<80x128xi32, #tpu.memory_space<vmem>> -> memref<1x128xi32, #tpu.memory_space<vmem>>
    %dma_wait3A_1061 = tpu.memref_squeeze %dma_wait3A_1060 : memref<1x128xi32, #tpu.memory_space<vmem>> -> memref<128xi32, #tpu.memory_space<vmem>>
    %dma_wait3A_1062 = arith.constant 0 : i32
    %dma_wait3A_1063 = tpu.memref_slice %arg14[%dma_wait3A_1062] : memref<10240xf32, #tpu.memory_space<vmem_shared>> -> memref<10240xf32, #tpu.memory_space<vmem_shared>>
    tpu.wait_indirect_dma semaphore(%arg15 : memref<!tpu.dma_semaphore, #tpu.memory_space<semaphore_mem>>) src(%dma_wait3A_1058 : memref<128xf32, #tpu.memory_space<vmem>>) dst(%dma_wait3A_1063 : memref<10240xf32, #tpu.memory_space<vmem_shared>>)
    %dma_wait3A_1064 = arith.constant 24 : i32
    %dma_wait3A_1065 = arith.constant 24 : i32
    %dma_wait3A_1066 = arith.constant 0 : i32
    %dma_wait3A_1067 = tpu.memref_slice %arg12[%dma_wait3A_1064, %dma_wait3A_1066] : memref<80x128xf32, #tpu.memory_space<vmem>> -> memref<1x128xf32, #tpu.memory_space<vmem>>
    %dma_wait3A_1068 = tpu.memref_squeeze %dma_wait3A_1067 : memref<1x128xf32, #tpu.memory_space<vmem>> -> memref<128xf32, #tpu.memory_space<vmem>>
    %dma_wait3A_1069 = arith.constant 0 : i32
    %dma_wait3A_1070 = tpu.memref_slice %arg11[%dma_wait3A_1065, %dma_wait3A_1069] : memref<80x128xi32, #tpu.memory_space<vmem>> -> memref<1x128xi32, #tpu.memory_space<vmem>>
    %dma_wait3A_1071 = tpu.memref_squeeze %dma_wait3A_1070 : memref<1x128xi32, #tpu.memory_space<vmem>> -> memref<128xi32, #tpu.memory_space<vmem>>
    %dma_wait3A_1072 = arith.constant 0 : i32
    %dma_wait3A_1073 = tpu.memref_slice %arg14[%dma_wait3A_1072] : memref<10240xf32, #tpu.memory_space<vmem_shared>> -> memref<10240xf32, #tpu.memory_space<vmem_shared>>
    tpu.wait_indirect_dma semaphore(%arg15 : memref<!tpu.dma_semaphore, #tpu.memory_space<semaphore_mem>>) src(%dma_wait3A_1068 : memref<128xf32, #tpu.memory_space<vmem>>) dst(%dma_wait3A_1073 : memref<10240xf32, #tpu.memory_space<vmem_shared>>)
    %dma_wait3A_1074 = arith.constant 25 : i32
    %dma_wait3A_1075 = arith.constant 25 : i32
    %dma_wait3A_1076 = arith.constant 0 : i32
    %dma_wait3A_1077 = tpu.memref_slice %arg12[%dma_wait3A_1074, %dma_wait3A_1076] : memref<80x128xf32, #tpu.memory_space<vmem>> -> memref<1x128xf32, #tpu.memory_space<vmem>>
    %dma_wait3A_1078 = tpu.memref_squeeze %dma_wait3A_1077 : memref<1x128xf32, #tpu.memory_space<vmem>> -> memref<128xf32, #tpu.memory_space<vmem>>
    %dma_wait3A_1079 = arith.constant 0 : i32
    %dma_wait3A_1080 = tpu.memref_slice %arg11[%dma_wait3A_1075, %dma_wait3A_1079] : memref<80x128xi32, #tpu.memory_space<vmem>> -> memref<1x128xi32, #tpu.memory_space<vmem>>
    %dma_wait3A_1081 = tpu.memref_squeeze %dma_wait3A_1080 : memref<1x128xi32, #tpu.memory_space<vmem>> -> memref<128xi32, #tpu.memory_space<vmem>>
    %dma_wait3A_1082 = arith.constant 0 : i32
    %dma_wait3A_1083 = tpu.memref_slice %arg14[%dma_wait3A_1082] : memref<10240xf32, #tpu.memory_space<vmem_shared>> -> memref<10240xf32, #tpu.memory_space<vmem_shared>>
    tpu.wait_indirect_dma semaphore(%arg15 : memref<!tpu.dma_semaphore, #tpu.memory_space<semaphore_mem>>) src(%dma_wait3A_1078 : memref<128xf32, #tpu.memory_space<vmem>>) dst(%dma_wait3A_1083 : memref<10240xf32, #tpu.memory_space<vmem_shared>>)
    %dma_wait3A_1084 = arith.constant 26 : i32
    %dma_wait3A_1085 = arith.constant 26 : i32
    %dma_wait3A_1086 = arith.constant 0 : i32
    %dma_wait3A_1087 = tpu.memref_slice %arg12[%dma_wait3A_1084, %dma_wait3A_1086] : memref<80x128xf32, #tpu.memory_space<vmem>> -> memref<1x128xf32, #tpu.memory_space<vmem>>
    %dma_wait3A_1088 = tpu.memref_squeeze %dma_wait3A_1087 : memref<1x128xf32, #tpu.memory_space<vmem>> -> memref<128xf32, #tpu.memory_space<vmem>>
    %dma_wait3A_1089 = arith.constant 0 : i32
    %dma_wait3A_1090 = tpu.memref_slice %arg11[%dma_wait3A_1085, %dma_wait3A_1089] : memref<80x128xi32, #tpu.memory_space<vmem>> -> memref<1x128xi32, #tpu.memory_space<vmem>>
    %dma_wait3A_1091 = tpu.memref_squeeze %dma_wait3A_1090 : memref<1x128xi32, #tpu.memory_space<vmem>> -> memref<128xi32, #tpu.memory_space<vmem>>
    %dma_wait3A_1092 = arith.constant 0 : i32
    %dma_wait3A_1093 = tpu.memref_slice %arg14[%dma_wait3A_1092] : memref<10240xf32, #tpu.memory_space<vmem_shared>> -> memref<10240xf32, #tpu.memory_space<vmem_shared>>
    tpu.wait_indirect_dma semaphore(%arg15 : memref<!tpu.dma_semaphore, #tpu.memory_space<semaphore_mem>>) src(%dma_wait3A_1088 : memref<128xf32, #tpu.memory_space<vmem>>) dst(%dma_wait3A_1093 : memref<10240xf32, #tpu.memory_space<vmem_shared>>)
    %dma_wait3A_1094 = arith.constant 27 : i32
    %dma_wait3A_1095 = arith.constant 27 : i32
    %dma_wait3A_1096 = arith.constant 0 : i32
    %dma_wait3A_1097 = tpu.memref_slice %arg12[%dma_wait3A_1094, %dma_wait3A_1096] : memref<80x128xf32, #tpu.memory_space<vmem>> -> memref<1x128xf32, #tpu.memory_space<vmem>>
    %dma_wait3A_1098 = tpu.memref_squeeze %dma_wait3A_1097 : memref<1x128xf32, #tpu.memory_space<vmem>> -> memref<128xf32, #tpu.memory_space<vmem>>
    %dma_wait3A_1099 = arith.constant 0 : i32
    %dma_wait3A_1100 = tpu.memref_slice %arg11[%dma_wait3A_1095, %dma_wait3A_1099] : memref<80x128xi32, #tpu.memory_space<vmem>> -> memref<1x128xi32, #tpu.memory_space<vmem>>
    %dma_wait3A_1101 = tpu.memref_squeeze %dma_wait3A_1100 : memref<1x128xi32, #tpu.memory_space<vmem>> -> memref<128xi32, #tpu.memory_space<vmem>>
    %dma_wait3A_1102 = arith.constant 0 : i32
    %dma_wait3A_1103 = tpu.memref_slice %arg14[%dma_wait3A_1102] : memref<10240xf32, #tpu.memory_space<vmem_shared>> -> memref<10240xf32, #tpu.memory_space<vmem_shared>>
    tpu.wait_indirect_dma semaphore(%arg15 : memref<!tpu.dma_semaphore, #tpu.memory_space<semaphore_mem>>) src(%dma_wait3A_1098 : memref<128xf32, #tpu.memory_space<vmem>>) dst(%dma_wait3A_1103 : memref<10240xf32, #tpu.memory_space<vmem_shared>>)
    %dma_wait3A_1104 = arith.constant 28 : i32
    %dma_wait3A_1105 = arith.constant 28 : i32
    %dma_wait3A_1106 = arith.constant 0 : i32
    %dma_wait3A_1107 = tpu.memref_slice %arg12[%dma_wait3A_1104, %dma_wait3A_1106] : memref<80x128xf32, #tpu.memory_space<vmem>> -> memref<1x128xf32, #tpu.memory_space<vmem>>
    %dma_wait3A_1108 = tpu.memref_squeeze %dma_wait3A_1107 : memref<1x128xf32, #tpu.memory_space<vmem>> -> memref<128xf32, #tpu.memory_space<vmem>>
    %dma_wait3A_1109 = arith.constant 0 : i32
    %dma_wait3A_1110 = tpu.memref_slice %arg11[%dma_wait3A_1105, %dma_wait3A_1109] : memref<80x128xi32, #tpu.memory_space<vmem>> -> memref<1x128xi32, #tpu.memory_space<vmem>>
    %dma_wait3A_1111 = tpu.memref_squeeze %dma_wait3A_1110 : memref<1x128xi32, #tpu.memory_space<vmem>> -> memref<128xi32, #tpu.memory_space<vmem>>
    %dma_wait3A_1112 = arith.constant 0 : i32
    %dma_wait3A_1113 = tpu.memref_slice %arg14[%dma_wait3A_1112] : memref<10240xf32, #tpu.memory_space<vmem_shared>> -> memref<10240xf32, #tpu.memory_space<vmem_shared>>
    tpu.wait_indirect_dma semaphore(%arg15 : memref<!tpu.dma_semaphore, #tpu.memory_space<semaphore_mem>>) src(%dma_wait3A_1108 : memref<128xf32, #tpu.memory_space<vmem>>) dst(%dma_wait3A_1113 : memref<10240xf32, #tpu.memory_space<vmem_shared>>)
    %dma_wait3A_1114 = arith.constant 29 : i32
    %dma_wait3A_1115 = arith.constant 29 : i32
    %dma_wait3A_1116 = arith.constant 0 : i32
    %dma_wait3A_1117 = tpu.memref_slice %arg12[%dma_wait3A_1114, %dma_wait3A_1116] : memref<80x128xf32, #tpu.memory_space<vmem>> -> memref<1x128xf32, #tpu.memory_space<vmem>>
    %dma_wait3A_1118 = tpu.memref_squeeze %dma_wait3A_1117 : memref<1x128xf32, #tpu.memory_space<vmem>> -> memref<128xf32, #tpu.memory_space<vmem>>
    %dma_wait3A_1119 = arith.constant 0 : i32
    %dma_wait3A_1120 = tpu.memref_slice %arg11[%dma_wait3A_1115, %dma_wait3A_1119] : memref<80x128xi32, #tpu.memory_space<vmem>> -> memref<1x128xi32, #tpu.memory_space<vmem>>
    %dma_wait3A_1121 = tpu.memref_squeeze %dma_wait3A_1120 : memref<1x128xi32, #tpu.memory_space<vmem>> -> memref<128xi32, #tpu.memory_space<vmem>>
    %dma_wait3A_1122 = arith.constant 0 : i32
    %dma_wait3A_1123 = tpu.memref_slice %arg14[%dma_wait3A_1122] : memref<10240xf32, #tpu.memory_space<vmem_shared>> -> memref<10240xf32, #tpu.memory_space<vmem_shared>>
    tpu.wait_indirect_dma semaphore(%arg15 : memref<!tpu.dma_semaphore, #tpu.memory_space<semaphore_mem>>) src(%dma_wait3A_1118 : memref<128xf32, #tpu.memory_space<vmem>>) dst(%dma_wait3A_1123 : memref<10240xf32, #tpu.memory_space<vmem_shared>>)
    %dma_wait3A_1124 = arith.constant 30 : i32
    %dma_wait3A_1125 = arith.constant 30 : i32
    %dma_wait3A_1126 = arith.constant 0 : i32
    %dma_wait3A_1127 = tpu.memref_slice %arg12[%dma_wait3A_1124, %dma_wait3A_1126] : memref<80x128xf32, #tpu.memory_space<vmem>> -> memref<1x128xf32, #tpu.memory_space<vmem>>
    %dma_wait3A_1128 = tpu.memref_squeeze %dma_wait3A_1127 : memref<1x128xf32, #tpu.memory_space<vmem>> -> memref<128xf32, #tpu.memory_space<vmem>>
    %dma_wait3A_1129 = arith.constant 0 : i32
    %dma_wait3A_1130 = tpu.memref_slice %arg11[%dma_wait3A_1125, %dma_wait3A_1129] : memref<80x128xi32, #tpu.memory_space<vmem>> -> memref<1x128xi32, #tpu.memory_space<vmem>>
    %dma_wait3A_1131 = tpu.memref_squeeze %dma_wait3A_1130 : memref<1x128xi32, #tpu.memory_space<vmem>> -> memref<128xi32, #tpu.memory_space<vmem>>
    %dma_wait3A_1132 = arith.constant 0 : i32
    %dma_wait3A_1133 = tpu.memref_slice %arg14[%dma_wait3A_1132] : memref<10240xf32, #tpu.memory_space<vmem_shared>> -> memref<10240xf32, #tpu.memory_space<vmem_shared>>
    tpu.wait_indirect_dma semaphore(%arg15 : memref<!tpu.dma_semaphore, #tpu.memory_space<semaphore_mem>>) src(%dma_wait3A_1128 : memref<128xf32, #tpu.memory_space<vmem>>) dst(%dma_wait3A_1133 : memref<10240xf32, #tpu.memory_space<vmem_shared>>)
    %dma_wait3A_1134 = arith.constant 31 : i32
    %dma_wait3A_1135 = arith.constant 31 : i32
    %dma_wait3A_1136 = arith.constant 0 : i32
    %dma_wait3A_1137 = tpu.memref_slice %arg12[%dma_wait3A_1134, %dma_wait3A_1136] : memref<80x128xf32, #tpu.memory_space<vmem>> -> memref<1x128xf32, #tpu.memory_space<vmem>>
    %dma_wait3A_1138 = tpu.memref_squeeze %dma_wait3A_1137 : memref<1x128xf32, #tpu.memory_space<vmem>> -> memref<128xf32, #tpu.memory_space<vmem>>
    %dma_wait3A_1139 = arith.constant 0 : i32
    %dma_wait3A_1140 = tpu.memref_slice %arg11[%dma_wait3A_1135, %dma_wait3A_1139] : memref<80x128xi32, #tpu.memory_space<vmem>> -> memref<1x128xi32, #tpu.memory_space<vmem>>
    %dma_wait3A_1141 = tpu.memref_squeeze %dma_wait3A_1140 : memref<1x128xi32, #tpu.memory_space<vmem>> -> memref<128xi32, #tpu.memory_space<vmem>>
    %dma_wait3A_1142 = arith.constant 0 : i32
    %dma_wait3A_1143 = tpu.memref_slice %arg14[%dma_wait3A_1142] : memref<10240xf32, #tpu.memory_space<vmem_shared>> -> memref<10240xf32, #tpu.memory_space<vmem_shared>>
    tpu.wait_indirect_dma semaphore(%arg15 : memref<!tpu.dma_semaphore, #tpu.memory_space<semaphore_mem>>) src(%dma_wait3A_1138 : memref<128xf32, #tpu.memory_space<vmem>>) dst(%dma_wait3A_1143 : memref<10240xf32, #tpu.memory_space<vmem_shared>>)
    %dma_wait3A_1144 = arith.constant 32 : i32
    %dma_wait3A_1145 = arith.constant 32 : i32
    %dma_wait3A_1146 = arith.constant 0 : i32
    %dma_wait3A_1147 = tpu.memref_slice %arg12[%dma_wait3A_1144, %dma_wait3A_1146] : memref<80x128xf32, #tpu.memory_space<vmem>> -> memref<1x128xf32, #tpu.memory_space<vmem>>
    %dma_wait3A_1148 = tpu.memref_squeeze %dma_wait3A_1147 : memref<1x128xf32, #tpu.memory_space<vmem>> -> memref<128xf32, #tpu.memory_space<vmem>>
    %dma_wait3A_1149 = arith.constant 0 : i32
    %dma_wait3A_1150 = tpu.memref_slice %arg11[%dma_wait3A_1145, %dma_wait3A_1149] : memref<80x128xi32, #tpu.memory_space<vmem>> -> memref<1x128xi32, #tpu.memory_space<vmem>>
    %dma_wait3A_1151 = tpu.memref_squeeze %dma_wait3A_1150 : memref<1x128xi32, #tpu.memory_space<vmem>> -> memref<128xi32, #tpu.memory_space<vmem>>
    %dma_wait3A_1152 = arith.constant 0 : i32
    %dma_wait3A_1153 = tpu.memref_slice %arg14[%dma_wait3A_1152] : memref<10240xf32, #tpu.memory_space<vmem_shared>> -> memref<10240xf32, #tpu.memory_space<vmem_shared>>
    tpu.wait_indirect_dma semaphore(%arg15 : memref<!tpu.dma_semaphore, #tpu.memory_space<semaphore_mem>>) src(%dma_wait3A_1148 : memref<128xf32, #tpu.memory_space<vmem>>) dst(%dma_wait3A_1153 : memref<10240xf32, #tpu.memory_space<vmem_shared>>)
    %dma_wait3A_1154 = arith.constant 33 : i32
    %dma_wait3A_1155 = arith.constant 33 : i32
    %dma_wait3A_1156 = arith.constant 0 : i32
    %dma_wait3A_1157 = tpu.memref_slice %arg12[%dma_wait3A_1154, %dma_wait3A_1156] : memref<80x128xf32, #tpu.memory_space<vmem>> -> memref<1x128xf32, #tpu.memory_space<vmem>>
    %dma_wait3A_1158 = tpu.memref_squeeze %dma_wait3A_1157 : memref<1x128xf32, #tpu.memory_space<vmem>> -> memref<128xf32, #tpu.memory_space<vmem>>
    %dma_wait3A_1159 = arith.constant 0 : i32
    %dma_wait3A_1160 = tpu.memref_slice %arg11[%dma_wait3A_1155, %dma_wait3A_1159] : memref<80x128xi32, #tpu.memory_space<vmem>> -> memref<1x128xi32, #tpu.memory_space<vmem>>
    %dma_wait3A_1161 = tpu.memref_squeeze %dma_wait3A_1160 : memref<1x128xi32, #tpu.memory_space<vmem>> -> memref<128xi32, #tpu.memory_space<vmem>>
    %dma_wait3A_1162 = arith.constant 0 : i32
    %dma_wait3A_1163 = tpu.memref_slice %arg14[%dma_wait3A_1162] : memref<10240xf32, #tpu.memory_space<vmem_shared>> -> memref<10240xf32, #tpu.memory_space<vmem_shared>>
    tpu.wait_indirect_dma semaphore(%arg15 : memref<!tpu.dma_semaphore, #tpu.memory_space<semaphore_mem>>) src(%dma_wait3A_1158 : memref<128xf32, #tpu.memory_space<vmem>>) dst(%dma_wait3A_1163 : memref<10240xf32, #tpu.memory_space<vmem_shared>>)
    %dma_wait3A_1164 = arith.constant 34 : i32
    %dma_wait3A_1165 = arith.constant 34 : i32
    %dma_wait3A_1166 = arith.constant 0 : i32
    %dma_wait3A_1167 = tpu.memref_slice %arg12[%dma_wait3A_1164, %dma_wait3A_1166] : memref<80x128xf32, #tpu.memory_space<vmem>> -> memref<1x128xf32, #tpu.memory_space<vmem>>
    %dma_wait3A_1168 = tpu.memref_squeeze %dma_wait3A_1167 : memref<1x128xf32, #tpu.memory_space<vmem>> -> memref<128xf32, #tpu.memory_space<vmem>>
    %dma_wait3A_1169 = arith.constant 0 : i32
    %dma_wait3A_1170 = tpu.memref_slice %arg11[%dma_wait3A_1165, %dma_wait3A_1169] : memref<80x128xi32, #tpu.memory_space<vmem>> -> memref<1x128xi32, #tpu.memory_space<vmem>>
    %dma_wait3A_1171 = tpu.memref_squeeze %dma_wait3A_1170 : memref<1x128xi32, #tpu.memory_space<vmem>> -> memref<128xi32, #tpu.memory_space<vmem>>
    %dma_wait3A_1172 = arith.constant 0 : i32
    %dma_wait3A_1173 = tpu.memref_slice %arg14[%dma_wait3A_1172] : memref<10240xf32, #tpu.memory_space<vmem_shared>> -> memref<10240xf32, #tpu.memory_space<vmem_shared>>
    tpu.wait_indirect_dma semaphore(%arg15 : memref<!tpu.dma_semaphore, #tpu.memory_space<semaphore_mem>>) src(%dma_wait3A_1168 : memref<128xf32, #tpu.memory_space<vmem>>) dst(%dma_wait3A_1173 : memref<10240xf32, #tpu.memory_space<vmem_shared>>)
    %dma_wait3A_1174 = arith.constant 35 : i32
    %dma_wait3A_1175 = arith.constant 35 : i32
    %dma_wait3A_1176 = arith.constant 0 : i32
    %dma_wait3A_1177 = tpu.memref_slice %arg12[%dma_wait3A_1174, %dma_wait3A_1176] : memref<80x128xf32, #tpu.memory_space<vmem>> -> memref<1x128xf32, #tpu.memory_space<vmem>>
    %dma_wait3A_1178 = tpu.memref_squeeze %dma_wait3A_1177 : memref<1x128xf32, #tpu.memory_space<vmem>> -> memref<128xf32, #tpu.memory_space<vmem>>
    %dma_wait3A_1179 = arith.constant 0 : i32
    %dma_wait3A_1180 = tpu.memref_slice %arg11[%dma_wait3A_1175, %dma_wait3A_1179] : memref<80x128xi32, #tpu.memory_space<vmem>> -> memref<1x128xi32, #tpu.memory_space<vmem>>
    %dma_wait3A_1181 = tpu.memref_squeeze %dma_wait3A_1180 : memref<1x128xi32, #tpu.memory_space<vmem>> -> memref<128xi32, #tpu.memory_space<vmem>>
    %dma_wait3A_1182 = arith.constant 0 : i32
    %dma_wait3A_1183 = tpu.memref_slice %arg14[%dma_wait3A_1182] : memref<10240xf32, #tpu.memory_space<vmem_shared>> -> memref<10240xf32, #tpu.memory_space<vmem_shared>>
    tpu.wait_indirect_dma semaphore(%arg15 : memref<!tpu.dma_semaphore, #tpu.memory_space<semaphore_mem>>) src(%dma_wait3A_1178 : memref<128xf32, #tpu.memory_space<vmem>>) dst(%dma_wait3A_1183 : memref<10240xf32, #tpu.memory_space<vmem_shared>>)
    %dma_wait3A_1184 = arith.constant 36 : i32
    %dma_wait3A_1185 = arith.constant 36 : i32
    %dma_wait3A_1186 = arith.constant 0 : i32
    %dma_wait3A_1187 = tpu.memref_slice %arg12[%dma_wait3A_1184, %dma_wait3A_1186] : memref<80x128xf32, #tpu.memory_space<vmem>> -> memref<1x128xf32, #tpu.memory_space<vmem>>
    %dma_wait3A_1188 = tpu.memref_squeeze %dma_wait3A_1187 : memref<1x128xf32, #tpu.memory_space<vmem>> -> memref<128xf32, #tpu.memory_space<vmem>>
    %dma_wait3A_1189 = arith.constant 0 : i32
    %dma_wait3A_1190 = tpu.memref_slice %arg11[%dma_wait3A_1185, %dma_wait3A_1189] : memref<80x128xi32, #tpu.memory_space<vmem>> -> memref<1x128xi32, #tpu.memory_space<vmem>>
    %dma_wait3A_1191 = tpu.memref_squeeze %dma_wait3A_1190 : memref<1x128xi32, #tpu.memory_space<vmem>> -> memref<128xi32, #tpu.memory_space<vmem>>
    %dma_wait3A_1192 = arith.constant 0 : i32
    %dma_wait3A_1193 = tpu.memref_slice %arg14[%dma_wait3A_1192] : memref<10240xf32, #tpu.memory_space<vmem_shared>> -> memref<10240xf32, #tpu.memory_space<vmem_shared>>
    tpu.wait_indirect_dma semaphore(%arg15 : memref<!tpu.dma_semaphore, #tpu.memory_space<semaphore_mem>>) src(%dma_wait3A_1188 : memref<128xf32, #tpu.memory_space<vmem>>) dst(%dma_wait3A_1193 : memref<10240xf32, #tpu.memory_space<vmem_shared>>)
    %dma_wait3A_1194 = arith.constant 37 : i32
    %dma_wait3A_1195 = arith.constant 37 : i32
    %dma_wait3A_1196 = arith.constant 0 : i32
    %dma_wait3A_1197 = tpu.memref_slice %arg12[%dma_wait3A_1194, %dma_wait3A_1196] : memref<80x128xf32, #tpu.memory_space<vmem>> -> memref<1x128xf32, #tpu.memory_space<vmem>>
    %dma_wait3A_1198 = tpu.memref_squeeze %dma_wait3A_1197 : memref<1x128xf32, #tpu.memory_space<vmem>> -> memref<128xf32, #tpu.memory_space<vmem>>
    %dma_wait3A_1199 = arith.constant 0 : i32
    %dma_wait3A_1200 = tpu.memref_slice %arg11[%dma_wait3A_1195, %dma_wait3A_1199] : memref<80x128xi32, #tpu.memory_space<vmem>> -> memref<1x128xi32, #tpu.memory_space<vmem>>
    %dma_wait3A_1201 = tpu.memref_squeeze %dma_wait3A_1200 : memref<1x128xi32, #tpu.memory_space<vmem>> -> memref<128xi32, #tpu.memory_space<vmem>>
    %dma_wait3A_1202 = arith.constant 0 : i32
    %dma_wait3A_1203 = tpu.memref_slice %arg14[%dma_wait3A_1202] : memref<10240xf32, #tpu.memory_space<vmem_shared>> -> memref<10240xf32, #tpu.memory_space<vmem_shared>>
    tpu.wait_indirect_dma semaphore(%arg15 : memref<!tpu.dma_semaphore, #tpu.memory_space<semaphore_mem>>) src(%dma_wait3A_1198 : memref<128xf32, #tpu.memory_space<vmem>>) dst(%dma_wait3A_1203 : memref<10240xf32, #tpu.memory_space<vmem_shared>>)
    %dma_wait3A_1204 = arith.constant 38 : i32
    %dma_wait3A_1205 = arith.constant 38 : i32
    %dma_wait3A_1206 = arith.constant 0 : i32
    %dma_wait3A_1207 = tpu.memref_slice %arg12[%dma_wait3A_1204, %dma_wait3A_1206] : memref<80x128xf32, #tpu.memory_space<vmem>> -> memref<1x128xf32, #tpu.memory_space<vmem>>
    %dma_wait3A_1208 = tpu.memref_squeeze %dma_wait3A_1207 : memref<1x128xf32, #tpu.memory_space<vmem>> -> memref<128xf32, #tpu.memory_space<vmem>>
    %dma_wait3A_1209 = arith.constant 0 : i32
    %dma_wait3A_1210 = tpu.memref_slice %arg11[%dma_wait3A_1205, %dma_wait3A_1209] : memref<80x128xi32, #tpu.memory_space<vmem>> -> memref<1x128xi32, #tpu.memory_space<vmem>>
    %dma_wait3A_1211 = tpu.memref_squeeze %dma_wait3A_1210 : memref<1x128xi32, #tpu.memory_space<vmem>> -> memref<128xi32, #tpu.memory_space<vmem>>
    %dma_wait3A_1212 = arith.constant 0 : i32
    %dma_wait3A_1213 = tpu.memref_slice %arg14[%dma_wait3A_1212] : memref<10240xf32, #tpu.memory_space<vmem_shared>> -> memref<10240xf32, #tpu.memory_space<vmem_shared>>
    tpu.wait_indirect_dma semaphore(%arg15 : memref<!tpu.dma_semaphore, #tpu.memory_space<semaphore_mem>>) src(%dma_wait3A_1208 : memref<128xf32, #tpu.memory_space<vmem>>) dst(%dma_wait3A_1213 : memref<10240xf32, #tpu.memory_space<vmem_shared>>)
    %dma_wait3A_1214 = arith.constant 39 : i32
    %dma_wait3A_1215 = arith.constant 39 : i32
    %dma_wait3A_1216 = arith.constant 0 : i32
    %dma_wait3A_1217 = tpu.memref_slice %arg12[%dma_wait3A_1214, %dma_wait3A_1216] : memref<80x128xf32, #tpu.memory_space<vmem>> -> memref<1x128xf32, #tpu.memory_space<vmem>>
    %dma_wait3A_1218 = tpu.memref_squeeze %dma_wait3A_1217 : memref<1x128xf32, #tpu.memory_space<vmem>> -> memref<128xf32, #tpu.memory_space<vmem>>
    %dma_wait3A_1219 = arith.constant 0 : i32
    %dma_wait3A_1220 = tpu.memref_slice %arg11[%dma_wait3A_1215, %dma_wait3A_1219] : memref<80x128xi32, #tpu.memory_space<vmem>> -> memref<1x128xi32, #tpu.memory_space<vmem>>
    %dma_wait3A_1221 = tpu.memref_squeeze %dma_wait3A_1220 : memref<1x128xi32, #tpu.memory_space<vmem>> -> memref<128xi32, #tpu.memory_space<vmem>>
    %dma_wait3A_1222 = arith.constant 0 : i32
    %dma_wait3A_1223 = tpu.memref_slice %arg14[%dma_wait3A_1222] : memref<10240xf32, #tpu.memory_space<vmem_shared>> -> memref<10240xf32, #tpu.memory_space<vmem_shared>>
    tpu.wait_indirect_dma semaphore(%arg15 : memref<!tpu.dma_semaphore, #tpu.memory_space<semaphore_mem>>) src(%dma_wait3A_1218 : memref<128xf32, #tpu.memory_space<vmem>>) dst(%dma_wait3A_1223 : memref<10240xf32, #tpu.memory_space<vmem_shared>>)
    %dma_wait3A_1224 = arith.constant 40 : i32
    %dma_wait3A_1225 = arith.constant 40 : i32
    %dma_wait3A_1226 = arith.constant 0 : i32
    %dma_wait3A_1227 = tpu.memref_slice %arg12[%dma_wait3A_1224, %dma_wait3A_1226] : memref<80x128xf32, #tpu.memory_space<vmem>> -> memref<1x128xf32, #tpu.memory_space<vmem>>
    %dma_wait3A_1228 = tpu.memref_squeeze %dma_wait3A_1227 : memref<1x128xf32, #tpu.memory_space<vmem>> -> memref<128xf32, #tpu.memory_space<vmem>>
    %dma_wait3A_1229 = arith.constant 0 : i32
    %dma_wait3A_1230 = tpu.memref_slice %arg11[%dma_wait3A_1225, %dma_wait3A_1229] : memref<80x128xi32, #tpu.memory_space<vmem>> -> memref<1x128xi32, #tpu.memory_space<vmem>>
    %dma_wait3A_1231 = tpu.memref_squeeze %dma_wait3A_1230 : memref<1x128xi32, #tpu.memory_space<vmem>> -> memref<128xi32, #tpu.memory_space<vmem>>
    %dma_wait3A_1232 = arith.constant 0 : i32
    %dma_wait3A_1233 = tpu.memref_slice %arg14[%dma_wait3A_1232] : memref<10240xf32, #tpu.memory_space<vmem_shared>> -> memref<10240xf32, #tpu.memory_space<vmem_shared>>
    tpu.wait_indirect_dma semaphore(%arg15 : memref<!tpu.dma_semaphore, #tpu.memory_space<semaphore_mem>>) src(%dma_wait3A_1228 : memref<128xf32, #tpu.memory_space<vmem>>) dst(%dma_wait3A_1233 : memref<10240xf32, #tpu.memory_space<vmem_shared>>)
    %dma_wait3A_1234 = arith.constant 41 : i32
    %dma_wait3A_1235 = arith.constant 41 : i32
    %dma_wait3A_1236 = arith.constant 0 : i32
    %dma_wait3A_1237 = tpu.memref_slice %arg12[%dma_wait3A_1234, %dma_wait3A_1236] : memref<80x128xf32, #tpu.memory_space<vmem>> -> memref<1x128xf32, #tpu.memory_space<vmem>>
    %dma_wait3A_1238 = tpu.memref_squeeze %dma_wait3A_1237 : memref<1x128xf32, #tpu.memory_space<vmem>> -> memref<128xf32, #tpu.memory_space<vmem>>
    %dma_wait3A_1239 = arith.constant 0 : i32
    %dma_wait3A_1240 = tpu.memref_slice %arg11[%dma_wait3A_1235, %dma_wait3A_1239] : memref<80x128xi32, #tpu.memory_space<vmem>> -> memref<1x128xi32, #tpu.memory_space<vmem>>
    %dma_wait3A_1241 = tpu.memref_squeeze %dma_wait3A_1240 : memref<1x128xi32, #tpu.memory_space<vmem>> -> memref<128xi32, #tpu.memory_space<vmem>>
    %dma_wait3A_1242 = arith.constant 0 : i32
    %dma_wait3A_1243 = tpu.memref_slice %arg14[%dma_wait3A_1242] : memref<10240xf32, #tpu.memory_space<vmem_shared>> -> memref<10240xf32, #tpu.memory_space<vmem_shared>>
    tpu.wait_indirect_dma semaphore(%arg15 : memref<!tpu.dma_semaphore, #tpu.memory_space<semaphore_mem>>) src(%dma_wait3A_1238 : memref<128xf32, #tpu.memory_space<vmem>>) dst(%dma_wait3A_1243 : memref<10240xf32, #tpu.memory_space<vmem_shared>>)
    %dma_wait3A_1244 = arith.constant 42 : i32
    %dma_wait3A_1245 = arith.constant 42 : i32
    %dma_wait3A_1246 = arith.constant 0 : i32
    %dma_wait3A_1247 = tpu.memref_slice %arg12[%dma_wait3A_1244, %dma_wait3A_1246] : memref<80x128xf32, #tpu.memory_space<vmem>> -> memref<1x128xf32, #tpu.memory_space<vmem>>
    %dma_wait3A_1248 = tpu.memref_squeeze %dma_wait3A_1247 : memref<1x128xf32, #tpu.memory_space<vmem>> -> memref<128xf32, #tpu.memory_space<vmem>>
    %dma_wait3A_1249 = arith.constant 0 : i32
    %dma_wait3A_1250 = tpu.memref_slice %arg11[%dma_wait3A_1245, %dma_wait3A_1249] : memref<80x128xi32, #tpu.memory_space<vmem>> -> memref<1x128xi32, #tpu.memory_space<vmem>>
    %dma_wait3A_1251 = tpu.memref_squeeze %dma_wait3A_1250 : memref<1x128xi32, #tpu.memory_space<vmem>> -> memref<128xi32, #tpu.memory_space<vmem>>
    %dma_wait3A_1252 = arith.constant 0 : i32
    %dma_wait3A_1253 = tpu.memref_slice %arg14[%dma_wait3A_1252] : memref<10240xf32, #tpu.memory_space<vmem_shared>> -> memref<10240xf32, #tpu.memory_space<vmem_shared>>
    tpu.wait_indirect_dma semaphore(%arg15 : memref<!tpu.dma_semaphore, #tpu.memory_space<semaphore_mem>>) src(%dma_wait3A_1248 : memref<128xf32, #tpu.memory_space<vmem>>) dst(%dma_wait3A_1253 : memref<10240xf32, #tpu.memory_space<vmem_shared>>)
    %dma_wait3A_1254 = arith.constant 43 : i32
    %dma_wait3A_1255 = arith.constant 43 : i32
    %dma_wait3A_1256 = arith.constant 0 : i32
    %dma_wait3A_1257 = tpu.memref_slice %arg12[%dma_wait3A_1254, %dma_wait3A_1256] : memref<80x128xf32, #tpu.memory_space<vmem>> -> memref<1x128xf32, #tpu.memory_space<vmem>>
    %dma_wait3A_1258 = tpu.memref_squeeze %dma_wait3A_1257 : memref<1x128xf32, #tpu.memory_space<vmem>> -> memref<128xf32, #tpu.memory_space<vmem>>
    %dma_wait3A_1259 = arith.constant 0 : i32
    %dma_wait3A_1260 = tpu.memref_slice %arg11[%dma_wait3A_1255, %dma_wait3A_1259] : memref<80x128xi32, #tpu.memory_space<vmem>> -> memref<1x128xi32, #tpu.memory_space<vmem>>
    %dma_wait3A_1261 = tpu.memref_squeeze %dma_wait3A_1260 : memref<1x128xi32, #tpu.memory_space<vmem>> -> memref<128xi32, #tpu.memory_space<vmem>>
    %dma_wait3A_1262 = arith.constant 0 : i32
    %dma_wait3A_1263 = tpu.memref_slice %arg14[%dma_wait3A_1262] : memref<10240xf32, #tpu.memory_space<vmem_shared>> -> memref<10240xf32, #tpu.memory_space<vmem_shared>>
    tpu.wait_indirect_dma semaphore(%arg15 : memref<!tpu.dma_semaphore, #tpu.memory_space<semaphore_mem>>) src(%dma_wait3A_1258 : memref<128xf32, #tpu.memory_space<vmem>>) dst(%dma_wait3A_1263 : memref<10240xf32, #tpu.memory_space<vmem_shared>>)
    %dma_wait3A_1264 = arith.constant 44 : i32
    %dma_wait3A_1265 = arith.constant 44 : i32
    %dma_wait3A_1266 = arith.constant 0 : i32
    %dma_wait3A_1267 = tpu.memref_slice %arg12[%dma_wait3A_1264, %dma_wait3A_1266] : memref<80x128xf32, #tpu.memory_space<vmem>> -> memref<1x128xf32, #tpu.memory_space<vmem>>
    %dma_wait3A_1268 = tpu.memref_squeeze %dma_wait3A_1267 : memref<1x128xf32, #tpu.memory_space<vmem>> -> memref<128xf32, #tpu.memory_space<vmem>>
    %dma_wait3A_1269 = arith.constant 0 : i32
    %dma_wait3A_1270 = tpu.memref_slice %arg11[%dma_wait3A_1265, %dma_wait3A_1269] : memref<80x128xi32, #tpu.memory_space<vmem>> -> memref<1x128xi32, #tpu.memory_space<vmem>>
    %dma_wait3A_1271 = tpu.memref_squeeze %dma_wait3A_1270 : memref<1x128xi32, #tpu.memory_space<vmem>> -> memref<128xi32, #tpu.memory_space<vmem>>
    %dma_wait3A_1272 = arith.constant 0 : i32
    %dma_wait3A_1273 = tpu.memref_slice %arg14[%dma_wait3A_1272] : memref<10240xf32, #tpu.memory_space<vmem_shared>> -> memref<10240xf32, #tpu.memory_space<vmem_shared>>
    tpu.wait_indirect_dma semaphore(%arg15 : memref<!tpu.dma_semaphore, #tpu.memory_space<semaphore_mem>>) src(%dma_wait3A_1268 : memref<128xf32, #tpu.memory_space<vmem>>) dst(%dma_wait3A_1273 : memref<10240xf32, #tpu.memory_space<vmem_shared>>)
    %dma_wait3A_1274 = arith.constant 45 : i32
    %dma_wait3A_1275 = arith.constant 45 : i32
    %dma_wait3A_1276 = arith.constant 0 : i32
    %dma_wait3A_1277 = tpu.memref_slice %arg12[%dma_wait3A_1274, %dma_wait3A_1276] : memref<80x128xf32, #tpu.memory_space<vmem>> -> memref<1x128xf32, #tpu.memory_space<vmem>>
    %dma_wait3A_1278 = tpu.memref_squeeze %dma_wait3A_1277 : memref<1x128xf32, #tpu.memory_space<vmem>> -> memref<128xf32, #tpu.memory_space<vmem>>
    %dma_wait3A_1279 = arith.constant 0 : i32
    %dma_wait3A_1280 = tpu.memref_slice %arg11[%dma_wait3A_1275, %dma_wait3A_1279] : memref<80x128xi32, #tpu.memory_space<vmem>> -> memref<1x128xi32, #tpu.memory_space<vmem>>
    %dma_wait3A_1281 = tpu.memref_squeeze %dma_wait3A_1280 : memref<1x128xi32, #tpu.memory_space<vmem>> -> memref<128xi32, #tpu.memory_space<vmem>>
    %dma_wait3A_1282 = arith.constant 0 : i32
    %dma_wait3A_1283 = tpu.memref_slice %arg14[%dma_wait3A_1282] : memref<10240xf32, #tpu.memory_space<vmem_shared>> -> memref<10240xf32, #tpu.memory_space<vmem_shared>>
    tpu.wait_indirect_dma semaphore(%arg15 : memref<!tpu.dma_semaphore, #tpu.memory_space<semaphore_mem>>) src(%dma_wait3A_1278 : memref<128xf32, #tpu.memory_space<vmem>>) dst(%dma_wait3A_1283 : memref<10240xf32, #tpu.memory_space<vmem_shared>>)
    %dma_wait3A_1284 = arith.constant 46 : i32
    %dma_wait3A_1285 = arith.constant 46 : i32
    %dma_wait3A_1286 = arith.constant 0 : i32
    %dma_wait3A_1287 = tpu.memref_slice %arg12[%dma_wait3A_1284, %dma_wait3A_1286] : memref<80x128xf32, #tpu.memory_space<vmem>> -> memref<1x128xf32, #tpu.memory_space<vmem>>
    %dma_wait3A_1288 = tpu.memref_squeeze %dma_wait3A_1287 : memref<1x128xf32, #tpu.memory_space<vmem>> -> memref<128xf32, #tpu.memory_space<vmem>>
    %dma_wait3A_1289 = arith.constant 0 : i32
    %dma_wait3A_1290 = tpu.memref_slice %arg11[%dma_wait3A_1285, %dma_wait3A_1289] : memref<80x128xi32, #tpu.memory_space<vmem>> -> memref<1x128xi32, #tpu.memory_space<vmem>>
    %dma_wait3A_1291 = tpu.memref_squeeze %dma_wait3A_1290 : memref<1x128xi32, #tpu.memory_space<vmem>> -> memref<128xi32, #tpu.memory_space<vmem>>
    %dma_wait3A_1292 = arith.constant 0 : i32
    %dma_wait3A_1293 = tpu.memref_slice %arg14[%dma_wait3A_1292] : memref<10240xf32, #tpu.memory_space<vmem_shared>> -> memref<10240xf32, #tpu.memory_space<vmem_shared>>
    tpu.wait_indirect_dma semaphore(%arg15 : memref<!tpu.dma_semaphore, #tpu.memory_space<semaphore_mem>>) src(%dma_wait3A_1288 : memref<128xf32, #tpu.memory_space<vmem>>) dst(%dma_wait3A_1293 : memref<10240xf32, #tpu.memory_space<vmem_shared>>)
    %dma_wait3A_1294 = arith.constant 47 : i32
    %dma_wait3A_1295 = arith.constant 47 : i32
    %dma_wait3A_1296 = arith.constant 0 : i32
    %dma_wait3A_1297 = tpu.memref_slice %arg12[%dma_wait3A_1294, %dma_wait3A_1296] : memref<80x128xf32, #tpu.memory_space<vmem>> -> memref<1x128xf32, #tpu.memory_space<vmem>>
    %dma_wait3A_1298 = tpu.memref_squeeze %dma_wait3A_1297 : memref<1x128xf32, #tpu.memory_space<vmem>> -> memref<128xf32, #tpu.memory_space<vmem>>
    %dma_wait3A_1299 = arith.constant 0 : i32
    %dma_wait3A_1300 = tpu.memref_slice %arg11[%dma_wait3A_1295, %dma_wait3A_1299] : memref<80x128xi32, #tpu.memory_space<vmem>> -> memref<1x128xi32, #tpu.memory_space<vmem>>
    %dma_wait3A_1301 = tpu.memref_squeeze %dma_wait3A_1300 : memref<1x128xi32, #tpu.memory_space<vmem>> -> memref<128xi32, #tpu.memory_space<vmem>>
    %dma_wait3A_1302 = arith.constant 0 : i32
    %dma_wait3A_1303 = tpu.memref_slice %arg14[%dma_wait3A_1302] : memref<10240xf32, #tpu.memory_space<vmem_shared>> -> memref<10240xf32, #tpu.memory_space<vmem_shared>>
    tpu.wait_indirect_dma semaphore(%arg15 : memref<!tpu.dma_semaphore, #tpu.memory_space<semaphore_mem>>) src(%dma_wait3A_1298 : memref<128xf32, #tpu.memory_space<vmem>>) dst(%dma_wait3A_1303 : memref<10240xf32, #tpu.memory_space<vmem_shared>>)
    %dma_wait3A_1304 = arith.constant 48 : i32
    %dma_wait3A_1305 = arith.constant 48 : i32
    %dma_wait3A_1306 = arith.constant 0 : i32
    %dma_wait3A_1307 = tpu.memref_slice %arg12[%dma_wait3A_1304, %dma_wait3A_1306] : memref<80x128xf32, #tpu.memory_space<vmem>> -> memref<1x128xf32, #tpu.memory_space<vmem>>
    %dma_wait3A_1308 = tpu.memref_squeeze %dma_wait3A_1307 : memref<1x128xf32, #tpu.memory_space<vmem>> -> memref<128xf32, #tpu.memory_space<vmem>>
    %dma_wait3A_1309 = arith.constant 0 : i32
    %dma_wait3A_1310 = tpu.memref_slice %arg11[%dma_wait3A_1305, %dma_wait3A_1309] : memref<80x128xi32, #tpu.memory_space<vmem>> -> memref<1x128xi32, #tpu.memory_space<vmem>>
    %dma_wait3A_1311 = tpu.memref_squeeze %dma_wait3A_1310 : memref<1x128xi32, #tpu.memory_space<vmem>> -> memref<128xi32, #tpu.memory_space<vmem>>
    %dma_wait3A_1312 = arith.constant 0 : i32
    %dma_wait3A_1313 = tpu.memref_slice %arg14[%dma_wait3A_1312] : memref<10240xf32, #tpu.memory_space<vmem_shared>> -> memref<10240xf32, #tpu.memory_space<vmem_shared>>
    tpu.wait_indirect_dma semaphore(%arg15 : memref<!tpu.dma_semaphore, #tpu.memory_space<semaphore_mem>>) src(%dma_wait3A_1308 : memref<128xf32, #tpu.memory_space<vmem>>) dst(%dma_wait3A_1313 : memref<10240xf32, #tpu.memory_space<vmem_shared>>)
    %dma_wait3A_1314 = arith.constant 49 : i32
    %dma_wait3A_1315 = arith.constant 49 : i32
    %dma_wait3A_1316 = arith.constant 0 : i32
    %dma_wait3A_1317 = tpu.memref_slice %arg12[%dma_wait3A_1314, %dma_wait3A_1316] : memref<80x128xf32, #tpu.memory_space<vmem>> -> memref<1x128xf32, #tpu.memory_space<vmem>>
    %dma_wait3A_1318 = tpu.memref_squeeze %dma_wait3A_1317 : memref<1x128xf32, #tpu.memory_space<vmem>> -> memref<128xf32, #tpu.memory_space<vmem>>
    %dma_wait3A_1319 = arith.constant 0 : i32
    %dma_wait3A_1320 = tpu.memref_slice %arg11[%dma_wait3A_1315, %dma_wait3A_1319] : memref<80x128xi32, #tpu.memory_space<vmem>> -> memref<1x128xi32, #tpu.memory_space<vmem>>
    %dma_wait3A_1321 = tpu.memref_squeeze %dma_wait3A_1320 : memref<1x128xi32, #tpu.memory_space<vmem>> -> memref<128xi32, #tpu.memory_space<vmem>>
    %dma_wait3A_1322 = arith.constant 0 : i32
    %dma_wait3A_1323 = tpu.memref_slice %arg14[%dma_wait3A_1322] : memref<10240xf32, #tpu.memory_space<vmem_shared>> -> memref<10240xf32, #tpu.memory_space<vmem_shared>>
    tpu.wait_indirect_dma semaphore(%arg15 : memref<!tpu.dma_semaphore, #tpu.memory_space<semaphore_mem>>) src(%dma_wait3A_1318 : memref<128xf32, #tpu.memory_space<vmem>>) dst(%dma_wait3A_1323 : memref<10240xf32, #tpu.memory_space<vmem_shared>>)
    %dma_wait3A_1324 = arith.constant 50 : i32
    %dma_wait3A_1325 = arith.constant 50 : i32
    %dma_wait3A_1326 = arith.constant 0 : i32
    %dma_wait3A_1327 = tpu.memref_slice %arg12[%dma_wait3A_1324, %dma_wait3A_1326] : memref<80x128xf32, #tpu.memory_space<vmem>> -> memref<1x128xf32, #tpu.memory_space<vmem>>
    %dma_wait3A_1328 = tpu.memref_squeeze %dma_wait3A_1327 : memref<1x128xf32, #tpu.memory_space<vmem>> -> memref<128xf32, #tpu.memory_space<vmem>>
    %dma_wait3A_1329 = arith.constant 0 : i32
    %dma_wait3A_1330 = tpu.memref_slice %arg11[%dma_wait3A_1325, %dma_wait3A_1329] : memref<80x128xi32, #tpu.memory_space<vmem>> -> memref<1x128xi32, #tpu.memory_space<vmem>>
    %dma_wait3A_1331 = tpu.memref_squeeze %dma_wait3A_1330 : memref<1x128xi32, #tpu.memory_space<vmem>> -> memref<128xi32, #tpu.memory_space<vmem>>
    %dma_wait3A_1332 = arith.constant 0 : i32
    %dma_wait3A_1333 = tpu.memref_slice %arg14[%dma_wait3A_1332] : memref<10240xf32, #tpu.memory_space<vmem_shared>> -> memref<10240xf32, #tpu.memory_space<vmem_shared>>
    tpu.wait_indirect_dma semaphore(%arg15 : memref<!tpu.dma_semaphore, #tpu.memory_space<semaphore_mem>>) src(%dma_wait3A_1328 : memref<128xf32, #tpu.memory_space<vmem>>) dst(%dma_wait3A_1333 : memref<10240xf32, #tpu.memory_space<vmem_shared>>)
    %dma_wait3A_1334 = arith.constant 51 : i32
    %dma_wait3A_1335 = arith.constant 51 : i32
    %dma_wait3A_1336 = arith.constant 0 : i32
    %dma_wait3A_1337 = tpu.memref_slice %arg12[%dma_wait3A_1334, %dma_wait3A_1336] : memref<80x128xf32, #tpu.memory_space<vmem>> -> memref<1x128xf32, #tpu.memory_space<vmem>>
    %dma_wait3A_1338 = tpu.memref_squeeze %dma_wait3A_1337 : memref<1x128xf32, #tpu.memory_space<vmem>> -> memref<128xf32, #tpu.memory_space<vmem>>
    %dma_wait3A_1339 = arith.constant 0 : i32
    %dma_wait3A_1340 = tpu.memref_slice %arg11[%dma_wait3A_1335, %dma_wait3A_1339] : memref<80x128xi32, #tpu.memory_space<vmem>> -> memref<1x128xi32, #tpu.memory_space<vmem>>
    %dma_wait3A_1341 = tpu.memref_squeeze %dma_wait3A_1340 : memref<1x128xi32, #tpu.memory_space<vmem>> -> memref<128xi32, #tpu.memory_space<vmem>>
    %dma_wait3A_1342 = arith.constant 0 : i32
    %dma_wait3A_1343 = tpu.memref_slice %arg14[%dma_wait3A_1342] : memref<10240xf32, #tpu.memory_space<vmem_shared>> -> memref<10240xf32, #tpu.memory_space<vmem_shared>>
    tpu.wait_indirect_dma semaphore(%arg15 : memref<!tpu.dma_semaphore, #tpu.memory_space<semaphore_mem>>) src(%dma_wait3A_1338 : memref<128xf32, #tpu.memory_space<vmem>>) dst(%dma_wait3A_1343 : memref<10240xf32, #tpu.memory_space<vmem_shared>>)
    %dma_wait3A_1344 = arith.constant 52 : i32
    %dma_wait3A_1345 = arith.constant 52 : i32
    %dma_wait3A_1346 = arith.constant 0 : i32
    %dma_wait3A_1347 = tpu.memref_slice %arg12[%dma_wait3A_1344, %dma_wait3A_1346] : memref<80x128xf32, #tpu.memory_space<vmem>> -> memref<1x128xf32, #tpu.memory_space<vmem>>
    %dma_wait3A_1348 = tpu.memref_squeeze %dma_wait3A_1347 : memref<1x128xf32, #tpu.memory_space<vmem>> -> memref<128xf32, #tpu.memory_space<vmem>>
    %dma_wait3A_1349 = arith.constant 0 : i32
    %dma_wait3A_1350 = tpu.memref_slice %arg11[%dma_wait3A_1345, %dma_wait3A_1349] : memref<80x128xi32, #tpu.memory_space<vmem>> -> memref<1x128xi32, #tpu.memory_space<vmem>>
    %dma_wait3A_1351 = tpu.memref_squeeze %dma_wait3A_1350 : memref<1x128xi32, #tpu.memory_space<vmem>> -> memref<128xi32, #tpu.memory_space<vmem>>
    %dma_wait3A_1352 = arith.constant 0 : i32
    %dma_wait3A_1353 = tpu.memref_slice %arg14[%dma_wait3A_1352] : memref<10240xf32, #tpu.memory_space<vmem_shared>> -> memref<10240xf32, #tpu.memory_space<vmem_shared>>
    tpu.wait_indirect_dma semaphore(%arg15 : memref<!tpu.dma_semaphore, #tpu.memory_space<semaphore_mem>>) src(%dma_wait3A_1348 : memref<128xf32, #tpu.memory_space<vmem>>) dst(%dma_wait3A_1353 : memref<10240xf32, #tpu.memory_space<vmem_shared>>)
    %dma_wait3A_1354 = arith.constant 53 : i32
    %dma_wait3A_1355 = arith.constant 53 : i32
    %dma_wait3A_1356 = arith.constant 0 : i32
    %dma_wait3A_1357 = tpu.memref_slice %arg12[%dma_wait3A_1354, %dma_wait3A_1356] : memref<80x128xf32, #tpu.memory_space<vmem>> -> memref<1x128xf32, #tpu.memory_space<vmem>>
    %dma_wait3A_1358 = tpu.memref_squeeze %dma_wait3A_1357 : memref<1x128xf32, #tpu.memory_space<vmem>> -> memref<128xf32, #tpu.memory_space<vmem>>
    %dma_wait3A_1359 = arith.constant 0 : i32
    %dma_wait3A_1360 = tpu.memref_slice %arg11[%dma_wait3A_1355, %dma_wait3A_1359] : memref<80x128xi32, #tpu.memory_space<vmem>> -> memref<1x128xi32, #tpu.memory_space<vmem>>
    %dma_wait3A_1361 = tpu.memref_squeeze %dma_wait3A_1360 : memref<1x128xi32, #tpu.memory_space<vmem>> -> memref<128xi32, #tpu.memory_space<vmem>>
    %dma_wait3A_1362 = arith.constant 0 : i32
    %dma_wait3A_1363 = tpu.memref_slice %arg14[%dma_wait3A_1362] : memref<10240xf32, #tpu.memory_space<vmem_shared>> -> memref<10240xf32, #tpu.memory_space<vmem_shared>>
    tpu.wait_indirect_dma semaphore(%arg15 : memref<!tpu.dma_semaphore, #tpu.memory_space<semaphore_mem>>) src(%dma_wait3A_1358 : memref<128xf32, #tpu.memory_space<vmem>>) dst(%dma_wait3A_1363 : memref<10240xf32, #tpu.memory_space<vmem_shared>>)
    %dma_wait3A_1364 = arith.constant 54 : i32
    %dma_wait3A_1365 = arith.constant 54 : i32
    %dma_wait3A_1366 = arith.constant 0 : i32
    %dma_wait3A_1367 = tpu.memref_slice %arg12[%dma_wait3A_1364, %dma_wait3A_1366] : memref<80x128xf32, #tpu.memory_space<vmem>> -> memref<1x128xf32, #tpu.memory_space<vmem>>
    %dma_wait3A_1368 = tpu.memref_squeeze %dma_wait3A_1367 : memref<1x128xf32, #tpu.memory_space<vmem>> -> memref<128xf32, #tpu.memory_space<vmem>>
    %dma_wait3A_1369 = arith.constant 0 : i32
    %dma_wait3A_1370 = tpu.memref_slice %arg11[%dma_wait3A_1365, %dma_wait3A_1369] : memref<80x128xi32, #tpu.memory_space<vmem>> -> memref<1x128xi32, #tpu.memory_space<vmem>>
    %dma_wait3A_1371 = tpu.memref_squeeze %dma_wait3A_1370 : memref<1x128xi32, #tpu.memory_space<vmem>> -> memref<128xi32, #tpu.memory_space<vmem>>
    %dma_wait3A_1372 = arith.constant 0 : i32
    %dma_wait3A_1373 = tpu.memref_slice %arg14[%dma_wait3A_1372] : memref<10240xf32, #tpu.memory_space<vmem_shared>> -> memref<10240xf32, #tpu.memory_space<vmem_shared>>
    tpu.wait_indirect_dma semaphore(%arg15 : memref<!tpu.dma_semaphore, #tpu.memory_space<semaphore_mem>>) src(%dma_wait3A_1368 : memref<128xf32, #tpu.memory_space<vmem>>) dst(%dma_wait3A_1373 : memref<10240xf32, #tpu.memory_space<vmem_shared>>)
    %dma_wait3A_1374 = arith.constant 55 : i32
    %dma_wait3A_1375 = arith.constant 55 : i32
    %dma_wait3A_1376 = arith.constant 0 : i32
    %dma_wait3A_1377 = tpu.memref_slice %arg12[%dma_wait3A_1374, %dma_wait3A_1376] : memref<80x128xf32, #tpu.memory_space<vmem>> -> memref<1x128xf32, #tpu.memory_space<vmem>>
    %dma_wait3A_1378 = tpu.memref_squeeze %dma_wait3A_1377 : memref<1x128xf32, #tpu.memory_space<vmem>> -> memref<128xf32, #tpu.memory_space<vmem>>
    %dma_wait3A_1379 = arith.constant 0 : i32
    %dma_wait3A_1380 = tpu.memref_slice %arg11[%dma_wait3A_1375, %dma_wait3A_1379] : memref<80x128xi32, #tpu.memory_space<vmem>> -> memref<1x128xi32, #tpu.memory_space<vmem>>
    %dma_wait3A_1381 = tpu.memref_squeeze %dma_wait3A_1380 : memref<1x128xi32, #tpu.memory_space<vmem>> -> memref<128xi32, #tpu.memory_space<vmem>>
    %dma_wait3A_1382 = arith.constant 0 : i32
    %dma_wait3A_1383 = tpu.memref_slice %arg14[%dma_wait3A_1382] : memref<10240xf32, #tpu.memory_space<vmem_shared>> -> memref<10240xf32, #tpu.memory_space<vmem_shared>>
    tpu.wait_indirect_dma semaphore(%arg15 : memref<!tpu.dma_semaphore, #tpu.memory_space<semaphore_mem>>) src(%dma_wait3A_1378 : memref<128xf32, #tpu.memory_space<vmem>>) dst(%dma_wait3A_1383 : memref<10240xf32, #tpu.memory_space<vmem_shared>>)
    %dma_wait3A_1384 = arith.constant 56 : i32
    %dma_wait3A_1385 = arith.constant 56 : i32
    %dma_wait3A_1386 = arith.constant 0 : i32
    %dma_wait3A_1387 = tpu.memref_slice %arg12[%dma_wait3A_1384, %dma_wait3A_1386] : memref<80x128xf32, #tpu.memory_space<vmem>> -> memref<1x128xf32, #tpu.memory_space<vmem>>
    %dma_wait3A_1388 = tpu.memref_squeeze %dma_wait3A_1387 : memref<1x128xf32, #tpu.memory_space<vmem>> -> memref<128xf32, #tpu.memory_space<vmem>>
    %dma_wait3A_1389 = arith.constant 0 : i32
    %dma_wait3A_1390 = tpu.memref_slice %arg11[%dma_wait3A_1385, %dma_wait3A_1389] : memref<80x128xi32, #tpu.memory_space<vmem>> -> memref<1x128xi32, #tpu.memory_space<vmem>>
    %dma_wait3A_1391 = tpu.memref_squeeze %dma_wait3A_1390 : memref<1x128xi32, #tpu.memory_space<vmem>> -> memref<128xi32, #tpu.memory_space<vmem>>
    %dma_wait3A_1392 = arith.constant 0 : i32
    %dma_wait3A_1393 = tpu.memref_slice %arg14[%dma_wait3A_1392] : memref<10240xf32, #tpu.memory_space<vmem_shared>> -> memref<10240xf32, #tpu.memory_space<vmem_shared>>
    tpu.wait_indirect_dma semaphore(%arg15 : memref<!tpu.dma_semaphore, #tpu.memory_space<semaphore_mem>>) src(%dma_wait3A_1388 : memref<128xf32, #tpu.memory_space<vmem>>) dst(%dma_wait3A_1393 : memref<10240xf32, #tpu.memory_space<vmem_shared>>)
    %dma_wait3A_1394 = arith.constant 57 : i32
    %dma_wait3A_1395 = arith.constant 57 : i32
    %dma_wait3A_1396 = arith.constant 0 : i32
    %dma_wait3A_1397 = tpu.memref_slice %arg12[%dma_wait3A_1394, %dma_wait3A_1396] : memref<80x128xf32, #tpu.memory_space<vmem>> -> memref<1x128xf32, #tpu.memory_space<vmem>>
    %dma_wait3A_1398 = tpu.memref_squeeze %dma_wait3A_1397 : memref<1x128xf32, #tpu.memory_space<vmem>> -> memref<128xf32, #tpu.memory_space<vmem>>
    %dma_wait3A_1399 = arith.constant 0 : i32
    %dma_wait3A_1400 = tpu.memref_slice %arg11[%dma_wait3A_1395, %dma_wait3A_1399] : memref<80x128xi32, #tpu.memory_space<vmem>> -> memref<1x128xi32, #tpu.memory_space<vmem>>
    %dma_wait3A_1401 = tpu.memref_squeeze %dma_wait3A_1400 : memref<1x128xi32, #tpu.memory_space<vmem>> -> memref<128xi32, #tpu.memory_space<vmem>>
    %dma_wait3A_1402 = arith.constant 0 : i32
    %dma_wait3A_1403 = tpu.memref_slice %arg14[%dma_wait3A_1402] : memref<10240xf32, #tpu.memory_space<vmem_shared>> -> memref<10240xf32, #tpu.memory_space<vmem_shared>>
    tpu.wait_indirect_dma semaphore(%arg15 : memref<!tpu.dma_semaphore, #tpu.memory_space<semaphore_mem>>) src(%dma_wait3A_1398 : memref<128xf32, #tpu.memory_space<vmem>>) dst(%dma_wait3A_1403 : memref<10240xf32, #tpu.memory_space<vmem_shared>>)
    %dma_wait3A_1404 = arith.constant 58 : i32
    %dma_wait3A_1405 = arith.constant 58 : i32
    %dma_wait3A_1406 = arith.constant 0 : i32
    %dma_wait3A_1407 = tpu.memref_slice %arg12[%dma_wait3A_1404, %dma_wait3A_1406] : memref<80x128xf32, #tpu.memory_space<vmem>> -> memref<1x128xf32, #tpu.memory_space<vmem>>
    %dma_wait3A_1408 = tpu.memref_squeeze %dma_wait3A_1407 : memref<1x128xf32, #tpu.memory_space<vmem>> -> memref<128xf32, #tpu.memory_space<vmem>>
    %dma_wait3A_1409 = arith.constant 0 : i32
    %dma_wait3A_1410 = tpu.memref_slice %arg11[%dma_wait3A_1405, %dma_wait3A_1409] : memref<80x128xi32, #tpu.memory_space<vmem>> -> memref<1x128xi32, #tpu.memory_space<vmem>>
    %dma_wait3A_1411 = tpu.memref_squeeze %dma_wait3A_1410 : memref<1x128xi32, #tpu.memory_space<vmem>> -> memref<128xi32, #tpu.memory_space<vmem>>
    %dma_wait3A_1412 = arith.constant 0 : i32
    %dma_wait3A_1413 = tpu.memref_slice %arg14[%dma_wait3A_1412] : memref<10240xf32, #tpu.memory_space<vmem_shared>> -> memref<10240xf32, #tpu.memory_space<vmem_shared>>
    tpu.wait_indirect_dma semaphore(%arg15 : memref<!tpu.dma_semaphore, #tpu.memory_space<semaphore_mem>>) src(%dma_wait3A_1408 : memref<128xf32, #tpu.memory_space<vmem>>) dst(%dma_wait3A_1413 : memref<10240xf32, #tpu.memory_space<vmem_shared>>)
    %dma_wait3A_1414 = arith.constant 59 : i32
    %dma_wait3A_1415 = arith.constant 59 : i32
    %dma_wait3A_1416 = arith.constant 0 : i32
    %dma_wait3A_1417 = tpu.memref_slice %arg12[%dma_wait3A_1414, %dma_wait3A_1416] : memref<80x128xf32, #tpu.memory_space<vmem>> -> memref<1x128xf32, #tpu.memory_space<vmem>>
    %dma_wait3A_1418 = tpu.memref_squeeze %dma_wait3A_1417 : memref<1x128xf32, #tpu.memory_space<vmem>> -> memref<128xf32, #tpu.memory_space<vmem>>
    %dma_wait3A_1419 = arith.constant 0 : i32
    %dma_wait3A_1420 = tpu.memref_slice %arg11[%dma_wait3A_1415, %dma_wait3A_1419] : memref<80x128xi32, #tpu.memory_space<vmem>> -> memref<1x128xi32, #tpu.memory_space<vmem>>
    %dma_wait3A_1421 = tpu.memref_squeeze %dma_wait3A_1420 : memref<1x128xi32, #tpu.memory_space<vmem>> -> memref<128xi32, #tpu.memory_space<vmem>>
    %dma_wait3A_1422 = arith.constant 0 : i32
    %dma_wait3A_1423 = tpu.memref_slice %arg14[%dma_wait3A_1422] : memref<10240xf32, #tpu.memory_space<vmem_shared>> -> memref<10240xf32, #tpu.memory_space<vmem_shared>>
    tpu.wait_indirect_dma semaphore(%arg15 : memref<!tpu.dma_semaphore, #tpu.memory_space<semaphore_mem>>) src(%dma_wait3A_1418 : memref<128xf32, #tpu.memory_space<vmem>>) dst(%dma_wait3A_1423 : memref<10240xf32, #tpu.memory_space<vmem_shared>>)
    %dma_wait3A_1424 = arith.constant 60 : i32
    %dma_wait3A_1425 = arith.constant 60 : i32
    %dma_wait3A_1426 = arith.constant 0 : i32
    %dma_wait3A_1427 = tpu.memref_slice %arg12[%dma_wait3A_1424, %dma_wait3A_1426] : memref<80x128xf32, #tpu.memory_space<vmem>> -> memref<1x128xf32, #tpu.memory_space<vmem>>
    %dma_wait3A_1428 = tpu.memref_squeeze %dma_wait3A_1427 : memref<1x128xf32, #tpu.memory_space<vmem>> -> memref<128xf32, #tpu.memory_space<vmem>>
    %dma_wait3A_1429 = arith.constant 0 : i32
    %dma_wait3A_1430 = tpu.memref_slice %arg11[%dma_wait3A_1425, %dma_wait3A_1429] : memref<80x128xi32, #tpu.memory_space<vmem>> -> memref<1x128xi32, #tpu.memory_space<vmem>>
    %dma_wait3A_1431 = tpu.memref_squeeze %dma_wait3A_1430 : memref<1x128xi32, #tpu.memory_space<vmem>> -> memref<128xi32, #tpu.memory_space<vmem>>
    %dma_wait3A_1432 = arith.constant 0 : i32
    %dma_wait3A_1433 = tpu.memref_slice %arg14[%dma_wait3A_1432] : memref<10240xf32, #tpu.memory_space<vmem_shared>> -> memref<10240xf32, #tpu.memory_space<vmem_shared>>
    tpu.wait_indirect_dma semaphore(%arg15 : memref<!tpu.dma_semaphore, #tpu.memory_space<semaphore_mem>>) src(%dma_wait3A_1428 : memref<128xf32, #tpu.memory_space<vmem>>) dst(%dma_wait3A_1433 : memref<10240xf32, #tpu.memory_space<vmem_shared>>)
    %dma_wait3A_1434 = arith.constant 61 : i32
    %dma_wait3A_1435 = arith.constant 61 : i32
    %dma_wait3A_1436 = arith.constant 0 : i32
    %dma_wait3A_1437 = tpu.memref_slice %arg12[%dma_wait3A_1434, %dma_wait3A_1436] : memref<80x128xf32, #tpu.memory_space<vmem>> -> memref<1x128xf32, #tpu.memory_space<vmem>>
    %dma_wait3A_1438 = tpu.memref_squeeze %dma_wait3A_1437 : memref<1x128xf32, #tpu.memory_space<vmem>> -> memref<128xf32, #tpu.memory_space<vmem>>
    %dma_wait3A_1439 = arith.constant 0 : i32
    %dma_wait3A_1440 = tpu.memref_slice %arg11[%dma_wait3A_1435, %dma_wait3A_1439] : memref<80x128xi32, #tpu.memory_space<vmem>> -> memref<1x128xi32, #tpu.memory_space<vmem>>
    %dma_wait3A_1441 = tpu.memref_squeeze %dma_wait3A_1440 : memref<1x128xi32, #tpu.memory_space<vmem>> -> memref<128xi32, #tpu.memory_space<vmem>>
    %dma_wait3A_1442 = arith.constant 0 : i32
    %dma_wait3A_1443 = tpu.memref_slice %arg14[%dma_wait3A_1442] : memref<10240xf32, #tpu.memory_space<vmem_shared>> -> memref<10240xf32, #tpu.memory_space<vmem_shared>>
    tpu.wait_indirect_dma semaphore(%arg15 : memref<!tpu.dma_semaphore, #tpu.memory_space<semaphore_mem>>) src(%dma_wait3A_1438 : memref<128xf32, #tpu.memory_space<vmem>>) dst(%dma_wait3A_1443 : memref<10240xf32, #tpu.memory_space<vmem_shared>>)
    %dma_wait3A_1444 = arith.constant 62 : i32
    %dma_wait3A_1445 = arith.constant 62 : i32
    %dma_wait3A_1446 = arith.constant 0 : i32
    %dma_wait3A_1447 = tpu.memref_slice %arg12[%dma_wait3A_1444, %dma_wait3A_1446] : memref<80x128xf32, #tpu.memory_space<vmem>> -> memref<1x128xf32, #tpu.memory_space<vmem>>
    %dma_wait3A_1448 = tpu.memref_squeeze %dma_wait3A_1447 : memref<1x128xf32, #tpu.memory_space<vmem>> -> memref<128xf32, #tpu.memory_space<vmem>>
    %dma_wait3A_1449 = arith.constant 0 : i32
    %dma_wait3A_1450 = tpu.memref_slice %arg11[%dma_wait3A_1445, %dma_wait3A_1449] : memref<80x128xi32, #tpu.memory_space<vmem>> -> memref<1x128xi32, #tpu.memory_space<vmem>>
    %dma_wait3A_1451 = tpu.memref_squeeze %dma_wait3A_1450 : memref<1x128xi32, #tpu.memory_space<vmem>> -> memref<128xi32, #tpu.memory_space<vmem>>
    %dma_wait3A_1452 = arith.constant 0 : i32
    %dma_wait3A_1453 = tpu.memref_slice %arg14[%dma_wait3A_1452] : memref<10240xf32, #tpu.memory_space<vmem_shared>> -> memref<10240xf32, #tpu.memory_space<vmem_shared>>
    tpu.wait_indirect_dma semaphore(%arg15 : memref<!tpu.dma_semaphore, #tpu.memory_space<semaphore_mem>>) src(%dma_wait3A_1448 : memref<128xf32, #tpu.memory_space<vmem>>) dst(%dma_wait3A_1453 : memref<10240xf32, #tpu.memory_space<vmem_shared>>)
    %dma_wait3A_1454 = arith.constant 63 : i32
    %dma_wait3A_1455 = arith.constant 63 : i32
    %dma_wait3A_1456 = arith.constant 0 : i32
    %dma_wait3A_1457 = tpu.memref_slice %arg12[%dma_wait3A_1454, %dma_wait3A_1456] : memref<80x128xf32, #tpu.memory_space<vmem>> -> memref<1x128xf32, #tpu.memory_space<vmem>>
    %dma_wait3A_1458 = tpu.memref_squeeze %dma_wait3A_1457 : memref<1x128xf32, #tpu.memory_space<vmem>> -> memref<128xf32, #tpu.memory_space<vmem>>
    %dma_wait3A_1459 = arith.constant 0 : i32
    %dma_wait3A_1460 = tpu.memref_slice %arg11[%dma_wait3A_1455, %dma_wait3A_1459] : memref<80x128xi32, #tpu.memory_space<vmem>> -> memref<1x128xi32, #tpu.memory_space<vmem>>
    %dma_wait3A_1461 = tpu.memref_squeeze %dma_wait3A_1460 : memref<1x128xi32, #tpu.memory_space<vmem>> -> memref<128xi32, #tpu.memory_space<vmem>>
    %dma_wait3A_1462 = arith.constant 0 : i32
    %dma_wait3A_1463 = tpu.memref_slice %arg14[%dma_wait3A_1462] : memref<10240xf32, #tpu.memory_space<vmem_shared>> -> memref<10240xf32, #tpu.memory_space<vmem_shared>>
    tpu.wait_indirect_dma semaphore(%arg15 : memref<!tpu.dma_semaphore, #tpu.memory_space<semaphore_mem>>) src(%dma_wait3A_1458 : memref<128xf32, #tpu.memory_space<vmem>>) dst(%dma_wait3A_1463 : memref<10240xf32, #tpu.memory_space<vmem_shared>>)
    %dma_wait3A_1464 = arith.constant 64 : i32
    %dma_wait3A_1465 = arith.constant 64 : i32
    %dma_wait3A_1466 = arith.constant 0 : i32
    %dma_wait3A_1467 = tpu.memref_slice %arg12[%dma_wait3A_1464, %dma_wait3A_1466] : memref<80x128xf32, #tpu.memory_space<vmem>> -> memref<1x128xf32, #tpu.memory_space<vmem>>
    %dma_wait3A_1468 = tpu.memref_squeeze %dma_wait3A_1467 : memref<1x128xf32, #tpu.memory_space<vmem>> -> memref<128xf32, #tpu.memory_space<vmem>>
    %dma_wait3A_1469 = arith.constant 0 : i32
    %dma_wait3A_1470 = tpu.memref_slice %arg11[%dma_wait3A_1465, %dma_wait3A_1469] : memref<80x128xi32, #tpu.memory_space<vmem>> -> memref<1x128xi32, #tpu.memory_space<vmem>>
    %dma_wait3A_1471 = tpu.memref_squeeze %dma_wait3A_1470 : memref<1x128xi32, #tpu.memory_space<vmem>> -> memref<128xi32, #tpu.memory_space<vmem>>
    %dma_wait3A_1472 = arith.constant 0 : i32
    %dma_wait3A_1473 = tpu.memref_slice %arg14[%dma_wait3A_1472] : memref<10240xf32, #tpu.memory_space<vmem_shared>> -> memref<10240xf32, #tpu.memory_space<vmem_shared>>
    tpu.wait_indirect_dma semaphore(%arg15 : memref<!tpu.dma_semaphore, #tpu.memory_space<semaphore_mem>>) src(%dma_wait3A_1468 : memref<128xf32, #tpu.memory_space<vmem>>) dst(%dma_wait3A_1473 : memref<10240xf32, #tpu.memory_space<vmem_shared>>)
    %dma_wait3A_1474 = arith.constant 65 : i32
    %dma_wait3A_1475 = arith.constant 65 : i32
    %dma_wait3A_1476 = arith.constant 0 : i32
    %dma_wait3A_1477 = tpu.memref_slice %arg12[%dma_wait3A_1474, %dma_wait3A_1476] : memref<80x128xf32, #tpu.memory_space<vmem>> -> memref<1x128xf32, #tpu.memory_space<vmem>>
    %dma_wait3A_1478 = tpu.memref_squeeze %dma_wait3A_1477 : memref<1x128xf32, #tpu.memory_space<vmem>> -> memref<128xf32, #tpu.memory_space<vmem>>
    %dma_wait3A_1479 = arith.constant 0 : i32
    %dma_wait3A_1480 = tpu.memref_slice %arg11[%dma_wait3A_1475, %dma_wait3A_1479] : memref<80x128xi32, #tpu.memory_space<vmem>> -> memref<1x128xi32, #tpu.memory_space<vmem>>
    %dma_wait3A_1481 = tpu.memref_squeeze %dma_wait3A_1480 : memref<1x128xi32, #tpu.memory_space<vmem>> -> memref<128xi32, #tpu.memory_space<vmem>>
    %dma_wait3A_1482 = arith.constant 0 : i32
    %dma_wait3A_1483 = tpu.memref_slice %arg14[%dma_wait3A_1482] : memref<10240xf32, #tpu.memory_space<vmem_shared>> -> memref<10240xf32, #tpu.memory_space<vmem_shared>>
    tpu.wait_indirect_dma semaphore(%arg15 : memref<!tpu.dma_semaphore, #tpu.memory_space<semaphore_mem>>) src(%dma_wait3A_1478 : memref<128xf32, #tpu.memory_space<vmem>>) dst(%dma_wait3A_1483 : memref<10240xf32, #tpu.memory_space<vmem_shared>>)
    %dma_wait3A_1484 = arith.constant 66 : i32
    %dma_wait3A_1485 = arith.constant 66 : i32
    %dma_wait3A_1486 = arith.constant 0 : i32
    %dma_wait3A_1487 = tpu.memref_slice %arg12[%dma_wait3A_1484, %dma_wait3A_1486] : memref<80x128xf32, #tpu.memory_space<vmem>> -> memref<1x128xf32, #tpu.memory_space<vmem>>
    %dma_wait3A_1488 = tpu.memref_squeeze %dma_wait3A_1487 : memref<1x128xf32, #tpu.memory_space<vmem>> -> memref<128xf32, #tpu.memory_space<vmem>>
    %dma_wait3A_1489 = arith.constant 0 : i32
    %dma_wait3A_1490 = tpu.memref_slice %arg11[%dma_wait3A_1485, %dma_wait3A_1489] : memref<80x128xi32, #tpu.memory_space<vmem>> -> memref<1x128xi32, #tpu.memory_space<vmem>>
    %dma_wait3A_1491 = tpu.memref_squeeze %dma_wait3A_1490 : memref<1x128xi32, #tpu.memory_space<vmem>> -> memref<128xi32, #tpu.memory_space<vmem>>
    %dma_wait3A_1492 = arith.constant 0 : i32
    %dma_wait3A_1493 = tpu.memref_slice %arg14[%dma_wait3A_1492] : memref<10240xf32, #tpu.memory_space<vmem_shared>> -> memref<10240xf32, #tpu.memory_space<vmem_shared>>
    tpu.wait_indirect_dma semaphore(%arg15 : memref<!tpu.dma_semaphore, #tpu.memory_space<semaphore_mem>>) src(%dma_wait3A_1488 : memref<128xf32, #tpu.memory_space<vmem>>) dst(%dma_wait3A_1493 : memref<10240xf32, #tpu.memory_space<vmem_shared>>)
    %dma_wait3A_1494 = arith.constant 67 : i32
    %dma_wait3A_1495 = arith.constant 67 : i32
    %dma_wait3A_1496 = arith.constant 0 : i32
    %dma_wait3A_1497 = tpu.memref_slice %arg12[%dma_wait3A_1494, %dma_wait3A_1496] : memref<80x128xf32, #tpu.memory_space<vmem>> -> memref<1x128xf32, #tpu.memory_space<vmem>>
    %dma_wait3A_1498 = tpu.memref_squeeze %dma_wait3A_1497 : memref<1x128xf32, #tpu.memory_space<vmem>> -> memref<128xf32, #tpu.memory_space<vmem>>
    %dma_wait3A_1499 = arith.constant 0 : i32
    %dma_wait3A_1500 = tpu.memref_slice %arg11[%dma_wait3A_1495, %dma_wait3A_1499] : memref<80x128xi32, #tpu.memory_space<vmem>> -> memref<1x128xi32, #tpu.memory_space<vmem>>
    %dma_wait3A_1501 = tpu.memref_squeeze %dma_wait3A_1500 : memref<1x128xi32, #tpu.memory_space<vmem>> -> memref<128xi32, #tpu.memory_space<vmem>>
    %dma_wait3A_1502 = arith.constant 0 : i32
    %dma_wait3A_1503 = tpu.memref_slice %arg14[%dma_wait3A_1502] : memref<10240xf32, #tpu.memory_space<vmem_shared>> -> memref<10240xf32, #tpu.memory_space<vmem_shared>>
    tpu.wait_indirect_dma semaphore(%arg15 : memref<!tpu.dma_semaphore, #tpu.memory_space<semaphore_mem>>) src(%dma_wait3A_1498 : memref<128xf32, #tpu.memory_space<vmem>>) dst(%dma_wait3A_1503 : memref<10240xf32, #tpu.memory_space<vmem_shared>>)
    %dma_wait3A_1504 = arith.constant 68 : i32
    %dma_wait3A_1505 = arith.constant 68 : i32
    %dma_wait3A_1506 = arith.constant 0 : i32
    %dma_wait3A_1507 = tpu.memref_slice %arg12[%dma_wait3A_1504, %dma_wait3A_1506] : memref<80x128xf32, #tpu.memory_space<vmem>> -> memref<1x128xf32, #tpu.memory_space<vmem>>
    %dma_wait3A_1508 = tpu.memref_squeeze %dma_wait3A_1507 : memref<1x128xf32, #tpu.memory_space<vmem>> -> memref<128xf32, #tpu.memory_space<vmem>>
    %dma_wait3A_1509 = arith.constant 0 : i32
    %dma_wait3A_1510 = tpu.memref_slice %arg11[%dma_wait3A_1505, %dma_wait3A_1509] : memref<80x128xi32, #tpu.memory_space<vmem>> -> memref<1x128xi32, #tpu.memory_space<vmem>>
    %dma_wait3A_1511 = tpu.memref_squeeze %dma_wait3A_1510 : memref<1x128xi32, #tpu.memory_space<vmem>> -> memref<128xi32, #tpu.memory_space<vmem>>
    %dma_wait3A_1512 = arith.constant 0 : i32
    %dma_wait3A_1513 = tpu.memref_slice %arg14[%dma_wait3A_1512] : memref<10240xf32, #tpu.memory_space<vmem_shared>> -> memref<10240xf32, #tpu.memory_space<vmem_shared>>
    tpu.wait_indirect_dma semaphore(%arg15 : memref<!tpu.dma_semaphore, #tpu.memory_space<semaphore_mem>>) src(%dma_wait3A_1508 : memref<128xf32, #tpu.memory_space<vmem>>) dst(%dma_wait3A_1513 : memref<10240xf32, #tpu.memory_space<vmem_shared>>)
    %dma_wait3A_1514 = arith.constant 69 : i32
    %dma_wait3A_1515 = arith.constant 69 : i32
    %dma_wait3A_1516 = arith.constant 0 : i32
    %dma_wait3A_1517 = tpu.memref_slice %arg12[%dma_wait3A_1514, %dma_wait3A_1516] : memref<80x128xf32, #tpu.memory_space<vmem>> -> memref<1x128xf32, #tpu.memory_space<vmem>>
    %dma_wait3A_1518 = tpu.memref_squeeze %dma_wait3A_1517 : memref<1x128xf32, #tpu.memory_space<vmem>> -> memref<128xf32, #tpu.memory_space<vmem>>
    %dma_wait3A_1519 = arith.constant 0 : i32
    %dma_wait3A_1520 = tpu.memref_slice %arg11[%dma_wait3A_1515, %dma_wait3A_1519] : memref<80x128xi32, #tpu.memory_space<vmem>> -> memref<1x128xi32, #tpu.memory_space<vmem>>
    %dma_wait3A_1521 = tpu.memref_squeeze %dma_wait3A_1520 : memref<1x128xi32, #tpu.memory_space<vmem>> -> memref<128xi32, #tpu.memory_space<vmem>>
    %dma_wait3A_1522 = arith.constant 0 : i32
    %dma_wait3A_1523 = tpu.memref_slice %arg14[%dma_wait3A_1522] : memref<10240xf32, #tpu.memory_space<vmem_shared>> -> memref<10240xf32, #tpu.memory_space<vmem_shared>>
    tpu.wait_indirect_dma semaphore(%arg15 : memref<!tpu.dma_semaphore, #tpu.memory_space<semaphore_mem>>) src(%dma_wait3A_1518 : memref<128xf32, #tpu.memory_space<vmem>>) dst(%dma_wait3A_1523 : memref<10240xf32, #tpu.memory_space<vmem_shared>>)
    %dma_wait3A_1524 = arith.constant 70 : i32
    %dma_wait3A_1525 = arith.constant 70 : i32
    %dma_wait3A_1526 = arith.constant 0 : i32
    %dma_wait3A_1527 = tpu.memref_slice %arg12[%dma_wait3A_1524, %dma_wait3A_1526] : memref<80x128xf32, #tpu.memory_space<vmem>> -> memref<1x128xf32, #tpu.memory_space<vmem>>
    %dma_wait3A_1528 = tpu.memref_squeeze %dma_wait3A_1527 : memref<1x128xf32, #tpu.memory_space<vmem>> -> memref<128xf32, #tpu.memory_space<vmem>>
    %dma_wait3A_1529 = arith.constant 0 : i32
    %dma_wait3A_1530 = tpu.memref_slice %arg11[%dma_wait3A_1525, %dma_wait3A_1529] : memref<80x128xi32, #tpu.memory_space<vmem>> -> memref<1x128xi32, #tpu.memory_space<vmem>>
    %dma_wait3A_1531 = tpu.memref_squeeze %dma_wait3A_1530 : memref<1x128xi32, #tpu.memory_space<vmem>> -> memref<128xi32, #tpu.memory_space<vmem>>
    %dma_wait3A_1532 = arith.constant 0 : i32
    %dma_wait3A_1533 = tpu.memref_slice %arg14[%dma_wait3A_1532] : memref<10240xf32, #tpu.memory_space<vmem_shared>> -> memref<10240xf32, #tpu.memory_space<vmem_shared>>
    tpu.wait_indirect_dma semaphore(%arg15 : memref<!tpu.dma_semaphore, #tpu.memory_space<semaphore_mem>>) src(%dma_wait3A_1528 : memref<128xf32, #tpu.memory_space<vmem>>) dst(%dma_wait3A_1533 : memref<10240xf32, #tpu.memory_space<vmem_shared>>)
    %dma_wait3A_1534 = arith.constant 71 : i32
    %dma_wait3A_1535 = arith.constant 71 : i32
    %dma_wait3A_1536 = arith.constant 0 : i32
    %dma_wait3A_1537 = tpu.memref_slice %arg12[%dma_wait3A_1534, %dma_wait3A_1536] : memref<80x128xf32, #tpu.memory_space<vmem>> -> memref<1x128xf32, #tpu.memory_space<vmem>>
    %dma_wait3A_1538 = tpu.memref_squeeze %dma_wait3A_1537 : memref<1x128xf32, #tpu.memory_space<vmem>> -> memref<128xf32, #tpu.memory_space<vmem>>
    %dma_wait3A_1539 = arith.constant 0 : i32
    %dma_wait3A_1540 = tpu.memref_slice %arg11[%dma_wait3A_1535, %dma_wait3A_1539] : memref<80x128xi32, #tpu.memory_space<vmem>> -> memref<1x128xi32, #tpu.memory_space<vmem>>
    %dma_wait3A_1541 = tpu.memref_squeeze %dma_wait3A_1540 : memref<1x128xi32, #tpu.memory_space<vmem>> -> memref<128xi32, #tpu.memory_space<vmem>>
    %dma_wait3A_1542 = arith.constant 0 : i32
    %dma_wait3A_1543 = tpu.memref_slice %arg14[%dma_wait3A_1542] : memref<10240xf32, #tpu.memory_space<vmem_shared>> -> memref<10240xf32, #tpu.memory_space<vmem_shared>>
    tpu.wait_indirect_dma semaphore(%arg15 : memref<!tpu.dma_semaphore, #tpu.memory_space<semaphore_mem>>) src(%dma_wait3A_1538 : memref<128xf32, #tpu.memory_space<vmem>>) dst(%dma_wait3A_1543 : memref<10240xf32, #tpu.memory_space<vmem_shared>>)
    %dma_wait3A_1544 = arith.constant 72 : i32
    %dma_wait3A_1545 = arith.constant 72 : i32
    %dma_wait3A_1546 = arith.constant 0 : i32
    %dma_wait3A_1547 = tpu.memref_slice %arg12[%dma_wait3A_1544, %dma_wait3A_1546] : memref<80x128xf32, #tpu.memory_space<vmem>> -> memref<1x128xf32, #tpu.memory_space<vmem>>
    %dma_wait3A_1548 = tpu.memref_squeeze %dma_wait3A_1547 : memref<1x128xf32, #tpu.memory_space<vmem>> -> memref<128xf32, #tpu.memory_space<vmem>>
    %dma_wait3A_1549 = arith.constant 0 : i32
    %dma_wait3A_1550 = tpu.memref_slice %arg11[%dma_wait3A_1545, %dma_wait3A_1549] : memref<80x128xi32, #tpu.memory_space<vmem>> -> memref<1x128xi32, #tpu.memory_space<vmem>>
    %dma_wait3A_1551 = tpu.memref_squeeze %dma_wait3A_1550 : memref<1x128xi32, #tpu.memory_space<vmem>> -> memref<128xi32, #tpu.memory_space<vmem>>
    %dma_wait3A_1552 = arith.constant 0 : i32
    %dma_wait3A_1553 = tpu.memref_slice %arg14[%dma_wait3A_1552] : memref<10240xf32, #tpu.memory_space<vmem_shared>> -> memref<10240xf32, #tpu.memory_space<vmem_shared>>
    tpu.wait_indirect_dma semaphore(%arg15 : memref<!tpu.dma_semaphore, #tpu.memory_space<semaphore_mem>>) src(%dma_wait3A_1548 : memref<128xf32, #tpu.memory_space<vmem>>) dst(%dma_wait3A_1553 : memref<10240xf32, #tpu.memory_space<vmem_shared>>)
    %dma_wait3A_1554 = arith.constant 73 : i32
    %dma_wait3A_1555 = arith.constant 73 : i32
    %dma_wait3A_1556 = arith.constant 0 : i32
    %dma_wait3A_1557 = tpu.memref_slice %arg12[%dma_wait3A_1554, %dma_wait3A_1556] : memref<80x128xf32, #tpu.memory_space<vmem>> -> memref<1x128xf32, #tpu.memory_space<vmem>>
    %dma_wait3A_1558 = tpu.memref_squeeze %dma_wait3A_1557 : memref<1x128xf32, #tpu.memory_space<vmem>> -> memref<128xf32, #tpu.memory_space<vmem>>
    %dma_wait3A_1559 = arith.constant 0 : i32
    %dma_wait3A_1560 = tpu.memref_slice %arg11[%dma_wait3A_1555, %dma_wait3A_1559] : memref<80x128xi32, #tpu.memory_space<vmem>> -> memref<1x128xi32, #tpu.memory_space<vmem>>
    %dma_wait3A_1561 = tpu.memref_squeeze %dma_wait3A_1560 : memref<1x128xi32, #tpu.memory_space<vmem>> -> memref<128xi32, #tpu.memory_space<vmem>>
    %dma_wait3A_1562 = arith.constant 0 : i32
    %dma_wait3A_1563 = tpu.memref_slice %arg14[%dma_wait3A_1562] : memref<10240xf32, #tpu.memory_space<vmem_shared>> -> memref<10240xf32, #tpu.memory_space<vmem_shared>>
    tpu.wait_indirect_dma semaphore(%arg15 : memref<!tpu.dma_semaphore, #tpu.memory_space<semaphore_mem>>) src(%dma_wait3A_1558 : memref<128xf32, #tpu.memory_space<vmem>>) dst(%dma_wait3A_1563 : memref<10240xf32, #tpu.memory_space<vmem_shared>>)
    %dma_wait3A_1564 = arith.constant 74 : i32
    %dma_wait3A_1565 = arith.constant 74 : i32
    %dma_wait3A_1566 = arith.constant 0 : i32
    %dma_wait3A_1567 = tpu.memref_slice %arg12[%dma_wait3A_1564, %dma_wait3A_1566] : memref<80x128xf32, #tpu.memory_space<vmem>> -> memref<1x128xf32, #tpu.memory_space<vmem>>
    %dma_wait3A_1568 = tpu.memref_squeeze %dma_wait3A_1567 : memref<1x128xf32, #tpu.memory_space<vmem>> -> memref<128xf32, #tpu.memory_space<vmem>>
    %dma_wait3A_1569 = arith.constant 0 : i32
    %dma_wait3A_1570 = tpu.memref_slice %arg11[%dma_wait3A_1565, %dma_wait3A_1569] : memref<80x128xi32, #tpu.memory_space<vmem>> -> memref<1x128xi32, #tpu.memory_space<vmem>>
    %dma_wait3A_1571 = tpu.memref_squeeze %dma_wait3A_1570 : memref<1x128xi32, #tpu.memory_space<vmem>> -> memref<128xi32, #tpu.memory_space<vmem>>
    %dma_wait3A_1572 = arith.constant 0 : i32
    %dma_wait3A_1573 = tpu.memref_slice %arg14[%dma_wait3A_1572] : memref<10240xf32, #tpu.memory_space<vmem_shared>> -> memref<10240xf32, #tpu.memory_space<vmem_shared>>
    tpu.wait_indirect_dma semaphore(%arg15 : memref<!tpu.dma_semaphore, #tpu.memory_space<semaphore_mem>>) src(%dma_wait3A_1568 : memref<128xf32, #tpu.memory_space<vmem>>) dst(%dma_wait3A_1573 : memref<10240xf32, #tpu.memory_space<vmem_shared>>)
    %dma_wait3A_1574 = arith.constant 75 : i32
    %dma_wait3A_1575 = arith.constant 75 : i32
    %dma_wait3A_1576 = arith.constant 0 : i32
    %dma_wait3A_1577 = tpu.memref_slice %arg12[%dma_wait3A_1574, %dma_wait3A_1576] : memref<80x128xf32, #tpu.memory_space<vmem>> -> memref<1x128xf32, #tpu.memory_space<vmem>>
    %dma_wait3A_1578 = tpu.memref_squeeze %dma_wait3A_1577 : memref<1x128xf32, #tpu.memory_space<vmem>> -> memref<128xf32, #tpu.memory_space<vmem>>
    %dma_wait3A_1579 = arith.constant 0 : i32
    %dma_wait3A_1580 = tpu.memref_slice %arg11[%dma_wait3A_1575, %dma_wait3A_1579] : memref<80x128xi32, #tpu.memory_space<vmem>> -> memref<1x128xi32, #tpu.memory_space<vmem>>
    %dma_wait3A_1581 = tpu.memref_squeeze %dma_wait3A_1580 : memref<1x128xi32, #tpu.memory_space<vmem>> -> memref<128xi32, #tpu.memory_space<vmem>>
    %dma_wait3A_1582 = arith.constant 0 : i32
    %dma_wait3A_1583 = tpu.memref_slice %arg14[%dma_wait3A_1582] : memref<10240xf32, #tpu.memory_space<vmem_shared>> -> memref<10240xf32, #tpu.memory_space<vmem_shared>>
    tpu.wait_indirect_dma semaphore(%arg15 : memref<!tpu.dma_semaphore, #tpu.memory_space<semaphore_mem>>) src(%dma_wait3A_1578 : memref<128xf32, #tpu.memory_space<vmem>>) dst(%dma_wait3A_1583 : memref<10240xf32, #tpu.memory_space<vmem_shared>>)
    %dma_wait3A_1584 = arith.constant 76 : i32
    %dma_wait3A_1585 = arith.constant 76 : i32
    %dma_wait3A_1586 = arith.constant 0 : i32
    %dma_wait3A_1587 = tpu.memref_slice %arg12[%dma_wait3A_1584, %dma_wait3A_1586] : memref<80x128xf32, #tpu.memory_space<vmem>> -> memref<1x128xf32, #tpu.memory_space<vmem>>
    %dma_wait3A_1588 = tpu.memref_squeeze %dma_wait3A_1587 : memref<1x128xf32, #tpu.memory_space<vmem>> -> memref<128xf32, #tpu.memory_space<vmem>>
    %dma_wait3A_1589 = arith.constant 0 : i32
    %dma_wait3A_1590 = tpu.memref_slice %arg11[%dma_wait3A_1585, %dma_wait3A_1589] : memref<80x128xi32, #tpu.memory_space<vmem>> -> memref<1x128xi32, #tpu.memory_space<vmem>>
    %dma_wait3A_1591 = tpu.memref_squeeze %dma_wait3A_1590 : memref<1x128xi32, #tpu.memory_space<vmem>> -> memref<128xi32, #tpu.memory_space<vmem>>
    %dma_wait3A_1592 = arith.constant 0 : i32
    %dma_wait3A_1593 = tpu.memref_slice %arg14[%dma_wait3A_1592] : memref<10240xf32, #tpu.memory_space<vmem_shared>> -> memref<10240xf32, #tpu.memory_space<vmem_shared>>
    tpu.wait_indirect_dma semaphore(%arg15 : memref<!tpu.dma_semaphore, #tpu.memory_space<semaphore_mem>>) src(%dma_wait3A_1588 : memref<128xf32, #tpu.memory_space<vmem>>) dst(%dma_wait3A_1593 : memref<10240xf32, #tpu.memory_space<vmem_shared>>)
    %dma_wait3A_1594 = arith.constant 77 : i32
    %dma_wait3A_1595 = arith.constant 77 : i32
    %dma_wait3A_1596 = arith.constant 0 : i32
    %dma_wait3A_1597 = tpu.memref_slice %arg12[%dma_wait3A_1594, %dma_wait3A_1596] : memref<80x128xf32, #tpu.memory_space<vmem>> -> memref<1x128xf32, #tpu.memory_space<vmem>>
    %dma_wait3A_1598 = tpu.memref_squeeze %dma_wait3A_1597 : memref<1x128xf32, #tpu.memory_space<vmem>> -> memref<128xf32, #tpu.memory_space<vmem>>
    %dma_wait3A_1599 = arith.constant 0 : i32
    %dma_wait3A_1600 = tpu.memref_slice %arg11[%dma_wait3A_1595, %dma_wait3A_1599] : memref<80x128xi32, #tpu.memory_space<vmem>> -> memref<1x128xi32, #tpu.memory_space<vmem>>
    %dma_wait3A_1601 = tpu.memref_squeeze %dma_wait3A_1600 : memref<1x128xi32, #tpu.memory_space<vmem>> -> memref<128xi32, #tpu.memory_space<vmem>>
    %dma_wait3A_1602 = arith.constant 0 : i32
    %dma_wait3A_1603 = tpu.memref_slice %arg14[%dma_wait3A_1602] : memref<10240xf32, #tpu.memory_space<vmem_shared>> -> memref<10240xf32, #tpu.memory_space<vmem_shared>>
    tpu.wait_indirect_dma semaphore(%arg15 : memref<!tpu.dma_semaphore, #tpu.memory_space<semaphore_mem>>) src(%dma_wait3A_1598 : memref<128xf32, #tpu.memory_space<vmem>>) dst(%dma_wait3A_1603 : memref<10240xf32, #tpu.memory_space<vmem_shared>>)
    %dma_wait3A_1604 = arith.constant 78 : i32
    %dma_wait3A_1605 = arith.constant 78 : i32
    %dma_wait3A_1606 = arith.constant 0 : i32
    %dma_wait3A_1607 = tpu.memref_slice %arg12[%dma_wait3A_1604, %dma_wait3A_1606] : memref<80x128xf32, #tpu.memory_space<vmem>> -> memref<1x128xf32, #tpu.memory_space<vmem>>
    %dma_wait3A_1608 = tpu.memref_squeeze %dma_wait3A_1607 : memref<1x128xf32, #tpu.memory_space<vmem>> -> memref<128xf32, #tpu.memory_space<vmem>>
    %dma_wait3A_1609 = arith.constant 0 : i32
    %dma_wait3A_1610 = tpu.memref_slice %arg11[%dma_wait3A_1605, %dma_wait3A_1609] : memref<80x128xi32, #tpu.memory_space<vmem>> -> memref<1x128xi32, #tpu.memory_space<vmem>>
    %dma_wait3A_1611 = tpu.memref_squeeze %dma_wait3A_1610 : memref<1x128xi32, #tpu.memory_space<vmem>> -> memref<128xi32, #tpu.memory_space<vmem>>
    %dma_wait3A_1612 = arith.constant 0 : i32
    %dma_wait3A_1613 = tpu.memref_slice %arg14[%dma_wait3A_1612] : memref<10240xf32, #tpu.memory_space<vmem_shared>> -> memref<10240xf32, #tpu.memory_space<vmem_shared>>
    tpu.wait_indirect_dma semaphore(%arg15 : memref<!tpu.dma_semaphore, #tpu.memory_space<semaphore_mem>>) src(%dma_wait3A_1608 : memref<128xf32, #tpu.memory_space<vmem>>) dst(%dma_wait3A_1613 : memref<10240xf32, #tpu.memory_space<vmem_shared>>)
    %dma_wait3A_1614 = arith.constant 79 : i32
    %dma_wait3A_1615 = arith.constant 79 : i32
    %dma_wait3A_1616 = arith.constant 0 : i32
    %dma_wait3A_1617 = tpu.memref_slice %arg12[%dma_wait3A_1614, %dma_wait3A_1616] : memref<80x128xf32, #tpu.memory_space<vmem>> -> memref<1x128xf32, #tpu.memory_space<vmem>>
    %dma_wait3A_1618 = tpu.memref_squeeze %dma_wait3A_1617 : memref<1x128xf32, #tpu.memory_space<vmem>> -> memref<128xf32, #tpu.memory_space<vmem>>
    %dma_wait3A_1619 = arith.constant 0 : i32
    %dma_wait3A_1620 = tpu.memref_slice %arg11[%dma_wait3A_1615, %dma_wait3A_1619] : memref<80x128xi32, #tpu.memory_space<vmem>> -> memref<1x128xi32, #tpu.memory_space<vmem>>
    %dma_wait3A_1621 = tpu.memref_squeeze %dma_wait3A_1620 : memref<1x128xi32, #tpu.memory_space<vmem>> -> memref<128xi32, #tpu.memory_space<vmem>>
    %dma_wait3A_1622 = arith.constant 0 : i32
    %dma_wait3A_1623 = tpu.memref_slice %arg14[%dma_wait3A_1622] : memref<10240xf32, #tpu.memory_space<vmem_shared>> -> memref<10240xf32, #tpu.memory_space<vmem_shared>>
    tpu.wait_indirect_dma semaphore(%arg15 : memref<!tpu.dma_semaphore, #tpu.memory_space<semaphore_mem>>) src(%dma_wait3A_1618 : memref<128xf32, #tpu.memory_space<vmem>>) dst(%dma_wait3A_1623 : memref<10240xf32, #tpu.memory_space<vmem_shared>>)
    %barrier3A_1624 = arith.constant 0 : index
    tpu.barrier barrier_id(%barrier3A_1624)
    %mul3A_1625 = arith.constant 640 : i32
    %mul3A_1626 = arith.muli %arg1, %mul3A_1625 : i32
    %mul3A_1627 = arith.constant 640 : i32
    %mul3A_1628 = arith.muli %arg1, %mul3A_1627 : i32
    "tpu.region"() ({
      %run_scoped3A = tpu.sem_alloc : memref<!tpu.dma_semaphore, #tpu.memory_space<semaphore_mem>>
      %dma_start3A_1629 = tpu.memref_slice %arg6[%arg0, %mul3A_1628] : memref<2x10240xf32, #tpu.memory_space<hbm>> -> memref<1x640xf32, #tpu.memory_space<hbm>>
      %dma_start3A_1630 = tpu.memref_squeeze %dma_start3A_1629 : memref<1x640xf32, #tpu.memory_space<hbm>> -> memref<640xf32, #tpu.memory_space<hbm>>
      %dma_start3A_1631 = tpu.memref_slice %arg14[%mul3A_1626] : memref<10240xf32, #tpu.memory_space<vmem_shared>> -> memref<640xf32, #tpu.memory_space<vmem_shared>>
      tpu.enqueue_dma source(%dma_start3A_1631 : memref<640xf32, #tpu.memory_space<vmem_shared>>) target(%dma_start3A_1630 : memref<640xf32, #tpu.memory_space<hbm>>) target_semaphore(%run_scoped3A : memref<!tpu.dma_semaphore, #tpu.memory_space<semaphore_mem>>)
      %dma_wait3A_1632 = tpu.memref_slice %arg6[%arg0, %mul3A_1628] : memref<2x10240xf32, #tpu.memory_space<hbm>> -> memref<1x640xf32, #tpu.memory_space<hbm>>
      %dma_wait3A_1633 = tpu.memref_squeeze %dma_wait3A_1632 : memref<1x640xf32, #tpu.memory_space<hbm>> -> memref<640xf32, #tpu.memory_space<hbm>>
      %dma_wait3A_1634 = tpu.memref_slice %arg14[%mul3A_1626] : memref<10240xf32, #tpu.memory_space<vmem_shared>> -> memref<640xf32, #tpu.memory_space<vmem_shared>>
      tpu.wait_dma2 semaphore(%run_scoped3A : memref<!tpu.dma_semaphore, #tpu.memory_space<semaphore_mem>>) src(%dma_wait3A_1634 : memref<640xf32, #tpu.memory_space<vmem_shared>>) dst(%dma_wait3A_1633 : memref<640xf32, #tpu.memory_space<hbm>>)
      tpu.yield
    }) : () -> ()
    return
  }
}

#map = affine_map<(d0, d1) -> (0, 0)>
#map1 = affine_map<(d0, d1) -> (0, 0, 0)>
module attributes {stable_mosaic.version = 14 : i64} {
  func.func @_sc_edge(%arg0: i32, %arg1: i32, %arg2: memref<30000x128xf32, #tpu.memory_space<hbm>>, %arg3: memref<2560x128xi32, #tpu.memory_space<hbm>>, %arg4: memref<2560x128xi32, #tpu.memory_space<hbm>>, %arg5: memref<2x10240x128xf32, #tpu.memory_space<hbm>>, %arg6: memref<80x128xi32, #tpu.memory_space<vmem>>, %arg7: memref<128x128xf32, #tpu.memory_space<vmem>>, %arg8: memref<128x128xf32, #tpu.memory_space<vmem>>, %arg9: memref<10240x128xf32, #tpu.memory_space<vmem_shared>>, %arg10: memref<!tpu.dma_semaphore, #tpu.memory_space<semaphore_mem>>, %arg11: memref<!tpu.dma_semaphore, #tpu.memory_space<semaphore_mem>>) attributes {dimension_semantics = [#tpu.dimension_semantics<core_parallel>, #tpu.dimension_semantics<subcore_parallel>], iteration_bounds = array<i64: 2, 16>, scalar_prefetch = 0 : i64, scratch_operands = 6 : i64, tpu.core_type = #tpu.core_type<sc_vector_subcore>, window_params = [{transform_indices = #map}, {transform_indices = #map}, {transform_indices = #map}, {transform_indices = #map1}]} {
    %mul3A = arith.constant 2 : i32
    %mul3A_0 = arith.muli %arg1, %mul3A : i32
    %add3A = arith.addi %mul3A_0, %arg0 : i32
    %mul3A_1 = arith.constant 80 : i32
    %mul3A_2 = arith.muli %add3A, %mul3A_1 : i32
    %scan3A = arith.constant 0 : i32
    %scan3A_3 = arith.constant 0 : i32
    %scan3A_4 = arith.constant 128 : i32
    %scan3A_5 = arith.addi %scan3A_3, %scan3A_4 : i32
    %scan3A_6 = arith.constant 1 : i32
    scf.for %scan3A_39 = %scan3A_3 to %scan3A_5 step %scan3A_6  : i32 {
      %broadcast_in_dim3A = arith.constant 0.000000e+00 : f32
      %broadcast_in_dim3A_40 = vector.broadcast %broadcast_in_dim3A : f32 to vector<16xf32>
      %swap3A = arith.index_cast %scan3A_39 : i32 to index
      %swap3A_41 = arith.constant 0 : index
      %swap3A_42 = tpu.vector_load %arg7[%swap3A, %swap3A_41] {strides = array<i32>} : memref<128x128xf32, #tpu.memory_space<vmem>>, vector<16xf32>,
      tpu.vector_store %arg7[%swap3A, %swap3A_41], %broadcast_in_dim3A_40 {strides = array<i32>} : memref<128x128xf32, #tpu.memory_space<vmem>>, vector<16xf32>,
      %broadcast_in_dim3A_43 = arith.constant 0.000000e+00 : f32
      %broadcast_in_dim3A_44 = vector.broadcast %broadcast_in_dim3A_43 : f32 to vector<16xf32>
      %swap3A_45 = arith.index_cast %scan3A_39 : i32 to index
      %swap3A_46 = arith.constant 16 : index
      %swap3A_47 = tpu.vector_load %arg7[%swap3A_45, %swap3A_46] {strides = array<i32>} : memref<128x128xf32, #tpu.memory_space<vmem>>, vector<16xf32>,
      tpu.vector_store %arg7[%swap3A_45, %swap3A_46], %broadcast_in_dim3A_44 {strides = array<i32>} : memref<128x128xf32, #tpu.memory_space<vmem>>, vector<16xf32>,
      %broadcast_in_dim3A_48 = arith.constant 0.000000e+00 : f32
      %broadcast_in_dim3A_49 = vector.broadcast %broadcast_in_dim3A_48 : f32 to vector<16xf32>
      %swap3A_50 = arith.index_cast %scan3A_39 : i32 to index
      %swap3A_51 = arith.constant 32 : index
      %swap3A_52 = tpu.vector_load %arg7[%swap3A_50, %swap3A_51] {strides = array<i32>} : memref<128x128xf32, #tpu.memory_space<vmem>>, vector<16xf32>,
      tpu.vector_store %arg7[%swap3A_50, %swap3A_51], %broadcast_in_dim3A_49 {strides = array<i32>} : memref<128x128xf32, #tpu.memory_space<vmem>>, vector<16xf32>,
      %broadcast_in_dim3A_53 = arith.constant 0.000000e+00 : f32
      %broadcast_in_dim3A_54 = vector.broadcast %broadcast_in_dim3A_53 : f32 to vector<16xf32>
      %swap3A_55 = arith.index_cast %scan3A_39 : i32 to index
      %swap3A_56 = arith.constant 48 : index
      %swap3A_57 = tpu.vector_load %arg7[%swap3A_55, %swap3A_56] {strides = array<i32>} : memref<128x128xf32, #tpu.memory_space<vmem>>, vector<16xf32>,
      tpu.vector_store %arg7[%swap3A_55, %swap3A_56], %broadcast_in_dim3A_54 {strides = array<i32>} : memref<128x128xf32, #tpu.memory_space<vmem>>, vector<16xf32>,
      %broadcast_in_dim3A_58 = arith.constant 0.000000e+00 : f32
      %broadcast_in_dim3A_59 = vector.broadcast %broadcast_in_dim3A_58 : f32 to vector<16xf32>
      %swap3A_60 = arith.index_cast %scan3A_39 : i32 to index
      %swap3A_61 = arith.constant 64 : index
      %swap3A_62 = tpu.vector_load %arg7[%swap3A_60, %swap3A_61] {strides = array<i32>} : memref<128x128xf32, #tpu.memory_space<vmem>>, vector<16xf32>,
      tpu.vector_store %arg7[%swap3A_60, %swap3A_61], %broadcast_in_dim3A_59 {strides = array<i32>} : memref<128x128xf32, #tpu.memory_space<vmem>>, vector<16xf32>,
      %broadcast_in_dim3A_63 = arith.constant 0.000000e+00 : f32
      %broadcast_in_dim3A_64 = vector.broadcast %broadcast_in_dim3A_63 : f32 to vector<16xf32>
      %swap3A_65 = arith.index_cast %scan3A_39 : i32 to index
      %swap3A_66 = arith.constant 80 : index
      %swap3A_67 = tpu.vector_load %arg7[%swap3A_65, %swap3A_66] {strides = array<i32>} : memref<128x128xf32, #tpu.memory_space<vmem>>, vector<16xf32>,
      tpu.vector_store %arg7[%swap3A_65, %swap3A_66], %broadcast_in_dim3A_64 {strides = array<i32>} : memref<128x128xf32, #tpu.memory_space<vmem>>, vector<16xf32>,
      %broadcast_in_dim3A_68 = arith.constant 0.000000e+00 : f32
      %broadcast_in_dim3A_69 = vector.broadcast %broadcast_in_dim3A_68 : f32 to vector<16xf32>
      %swap3A_70 = arith.index_cast %scan3A_39 : i32 to index
      %swap3A_71 = arith.constant 96 : index
      %swap3A_72 = tpu.vector_load %arg7[%swap3A_70, %swap3A_71] {strides = array<i32>} : memref<128x128xf32, #tpu.memory_space<vmem>>, vector<16xf32>,
      tpu.vector_store %arg7[%swap3A_70, %swap3A_71], %broadcast_in_dim3A_69 {strides = array<i32>} : memref<128x128xf32, #tpu.memory_space<vmem>>, vector<16xf32>,
      %broadcast_in_dim3A_73 = arith.constant 0.000000e+00 : f32
      %broadcast_in_dim3A_74 = vector.broadcast %broadcast_in_dim3A_73 : f32 to vector<16xf32>
      %swap3A_75 = arith.index_cast %scan3A_39 : i32 to index
      %swap3A_76 = arith.constant 112 : index
      %swap3A_77 = tpu.vector_load %arg7[%swap3A_75, %swap3A_76] {strides = array<i32>} : memref<128x128xf32, #tpu.memory_space<vmem>>, vector<16xf32>,
      tpu.vector_store %arg7[%swap3A_75, %swap3A_76], %broadcast_in_dim3A_74 {strides = array<i32>} : memref<128x128xf32, #tpu.memory_space<vmem>>, vector<16xf32>,
    }
    %scan3A_7 = arith.constant 128 : i32
    %mul3A_8 = arith.constant 640 : i32
    %mul3A_9 = arith.muli %arg1, %mul3A_8 : i32
    %add3A_10 = arith.constant 0 : i32
    %add3A_11 = arith.addi %mul3A_9, %add3A_10 : i32
    "tpu.region"() ({
      %run_scoped3A = tpu.sem_alloc : memref<!tpu.dma_semaphore, #tpu.memory_space<semaphore_mem>>
      %dma_start3A = arith.constant 0 : i32
      %dma_start3A_39 = tpu.memref_slice %arg9[%add3A_11, %dma_start3A] : memref<10240x128xf32, #tpu.memory_space<vmem_shared>> -> memref<128x128xf32, #tpu.memory_space<vmem_shared>>
      %dma_start3A_40 = arith.constant 0 : i32
      %dma_start3A_41 = tpu.memref_slice %arg9[%add3A_11, %dma_start3A_40] : memref<10240x128xf32, #tpu.memory_space<vmem_shared>> -> memref<128x128xf32, #tpu.memory_space<vmem_shared>>
      tpu.enqueue_dma source(%arg7 : memref<128x128xf32, #tpu.memory_space<vmem>>) target(%dma_start3A_41 : memref<128x128xf32, #tpu.memory_space<vmem_shared>>) target_semaphore(%run_scoped3A : memref<!tpu.dma_semaphore, #tpu.memory_space<semaphore_mem>>)
      %dma_wait3A = arith.constant 0 : i32
      %dma_wait3A_42 = tpu.memref_slice %arg9[%add3A_11, %dma_wait3A] : memref<10240x128xf32, #tpu.memory_space<vmem_shared>> -> memref<128x128xf32, #tpu.memory_space<vmem_shared>>
      %dma_wait3A_43 = arith.constant 0 : i32
      %dma_wait3A_44 = tpu.memref_slice %arg9[%add3A_11, %dma_wait3A_43] : memref<10240x128xf32, #tpu.memory_space<vmem_shared>> -> memref<128x128xf32, #tpu.memory_space<vmem_shared>>
      tpu.wait_dma2 semaphore(%run_scoped3A : memref<!tpu.dma_semaphore, #tpu.memory_space<semaphore_mem>>) src(%arg7 : memref<128x128xf32, #tpu.memory_space<vmem>>) dst(%dma_wait3A_44 : memref<128x128xf32, #tpu.memory_space<vmem_shared>>)
      tpu.yield
    }) : () -> ()
    %mul3A_12 = arith.constant 640 : i32
    %mul3A_13 = arith.muli %arg1, %mul3A_12 : i32
    %add3A_14 = arith.constant 128 : i32
    %add3A_15 = arith.addi %mul3A_13, %add3A_14 : i32
    "tpu.region"() ({
      %run_scoped3A = tpu.sem_alloc : memref<!tpu.dma_semaphore, #tpu.memory_space<semaphore_mem>>
      %dma_start3A = arith.constant 0 : i32
      %dma_start3A_39 = tpu.memref_slice %arg9[%add3A_15, %dma_start3A] : memref<10240x128xf32, #tpu.memory_space<vmem_shared>> -> memref<128x128xf32, #tpu.memory_space<vmem_shared>>
      %dma_start3A_40 = arith.constant 0 : i32
      %dma_start3A_41 = tpu.memref_slice %arg9[%add3A_15, %dma_start3A_40] : memref<10240x128xf32, #tpu.memory_space<vmem_shared>> -> memref<128x128xf32, #tpu.memory_space<vmem_shared>>
      tpu.enqueue_dma source(%arg7 : memref<128x128xf32, #tpu.memory_space<vmem>>) target(%dma_start3A_41 : memref<128x128xf32, #tpu.memory_space<vmem_shared>>) target_semaphore(%run_scoped3A : memref<!tpu.dma_semaphore, #tpu.memory_space<semaphore_mem>>)
      %dma_wait3A = arith.constant 0 : i32
      %dma_wait3A_42 = tpu.memref_slice %arg9[%add3A_15, %dma_wait3A] : memref<10240x128xf32, #tpu.memory_space<vmem_shared>> -> memref<128x128xf32, #tpu.memory_space<vmem_shared>>
      %dma_wait3A_43 = arith.constant 0 : i32
      %dma_wait3A_44 = tpu.memref_slice %arg9[%add3A_15, %dma_wait3A_43] : memref<10240x128xf32, #tpu.memory_space<vmem_shared>> -> memref<128x128xf32, #tpu.memory_space<vmem_shared>>
      tpu.wait_dma2 semaphore(%run_scoped3A : memref<!tpu.dma_semaphore, #tpu.memory_space<semaphore_mem>>) src(%arg7 : memref<128x128xf32, #tpu.memory_space<vmem>>) dst(%dma_wait3A_44 : memref<128x128xf32, #tpu.memory_space<vmem_shared>>)
      tpu.yield
    }) : () -> ()
    %mul3A_16 = arith.constant 640 : i32
    %mul3A_17 = arith.muli %arg1, %mul3A_16 : i32
    %add3A_18 = arith.constant 256 : i32
    %add3A_19 = arith.addi %mul3A_17, %add3A_18 : i32
    "tpu.region"() ({
      %run_scoped3A = tpu.sem_alloc : memref<!tpu.dma_semaphore, #tpu.memory_space<semaphore_mem>>
      %dma_start3A = arith.constant 0 : i32
      %dma_start3A_39 = tpu.memref_slice %arg9[%add3A_19, %dma_start3A] : memref<10240x128xf32, #tpu.memory_space<vmem_shared>> -> memref<128x128xf32, #tpu.memory_space<vmem_shared>>
      %dma_start3A_40 = arith.constant 0 : i32
      %dma_start3A_41 = tpu.memref_slice %arg9[%add3A_19, %dma_start3A_40] : memref<10240x128xf32, #tpu.memory_space<vmem_shared>> -> memref<128x128xf32, #tpu.memory_space<vmem_shared>>
      tpu.enqueue_dma source(%arg7 : memref<128x128xf32, #tpu.memory_space<vmem>>) target(%dma_start3A_41 : memref<128x128xf32, #tpu.memory_space<vmem_shared>>) target_semaphore(%run_scoped3A : memref<!tpu.dma_semaphore, #tpu.memory_space<semaphore_mem>>)
      %dma_wait3A = arith.constant 0 : i32
      %dma_wait3A_42 = tpu.memref_slice %arg9[%add3A_19, %dma_wait3A] : memref<10240x128xf32, #tpu.memory_space<vmem_shared>> -> memref<128x128xf32, #tpu.memory_space<vmem_shared>>
      %dma_wait3A_43 = arith.constant 0 : i32
      %dma_wait3A_44 = tpu.memref_slice %arg9[%add3A_19, %dma_wait3A_43] : memref<10240x128xf32, #tpu.memory_space<vmem_shared>> -> memref<128x128xf32, #tpu.memory_space<vmem_shared>>
      tpu.wait_dma2 semaphore(%run_scoped3A : memref<!tpu.dma_semaphore, #tpu.memory_space<semaphore_mem>>) src(%arg7 : memref<128x128xf32, #tpu.memory_space<vmem>>) dst(%dma_wait3A_44 : memref<128x128xf32, #tpu.memory_space<vmem_shared>>)
      tpu.yield
    }) : () -> ()
    %mul3A_20 = arith.constant 640 : i32
    %mul3A_21 = arith.muli %arg1, %mul3A_20 : i32
    %add3A_22 = arith.constant 384 : i32
    %add3A_23 = arith.addi %mul3A_21, %add3A_22 : i32
    "tpu.region"() ({
      %run_scoped3A = tpu.sem_alloc : memref<!tpu.dma_semaphore, #tpu.memory_space<semaphore_mem>>
      %dma_start3A = arith.constant 0 : i32
      %dma_start3A_39 = tpu.memref_slice %arg9[%add3A_23, %dma_start3A] : memref<10240x128xf32, #tpu.memory_space<vmem_shared>> -> memref<128x128xf32, #tpu.memory_space<vmem_shared>>
      %dma_start3A_40 = arith.constant 0 : i32
      %dma_start3A_41 = tpu.memref_slice %arg9[%add3A_23, %dma_start3A_40] : memref<10240x128xf32, #tpu.memory_space<vmem_shared>> -> memref<128x128xf32, #tpu.memory_space<vmem_shared>>
      tpu.enqueue_dma source(%arg7 : memref<128x128xf32, #tpu.memory_space<vmem>>) target(%dma_start3A_41 : memref<128x128xf32, #tpu.memory_space<vmem_shared>>) target_semaphore(%run_scoped3A : memref<!tpu.dma_semaphore, #tpu.memory_space<semaphore_mem>>)
      %dma_wait3A = arith.constant 0 : i32
      %dma_wait3A_42 = tpu.memref_slice %arg9[%add3A_23, %dma_wait3A] : memref<10240x128xf32, #tpu.memory_space<vmem_shared>> -> memref<128x128xf32, #tpu.memory_space<vmem_shared>>
      %dma_wait3A_43 = arith.constant 0 : i32
      %dma_wait3A_44 = tpu.memref_slice %arg9[%add3A_23, %dma_wait3A_43] : memref<10240x128xf32, #tpu.memory_space<vmem_shared>> -> memref<128x128xf32, #tpu.memory_space<vmem_shared>>
      tpu.wait_dma2 semaphore(%run_scoped3A : memref<!tpu.dma_semaphore, #tpu.memory_space<semaphore_mem>>) src(%arg7 : memref<128x128xf32, #tpu.memory_space<vmem>>) dst(%dma_wait3A_44 : memref<128x128xf32, #tpu.memory_space<vmem_shared>>)
      tpu.yield
    }) : () -> ()
    %mul3A_24 = arith.constant 640 : i32
    %mul3A_25 = arith.muli %arg1, %mul3A_24 : i32
    %add3A_26 = arith.constant 512 : i32
    %add3A_27 = arith.addi %mul3A_25, %add3A_26 : i32
    "tpu.region"() ({
      %run_scoped3A = tpu.sem_alloc : memref<!tpu.dma_semaphore, #tpu.memory_space<semaphore_mem>>
      %dma_start3A = arith.constant 0 : i32
      %dma_start3A_39 = tpu.memref_slice %arg9[%add3A_27, %dma_start3A] : memref<10240x128xf32, #tpu.memory_space<vmem_shared>> -> memref<128x128xf32, #tpu.memory_space<vmem_shared>>
      %dma_start3A_40 = arith.constant 0 : i32
      %dma_start3A_41 = tpu.memref_slice %arg9[%add3A_27, %dma_start3A_40] : memref<10240x128xf32, #tpu.memory_space<vmem_shared>> -> memref<128x128xf32, #tpu.memory_space<vmem_shared>>
      tpu.enqueue_dma source(%arg7 : memref<128x128xf32, #tpu.memory_space<vmem>>) target(%dma_start3A_41 : memref<128x128xf32, #tpu.memory_space<vmem_shared>>) target_semaphore(%run_scoped3A : memref<!tpu.dma_semaphore, #tpu.memory_space<semaphore_mem>>)
      %dma_wait3A = arith.constant 0 : i32
      %dma_wait3A_42 = tpu.memref_slice %arg9[%add3A_27, %dma_wait3A] : memref<10240x128xf32, #tpu.memory_space<vmem_shared>> -> memref<128x128xf32, #tpu.memory_space<vmem_shared>>
      %dma_wait3A_43 = arith.constant 0 : i32
      %dma_wait3A_44 = tpu.memref_slice %arg9[%add3A_27, %dma_wait3A_43] : memref<10240x128xf32, #tpu.memory_space<vmem_shared>> -> memref<128x128xf32, #tpu.memory_space<vmem_shared>>
      tpu.wait_dma2 semaphore(%run_scoped3A : memref<!tpu.dma_semaphore, #tpu.memory_space<semaphore_mem>>) src(%arg7 : memref<128x128xf32, #tpu.memory_space<vmem>>) dst(%dma_wait3A_44 : memref<128x128xf32, #tpu.memory_space<vmem_shared>>)
      tpu.yield
    }) : () -> ()
    %barrier3A = arith.constant 0 : index
    tpu.barrier barrier_id(%barrier3A)
    %scan3A_28 = arith.constant 0 : i32
    %scan3A_29 = arith.constant 0 : i32
    %scan3A_30 = arith.constant 2 : i32
    %scan3A_31 = arith.addi %scan3A_29, %scan3A_30 : i32
    %scan3A_32 = arith.constant 1 : i32
    scf.for %scan3A_39 = %scan3A_29 to %scan3A_31 step %scan3A_32  : i32 {
      %mul3A_40 = arith.constant 40 : i32
      %mul3A_41 = arith.muli %scan3A_39, %mul3A_40 : i32
      %add3A_42 = arith.addi %mul3A_2, %mul3A_41 : i32
      "tpu.region"() ({
        %run_scoped3A_76 = tpu.sem_alloc : memref<!tpu.dma_semaphore, #tpu.memory_space<semaphore_mem>>
        %dma_start3A_77 = arith.constant 0 : i32
        %dma_start3A_78 = arith.constant 0 : i32
        %dma_start3A_79 = tpu.memref_slice %arg6[%dma_start3A_77, %dma_start3A_78] : memref<80x128xi32, #tpu.memory_space<vmem>> -> memref<40x128xi32, #tpu.memory_space<vmem>>
        %dma_start3A_80 = arith.constant 0 : i32
        %dma_start3A_81 = tpu.memref_slice %arg3[%add3A_42, %dma_start3A_80] : memref<2560x128xi32, #tpu.memory_space<hbm>> -> memref<40x128xi32, #tpu.memory_space<hbm>>
        %dma_start3A_82 = arith.constant 0 : i32
        %dma_start3A_83 = arith.constant 0 : i32
        %dma_start3A_84 = tpu.memref_slice %arg6[%dma_start3A_82, %dma_start3A_83] : memref<80x128xi32, #tpu.memory_space<vmem>> -> memref<40x128xi32, #tpu.memory_space<vmem>>
        %dma_start3A_85 = arith.constant 0 : i32
        %dma_start3A_86 = tpu.memref_slice %arg3[%add3A_42, %dma_start3A_85] : memref<2560x128xi32, #tpu.memory_space<hbm>> -> memref<40x128xi32, #tpu.memory_space<hbm>>
        tpu.enqueue_dma source(%dma_start3A_86 : memref<40x128xi32, #tpu.memory_space<hbm>>) target(%dma_start3A_84 : memref<40x128xi32, #tpu.memory_space<vmem>>) target_semaphore(%run_scoped3A_76 : memref<!tpu.dma_semaphore, #tpu.memory_space<semaphore_mem>>)
        %dma_wait3A_87 = arith.constant 0 : i32
        %dma_wait3A_88 = arith.constant 0 : i32
        %dma_wait3A_89 = tpu.memref_slice %arg6[%dma_wait3A_87, %dma_wait3A_88] : memref<80x128xi32, #tpu.memory_space<vmem>> -> memref<40x128xi32, #tpu.memory_space<vmem>>
        %dma_wait3A_90 = arith.constant 0 : i32
        %dma_wait3A_91 = tpu.memref_slice %arg3[%add3A_42, %dma_wait3A_90] : memref<2560x128xi32, #tpu.memory_space<hbm>> -> memref<40x128xi32, #tpu.memory_space<hbm>>
        %dma_wait3A_92 = arith.constant 0 : i32
        %dma_wait3A_93 = arith.constant 0 : i32
        %dma_wait3A_94 = tpu.memref_slice %arg6[%dma_wait3A_92, %dma_wait3A_93] : memref<80x128xi32, #tpu.memory_space<vmem>> -> memref<40x128xi32, #tpu.memory_space<vmem>>
        %dma_wait3A_95 = arith.constant 0 : i32
        %dma_wait3A_96 = tpu.memref_slice %arg3[%add3A_42, %dma_wait3A_95] : memref<2560x128xi32, #tpu.memory_space<hbm>> -> memref<40x128xi32, #tpu.memory_space<hbm>>
        tpu.wait_dma2 semaphore(%run_scoped3A_76 : memref<!tpu.dma_semaphore, #tpu.memory_space<semaphore_mem>>) src(%dma_wait3A_96 : memref<40x128xi32, #tpu.memory_space<hbm>>) dst(%dma_wait3A_94 : memref<40x128xi32, #tpu.memory_space<vmem>>)
        tpu.yield
      }) : () -> ()
      "tpu.region"() ({
        %run_scoped3A_76 = tpu.sem_alloc : memref<!tpu.dma_semaphore, #tpu.memory_space<semaphore_mem>>
        %dma_start3A_77 = arith.constant 40 : i32
        %dma_start3A_78 = arith.constant 0 : i32
        %dma_start3A_79 = tpu.memref_slice %arg6[%dma_start3A_77, %dma_start3A_78] : memref<80x128xi32, #tpu.memory_space<vmem>> -> memref<40x128xi32, #tpu.memory_space<vmem>>
        %dma_start3A_80 = arith.constant 0 : i32
        %dma_start3A_81 = tpu.memref_slice %arg4[%add3A_42, %dma_start3A_80] : memref<2560x128xi32, #tpu.memory_space<hbm>> -> memref<40x128xi32, #tpu.memory_space<hbm>>
        %dma_start3A_82 = arith.constant 40 : i32
        %dma_start3A_83 = arith.constant 0 : i32
        %dma_start3A_84 = tpu.memref_slice %arg6[%dma_start3A_82, %dma_start3A_83] : memref<80x128xi32, #tpu.memory_space<vmem>> -> memref<40x128xi32, #tpu.memory_space<vmem>>
        %dma_start3A_85 = arith.constant 0 : i32
        %dma_start3A_86 = tpu.memref_slice %arg4[%add3A_42, %dma_start3A_85] : memref<2560x128xi32, #tpu.memory_space<hbm>> -> memref<40x128xi32, #tpu.memory_space<hbm>>
        tpu.enqueue_dma source(%dma_start3A_86 : memref<40x128xi32, #tpu.memory_space<hbm>>) target(%dma_start3A_84 : memref<40x128xi32, #tpu.memory_space<vmem>>) target_semaphore(%run_scoped3A_76 : memref<!tpu.dma_semaphore, #tpu.memory_space<semaphore_mem>>)
        %dma_wait3A_87 = arith.constant 40 : i32
        %dma_wait3A_88 = arith.constant 0 : i32
        %dma_wait3A_89 = tpu.memref_slice %arg6[%dma_wait3A_87, %dma_wait3A_88] : memref<80x128xi32, #tpu.memory_space<vmem>> -> memref<40x128xi32, #tpu.memory_space<vmem>>
        %dma_wait3A_90 = arith.constant 0 : i32
        %dma_wait3A_91 = tpu.memref_slice %arg4[%add3A_42, %dma_wait3A_90] : memref<2560x128xi32, #tpu.memory_space<hbm>> -> memref<40x128xi32, #tpu.memory_space<hbm>>
        %dma_wait3A_92 = arith.constant 40 : i32
        %dma_wait3A_93 = arith.constant 0 : i32
        %dma_wait3A_94 = tpu.memref_slice %arg6[%dma_wait3A_92, %dma_wait3A_93] : memref<80x128xi32, #tpu.memory_space<vmem>> -> memref<40x128xi32, #tpu.memory_space<vmem>>
        %dma_wait3A_95 = arith.constant 0 : i32
        %dma_wait3A_96 = tpu.memref_slice %arg4[%add3A_42, %dma_wait3A_95] : memref<2560x128xi32, #tpu.memory_space<hbm>> -> memref<40x128xi32, #tpu.memory_space<hbm>>
        tpu.wait_dma2 semaphore(%run_scoped3A_76 : memref<!tpu.dma_semaphore, #tpu.memory_space<semaphore_mem>>) src(%dma_wait3A_96 : memref<40x128xi32, #tpu.memory_space<hbm>>) dst(%dma_wait3A_94 : memref<40x128xi32, #tpu.memory_space<vmem>>)
        tpu.yield
      }) : () -> ()
      %dma_start3A = arith.constant 0 : i32
      %dma_start3A_43 = arith.constant 0 : i32
      %dma_start3A_44 = tpu.memref_slice %arg6[%dma_start3A, %dma_start3A_43] : memref<80x128xi32, #tpu.memory_space<vmem>> -> memref<1x128xi32, #tpu.memory_space<vmem>>
      %dma_start3A_45 = tpu.memref_squeeze %dma_start3A_44 : memref<1x128xi32, #tpu.memory_space<vmem>> -> memref<128xi32, #tpu.memory_space<vmem>>
      %dma_start3A_46 = arith.constant 0 : i32
      %dma_start3A_47 = arith.constant 0 : i32
      %dma_start3A_48 = tpu.memref_slice %arg2[%dma_start3A_46, %dma_start3A_47] : memref<30000x128xf32, #tpu.memory_space<hbm>> -> memref<30000x128xf32, #tpu.memory_space<hbm>>
      tpu.enqueue_indirect_dma source(%dma_start3A_48 : memref<30000x128xf32, #tpu.memory_space<hbm>>) target(%arg7 : memref<128x128xf32, #tpu.memory_space<vmem>>) offsets(%dma_start3A_45 : memref<128xi32, #tpu.memory_space<vmem>>) semaphore(%arg10 : memref<!tpu.dma_semaphore, #tpu.memory_space<semaphore_mem>>)
      %scan3A_49 = arith.constant 0 : i32
      %scan3A_50 = arith.constant 0 : i32
      %scan3A_51 = arith.constant 19 : i32
      %scan3A_52 = arith.addi %scan3A_50, %scan3A_51 : i32
      %scan3A_53 = arith.constant 1 : i32
      scf.for %scan3A_76 = %scan3A_50 to %scan3A_52 step %scan3A_53  : i32 {
        %mul3A_77 = arith.constant 2 : i32
        %mul3A_78 = arith.muli %mul3A_77, %scan3A_76 : i32
        %add3A_79 = arith.constant 1 : i32
        %add3A_80 = arith.addi %mul3A_78, %add3A_79 : i32
        %dma_start3A_81 = arith.constant 0 : i32
        %dma_start3A_82 = tpu.memref_slice %arg6[%add3A_80, %dma_start3A_81] : memref<80x128xi32, #tpu.memory_space<vmem>> -> memref<1x128xi32, #tpu.memory_space<vmem>>
        %dma_start3A_83 = tpu.memref_squeeze %dma_start3A_82 : memref<1x128xi32, #tpu.memory_space<vmem>> -> memref<128xi32, #tpu.memory_space<vmem>>
        %dma_start3A_84 = arith.constant 0 : i32
        %dma_start3A_85 = arith.constant 0 : i32
        %dma_start3A_86 = tpu.memref_slice %arg2[%dma_start3A_84, %dma_start3A_85] : memref<30000x128xf32, #tpu.memory_space<hbm>> -> memref<30000x128xf32, #tpu.memory_space<hbm>>
        tpu.enqueue_indirect_dma source(%dma_start3A_86 : memref<30000x128xf32, #tpu.memory_space<hbm>>) target(%arg8 : memref<128x128xf32, #tpu.memory_space<vmem>>) offsets(%dma_start3A_83 : memref<128xi32, #tpu.memory_space<vmem>>) semaphore(%arg11 : memref<!tpu.dma_semaphore, #tpu.memory_space<semaphore_mem>>)
        %dma_wait3A_87 = arith.constant 0 : i32
        %dma_wait3A_88 = tpu.memref_slice %arg6[%mul3A_78, %dma_wait3A_87] : memref<80x128xi32, #tpu.memory_space<vmem>> -> memref<1x128xi32, #tpu.memory_space<vmem>>
        %dma_wait3A_89 = tpu.memref_squeeze %dma_wait3A_88 : memref<1x128xi32, #tpu.memory_space<vmem>> -> memref<128xi32, #tpu.memory_space<vmem>>
        %dma_wait3A_90 = arith.constant 0 : i32
        %dma_wait3A_91 = arith.constant 0 : i32
        %dma_wait3A_92 = tpu.memref_slice %arg2[%dma_wait3A_90, %dma_wait3A_91] : memref<30000x128xf32, #tpu.memory_space<hbm>> -> memref<30000x128xf32, #tpu.memory_space<hbm>>
        tpu.wait_indirect_dma semaphore(%arg10 : memref<!tpu.dma_semaphore, #tpu.memory_space<semaphore_mem>>) src(%dma_wait3A_92 : memref<30000x128xf32, #tpu.memory_space<hbm>>) dst(%arg7 : memref<128x128xf32, #tpu.memory_space<vmem>>)
        %add3A_93 = arith.constant 40 : i32
        %add3A_94 = arith.addi %add3A_93, %mul3A_78 : i32
        "tpu.region"() ({
          %run_scoped3A_115 = tpu.sem_alloc : memref<!tpu.dma_semaphore, #tpu.memory_space<semaphore_mem>>
          %dma_start3A_116 = arith.constant 0 : i32
          %dma_start3A_117 = tpu.memref_slice %arg6[%add3A_94, %dma_start3A_116] : memref<80x128xi32, #tpu.memory_space<vmem>> -> memref<1x128xi32, #tpu.memory_space<vmem>>
          %dma_start3A_118 = tpu.memref_squeeze %dma_start3A_117 : memref<1x128xi32, #tpu.memory_space<vmem>> -> memref<128xi32, #tpu.memory_space<vmem>>
          %dma_start3A_119 = arith.constant 0 : i32
          %dma_start3A_120 = arith.constant 0 : i32
          %dma_start3A_121 = tpu.memref_slice %arg9[%dma_start3A_119, %dma_start3A_120] : memref<10240x128xf32, #tpu.memory_space<vmem_shared>> -> memref<10240x128xf32, #tpu.memory_space<vmem_shared>>
          tpu.enqueue_indirect_dma source(%arg7 : memref<128x128xf32, #tpu.memory_space<vmem>>) target(%dma_start3A_121 : memref<10240x128xf32, #tpu.memory_space<vmem_shared>>) offsets(%dma_start3A_118 : memref<128xi32, #tpu.memory_space<vmem>>) semaphore(%run_scoped3A_115 : memref<!tpu.dma_semaphore, #tpu.memory_space<semaphore_mem>>) {add = true}
          %dma_wait3A_122 = arith.constant 0 : i32
          %dma_wait3A_123 = tpu.memref_slice %arg6[%add3A_94, %dma_wait3A_122] : memref<80x128xi32, #tpu.memory_space<vmem>> -> memref<1x128xi32, #tpu.memory_space<vmem>>
          %dma_wait3A_124 = tpu.memref_squeeze %dma_wait3A_123 : memref<1x128xi32, #tpu.memory_space<vmem>> -> memref<128xi32, #tpu.memory_space<vmem>>
          %dma_wait3A_125 = arith.constant 0 : i32
          %dma_wait3A_126 = arith.constant 0 : i32
          %dma_wait3A_127 = tpu.memref_slice %arg9[%dma_wait3A_125, %dma_wait3A_126] : memref<10240x128xf32, #tpu.memory_space<vmem_shared>> -> memref<10240x128xf32, #tpu.memory_space<vmem_shared>>
          tpu.wait_indirect_dma semaphore(%run_scoped3A_115 : memref<!tpu.dma_semaphore, #tpu.memory_space<semaphore_mem>>) src(%arg7 : memref<128x128xf32, #tpu.memory_space<vmem>>) dst(%dma_wait3A_127 : memref<10240x128xf32, #tpu.memory_space<vmem_shared>>)
          tpu.yield
        }) : () -> ()
        %add3A_95 = arith.constant 2 : i32
        %add3A_96 = arith.addi %mul3A_78, %add3A_95 : i32
        %dma_start3A_97 = arith.constant 0 : i32
        %dma_start3A_98 = tpu.memref_slice %arg6[%add3A_96, %dma_start3A_97] : memref<80x128xi32, #tpu.memory_space<vmem>> -> memref<1x128xi32, #tpu.memory_space<vmem>>
        %dma_start3A_99 = tpu.memref_squeeze %dma_start3A_98 : memref<1x128xi32, #tpu.memory_space<vmem>> -> memref<128xi32, #tpu.memory_space<vmem>>
        %dma_start3A_100 = arith.constant 0 : i32
        %dma_start3A_101 = arith.constant 0 : i32
        %dma_start3A_102 = tpu.memref_slice %arg2[%dma_start3A_100, %dma_start3A_101] : memref<30000x128xf32, #tpu.memory_space<hbm>> -> memref<30000x128xf32, #tpu.memory_space<hbm>>
        tpu.enqueue_indirect_dma source(%dma_start3A_102 : memref<30000x128xf32, #tpu.memory_space<hbm>>) target(%arg7 : memref<128x128xf32, #tpu.memory_space<vmem>>) offsets(%dma_start3A_99 : memref<128xi32, #tpu.memory_space<vmem>>) semaphore(%arg10 : memref<!tpu.dma_semaphore, #tpu.memory_space<semaphore_mem>>)
        %add3A_103 = arith.constant 1 : i32
        %add3A_104 = arith.addi %mul3A_78, %add3A_103 : i32
        %dma_wait3A_105 = arith.constant 0 : i32
        %dma_wait3A_106 = tpu.memref_slice %arg6[%add3A_104, %dma_wait3A_105] : memref<80x128xi32, #tpu.memory_space<vmem>> -> memref<1x128xi32, #tpu.memory_space<vmem>>
        %dma_wait3A_107 = tpu.memref_squeeze %dma_wait3A_106 : memref<1x128xi32, #tpu.memory_space<vmem>> -> memref<128xi32, #tpu.memory_space<vmem>>
        %dma_wait3A_108 = arith.constant 0 : i32
        %dma_wait3A_109 = arith.constant 0 : i32
        %dma_wait3A_110 = tpu.memref_slice %arg2[%dma_wait3A_108, %dma_wait3A_109] : memref<30000x128xf32, #tpu.memory_space<hbm>> -> memref<30000x128xf32, #tpu.memory_space<hbm>>
        tpu.wait_indirect_dma semaphore(%arg11 : memref<!tpu.dma_semaphore, #tpu.memory_space<semaphore_mem>>) src(%dma_wait3A_110 : memref<30000x128xf32, #tpu.memory_space<hbm>>) dst(%arg8 : memref<128x128xf32, #tpu.memory_space<vmem>>)
        %add3A_111 = arith.constant 1 : i32
        %add3A_112 = arith.addi %mul3A_78, %add3A_111 : i32
        %add3A_113 = arith.constant 40 : i32
        %add3A_114 = arith.addi %add3A_113, %add3A_112 : i32
        "tpu.region"() ({
          %run_scoped3A_115 = tpu.sem_alloc : memref<!tpu.dma_semaphore, #tpu.memory_space<semaphore_mem>>
          %dma_start3A_116 = arith.constant 0 : i32
          %dma_start3A_117 = tpu.memref_slice %arg6[%add3A_114, %dma_start3A_116] : memref<80x128xi32, #tpu.memory_space<vmem>> -> memref<1x128xi32, #tpu.memory_space<vmem>>
          %dma_start3A_118 = tpu.memref_squeeze %dma_start3A_117 : memref<1x128xi32, #tpu.memory_space<vmem>> -> memref<128xi32, #tpu.memory_space<vmem>>
          %dma_start3A_119 = arith.constant 0 : i32
          %dma_start3A_120 = arith.constant 0 : i32
          %dma_start3A_121 = tpu.memref_slice %arg9[%dma_start3A_119, %dma_start3A_120] : memref<10240x128xf32, #tpu.memory_space<vmem_shared>> -> memref<10240x128xf32, #tpu.memory_space<vmem_shared>>
          tpu.enqueue_indirect_dma source(%arg8 : memref<128x128xf32, #tpu.memory_space<vmem>>) target(%dma_start3A_121 : memref<10240x128xf32, #tpu.memory_space<vmem_shared>>) offsets(%dma_start3A_118 : memref<128xi32, #tpu.memory_space<vmem>>) semaphore(%run_scoped3A_115 : memref<!tpu.dma_semaphore, #tpu.memory_space<semaphore_mem>>) {add = true}
          %dma_wait3A_122 = arith.constant 0 : i32
          %dma_wait3A_123 = tpu.memref_slice %arg6[%add3A_114, %dma_wait3A_122] : memref<80x128xi32, #tpu.memory_space<vmem>> -> memref<1x128xi32, #tpu.memory_space<vmem>>
          %dma_wait3A_124 = tpu.memref_squeeze %dma_wait3A_123 : memref<1x128xi32, #tpu.memory_space<vmem>> -> memref<128xi32, #tpu.memory_space<vmem>>
          %dma_wait3A_125 = arith.constant 0 : i32
          %dma_wait3A_126 = arith.constant 0 : i32
          %dma_wait3A_127 = tpu.memref_slice %arg9[%dma_wait3A_125, %dma_wait3A_126] : memref<10240x128xf32, #tpu.memory_space<vmem_shared>> -> memref<10240x128xf32, #tpu.memory_space<vmem_shared>>
          tpu.wait_indirect_dma semaphore(%run_scoped3A_115 : memref<!tpu.dma_semaphore, #tpu.memory_space<semaphore_mem>>) src(%arg8 : memref<128x128xf32, #tpu.memory_space<vmem>>) dst(%dma_wait3A_127 : memref<10240x128xf32, #tpu.memory_space<vmem_shared>>)
          tpu.yield
        }) : () -> ()
      }
      %scan3A_54 = arith.constant 19 : i32
      %dma_start3A_55 = arith.constant 39 : i32
      %dma_start3A_56 = arith.constant 0 : i32
      %dma_start3A_57 = tpu.memref_slice %arg6[%dma_start3A_55, %dma_start3A_56] : memref<80x128xi32, #tpu.memory_space<vmem>> -> memref<1x128xi32, #tpu.memory_space<vmem>>
      %dma_start3A_58 = tpu.memref_squeeze %dma_start3A_57 : memref<1x128xi32, #tpu.memory_space<vmem>> -> memref<128xi32, #tpu.memory_space<vmem>>
      %dma_start3A_59 = arith.constant 0 : i32
      %dma_start3A_60 = arith.constant 0 : i32
      %dma_start3A_61 = tpu.memref_slice %arg2[%dma_start3A_59, %dma_start3A_60] : memref<30000x128xf32, #tpu.memory_space<hbm>> -> memref<30000x128xf32, #tpu.memory_space<hbm>>
      tpu.enqueue_indirect_dma source(%dma_start3A_61 : memref<30000x128xf32, #tpu.memory_space<hbm>>) target(%arg8 : memref<128x128xf32, #tpu.memory_space<vmem>>) offsets(%dma_start3A_58 : memref<128xi32, #tpu.memory_space<vmem>>) semaphore(%arg11 : memref<!tpu.dma_semaphore, #tpu.memory_space<semaphore_mem>>)
      %dma_wait3A = arith.constant 38 : i32
      %dma_wait3A_62 = arith.constant 0 : i32
      %dma_wait3A_63 = tpu.memref_slice %arg6[%dma_wait3A, %dma_wait3A_62] : memref<80x128xi32, #tpu.memory_space<vmem>> -> memref<1x128xi32, #tpu.memory_space<vmem>>
      %dma_wait3A_64 = tpu.memref_squeeze %dma_wait3A_63 : memref<1x128xi32, #tpu.memory_space<vmem>> -> memref<128xi32, #tpu.memory_space<vmem>>
      %dma_wait3A_65 = arith.constant 0 : i32
      %dma_wait3A_66 = arith.constant 0 : i32
      %dma_wait3A_67 = tpu.memref_slice %arg2[%dma_wait3A_65, %dma_wait3A_66] : memref<30000x128xf32, #tpu.memory_space<hbm>> -> memref<30000x128xf32, #tpu.memory_space<hbm>>
      tpu.wait_indirect_dma semaphore(%arg10 : memref<!tpu.dma_semaphore, #tpu.memory_space<semaphore_mem>>) src(%dma_wait3A_67 : memref<30000x128xf32, #tpu.memory_space<hbm>>) dst(%arg7 : memref<128x128xf32, #tpu.memory_space<vmem>>)
      %run_scoped3A = arith.constant 78 : i32
      "tpu.region"() ({
        %run_scoped3A_76 = tpu.sem_alloc : memref<!tpu.dma_semaphore, #tpu.memory_space<semaphore_mem>>
        %dma_start3A_77 = arith.constant 0 : i32
        %dma_start3A_78 = tpu.memref_slice %arg6[%run_scoped3A, %dma_start3A_77] : memref<80x128xi32, #tpu.memory_space<vmem>> -> memref<1x128xi32, #tpu.memory_space<vmem>>
        %dma_start3A_79 = tpu.memref_squeeze %dma_start3A_78 : memref<1x128xi32, #tpu.memory_space<vmem>> -> memref<128xi32, #tpu.memory_space<vmem>>
        %dma_start3A_80 = arith.constant 0 : i32
        %dma_start3A_81 = arith.constant 0 : i32
        %dma_start3A_82 = tpu.memref_slice %arg9[%dma_start3A_80, %dma_start3A_81] : memref<10240x128xf32, #tpu.memory_space<vmem_shared>> -> memref<10240x128xf32, #tpu.memory_space<vmem_shared>>
        tpu.enqueue_indirect_dma source(%arg7 : memref<128x128xf32, #tpu.memory_space<vmem>>) target(%dma_start3A_82 : memref<10240x128xf32, #tpu.memory_space<vmem_shared>>) offsets(%dma_start3A_79 : memref<128xi32, #tpu.memory_space<vmem>>) semaphore(%run_scoped3A_76 : memref<!tpu.dma_semaphore, #tpu.memory_space<semaphore_mem>>) {add = true}
        %dma_wait3A_83 = arith.constant 0 : i32
        %dma_wait3A_84 = tpu.memref_slice %arg6[%run_scoped3A, %dma_wait3A_83] : memref<80x128xi32, #tpu.memory_space<vmem>> -> memref<1x128xi32, #tpu.memory_space<vmem>>
        %dma_wait3A_85 = tpu.memref_squeeze %dma_wait3A_84 : memref<1x128xi32, #tpu.memory_space<vmem>> -> memref<128xi32, #tpu.memory_space<vmem>>
        %dma_wait3A_86 = arith.constant 0 : i32
        %dma_wait3A_87 = arith.constant 0 : i32
        %dma_wait3A_88 = tpu.memref_slice %arg9[%dma_wait3A_86, %dma_wait3A_87] : memref<10240x128xf32, #tpu.memory_space<vmem_shared>> -> memref<10240x128xf32, #tpu.memory_space<vmem_shared>>
        tpu.wait_indirect_dma semaphore(%run_scoped3A_76 : memref<!tpu.dma_semaphore, #tpu.memory_space<semaphore_mem>>) src(%arg7 : memref<128x128xf32, #tpu.memory_space<vmem>>) dst(%dma_wait3A_88 : memref<10240x128xf32, #tpu.memory_space<vmem_shared>>)
        tpu.yield
      }) : () -> ()
      %dma_wait3A_68 = arith.constant 39 : i32
      %dma_wait3A_69 = arith.constant 0 : i32
      %dma_wait3A_70 = tpu.memref_slice %arg6[%dma_wait3A_68, %dma_wait3A_69] : memref<80x128xi32, #tpu.memory_space<vmem>> -> memref<1x128xi32, #tpu.memory_space<vmem>>
      %dma_wait3A_71 = tpu.memref_squeeze %dma_wait3A_70 : memref<1x128xi32, #tpu.memory_space<vmem>> -> memref<128xi32, #tpu.memory_space<vmem>>
      %dma_wait3A_72 = arith.constant 0 : i32
      %dma_wait3A_73 = arith.constant 0 : i32
      %dma_wait3A_74 = tpu.memref_slice %arg2[%dma_wait3A_72, %dma_wait3A_73] : memref<30000x128xf32, #tpu.memory_space<hbm>> -> memref<30000x128xf32, #tpu.memory_space<hbm>>
      tpu.wait_indirect_dma semaphore(%arg11 : memref<!tpu.dma_semaphore, #tpu.memory_space<semaphore_mem>>) src(%dma_wait3A_74 : memref<30000x128xf32, #tpu.memory_space<hbm>>) dst(%arg8 : memref<128x128xf32, #tpu.memory_space<vmem>>)
      %run_scoped3A_75 = arith.constant 79 : i32
      "tpu.region"() ({
        %run_scoped3A_76 = tpu.sem_alloc : memref<!tpu.dma_semaphore, #tpu.memory_space<semaphore_mem>>
        %dma_start3A_77 = arith.constant 0 : i32
        %dma_start3A_78 = tpu.memref_slice %arg6[%run_scoped3A_75, %dma_start3A_77] : memref<80x128xi32, #tpu.memory_space<vmem>> -> memref<1x128xi32, #tpu.memory_space<vmem>>
        %dma_start3A_79 = tpu.memref_squeeze %dma_start3A_78 : memref<1x128xi32, #tpu.memory_space<vmem>> -> memref<128xi32, #tpu.memory_space<vmem>>
        %dma_start3A_80 = arith.constant 0 : i32
        %dma_start3A_81 = arith.constant 0 : i32
        %dma_start3A_82 = tpu.memref_slice %arg9[%dma_start3A_80, %dma_start3A_81] : memref<10240x128xf32, #tpu.memory_space<vmem_shared>> -> memref<10240x128xf32, #tpu.memory_space<vmem_shared>>
        tpu.enqueue_indirect_dma source(%arg8 : memref<128x128xf32, #tpu.memory_space<vmem>>) target(%dma_start3A_82 : memref<10240x128xf32, #tpu.memory_space<vmem_shared>>) offsets(%dma_start3A_79 : memref<128xi32, #tpu.memory_space<vmem>>) semaphore(%run_scoped3A_76 : memref<!tpu.dma_semaphore, #tpu.memory_space<semaphore_mem>>) {add = true}
        %dma_wait3A_83 = arith.constant 0 : i32
        %dma_wait3A_84 = tpu.memref_slice %arg6[%run_scoped3A_75, %dma_wait3A_83] : memref<80x128xi32, #tpu.memory_space<vmem>> -> memref<1x128xi32, #tpu.memory_space<vmem>>
        %dma_wait3A_85 = tpu.memref_squeeze %dma_wait3A_84 : memref<1x128xi32, #tpu.memory_space<vmem>> -> memref<128xi32, #tpu.memory_space<vmem>>
        %dma_wait3A_86 = arith.constant 0 : i32
        %dma_wait3A_87 = arith.constant 0 : i32
        %dma_wait3A_88 = tpu.memref_slice %arg9[%dma_wait3A_86, %dma_wait3A_87] : memref<10240x128xf32, #tpu.memory_space<vmem_shared>> -> memref<10240x128xf32, #tpu.memory_space<vmem_shared>>
        tpu.wait_indirect_dma semaphore(%run_scoped3A_76 : memref<!tpu.dma_semaphore, #tpu.memory_space<semaphore_mem>>) src(%arg8 : memref<128x128xf32, #tpu.memory_space<vmem>>) dst(%dma_wait3A_88 : memref<10240x128xf32, #tpu.memory_space<vmem_shared>>)
        tpu.yield
      }) : () -> ()
    }
    %scan3A_33 = arith.constant 2 : i32
    %barrier3A_34 = arith.constant 0 : index
    tpu.barrier barrier_id(%barrier3A_34)
    %mul3A_35 = arith.constant 640 : i32
    %mul3A_36 = arith.muli %arg1, %mul3A_35 : i32
    %mul3A_37 = arith.constant 640 : i32
    %mul3A_38 = arith.muli %arg1, %mul3A_37 : i32
    "tpu.region"() ({
      %run_scoped3A = tpu.sem_alloc : memref<!tpu.dma_semaphore, #tpu.memory_space<semaphore_mem>>
      %dma_start3A = arith.constant 0 : i32
      %dma_start3A_39 = tpu.memref_slice %arg5[%arg0, %mul3A_38, %dma_start3A] : memref<2x10240x128xf32, #tpu.memory_space<hbm>> -> memref<1x640x128xf32, #tpu.memory_space<hbm>>
      %dma_start3A_40 = tpu.memref_squeeze %dma_start3A_39 : memref<1x640x128xf32, #tpu.memory_space<hbm>> -> memref<640x128xf32, #tpu.memory_space<hbm>>
      %dma_start3A_41 = arith.constant 0 : i32
      %dma_start3A_42 = tpu.memref_slice %arg9[%mul3A_36, %dma_start3A_41] : memref<10240x128xf32, #tpu.memory_space<vmem_shared>> -> memref<640x128xf32, #tpu.memory_space<vmem_shared>>
      tpu.enqueue_dma source(%dma_start3A_42 : memref<640x128xf32, #tpu.memory_space<vmem_shared>>) target(%dma_start3A_40 : memref<640x128xf32, #tpu.memory_space<hbm>>) target_semaphore(%run_scoped3A : memref<!tpu.dma_semaphore, #tpu.memory_space<semaphore_mem>>)
      %dma_wait3A = arith.constant 0 : i32
      %dma_wait3A_43 = tpu.memref_slice %arg5[%arg0, %mul3A_38, %dma_wait3A] : memref<2x10240x128xf32, #tpu.memory_space<hbm>> -> memref<1x640x128xf32, #tpu.memory_space<hbm>>
      %dma_wait3A_44 = tpu.memref_squeeze %dma_wait3A_43 : memref<1x640x128xf32, #tpu.memory_space<hbm>> -> memref<640x128xf32, #tpu.memory_space<hbm>>
      %dma_wait3A_45 = arith.constant 0 : i32
      %dma_wait3A_46 = tpu.memref_slice %arg9[%mul3A_36, %dma_wait3A_45] : memref<10240x128xf32, #tpu.memory_space<vmem_shared>> -> memref<640x128xf32, #tpu.memory_space<vmem_shared>>
      tpu.wait_dma2 semaphore(%run_scoped3A : memref<!tpu.dma_semaphore, #tpu.memory_space<semaphore_mem>>) src(%dma_wait3A_46 : memref<640x128xf32, #tpu.memory_space<vmem_shared>>) dst(%dma_wait3A_44 : memref<640x128xf32, #tpu.memory_space<hbm>>)
      tpu.yield
    }) : () -> ()
    return
  }
}

module attributes {stable_mosaic.version = 14 : i64} {
  func.func @_dense0_body(%arg0: i32, %arg1: memref<1000x128xf32, #tpu.memory_space<vmem>>, %arg2: memref<1000x1xi32, #tpu.memory_space<vmem>>, %arg3: memref<128x136xf32, #tpu.memory_space<vmem>>, %arg4: memref<3x8xf32, #tpu.memory_space<vmem>>, %arg5: memref<1x128xf32, #tpu.memory_space<vmem>>, %arg6: memref<3x1000x128xf32, #tpu.memory_space<vmem>>) attributes {dimension_semantics = [#tpu.dimension_semantics<arbitrary>], iteration_bounds = array<i64: 10>, scalar_prefetch = 0 : i64, scratch_operands = 0 : i64, tpu.core_type = #tpu.core_type<tc>, window_params = [{transform_indices = @transform_0, window_bounds = array<i64: 1000, 128>}, {transform_indices = @transform_1, window_bounds = array<i64: 1000, 1>}, {pipeline_mode = #tpu.pipeline_mode<synchronous>, transform_indices = @transform_2, window_bounds = array<i64: 128, 136>}, {pipeline_mode = #tpu.pipeline_mode<synchronous>, transform_indices = @transform_3, window_bounds = array<i64: 3, 8>}, {pipeline_mode = #tpu.pipeline_mode<synchronous>, transform_indices = @transform_4, window_bounds = array<i64: 1, 128>}, {transform_indices = @transform_5, window_bounds = array<i64: 3, 1000, 128>}]} {
    %get3A = arith.constant 0 : index
    %get3A_0 = arith.constant 0 : index
    %get3A_1 = vector.load %arg1[%get3A, %get3A_0] : memref<1000x128xf32, #tpu.memory_space<vmem>>, vector<1000x128xf32>
    %get3A_2 = arith.constant 0 : index
    %get3A_3 = arith.constant 0 : index
    %get3A_4 = vector.load %arg3[%get3A_2, %get3A_3] : memref<128x136xf32, #tpu.memory_space<vmem>>, vector<128x136xf32>
    %get3A_5 = arith.constant 0 : index
    %get3A_6 = arith.constant 0 : index
    %get3A_7 = vector.load %arg4[%get3A_5, %get3A_6] : memref<3x8xf32, #tpu.memory_space<vmem>>, vector<3x8xf32>
    %slice3A = vector.extract_strided_slice %get3A_4 {offsets = [0, 128], sizes = [128, 8], strides = [1, 1]} : vector<128x136xf32> to vector<128x8xf32>
    %dot_general3A = arith.constant dense<0.000000e+00> : vector<3x128xf32>
    %dot_general3A_8 = tpu.matmul %get3A_7, %slice3A, %dot_general3A {dimension_numbers = #tpu.dot_dimension_numbers<[1], [1], [0], [0], [0, 0, 1, 0], [], []>, precision = #tpu.contract_precision<fp32>, transpose_lhs_hint = false} : vector<3x8xf32>, vector<128x8xf32>, vector<3x128xf32> -> vector<3x128xf32>
    %jit3A = arith.constant 0 : i32
    %convert_element_type3A = arith.sitofp %jit3A : i32 to f32
    %pad3A = vector.broadcast %convert_element_type3A : f32 to vector<5x128xf32>
    %pad3A_9 = tpu.concatenate %dot_general3A_8, %pad3A in 0 : vector<3x128xf32>, vector<5x128xf32> -> vector<8x128xf32>
    %slice3A_10 = vector.extract_strided_slice %get3A_4 {offsets = [0, 0], sizes = [128, 128], strides = [1, 1]} : vector<128x136xf32> to vector<128x128xf32>
    %dot_general3A_11 = arith.constant dense<0.000000e+00> : vector<1000x128xf32>
    %dot_general3A_12 = tpu.matmul %get3A_1, %slice3A_10, %dot_general3A_11 {dimension_numbers = #tpu.dot_dimension_numbers<[1], [1], [0], [0], [0, 0, 1, 0], [], []>, precision = #tpu.contract_precision<fp32>, transpose_lhs_hint = false} : vector<1000x128xf32>, vector<128x128xf32>, vector<1000x128xf32> -> vector<1000x128xf32>
    %get3A_13 = arith.constant 0 : index
    %get3A_14 = arith.constant 0 : index
    %get3A_15 = vector.load %arg2[%get3A_13, %get3A_14] : memref<1000x1xi32, #tpu.memory_space<vmem>>, vector<1000x1xi32>
    %iota3A = tpu.iota {dimensions = array<i32: 1>} : vector<1000x8xi32>
    %eq3A = vector.broadcast %get3A_15 : vector<1000x1xi32> to vector<1000x8xi32>
    %eq3A_16 = arith.cmpi eq, %eq3A, %iota3A : vector<1000x8xi32>
    %convert_element_type3A_17 = arith.extui %eq3A_16 : vector<1000x8xi1> to vector<1000x8xi32>
    %convert_element_type3A_18 = arith.sitofp %convert_element_type3A_17 : vector<1000x8xi32> to vector<1000x8xf32>
    %dot_general3A_19 = arith.constant dense<0.000000e+00> : vector<1000x128xf32>
    %dot_general3A_20 = tpu.matmul %convert_element_type3A_18, %pad3A_9, %dot_general3A_19 {dimension_numbers = #tpu.dot_dimension_numbers<[1], [0], [0], [1], [0, 0, 1, 1], [], []>, precision = #tpu.contract_precision<fp32>, transpose_lhs_hint = false} : vector<1000x8xf32>, vector<8x128xf32>, vector<1000x128xf32> -> vector<1000x128xf32>
    %add3A = arith.addf %dot_general3A_12, %dot_general3A_20 : vector<1000x128xf32>
    %get3A_21 = arith.constant 0 : index
    %get3A_22 = arith.constant 0 : index
    %get3A_23 = vector.load %arg5[%get3A_21, %get3A_22] : memref<1x128xf32, #tpu.memory_space<vmem>>, vector<1x128xf32>
    %add3A_24 = vector.broadcast %get3A_23 : vector<1x128xf32> to vector<1000x128xf32>
    %add3A_25 = arith.addf %add3A, %add3A_24 : vector<1000x128xf32>
    %swap3A = arith.constant 0 : index
    %swap3A_26 = arith.constant 0 : index
    %swap3A_27 = arith.constant 0 : index
    %swap3A_28 = vector.load %arg6[%swap3A, %swap3A_26, %swap3A_27] : memref<3x1000x128xf32, #tpu.memory_space<vmem>>, vector<1x1000x128xf32>
    %swap3A_29 = vector.shape_cast %swap3A_28 : vector<1x1000x128xf32> to vector<1000x128xf32>
    %swap3A_30 = vector.shape_cast %add3A_25 : vector<1000x128xf32> to vector<1x1000x128xf32>
    tpu.vector_store %arg6[%swap3A, %swap3A_26, %swap3A_27], %swap3A_30 {strides = array<i32>} : memref<3x1000x128xf32, #tpu.memory_space<vmem>>, vector<1x1000x128xf32>,
    %mul3A = arith.constant 5.000000e-01 : f32
    %mul3A_31 = vector.broadcast %mul3A : f32 to vector<1000x128xf32>
    %mul3A_32 = arith.mulf %mul3A_31, %add3A_25 : vector<1000x128xf32>
    %swap3A_33 = arith.constant 1 : index
    %swap3A_34 = arith.constant 0 : index
    %swap3A_35 = arith.constant 0 : index
    %swap3A_36 = vector.load %arg6[%swap3A_33, %swap3A_34, %swap3A_35] : memref<3x1000x128xf32, #tpu.memory_space<vmem>>, vector<1x1000x128xf32>
    %swap3A_37 = vector.shape_cast %swap3A_36 : vector<1x1000x128xf32> to vector<1000x128xf32>
    %swap3A_38 = vector.shape_cast %mul3A_32 : vector<1000x128xf32> to vector<1x1000x128xf32>
    tpu.vector_store %arg6[%swap3A_33, %swap3A_34, %swap3A_35], %swap3A_38 {strides = array<i32>} : memref<3x1000x128xf32, #tpu.memory_space<vmem>>, vector<1x1000x128xf32>,
    %mul3A_39 = arith.constant 0.333333343 : f32
    %mul3A_40 = vector.broadcast %mul3A_39 : f32 to vector<1000x128xf32>
    %mul3A_41 = arith.mulf %mul3A_40, %add3A_25 : vector<1000x128xf32>
    %swap3A_42 = arith.constant 2 : index
    %swap3A_43 = arith.constant 0 : index
    %swap3A_44 = arith.constant 0 : index
    %swap3A_45 = vector.load %arg6[%swap3A_42, %swap3A_43, %swap3A_44] : memref<3x1000x128xf32, #tpu.memory_space<vmem>>, vector<1x1000x128xf32>
    %swap3A_46 = vector.shape_cast %swap3A_45 : vector<1x1000x128xf32> to vector<1000x128xf32>
    %swap3A_47 = vector.shape_cast %mul3A_41 : vector<1000x128xf32> to vector<1x1000x128xf32>
    tpu.vector_store %arg6[%swap3A_42, %swap3A_43, %swap3A_44], %swap3A_47 {strides = array<i32>} : memref<3x1000x128xf32, #tpu.memory_space<vmem>>, vector<1x1000x128xf32>,
    return
  }
  func.func @transform_0(%arg0: i32) -> (i32, i32) {
    %c0_i32 = arith.constant 0 : i32
    %c0_i32_0 = arith.constant 0 : i32
    return %arg0, %c0_i32 : i32, i32
  }
  func.func @transform_1(%arg0: i32) -> (i32, i32) {
    %c0_i32 = arith.constant 0 : i32
    %c0_i32_0 = arith.constant 0 : i32
    return %arg0, %c0_i32 : i32, i32
  }
  func.func @transform_2(%arg0: i32) -> (i32, i32) {
    %c0_i32 = arith.constant 0 : i32
    %c0_i32_0 = arith.constant 0 : i32
    %c0_i32_1 = arith.constant 0 : i32
    return %c0_i32, %c0_i32_0 : i32, i32
  }
  func.func @transform_3(%arg0: i32) -> (i32, i32) {
    %c0_i32 = arith.constant 0 : i32
    %c0_i32_0 = arith.constant 0 : i32
    %c0_i32_1 = arith.constant 0 : i32
    return %c0_i32, %c0_i32_0 : i32, i32
  }
  func.func @transform_4(%arg0: i32) -> (i32, i32) {
    %c0_i32 = arith.constant 0 : i32
    %c0_i32_0 = arith.constant 0 : i32
    %c0_i32_1 = arith.constant 0 : i32
    return %c0_i32, %c0_i32_0 : i32, i32
  }
  func.func @transform_5(%arg0: i32) -> (i32, i32, i32) {
    %c0_i32 = arith.constant 0 : i32
    %c0_i32_0 = arith.constant 0 : i32
    %c0_i32_1 = arith.constant 0 : i32
    return %c0_i32, %arg0, %c0_i32_0 : i32, i32, i32
  }
}

module attributes {stable_mosaic.version = 14 : i64} {
  func.func @_mid_body(%arg0: i32, %arg1: memref<1x1000x128xf32, #tpu.memory_space<vmem>>, %arg2: memref<2x1000x128xf32, #tpu.memory_space<vmem>>, %arg3: memref<2x1000x1xf32, #tpu.memory_space<vmem>>, %arg4: memref<1000x1xi32, #tpu.memory_space<vmem>>, %arg5: memref<128x136xf32, #tpu.memory_space<vmem>>, %arg6: memref<3x8xf32, #tpu.memory_space<vmem>>, %arg7: memref<1x128xf32, #tpu.memory_space<vmem>>, %arg8: memref<3x1000x128xf32, #tpu.memory_space<vmem>>) attributes {dimension_semantics = [#tpu.dimension_semantics<arbitrary>], iteration_bounds = array<i64: 10>, scalar_prefetch = 0 : i64, scratch_operands = 0 : i64, tpu.core_type = #tpu.core_type<tc>, window_params = [{transform_indices = @transform_0, window_bounds = array<i64: 1, 1000, 128>}, {transform_indices = @transform_1, window_bounds = array<i64: 2, 1000, 128>}, {transform_indices = @transform_2, window_bounds = array<i64: 2, 1000, 1>}, {transform_indices = @transform_3, window_bounds = array<i64: 1000, 1>}, {pipeline_mode = #tpu.pipeline_mode<synchronous>, transform_indices = @transform_4, window_bounds = array<i64: 128, 136>}, {pipeline_mode = #tpu.pipeline_mode<synchronous>, transform_indices = @transform_5, window_bounds = array<i64: 3, 8>}, {pipeline_mode = #tpu.pipeline_mode<synchronous>, transform_indices = @transform_6, window_bounds = array<i64: 1, 128>}, {transform_indices = @transform_7, window_bounds = array<i64: 3, 1000, 128>}]} {
    %get3A = arith.constant 0 : index
    %get3A_0 = arith.constant 0 : index
    %get3A_1 = arith.constant 0 : index
    %get3A_2 = vector.load %arg1[%get3A, %get3A_0, %get3A_1] : memref<1x1000x128xf32, #tpu.memory_space<vmem>>, vector<1x1000x128xf32>
    %get3A_3 = vector.shape_cast %get3A_2 : vector<1x1000x128xf32> to vector<1000x128xf32>
    %get3A_4 = arith.constant 0 : index
    %get3A_5 = arith.constant 0 : index
    %get3A_6 = arith.constant 0 : index
    %get3A_7 = vector.load %arg2[%get3A_4, %get3A_5, %get3A_6] : memref<2x1000x128xf32, #tpu.memory_space<vmem>>, vector<1x1000x128xf32>
    %get3A_8 = vector.shape_cast %get3A_7 : vector<1x1000x128xf32> to vector<1000x128xf32>
    %get3A_9 = arith.constant 1 : index
    %get3A_10 = arith.constant 0 : index
    %get3A_11 = arith.constant 0 : index
    %get3A_12 = vector.load %arg2[%get3A_9, %get3A_10, %get3A_11] : memref<2x1000x128xf32, #tpu.memory_space<vmem>>, vector<1x1000x128xf32>
    %get3A_13 = vector.shape_cast %get3A_12 : vector<1x1000x128xf32> to vector<1000x128xf32>
    %add3A = arith.addf %get3A_8, %get3A_13 : vector<1000x128xf32>
    %get3A_14 = arith.constant 0 : index
    %get3A_15 = arith.constant 0 : index
    %get3A_16 = arith.constant 0 : index
    %get3A_17 = vector.load %arg3[%get3A_14, %get3A_15, %get3A_16] : memref<2x1000x1xf32, #tpu.memory_space<vmem>>, vector<1x1000x1xf32>
    %get3A_18 = vector.shape_cast %get3A_17 : vector<1x1000x1xf32> to vector<1000x1xf32>
    %get3A_19 = arith.constant 1 : index
    %get3A_20 = arith.constant 0 : index
    %get3A_21 = arith.constant 0 : index
    %get3A_22 = vector.load %arg3[%get3A_19, %get3A_20, %get3A_21] : memref<2x1000x1xf32, #tpu.memory_space<vmem>>, vector<1x1000x1xf32>
    %get3A_23 = vector.shape_cast %get3A_22 : vector<1x1000x1xf32> to vector<1000x1xf32>
    %add3A_24 = arith.addf %get3A_18, %get3A_23 : vector<1000x1xf32>
    %add3A_25 = arith.constant 9.99999993E-9 : f32
    %add3A_26 = vector.broadcast %add3A_25 : f32 to vector<1000x1xf32>
    %add3A_27 = arith.addf %add3A_24, %add3A_26 : vector<1000x1xf32>
    %div3A = vector.broadcast %add3A_27 : vector<1000x1xf32> to vector<1000x128xf32>
    %div3A_28 = arith.divf %add3A, %div3A : vector<1000x128xf32>
    %add3A_29 = arith.addf %get3A_3, %div3A_28 : vector<1000x128xf32>
    %mul3A = arith.constant 5.000000e-01 : f32
    %mul3A_30 = vector.broadcast %mul3A : f32 to vector<1000x128xf32>
    %mul3A_31 = arith.mulf %mul3A_30, %add3A_29 : vector<1000x128xf32>
    %mul3A_32 = arith.mulf %mul3A_31, %mul3A_31 : vector<1000x128xf32>
    %reduce_sum3A = arith.constant dense<0.000000e+00> : vector<1000xf32>
    %reduce_sum3A_33 = vector.multi_reduction <add>, %mul3A_32, %reduce_sum3A [1] : vector<1000x128xf32> to vector<1000xf32>
    %broadcast_in_dim3A = vector.shape_cast %reduce_sum3A_33 : vector<1000xf32> to vector<1000x1xf32>
    %sqrt3A = math.sqrt %broadcast_in_dim3A : vector<1000x1xf32>
    %add3A_34 = arith.constant 9.99999993E-9 : f32
    %add3A_35 = vector.broadcast %add3A_34 : f32 to vector<1000x1xf32>
    %add3A_36 = arith.addf %sqrt3A, %add3A_35 : vector<1000x1xf32>
    %div3A_37 = vector.broadcast %add3A_36 : vector<1000x1xf32> to vector<1000x128xf32>
    %div3A_38 = arith.divf %mul3A_31, %div3A_37 : vector<1000x128xf32>
    %max3A = arith.constant 0.000000e+00 : f32
    %max3A_39 = vector.broadcast %max3A : f32 to vector<1000x128xf32>
    %max3A_40 = arith.maximumf %div3A_38, %max3A_39 : vector<1000x128xf32>
    %mul3A_41 = arith.mulf %max3A_40, %max3A_40 : vector<1000x128xf32>
    %reduce_sum3A_42 = arith.constant dense<0.000000e+00> : vector<1000xf32>
    %reduce_sum3A_43 = vector.multi_reduction <add>, %mul3A_41, %reduce_sum3A_42 [1] : vector<1000x128xf32> to vector<1000xf32>
    %broadcast_in_dim3A_44 = vector.shape_cast %reduce_sum3A_43 : vector<1000xf32> to vector<1000x1xf32>
    %sqrt3A_45 = math.sqrt %broadcast_in_dim3A_44 : vector<1000x1xf32>
    %add3A_46 = arith.constant 9.99999993E-9 : f32
    %add3A_47 = vector.broadcast %add3A_46 : f32 to vector<1000x1xf32>
    %add3A_48 = arith.addf %sqrt3A_45, %add3A_47 : vector<1000x1xf32>
    %div3A_49 = vector.broadcast %add3A_48 : vector<1000x1xf32> to vector<1000x128xf32>
    %div3A_50 = arith.divf %max3A_40, %div3A_49 : vector<1000x128xf32>
    %get3A_51 = arith.constant 0 : index
    %get3A_52 = arith.constant 0 : index
    %get3A_53 = vector.load %arg5[%get3A_51, %get3A_52] : memref<128x136xf32, #tpu.memory_space<vmem>>, vector<128x136xf32>
    %get3A_54 = arith.constant 0 : index
    %get3A_55 = arith.constant 0 : index
    %get3A_56 = vector.load %arg6[%get3A_54, %get3A_55] : memref<3x8xf32, #tpu.memory_space<vmem>>, vector<3x8xf32>
    %slice3A = vector.extract_strided_slice %get3A_53 {offsets = [0, 128], sizes = [128, 8], strides = [1, 1]} : vector<128x136xf32> to vector<128x8xf32>
    %dot_general3A = arith.constant dense<0.000000e+00> : vector<3x128xf32>
    %dot_general3A_57 = tpu.matmul %get3A_56, %slice3A, %dot_general3A {dimension_numbers = #tpu.dot_dimension_numbers<[1], [1], [0], [0], [0, 0, 1, 0], [], []>, precision = #tpu.contract_precision<fp32>, transpose_lhs_hint = false} : vector<3x8xf32>, vector<128x8xf32>, vector<3x128xf32> -> vector<3x128xf32>
    %jit3A = arith.constant 0 : i32
    %convert_element_type3A = arith.sitofp %jit3A : i32 to f32
    %pad3A = vector.broadcast %convert_element_type3A : f32 to vector<5x128xf32>
    %pad3A_58 = tpu.concatenate %dot_general3A_57, %pad3A in 0 : vector<3x128xf32>, vector<5x128xf32> -> vector<8x128xf32>
    %slice3A_59 = vector.extract_strided_slice %get3A_53 {offsets = [0, 0], sizes = [128, 128], strides = [1, 1]} : vector<128x136xf32> to vector<128x128xf32>
    %dot_general3A_60 = arith.constant dense<0.000000e+00> : vector<1000x128xf32>
    %dot_general3A_61 = tpu.matmul %div3A_50, %slice3A_59, %dot_general3A_60 {dimension_numbers = #tpu.dot_dimension_numbers<[1], [1], [0], [0], [0, 0, 1, 0], [], []>, precision = #tpu.contract_precision<fp32>, transpose_lhs_hint = false} : vector<1000x128xf32>, vector<128x128xf32>, vector<1000x128xf32> -> vector<1000x128xf32>
    %get3A_62 = arith.constant 0 : index
    %get3A_63 = arith.constant 0 : index
    %get3A_64 = vector.load %arg4[%get3A_62, %get3A_63] : memref<1000x1xi32, #tpu.memory_space<vmem>>, vector<1000x1xi32>
    %iota3A = tpu.iota {dimensions = array<i32: 1>} : vector<1000x8xi32>
    %eq3A = vector.broadcast %get3A_64 : vector<1000x1xi32> to vector<1000x8xi32>
    %eq3A_65 = arith.cmpi eq, %eq3A, %iota3A : vector<1000x8xi32>
    %convert_element_type3A_66 = arith.extui %eq3A_65 : vector<1000x8xi1> to vector<1000x8xi32>
    %convert_element_type3A_67 = arith.sitofp %convert_element_type3A_66 : vector<1000x8xi32> to vector<1000x8xf32>
    %dot_general3A_68 = arith.constant dense<0.000000e+00> : vector<1000x128xf32>
    %dot_general3A_69 = tpu.matmul %convert_element_type3A_67, %pad3A_58, %dot_general3A_68 {dimension_numbers = #tpu.dot_dimension_numbers<[1], [0], [0], [1], [0, 0, 1, 1], [], []>, precision = #tpu.contract_precision<fp32>, transpose_lhs_hint = false} : vector<1000x8xf32>, vector<8x128xf32>, vector<1000x128xf32> -> vector<1000x128xf32>
    %add3A_70 = arith.addf %dot_general3A_61, %dot_general3A_69 : vector<1000x128xf32>
    %get3A_71 = arith.constant 0 : index
    %get3A_72 = arith.constant 0 : index
    %get3A_73 = vector.load %arg7[%get3A_71, %get3A_72] : memref<1x128xf32, #tpu.memory_space<vmem>>, vector<1x128xf32>
    %add3A_74 = vector.broadcast %get3A_73 : vector<1x128xf32> to vector<1000x128xf32>
    %add3A_75 = arith.addf %add3A_70, %add3A_74 : vector<1000x128xf32>
    %swap3A = arith.constant 0 : index
    %swap3A_76 = arith.constant 0 : index
    %swap3A_77 = arith.constant 0 : index
    %swap3A_78 = vector.load %arg8[%swap3A, %swap3A_76, %swap3A_77] : memref<3x1000x128xf32, #tpu.memory_space<vmem>>, vector<1x1000x128xf32>
    %swap3A_79 = vector.shape_cast %swap3A_78 : vector<1x1000x128xf32> to vector<1000x128xf32>
    %swap3A_80 = vector.shape_cast %add3A_75 : vector<1000x128xf32> to vector<1x1000x128xf32>
    tpu.vector_store %arg8[%swap3A, %swap3A_76, %swap3A_77], %swap3A_80 {strides = array<i32>} : memref<3x1000x128xf32, #tpu.memory_space<vmem>>, vector<1x1000x128xf32>,
    %mul3A_81 = arith.constant 5.000000e-01 : f32
    %mul3A_82 = vector.broadcast %mul3A_81 : f32 to vector<1000x128xf32>
    %mul3A_83 = arith.mulf %mul3A_82, %add3A_75 : vector<1000x128xf32>
    %swap3A_84 = arith.constant 1 : index
    %swap3A_85 = arith.constant 0 : index
    %swap3A_86 = arith.constant 0 : index
    %swap3A_87 = vector.load %arg8[%swap3A_84, %swap3A_85, %swap3A_86] : memref<3x1000x128xf32, #tpu.memory_space<vmem>>, vector<1x1000x128xf32>
    %swap3A_88 = vector.shape_cast %swap3A_87 : vector<1x1000x128xf32> to vector<1000x128xf32>
    %swap3A_89 = vector.shape_cast %mul3A_83 : vector<1000x128xf32> to vector<1x1000x128xf32>
    tpu.vector_store %arg8[%swap3A_84, %swap3A_85, %swap3A_86], %swap3A_89 {strides = array<i32>} : memref<3x1000x128xf32, #tpu.memory_space<vmem>>, vector<1x1000x128xf32>,
    %mul3A_90 = arith.constant 0.333333343 : f32
    %mul3A_91 = vector.broadcast %mul3A_90 : f32 to vector<1000x128xf32>
    %mul3A_92 = arith.mulf %mul3A_91, %add3A_75 : vector<1000x128xf32>
    %swap3A_93 = arith.constant 2 : index
    %swap3A_94 = arith.constant 0 : index
    %swap3A_95 = arith.constant 0 : index
    %swap3A_96 = vector.load %arg8[%swap3A_93, %swap3A_94, %swap3A_95] : memref<3x1000x128xf32, #tpu.memory_space<vmem>>, vector<1x1000x128xf32>
    %swap3A_97 = vector.shape_cast %swap3A_96 : vector<1x1000x128xf32> to vector<1000x128xf32>
    %swap3A_98 = vector.shape_cast %mul3A_92 : vector<1000x128xf32> to vector<1x1000x128xf32>
    tpu.vector_store %arg8[%swap3A_93, %swap3A_94, %swap3A_95], %swap3A_98 {strides = array<i32>} : memref<3x1000x128xf32, #tpu.memory_space<vmem>>, vector<1x1000x128xf32>,
    return
  }
  func.func @transform_0(%arg0: i32) -> (i32, i32, i32) {
    %c0_i32 = arith.constant 0 : i32
    %c0_i32_0 = arith.constant 0 : i32
    %c0_i32_1 = arith.constant 0 : i32
    return %c0_i32, %arg0, %c0_i32_0 : i32, i32, i32
  }
  func.func @transform_1(%arg0: i32) -> (i32, i32, i32) {
    %c0_i32 = arith.constant 0 : i32
    %c0_i32_0 = arith.constant 0 : i32
    %c0_i32_1 = arith.constant 0 : i32
    return %c0_i32, %arg0, %c0_i32_0 : i32, i32, i32
  }
  func.func @transform_2(%arg0: i32) -> (i32, i32, i32) {
    %c0_i32 = arith.constant 0 : i32
    %c0_i32_0 = arith.constant 0 : i32
    %c0_i32_1 = arith.constant 0 : i32
    return %c0_i32, %arg0, %c0_i32_0 : i32, i32, i32
  }
  func.func @transform_3(%arg0: i32) -> (i32, i32) {
    %c0_i32 = arith.constant 0 : i32
    %c0_i32_0 = arith.constant 0 : i32
    return %arg0, %c0_i32 : i32, i32
  }
  func.func @transform_4(%arg0: i32) -> (i32, i32) {
    %c0_i32 = arith.constant 0 : i32
    %c0_i32_0 = arith.constant 0 : i32
    %c0_i32_1 = arith.constant 0 : i32
    return %c0_i32, %c0_i32_0 : i32, i32
  }
  func.func @transform_5(%arg0: i32) -> (i32, i32) {
    %c0_i32 = arith.constant 0 : i32
    %c0_i32_0 = arith.constant 0 : i32
    %c0_i32_1 = arith.constant 0 : i32
    return %c0_i32, %c0_i32_0 : i32, i32
  }
  func.func @transform_6(%arg0: i32) -> (i32, i32) {
    %c0_i32 = arith.constant 0 : i32
    %c0_i32_0 = arith.constant 0 : i32
    %c0_i32_1 = arith.constant 0 : i32
    return %c0_i32, %c0_i32_0 : i32, i32
  }
  func.func @transform_7(%arg0: i32) -> (i32, i32, i32) {
    %c0_i32 = arith.constant 0 : i32
    %c0_i32_0 = arith.constant 0 : i32
    %c0_i32_1 = arith.constant 0 : i32
    return %c0_i32, %arg0, %c0_i32_0 : i32, i32, i32
  }
}

module attributes {stable_mosaic.version = 14 : i64} {
  func.func @_final_body(%arg0: i32, %arg1: memref<1x1000x128xf32, #tpu.memory_space<vmem>>, %arg2: memref<2x1000x128xf32, #tpu.memory_space<vmem>>, %arg3: memref<2x1000x1xf32, #tpu.memory_space<vmem>>, %arg4: memref<1000x127xf32, #tpu.memory_space<vmem>>) attributes {dimension_semantics = [#tpu.dimension_semantics<arbitrary>], iteration_bounds = array<i64: 10>, scalar_prefetch = 0 : i64, scratch_operands = 0 : i64, tpu.core_type = #tpu.core_type<tc>, window_params = [{transform_indices = @transform_0, window_bounds = array<i64: 1, 1000, 128>}, {transform_indices = @transform_1, window_bounds = array<i64: 2, 1000, 128>}, {transform_indices = @transform_2, window_bounds = array<i64: 2, 1000, 1>}, {transform_indices = @transform_3, window_bounds = array<i64: 1000, 127>}]} {
    %get3A = arith.constant 0 : index
    %get3A_0 = arith.constant 0 : index
    %get3A_1 = arith.constant 0 : index
    %get3A_2 = vector.load %arg1[%get3A, %get3A_0, %get3A_1] : memref<1x1000x128xf32, #tpu.memory_space<vmem>>, vector<1x1000x128xf32>
    %get3A_3 = vector.shape_cast %get3A_2 : vector<1x1000x128xf32> to vector<1000x128xf32>
    %get3A_4 = arith.constant 0 : index
    %get3A_5 = arith.constant 0 : index
    %get3A_6 = arith.constant 0 : index
    %get3A_7 = vector.load %arg2[%get3A_4, %get3A_5, %get3A_6] : memref<2x1000x128xf32, #tpu.memory_space<vmem>>, vector<1x1000x128xf32>
    %get3A_8 = vector.shape_cast %get3A_7 : vector<1x1000x128xf32> to vector<1000x128xf32>
    %get3A_9 = arith.constant 1 : index
    %get3A_10 = arith.constant 0 : index
    %get3A_11 = arith.constant 0 : index
    %get3A_12 = vector.load %arg2[%get3A_9, %get3A_10, %get3A_11] : memref<2x1000x128xf32, #tpu.memory_space<vmem>>, vector<1x1000x128xf32>
    %get3A_13 = vector.shape_cast %get3A_12 : vector<1x1000x128xf32> to vector<1000x128xf32>
    %add3A = arith.addf %get3A_8, %get3A_13 : vector<1000x128xf32>
    %get3A_14 = arith.constant 0 : index
    %get3A_15 = arith.constant 0 : index
    %get3A_16 = arith.constant 0 : index
    %get3A_17 = vector.load %arg3[%get3A_14, %get3A_15, %get3A_16] : memref<2x1000x1xf32, #tpu.memory_space<vmem>>, vector<1x1000x1xf32>
    %get3A_18 = vector.shape_cast %get3A_17 : vector<1x1000x1xf32> to vector<1000x1xf32>
    %get3A_19 = arith.constant 1 : index
    %get3A_20 = arith.constant 0 : index
    %get3A_21 = arith.constant 0 : index
    %get3A_22 = vector.load %arg3[%get3A_19, %get3A_20, %get3A_21] : memref<2x1000x1xf32, #tpu.memory_space<vmem>>, vector<1x1000x1xf32>
    %get3A_23 = vector.shape_cast %get3A_22 : vector<1x1000x1xf32> to vector<1000x1xf32>
    %add3A_24 = arith.addf %get3A_18, %get3A_23 : vector<1000x1xf32>
    %add3A_25 = arith.constant 9.99999993E-9 : f32
    %add3A_26 = vector.broadcast %add3A_25 : f32 to vector<1000x1xf32>
    %add3A_27 = arith.addf %add3A_24, %add3A_26 : vector<1000x1xf32>
    %div3A = vector.broadcast %add3A_27 : vector<1000x1xf32> to vector<1000x128xf32>
    %div3A_28 = arith.divf %add3A, %div3A : vector<1000x128xf32>
    %add3A_29 = arith.addf %get3A_3, %div3A_28 : vector<1000x128xf32>
    %mul3A = arith.constant 5.000000e-01 : f32
    %mul3A_30 = vector.broadcast %mul3A : f32 to vector<1000x128xf32>
    %mul3A_31 = arith.mulf %mul3A_30, %add3A_29 : vector<1000x128xf32>
    %mul3A_32 = arith.mulf %mul3A_31, %mul3A_31 : vector<1000x128xf32>
    %reduce_sum3A = arith.constant dense<0.000000e+00> : vector<1000xf32>
    %reduce_sum3A_33 = vector.multi_reduction <add>, %mul3A_32, %reduce_sum3A [1] : vector<1000x128xf32> to vector<1000xf32>
    %broadcast_in_dim3A = vector.shape_cast %reduce_sum3A_33 : vector<1000xf32> to vector<1000x1xf32>
    %sqrt3A = math.sqrt %broadcast_in_dim3A : vector<1000x1xf32>
    %add3A_34 = arith.constant 9.99999993E-9 : f32
    %add3A_35 = vector.broadcast %add3A_34 : f32 to vector<1000x1xf32>
    %add3A_36 = arith.addf %sqrt3A, %add3A_35 : vector<1000x1xf32>
    %div3A_37 = vector.broadcast %add3A_36 : vector<1000x1xf32> to vector<1000x128xf32>
    %div3A_38 = arith.divf %mul3A_31, %div3A_37 : vector<1000x128xf32>
    %slice3A = vector.extract_strided_slice %div3A_38 {offsets = [0, 0], sizes = [1000, 127], strides = [1, 1]} : vector<1000x128xf32> to vector<1000x127xf32>
    %swap3A = arith.constant 0 : index
    %swap3A_39 = arith.constant 0 : index
    %swap3A_40 = vector.load %arg4[%swap3A, %swap3A_39] : memref<1000x127xf32, #tpu.memory_space<vmem>>, vector<1000x127xf32>
    tpu.vector_store %arg4[%swap3A, %swap3A_39], %slice3A {strides = array<i32>} : memref<1000x127xf32, #tpu.memory_space<vmem>>, vector<1000x127xf32>,
    return
  }
  func.func @transform_0(%arg0: i32) -> (i32, i32, i32) {
    %c0_i32 = arith.constant 0 : i32
    %c0_i32_0 = arith.constant 0 : i32
    %c0_i32_1 = arith.constant 0 : i32
    return %c0_i32, %arg0, %c0_i32_0 : i32, i32, i32
  }
  func.func @transform_1(%arg0: i32) -> (i32, i32, i32) {
    %c0_i32 = arith.constant 0 : i32
    %c0_i32_0 = arith.constant 0 : i32
    %c0_i32_1 = arith.constant 0 : i32
    return %c0_i32, %arg0, %c0_i32_0 : i32, i32, i32
  }
  func.func @transform_2(%arg0: i32) -> (i32, i32, i32) {
    %c0_i32 = arith.constant 0 : i32
    %c0_i32_0 = arith.constant 0 : i32
    %c0_i32_1 = arith.constant 0 : i32
    return %c0_i32, %arg0, %c0_i32_0 : i32, i32, i32
  }
  func.func @transform_3(%arg0: i32) -> (i32, i32) {
    %c0_i32 = arith.constant 0 : i32
    %c0_i32_0 = arith.constant 0 : i32
    return %arg0, %c0_i32 : i32, i32
  }
}

</mosaic_0001>

<sc_bundles>
// kernel: kernel.11.cloned.1.call-start
scs
__scs_entry_jumppad:
0x0: {  	(pc) =	sbr.rel $0x88, $3  }
0x1: {  	(tag) =	ssettag $0x0;
	lr =	simm.s32 $0x1  }
0x2: {  	[smem:$0x3F98] =	sst lr;
	_ =	strace $0xD0000000  }
0x3: {  	_ = 	snop  }
0x4: {  	_ = 	snop  }
0x5: {  	_ = 	snop  }
0x6: {  	_ = 	snop  }
0x7: {  	_ = 	snop  }
__scs_overlays_trampoline_lowered:
0x8: {  	[smem:$0x3FA7] =	sst s0  }
0x9: {  	[smem:$0x3FA8] =	sst s1  }
0xa: {  	[smem:$0x3FA9] =	sst s2  }
0xb: {  	[smem:$0x3FAA] =	sst s3  }
0xc: {  	[smem:$0x3FAB] =	sst s4  }
0xd: {  	[smem:$0x3FAC] =	sst s5  }
0xe: {  	[smem:$0x3FAD] =	sst s6  }
0xf: {  	[smem:$0x3FAE] =	sst s7  }
0x10: {  	[smem:$0x3FAF] =	sst s8  }
0x11: {  	[smem:$0x3FB0] =	sst s9;
	s0 =	simm.s32 @!p0 $0x0  }
0x12: {  	s1 =	sld [smem:$0x3F96];
	s0 =	simm.s32 @p0 $0x1  }
0x13: {  	[smem:$0x3FB1] =	sst s0;
	s0 =	simm.s32 @!p1 $0x0  }
0x14: {  	s2 =	sld [smem:$0x3F95];
	s0 =	simm.s32 @p1 $0x1  }
0x15: {  	[smem:$0x3FB2] =	sst s0;
	s0 =	simm.s32 @!p2 $0x0  }
0x16: {  	s3 =	sld [smem:$0x3FDB];
	s0 =	simm.s32 @p2 $0x1  }
0x17: {  	s4 =	simm.s32 $0x1BF5;
	[smem:$0x3FB4] =	sst s0  }
0x18: {  	s0 =	sld [smem:$0x3F97];
	_ =	swait.ge [sflag:s4], $0x0  }
0x19: {  	s7 =	sld [smem:$0x3F98]  }
0x1a: {  	s8 =	sadd.s32 $0xFFFFE003, lr  }
0x1b: {  	s9 =	sadd.s32 $0xFFFFFEF7, lr;
	s5 =	simm.s32 $0xFFFFFFFF;
	p2 =	slt.u32 s8, $0xFFFFF086  }
0x1c: {  	p1 =	slt.u32 s9, $0xF7A;
	s5 =	simm.s32 @!p2 $0x0  }
0x1d: {  	s5 =	simm.s32 @p1 $0x1;
	p0 =	seq.s32 s7, s2  }
0x1e: {  	s7 =	smul.u32 @!p0 $0xF7A, s2;
	p2 =	seq.s32 @!p0 s5, $0x0  }
0x1f: {  	s9 =	smul.u32 $0xF7A, s1;
	s8 =	simm.s32 @!p0 $0x1BF5;
	p2 =	por !p2, p0  }
0x20: {  	[sflag:s8] =	ssyncset.s32 @!p0 $0xFFFFF086;
	s6 =	sadd.s32 @!p0 s3, s7;
	s7 =	simm.s32 @!p0 $0x108  }
0x21: {  	s3 =	sadd.s32 s3, s9;
	s6 =	sadd.s32 @!p0 $0x88, s6;
	s7 =	simm.s32 @p2 $0x1082  }
0x22: {  	[simem:s7], [sflag:s8] =	dma.local @!p0 [hbm:s6], $0xF7A  }
0x23: {  	s9 =	sor.u32 $0xD0000000, s2;
	s6 =	simm.s32 $0x108;
	_ =	swait.ge @!p0 [sflag:s8], $0x0  }
0x24: {  	s3 =	sadd.s32 $0x88, s3;
	s6 =	simm.s32 @!p1 $0x1082;
	[sflag:s4] =	ssyncset.s32 $0xFFFFF086  }
0x25: {  	[simem:s6], [sflag:s4] =	dma.local [hbm:s3], $0xF7A  }
0x26: {  	[smem:$0x3F98] =	sst s1;
	(tag) =	ssettag s2;
	_ =	strace s9  }
0x27: {  	s1 =	sld [smem:$0x3FA8]  }
0x28: {  	s2 =	sld [smem:$0x3FA9]  }
0x29: {  	s4 =	sld [smem:$0x3FAB]  }
0x2a: {  	p0 =	seq.s32 s5, $0x0;
	s5 =	sld [smem:$0x3FAC]  }
0x2b: {  	s6 =	sld [smem:$0x3FAD]  }
0x2c: {  	s7 =	sld [smem:$0x3FAE]  }
0x2d: {  	s3 =	simm.s32 $0x108;
	s8 =	sld [smem:$0x3FAF]  }
0x2e: {  	s3 =	simm.s32 @!p0 $0x1082;
	s9 =	sld [smem:$0x3FB0]  }
0x2f: {  	lr =	sadd.s32 s0, s3;
	s0 =	sld [smem:$0x3FA7]  }
0x30: {  	s3 =	sld [smem:$0x3FAA]  }
0x31: {  	[smem:$0x3FB3] =	sst s10  }
0x32: {  	s10 =	sld [smem:$0x3FB1];
	_ =	sdelay $0x3  }
0x33: {  	p0 =	seq.s32 s10, $0x1;
	s10 =	sld [smem:$0x3FB3];
	_ =	sdelay $0x3  }
0x34: {  	[smem:$0x3FB3] =	sst s10  }
0x35: {  	s10 =	sld [smem:$0x3FB2];
	_ =	sdelay $0x3  }
0x36: {  	p1 =	seq.s32 s10, $0x1;
	s10 =	sld [smem:$0x3FB3];
	_ =	sdelay $0x3  }
0x37: {  	[smem:$0x3FB3] =	sst s10  }
0x38: {  	s10 =	sld [smem:$0x3FB4]  }
0x39: {  	_ = 	snop;
	(pc) =	sbr.ind lr, $3  }
0x3a: {  	_ = 	snop  }
0x3b: {  	_ = 	snop  }
0x3c: {  	p2 =	seq.s32 s10, $0x1;
	s10 =	sld [smem:$0x3FB3]  }
0x3d: {  	_ =	shalt  }
0x3e: {  	_ =	shalt  }
0x3f: {  	_ =	shalt  }
0x40: {  	_ =	shalt  }
0x41: {  	_ =	shalt  }
0x42: {  	_ =	shalt  }
0x43: {  	_ =	shalt  }
0x44: {  	_ =	shalt  }
0x45: {  	_ =	shalt  }
0x46: {  	_ =	shalt  }
0x47: {  	_ =	shalt  }
0x48: {  	_ =	shalt  }
0x49: {  	_ =	shalt  }
0x4a: {  	_ =	shalt  }
0x4b: {  	_ =	shalt  }
0x4c: {  	_ =	shalt  }
0x4d: {  	_ =	shalt  }
0x4e: {  	_ =	shalt  }
0x4f: {  	_ =	shalt  }
0x50: {  	_ =	shalt  }
0x51: {  	_ =	shalt  }
0x52: {  	_ =	shalt  }
0x53: {  	_ =	shalt  }
0x54: {  	_ =	shalt  }
0x55: {  	_ =	shalt  }
0x56: {  	_ =	shalt  }
0x57: {  	_ =	shalt  }
0x58: {  	_ =	shalt  }
0x59: {  	_ =	shalt  }
0x5a: {  	_ =	shalt  }
0x5b: {  	_ =	shalt  }
0x5c: {  	_ =	shalt  }
0x5d: {  	_ =	shalt  }
0x5e: {  	_ =	shalt  }
0x5f: {  	_ =	shalt  }
0x60: {  	_ =	shalt  }
0x61: {  	_ =	shalt  }
0x62: {  	_ =	shalt  }
0x63: {  	_ =	shalt  }
0x64: {  	_ =	shalt  }
0x65: {  	_ =	shalt  }
0x66: {  	_ =	shalt  }
0x67: {  	_ =	shalt  }
0x68: {  	_ =	shalt  }
0x69: {  	_ =	shalt  }
0x6a: {  	_ =	shalt  }
0x6b: {  	_ =	shalt  }
0x6c: {  	_ =	shalt  }
0x6d: {  	_ =	shalt  }
0x6e: {  	_ =	shalt  }
0x6f: {  	_ =	shalt  }
0x70: {  	_ =	shalt  }
0x71: {  	_ =	shalt  }
0x72: {  	_ =	shalt  }
0x73: {  	_ =	shalt  }
0x74: {  	_ =	shalt  }
0x75: {  	_ =	shalt  }
0x76: {  	_ =	shalt  }
0x77: {  	_ =	shalt  }
0x78: {  	_ =	shalt  }
0x79: {  	_ =	shalt  }
0x7a: {  	_ =	shalt  }
0x7b: {  	_ =	shalt  }
0x7c: {  	_ =	shalt  }
0x7d: {  	_ =	shalt  }
0x7e: {  	_ =	shalt  }
0x7f: {  	_ =	shalt  }
0x80: {  	_ =	shalt  }
0x81: {  	_ =	shalt  }
0x82: {  	_ =	shalt  }
0x83: {  	_ =	shalt  }
0x84: {  	_ =	shalt  }
0x85: {  	_ =	shalt  }
0x86: {  	_ =	shalt  }
0x87: {  	_ =	shalt  }
.Lfunc_end0:
.L_simem_size_0:
called_computation.1_lowered:
.L_overlay_start_0:
0x88: {  	s2 =	sld [smem:$0x3FD9]  }
0x89: {  	s3 =	sld [smem:$0x3FFE];
	_ =	sdelay $0x1  }
0x8a: {  	s1 =	srdreg.scid  }
0x8b: {  	s0 =	sand.u32 $0x1, s1  }
0x8c: {  	s16 =	sshll.u32 s0, $0xA;
	s2 =	sadd.s32 s3, s2  }
0x8d: {  	s2 =	sadd.s32 s2, s16  }
0x8e: {  	[smem:$0x3FBF] =	sst s2  }
0x8f: {  	_ = 	snop  }
0x90: {  	(tm) =	ssettm $0x1  }
0x91: {  	s17 =	sld [smem:$0x3FFB];
	_ =	sdelay $0x3  }
0x92: {  	_ =	strace s17  }
0x93: {  	s2 =	sld [smem:$0x3FFC];
	_ =	sdelay $0x3  }
0x94: {  	_ =	strace s2  }
0x95: {  	s2 =	sld [smem:$0x3FFD];
	_ =	sdelay $0x3  }
0x96: {  	_ =	strace s2  }
0x97: {  	_ =	strace $0x8FFFFFFF  }
0x98: {  	s18 =	sld [smem:$0x3FDB];
	_ =	sdelay $0x1  }
0x99: {  	s19 =	simm.s32 $_scs_section_size  }
0x9a: {  	s4 =	simm.s32 $_size__tile_overlayer_lowered;
	s5 =	simm.s32 $_tile_overlayer_lowered  }
0x9b: {  	s22 =	simm.s32 $0x1BFF;
	s21 =	sshll.u32 s5, $0x1;
	s2 =	sadd.s32 s19, s18  }
0x9c: {  	s6 =	simm.s32 $0x0;
	s20 =	sshll.u32 s4, $0x1;
	s4 =	sadd.s32 s21, s2  }
0x9d: {  	[timem:s6], [sflag:s22] =	dma.local [hbm:s4], s20  }
0x9e: {  	_ =	swait.ge [sflag:s22], s20  }
0x9f: {  	s3 =	ssub.s32 $0x0, s20;
	[sflag:s22] =	ssyncset.done $0x0  }
0xa0: {  	[sflag:s22] =	ssyncadd.s32 s3;
	_ =	sdelay $0x1  }
0xa1: {  	s23 =	simm.s32 $0x1B8B  }
0xa2: {  	_ =	swait.ge [sflag:s23], $0x1  }
0xa3: {  	[sflag:s23] =	ssyncset.done $0x0  }
0xa4: {  	s25 =	simm.s32 $0x1B8E;
	s24 =	sld [smem:$0x3FFE];
	[sflag:s23] =	ssyncadd.s32 $0xFFFFFFFF  }
0xa5: {  	s26 =	simm.s32 $execute0_lowered;
	[smem:$0x3FD2] =	sst s25  }
0xa6: {  	s4 =	sshll.u32 s26, $0x1;
	_ =	strace $0x80000049;
	[dreg:$0x1] =	wrdreg $0xFFFFFFFF  }
0xa7: {  	s28 =	simm.s32 $_size_execute0_lowered;
	s2 =	sadd.s32 s2, s4;
	[dreg:$0x0] =	wrdreg $0x0  }
0xa8: {  	s4 =	sshll.u32 s28, $0x1;
	[dreg:$0x2] =	wrdreg s2  }
0xa9: {  	[dreg:$0x3] =	wrdreg s4  }
0xaa: {  	[dreg:$0x4] =	wrdreg $0xC0  }
0xab: {  	_ =	task [dreg:s6], $0x5FFFF  }
0xac: {  	[dreg:$0x1] =	wrdreg $0xFFFFFFFF  }
0xad: {  	[dreg:$0x0] =	wrdreg $0x60  }
0xae: {  	[dreg:$0x2] =	wrdreg s24  }
0xaf: {  	[dreg:$0x3] =	wrdreg $0xA8000  }
0xb0: {  	[dreg:$0x4] =	wrdreg $0x9  }
0xb1: {  	_ =	task.clear_ibuf [dreg:s6], $0x5FFFF;
	_ =	strace $0x90000049  }
0xb2: {  	s29 =	simm.s32 $0x9;
	_ =	strace $0x8000004B  }
0xb3: {  	_ =	swait.ge [sflag:s29], $0x1  }
0xb4: {  	[sflag:s29] =	ssyncadd.s32 $0xFFFFFFFF  }
0xb5: {  	_ =	strace $0x9000004B  }
0xb6: {  	_ =	sfence  }
0xb7: {  	s30 =	sld [smem:$0x0];
	_ =	sdelay $0x2  }
0xb8: {  	s31 =	sshll.u32 s1, $0xD;
	s1 =	sshrl.u32 s1, $0x2  }
0xb9: {  	s3 =	sand.u32 $0x4000, s31;
	s1 =	sadd.s32 s1, s30  }
0xba: {  	s0 =	sor.u32 s3, s0;
	s1 =	sshll.u32 s1, $0x11  }
0xbb: {  	s0 =	sor.u32 s1, s0  }
0xbc: {  	s0 =	sadd.s32 $0x8F2B, s0  }
0xbd: {  	[sflag:s0] =	ssyncadd.remote.s32 $0x1  }
0xbe: {  	_ =	sfence.sel $0xFFFF  }
0xbf: {  	[dreg:$0x0] =	wrdreg $0xFFFFFFFF;
	(pc) =	sbr.abs _section_cstart, $3  }
0xc0: {  	[dreg:$0x1] =	wrdreg $0xFFFFFFFF  }
0xc1: {  	_ =	task.clear_ibuf [dreg:s6], $0x2FFFF;
	_ =	strace $0x9FFFFFFF  }
0xc2: {  	(tm) =	ssettm $0x7FFFFFFF  }
0xc3: {  	_ =	shalt  }
tec
execute0_lowered:
.L_overlay_start_1:
0x0: {  	(tag) =	ssettag $0x1  }
0x1: {  	s5 =	rddreg [dreg:$0x0];
	s0 =	srdreg.scid  }
0x2: {  	s2 =	rddreg [dreg:$0x1];
	s1 =	stileid.u32;
	s3 =	simm.s32 $0x0  }
0x3: {  	s17 =	simm.s32 $0x3;
	s18 =	simm.s32 $0x1400;
	s19 =	simm.s32 $0x80  }
0x4: {  	s20 =	simm.s32 $0x6800;
	s21 =	simm.s32 $0x1;
	s22 =	simm.s32 $0x2  }
0x5: {  	s23 =	simm.s32 $0x1380;
	s24 =	simm.s32 $0x2700;
	s25 =	simm.s32 $0x2780  }
0x6: {  	s26 =	simm.s32 $0x0;
	s6 =	sand.u32 $0x1, s0;
	s7 =	smul.u32 $0x14000, s1  }
0x7: {  	[smem:$0x7FF] =	sst s3;
	s8 =	smul.u32 $0x50000, s1;
	s14 =	sadd.s32 $0x4200, s5  }
0x8: {  	s15 =	sadd.s32 $0xE200, s5;
	s31 =	sshll.u32 s1, $0x1;
	s4 =	smul.u32 $0x140000, s6  }
0x9: {  	_ =	strace $0x8000004A;
	s30 =	ssub.s32 $0x2, s6;
	s11 =	sor.u32 s6, s31  }
0xa: {  	s8 =	sshrl.u32 s8, $0x2;
	s9 =	sshrl.u32 s30, $0x1;
	s13 =	smul.u32 $0x500, s11  }
0xb: {  	s7 =	sadd.s32 s7, s4;
	s4 =	sadd.s32 $0x18200, s5;
	s12 =	ssub.s32 s30, s9  }
0xc: {  	s7 =	sshrl.u32 s7, $0x3;
	s11 =	smax.u32 s12, $0x1;
	s16 =	sadd.s32 $0x280, s13  }
0xd: {  	s12 =	sadd.s32 s14, s13;
	s13 =	sadd.s32 s15, s13;
	s10 =	sadd.s32 s7, s5  }
0xe: {  	s5 =	sadd.s32 s8, s2;
	s14 =	sadd.s32 s14, s16;
	s15 =	sadd.s32 s15, s16  }
0xf: {  	s16 =	simm.s32 $0x2800;
	s6 =	sadd.s32 $0x4000, s5;
	s7 =	sadd.s32 $0x8000, s5  }
0x10: {  	v0 =	vimm.f32 $0.0e+00;
	s8 =	sadd.s32 $0xC000, s5;
	s9 =	sadd.s32 $0x10000, s5;
	s10 =	sadd.s32 $0x8D600, s10  }
.LBB2_1:
0x11: {  	s28 =	simm.s32 $0x0;
	s29 =	simm.s32 $0x200  }
.LBB2_2:
0x12: {  	p0 =	sne.s32 s29, $0xFE00;
	[tilespmem:s28+$0x2870] =	vst v0  }
0x13: {  	[tilespmem:s28+$0x2800] =	vst v0  }
0x14: {  	[tilespmem:s28+$0x2810] =	vst v0  }
.Ltmp0:
0x15: {  	[tilespmem:s28+$0x2820] =	vst v0;
	(pc) =	sbr.rel @p0 .LBB2_2-.Ltmp0, $4  }
0x16: {  	[tilespmem:s28+$0x2830] =	vst v0  }
0x17: {  	[tilespmem:s28+$0x2840] =	vst v0  }
0x18: {  	[tilespmem:s28+$0x2850] =	vst v0  }
0x19: {  	[tilespmem:s28+$0x2860] =	vst v0;
	s28 =	sshra.s32 s29, $0x2;
	s29 =	sadd.s32 $0x200, s29  }
0x1a: {  	[tilespmem:s28+$0x2870] =	vst v0  }
0x1b: {  	[tilespmem:s28+$0x2800] =	vst v0  }
0x1c: {  	[tilespmem:s28+$0x2810] =	vst v0  }
0x1d: {  	[tilespmem:s28+$0x2820] =	vst v0  }
0x1e: {  	[tilespmem:s28+$0x2830] =	vst v0  }
0x1f: {  	[tilespmem:s28+$0x2840] =	vst v0  }
0x20: {  	[tilespmem:s28+$0x2850] =	vst v0  }
0x21: {  	[tilespmem:s28+$0x2860] =	vst v0  }
0x22: {  	[spmem:s5] =	stream.linear.scatter [tilespmem:s16], [sflag:$0x3], $0x4000, $0x38;
	[tilespmem:$0x1E800] =	vst v63  }
0x23: {  	_ =	swait.ge [sflag:s17], $0x4000  }
0x24: {  	[sflag:s17] =	ssyncset.done $0x0  }
0x25: {  	[sflag:s17] =	ssyncadd.s32 $0xFFFFC000  }
0x26: {  	[spmem:s6] =	stream.linear.scatter [tilespmem:s16], [sflag:$0x3], $0x4000, $0x38;
	[tilespmem:$0x1E800] =	vst v63  }
0x27: {  	_ =	swait.ge [sflag:s17], $0x4000  }
0x28: {  	[sflag:s17] =	ssyncset.done $0x0  }
0x29: {  	[sflag:s17] =	ssyncadd.s32 $0xFFFFC000  }
0x2a: {  	[spmem:s7] =	stream.linear.scatter [tilespmem:s16], [sflag:$0x3], $0x4000, $0x38;
	[tilespmem:$0x1E800] =	vst v63  }
0x2b: {  	_ =	swait.ge [sflag:s17], $0x4000  }
0x2c: {  	[sflag:s17] =	ssyncset.done $0x0  }
0x2d: {  	[sflag:s17] =	ssyncadd.s32 $0xFFFFC000  }
0x2e: {  	[spmem:s8] =	stream.linear.scatter [tilespmem:s16], [sflag:$0x3], $0x4000, $0x38;
	[tilespmem:$0x1E800] =	vst v63  }
0x2f: {  	_ =	swait.ge [sflag:s17], $0x4000  }
0x30: {  	[sflag:s17] =	ssyncset.done $0x0  }
0x31: {  	[sflag:s17] =	ssyncadd.s32 $0xFFFFC000  }
0x32: {  	[spmem:s9] =	stream.linear.scatter [tilespmem:s16], [sflag:$0x3], $0x4000, $0x38;
	[tilespmem:$0x1E800] =	vst v63  }
0x33: {  	_ =	swait.ge [sflag:s17], $0x4000  }
0x34: {  	[sflag:s17] =	ssyncset.done $0x0  }
0x35: {  	[sflag:s17] =	ssyncadd.s32 $0xFFFFC000  }
0x36: {  	[bflag:$0x0] =	sbarrier.arrive $0xFFFF  }
0x37: {  	[tilespmem:s3], [sflag:$0x3] =	stream.linear.gather [hbm4b:s12+s3], $0x1400, $0x38;
	[tilespmem:$0x1E800] =	vst v63  }
0x38: {  	_ =	swait.ge [sflag:s17], $0x1400  }
0x39: {  	[sflag:s17] =	ssyncset.done $0x0  }
0x3a: {  	[sflag:s17] =	ssyncadd.s32 $0xFFFFEC00  }
0x3b: {  	[tilespmem:s18], [sflag:$0x3] =	stream.linear.gather [hbm4b:s13+s3], $0x1400, $0x38;
	[tilespmem:$0x1E800] =	vst v63  }
0x3c: {  	_ =	swait.ge [sflag:s17], $0x1400  }
0x3d: {  	[sflag:s17] =	ssyncset.done $0x0  }
0x3e: {  	[sflag:s17] =	ssyncadd.s32 $0xFFFFEC00  }
0x3f: {  	[tilespmem:s16], [sflag:$0x1] =	stream.indirect.gather [hbm4b:s4+s19], $0x80, s3, s19, $0xb8;
	[tilespmem:$0x1E800] =	vst v63  }
0x40: {  	s28 =	simm.s32 $0x80  }
0x41: {  	[tilespmem:s20], [sflag:$0x2] =	stream.indirect.gather [hbm4b:s4+s19], $0x80, s28, s19, $0xb8;
	[tilespmem:$0x1E800] =	vst v63  }
0x42: {  	_ =	swait.ge [sflag:s21], $0x4000  }
0x43: {  	[sflag:s21] =	ssyncset.done $0x0  }
0x44: {  	s28 =	simm.s32 $0x1400;
	[sflag:s21] =	ssyncadd.s32 $0xFFFFC000  }
0x45: {  	[spmem:s2] =	stream.indirect.scatter.add.f32 [tilespmem:s16], [sflag:$0x3], $0x80, s28, s19, $0xb8;
	[tilespmem:$0x1E800] =	vst v63  }
0x46: {  	_ =	swait.ge [sflag:s17], $0x4000  }
0x47: {  	[sflag:s17] =	ssyncset.done $0x0  }
0x48: {  	s28 =	simm.s32 $0x100;
	[sflag:s17] =	ssyncadd.s32 $0xFFFFC000  }
0x49: {  	[tilespmem:s16], [sflag:$0x1] =	stream.indirect.gather [hbm4b:s4+s19], $0x80, s28, s19, $0xb8;
	[tilespmem:$0x1E800] =	vst v63  }
0x4a: {  	_ =	swait.ge [sflag:s22], $0x4000  }
0x4b: {  	[sflag:s22] =	ssyncset.done $0x0  }
0x4c: {  	s28 =	simm.s32 $0x1480;
	[sflag:s22] =	ssyncadd.s32 $0xFFFFC000  }
0x4d: {  	[spmem:s2] =	stream.indirect.scatter.add.f32 [tilespmem:s20], [sflag:$0x3], $0x80, s28, s19, $0xb8;
	[tilespmem:$0x1E800] =	vst v63  }
0x4e: {  	_ =	swait.ge [sflag:s17], $0x4000  }
0x4f: {  	s29 =	simm.s32 $0xC00;
	s28 =	simm.s32 $0x200;
	[sflag:s17] =	ssyncset.done $0x0  }
.LBB2_4:
0x50: {  	s30 =	sadd.s32 $0xFFFFFF80, s28  }
0x51: {  	[sflag:s17] =	ssyncadd.s32 $0xFFFFC000;
	s31 =	smov.u32 s29;
	s0 =	sadd.s32 $0x400, s29  }
0x52: {  	[tilespmem:s20], [sflag:$0x2] =	stream.indirect.gather [hbm4b:s4+s19], $0x80, s30, s19, $0xb8;
	[tilespmem:$0x1E800] =	vst v63  }
0x53: {  	p0 =	sne.s32 s29, $0x4C00;
	_ =	swait.ge [sflag:s21], $0x4000  }
0x54: {  	[sflag:s21] =	ssyncset.done $0x0  }
0x55: {  	s29 =	sadd.s32 $0x1300, s28;
	[sflag:s21] =	ssyncadd.s32 $0xFFFFC000  }
0x56: {  	[spmem:s2] =	stream.indirect.scatter.add.f32 [tilespmem:s16], [sflag:$0x3], $0x80, s29, s19, $0xb8;
	[tilespmem:$0x1E800] =	vst v63  }
0x57: {  	_ =	swait.ge [sflag:s17], $0x4000  }
0x58: {  	[sflag:s17] =	ssyncset.done $0x0  }
0x59: {  	[sflag:s17] =	ssyncadd.s32 $0xFFFFC000  }
0x5a: {  	[tilespmem:s16], [sflag:$0x1] =	stream.indirect.gather [hbm4b:s4+s19], $0x80, s28, s19, $0xb8;
	[tilespmem:$0x1E800] =	vst v63  }
0x5b: {  	_ =	swait.ge [sflag:s22], $0x4000  }
.Ltmp1:
0x5c: {  	[sflag:s22] =	ssyncset.done $0x0;
	(pc) =	sbr.rel @p0 .LBB2_4-.Ltmp1, $4  }
0x5d: {  	s28 =	sadd.s32 $0x1380, s28;
	[sflag:s22] =	ssyncadd.s32 $0xFFFFC000  }
0x5e: {  	[spmem:s2] =	stream.indirect.scatter.add.f32 [tilespmem:s20], [sflag:$0x3], $0x80, s28, s19, $0xb8;
	[tilespmem:$0x1E800] =	vst v63  }
0x5f: {  	_ =	swait.ge [sflag:s17], $0x4000  }
0x60: {  	s29 =	smov.u32 s0;
	s28 =	sshra.s32 s31, $0x2;
	[sflag:s17] =	ssyncset.done $0x0  }
0x61: {  	s0 =	sadd.s32 $0xFFFFFF80, s28;
	[sflag:s17] =	ssyncadd.s32 $0xFFFFC000  }
0x62: {  	[tilespmem:s20], [sflag:$0x2] =	stream.indirect.gather [hbm4b:s4+s19], $0x80, s0, s19, $0xb8;
	[tilespmem:$0x1E800] =	vst v63  }
0x63: {  	_ =	swait.ge [sflag:s21], $0x4000  }
0x64: {  	[sflag:s21] =	ssyncset.done $0x0  }
0x65: {  	s30 =	sadd.s32 $0x1300, s28;
	[sflag:s21] =	ssyncadd.s32 $0xFFFFC000  }
0x66: {  	[spmem:s2] =	stream.indirect.scatter.add.f32 [tilespmem:s16], [sflag:$0x3], $0x80, s30, s19, $0xb8;
	[tilespmem:$0x1E800] =	vst v63  }
0x67: {  	_ =	swait.ge [sflag:s17], $0x4000  }
0x68: {  	[sflag:s17] =	ssyncset.done $0x0  }
0x69: {  	[sflag:s17] =	ssyncadd.s32 $0xFFFFC000  }
0x6a: {  	[tilespmem:s16], [sflag:$0x1] =	stream.indirect.gather [hbm4b:s4+s19], $0x80, s28, s19, $0xb8;
	[tilespmem:$0x1E800] =	vst v63  }
0x6b: {  	_ =	swait.ge [sflag:s22], $0x4000  }
0x6c: {  	[sflag:s22] =	ssyncset.done $0x0  }
0x6d: {  	s31 =	sadd.s32 $0x1380, s28;
	[sflag:s22] =	ssyncadd.s32 $0xFFFFC000  }
0x6e: {  	[spmem:s2] =	stream.indirect.scatter.add.f32 [tilespmem:s20], [sflag:$0x3], $0x80, s31, s19, $0xb8;
	[tilespmem:$0x1E800] =	vst v63  }
0x6f: {  	_ =	swait.ge [sflag:s17], $0x4000  }
0x70: {  	[sflag:s17] =	ssyncset.done $0x0  }
0x71: {  	[sflag:s17] =	ssyncadd.s32 $0xFFFFC000  }
0x72: {  	[tilespmem:s20], [sflag:$0x2] =	stream.indirect.gather [hbm4b:s4+s19], $0x80, s23, s19, $0xb8;
	[tilespmem:$0x1E800] =	vst v63  }
0x73: {  	_ =	swait.ge [sflag:s21], $0x4000  }
0x74: {  	[sflag:s21] =	ssyncset.done $0x0  }
0x75: {  	[sflag:s21] =	ssyncadd.s32 $0xFFFFC000  }
0x76: {  	[spmem:s2] =	stream.indirect.scatter.add.f32 [tilespmem:s16], [sflag:$0x3], $0x80, s24, s19, $0xb8;
	[tilespmem:$0x1E800] =	vst v63  }
0x77: {  	_ =	swait.ge [sflag:s17], $0x4000  }
0x78: {  	[sflag:s17] =	ssyncset.done $0x0  }
0x79: {  	[sflag:s17] =	ssyncadd.s32 $0xFFFFC000  }
0x7a: {  	_ =	swait.ge [sflag:s22], $0x4000  }
0x7b: {  	[sflag:s22] =	ssyncset.done $0x0  }
0x7c: {  	[sflag:s22] =	ssyncadd.s32 $0xFFFFC000  }
0x7d: {  	[spmem:s2] =	stream.indirect.scatter.add.f32 [tilespmem:s20], [sflag:$0x3], $0x80, s25, s19, $0xb8;
	[tilespmem:$0x1E800] =	vst v63  }
0x7e: {  	_ =	swait.ge [sflag:s17], $0x4000  }
0x7f: {  	[sflag:s17] =	ssyncset.done $0x0  }
0x80: {  	[sflag:s17] =	ssyncadd.s32 $0xFFFFC000  }
0x81: {  	[tilespmem:s3], [sflag:$0x3] =	stream.linear.gather [hbm4b:s14+s3], $0x1400, $0x38;
	[tilespmem:$0x1E800] =	vst v63  }
0x82: {  	_ =	swait.ge [sflag:s17], $0x1400  }
0x83: {  	[sflag:s17] =	ssyncset.done $0x0  }
0x84: {  	[sflag:s17] =	ssyncadd.s32 $0xFFFFEC00  }
0x85: {  	[tilespmem:s18], [sflag:$0x3] =	stream.linear.gather [hbm4b:s15+s3], $0x1400, $0x38;
	[tilespmem:$0x1E800] =	vst v63  }
0x86: {  	_ =	swait.ge [sflag:s17], $0x1400  }
0x87: {  	[sflag:s17] =	ssyncset.done $0x0  }
0x88: {  	[sflag:s17] =	ssyncadd.s32 $0xFFFFEC00  }
0x89: {  	[tilespmem:s16], [sflag:$0x1] =	stream.indirect.gather [hbm4b:s4+s19], $0x80, s3, s19, $0xb8;
	[tilespmem:$0x1E800] =	vst v63  }
0x8a: {  	s30 =	simm.s32 $0x80  }
0x8b: {  	[tilespmem:s20], [sflag:$0x2] =	stream.indirect.gather [hbm4b:s4+s19], $0x80, s30, s19, $0xb8;
	[tilespmem:$0x1E800] =	vst v63  }
0x8c: {  	_ =	swait.ge [sflag:s21], $0x4000  }
0x8d: {  	[sflag:s21] =	ssyncset.done $0x0  }
0x8e: {  	s31 =	simm.s32 $0x1400;
	[sflag:s21] =	ssyncadd.s32 $0xFFFFC000  }
0x8f: {  	[spmem:s2] =	stream.indirect.scatter.add.f32 [tilespmem:s16], [sflag:$0x3], $0x80, s31, s19, $0xb8;
	[tilespmem:$0x1E800] =	vst v63  }
0x90: {  	_ =	swait.ge [sflag:s17], $0x4000  }
0x91: {  	[sflag:s17] =	ssyncset.done $0x0  }
0x92: {  	s30 =	simm.s32 $0x100;
	[sflag:s17] =	ssyncadd.s32 $0xFFFFC000  }
0x93: {  	[tilespmem:s16], [sflag:$0x1] =	stream.indirect.gather [hbm4b:s4+s19], $0x80, s30, s19, $0xb8;
	[tilespmem:$0x1E800] =	vst v63  }
0x94: {  	_ =	swait.ge [sflag:s22], $0x4000  }
0x95: {  	[sflag:s22] =	ssyncset.done $0x0  }
0x96: {  	s31 =	simm.s32 $0x1480;
	[sflag:s22] =	ssyncadd.s32 $0xFFFFC000  }
0x97: {  	[spmem:s2] =	stream.indirect.scatter.add.f32 [tilespmem:s20], [sflag:$0x3], $0x80, s31, s19, $0xb8;
	[tilespmem:$0x1E800] =	vst v63  }
0x98: {  	_ =	swait.ge [sflag:s17], $0x4000  }
0x99: {  	s29 =	simm.s32 $0xC00;
	s28 =	simm.s32 $0x200;
	[sflag:s17] =	ssyncset.done $0x0  }
.LBB2_6:
0x9a: {  	s0 =	sadd.s32 $0xFFFFFF80, s28  }
0x9b: {  	[sflag:s17] =	ssyncadd.s32 $0xFFFFC000;
	s30 =	smov.u32 s29;
	s31 =	sadd.s32 $0x400, s29  }
0x9c: {  	[tilespmem:s20], [sflag:$0x2] =	stream.indirect.gather [hbm4b:s4+s19], $0x80, s0, s19, $0xb8;
	[tilespmem:$0x1E800] =	vst v63  }
0x9d: {  	p0 =	sne.s32 s29, $0x4C00;
	_ =	swait.ge [sflag:s21], $0x4000  }
0x9e: {  	[sflag:s21] =	ssyncset.done $0x0  }
0x9f: {  	s0 =	sadd.s32 $0x1300, s28;
	[sflag:s21] =	ssyncadd.s32 $0xFFFFC000  }
0xa0: {  	[spmem:s2] =	stream.indirect.scatter.add.f32 [tilespmem:s16], [sflag:$0x3], $0x80, s0, s19, $0xb8;
	[tilespmem:$0x1E800] =	vst v63  }
0xa1: {  	_ =	swait.ge [sflag:s17], $0x4000  }
0xa2: {  	[sflag:s17] =	ssyncset.done $0x0  }
0xa3: {  	[sflag:s17] =	ssyncadd.s32 $0xFFFFC000  }
0xa4: {  	[tilespmem:s16], [sflag:$0x1] =	stream.indirect.gather [hbm4b:s4+s19], $0x80, s28, s19, $0xb8;
	[tilespmem:$0x1E800] =	vst v63  }
0xa5: {  	_ =	swait.ge [sflag:s22], $0x4000  }
.Ltmp2:
0xa6: {  	[sflag:s22] =	ssyncset.done $0x0;
	(pc) =	sbr.rel @p0 .LBB2_6-.Ltmp2, $4  }
0xa7: {  	s0 =	sadd.s32 $0x1380, s28;
	[sflag:s22] =	ssyncadd.s32 $0xFFFFC000  }
0xa8: {  	[spmem:s2] =	stream.indirect.scatter.add.f32 [tilespmem:s20], [sflag:$0x3], $0x80, s0, s19, $0xb8;
	[tilespmem:$0x1E800] =	vst v63  }
0xa9: {  	_ =	swait.ge [sflag:s17], $0x4000  }
0xaa: {  	s29 =	smov.u32 s31;
	s28 =	sshra.s32 s30, $0x2;
	[sflag:s17] =	ssyncset.done $0x0  }
0xab: {  	s0 =	sadd.s32 $0xFFFFFF80, s28;
	[sflag:s17] =	ssyncadd.s32 $0xFFFFC000  }
0xac: {  	[tilespmem:s20], [sflag:$0x2] =	stream.indirect.gather [hbm4b:s4+s19], $0x80, s0, s19, $0xb8;
	[tilespmem:$0x1E800] =	vst v63  }
0xad: {  	_ =	swait.ge [sflag:s21], $0x4000  }
0xae: {  	[sflag:s21] =	ssyncset.done $0x0  }
0xaf: {  	s31 =	sadd.s32 $0x1300, s28;
	[sflag:s21] =	ssyncadd.s32 $0xFFFFC000  }
0xb0: {  	[spmem:s2] =	stream.indirect.scatter.add.f32 [tilespmem:s16], [sflag:$0x3], $0x80, s31, s19, $0xb8;
	[tilespmem:$0x1E800] =	vst v63  }
0xb1: {  	_ =	swait.ge [sflag:s17], $0x4000  }
0xb2: {  	[sflag:s17] =	ssyncset.done $0x0  }
0xb3: {  	[sflag:s17] =	ssyncadd.s32 $0xFFFFC000  }
0xb4: {  	[tilespmem:s16], [sflag:$0x1] =	stream.indirect.gather [hbm4b:s4+s19], $0x80, s28, s19, $0xb8;
	[tilespmem:$0x1E800] =	vst v63  }
0xb5: {  	_ =	swait.ge [sflag:s22], $0x4000  }
0xb6: {  	[sflag:s22] =	ssyncset.done $0x0  }
0xb7: {  	s29 =	sadd.s32 $0x1380, s28;
	[sflag:s22] =	ssyncadd.s32 $0xFFFFC000  }
0xb8: {  	[spmem:s2] =	stream.indirect.scatter.add.f32 [tilespmem:s20], [sflag:$0x3], $0x80, s29, s19, $0xb8;
	[tilespmem:$0x1E800] =	vst v63  }
0xb9: {  	_ =	swait.ge [sflag:s17], $0x4000  }
0xba: {  	[sflag:s17] =	ssyncset.done $0x0  }
0xbb: {  	[sflag:s17] =	ssyncadd.s32 $0xFFFFC000  }
0xbc: {  	[tilespmem:s20], [sflag:$0x2] =	stream.indirect.gather [hbm4b:s4+s19], $0x80, s23, s19, $0xb8;
	[tilespmem:$0x1E800] =	vst v63  }
0xbd: {  	_ =	swait.ge [sflag:s21], $0x4000  }
0xbe: {  	[sflag:s21] =	ssyncset.done $0x0  }
0xbf: {  	[sflag:s21] =	ssyncadd.s32 $0xFFFFC000  }
0xc0: {  	[spmem:s2] =	stream.indirect.scatter.add.f32 [tilespmem:s16], [sflag:$0x3], $0x80, s24, s19, $0xb8;
	[tilespmem:$0x1E800] =	vst v63  }
0xc1: {  	_ =	swait.ge [sflag:s17], $0x4000  }
0xc2: {  	[sflag:s17] =	ssyncset.done $0x0  }
0xc3: {  	[sflag:s17] =	ssyncadd.s32 $0xFFFFC000  }
0xc4: {  	_ =	swait.ge [sflag:s22], $0x4000  }
0xc5: {  	[sflag:s22] =	ssyncset.done $0x0  }
0xc6: {  	[sflag:s22] =	ssyncadd.s32 $0xFFFFC000  }
0xc7: {  	[spmem:s2] =	stream.indirect.scatter.add.f32 [tilespmem:s20], [sflag:$0x3], $0x80, s25, s19, $0xb8;
	[tilespmem:$0x1E800] =	vst v63  }
0xc8: {  	_ =	swait.ge [sflag:s17], $0x4000  }
0xc9: {  	s30 =	sshll.u32 s1, $0x6;
	s26 =	sadd.s32 $0x1, s26;
	[sflag:s17] =	ssyncset.done $0x0  }
0xca: {  	s0 =	sor.u32 $0x1C03, s30;
	p0 =	sne.s32 s26, s11;
	[sflag:s17] =	ssyncadd.s32 $0xFFFFC000  }
.Ltmp3:
0xcb: {  	s31 =	sshrl.u32 s5, $0x3;
	[bflag:$0x0] =	sbarrier.arrive $0xFFFF;
	(pc) =	sbr.rel @p0 .LBB2_1-.Ltmp3, $4  }
0xcc: {  	[hbm:s10], [sflag:s0] =	dma.local [spmem:s31], $0x2800  }
0xcd: {  	_ =	swait.ge [sflag:s17], $0x2800  }
0xce: {  	[sflag:s17] =	ssyncset.done $0x0  }
0xcf: {  	[sflag:s17] =	ssyncadd.s32 $0xFFFFD800  }
0xd0: {  	_ =	sfence.sel $0x180000  }
0xd1: {  	[bflag:$0x0] =	sbarrier.arrive $0xFFFF  }
0xd2: {  	_ =	strace $0x9000004A  }
0xd3: {  	[bflag:$0x2] =	sbarrier.arrive $0xFFFF  }
0xd4: {  	p0 =	sne.s32 s1, $0x0;
	s0 =	rddreg [dreg:$0x2]  }
0xd5: {  	s0 =	sadd.s32 @!p0 $0x100000, s0  }
0xd6: {  	[sflag:s0] =	ssyncadd.tile.s32 @!p0 $0x1;
	_ =	shalt  }
.Lfunc_end2:
_tile_overlayer_lowered:
.L_overlay_start_2:
0xd7: {  	(tag) =	ssettag $0x2  }
0xd8: {  	s0 =	rddreg [dreg:$0x0];
	s2 =	stileid.u32  }
0xd9: {  	s1 =	rddreg [dreg:$0x1];
	p0 =	sne.s32 s2, $0x0  }
0xda: {  	s3 =	rddreg [dreg:$0x2];
	[bflag:$0x3] =	sbarrier.arrive $0xFFFF;
	s2 =	simm.s32 @!p0 $0x1C03  }
0xdb: {  	[timem:s3], [sflag:s2] =	dma.local @!p0 [hbm:s0], s1  }
0xdc: {  	s0 =	simm.s32 @!p0 $0x3  }
0xdd: {  	_ =	swait.ge @!p0 [sflag:s0], s1  }
0xde: {  	s1 =	ssub.s32 @!p0 $0x0, s1;
	[sflag:s0] =	ssyncset.done @!p0 $0x0  }
0xdf: {  	[sflag:s0] =	ssyncadd.s32 @!p0 s1  }
0xe0: {  	[bflag:$0x3] =	sbarrier.arrive $0xFFFF  }
0xe1: {  	_ =	shalt  }

// kernel: kernel.14.cloned.1.call-start
scs
__scs_entry_jumppad:
0x0: {  	(pc) =	sbr.rel $0x88, $3  }
0x1: {  	(tag) =	ssettag $0x0;
	lr =	simm.s32 $0x1  }
0x2: {  	[smem:$0x3F98] =	sst lr;
	_ =	strace $0xD0000000  }
0x3: {  	_ = 	snop  }
0x4: {  	_ = 	snop  }
0x5: {  	_ = 	snop  }
0x6: {  	_ = 	snop  }
0x7: {  	_ = 	snop  }
__scs_overlays_trampoline_lowered:
0x8: {  	[smem:$0x3FA7] =	sst s0  }
0x9: {  	[smem:$0x3FA8] =	sst s1  }
0xa: {  	[smem:$0x3FA9] =	sst s2  }
0xb: {  	[smem:$0x3FAA] =	sst s3  }
0xc: {  	[smem:$0x3FAB] =	sst s4  }
0xd: {  	[smem:$0x3FAC] =	sst s5  }
0xe: {  	[smem:$0x3FAD] =	sst s6  }
0xf: {  	[smem:$0x3FAE] =	sst s7  }
0x10: {  	[smem:$0x3FAF] =	sst s8  }
0x11: {  	[smem:$0x3FB0] =	sst s9;
	s0 =	simm.s32 @!p0 $0x0  }
0x12: {  	s1 =	sld [smem:$0x3F96];
	s0 =	simm.s32 @p0 $0x1  }
0x13: {  	[smem:$0x3FB1] =	sst s0;
	s0 =	simm.s32 @!p1 $0x0  }
0x14: {  	s2 =	sld [smem:$0x3F95];
	s0 =	simm.s32 @p1 $0x1  }
0x15: {  	[smem:$0x3FB2] =	sst s0;
	s0 =	simm.s32 @!p2 $0x0  }
0x16: {  	s3 =	sld [smem:$0x3FDB];
	s0 =	simm.s32 @p2 $0x1  }
0x17: {  	s4 =	simm.s32 $0x1BF5;
	[smem:$0x3FB4] =	sst s0  }
0x18: {  	s0 =	sld [smem:$0x3F97];
	_ =	swait.ge [sflag:s4], $0x0  }
0x19: {  	s7 =	sld [smem:$0x3F98]  }
0x1a: {  	s8 =	sadd.s32 $0xFFFFE003, lr  }
0x1b: {  	s9 =	sadd.s32 $0xFFFFFEF7, lr;
	s5 =	simm.s32 $0xFFFFFFFF;
	p2 =	slt.u32 s8, $0xFFFFF086  }
0x1c: {  	p1 =	slt.u32 s9, $0xF7A;
	s5 =	simm.s32 @!p2 $0x0  }
0x1d: {  	s5 =	simm.s32 @p1 $0x1;
	p0 =	seq.s32 s7, s2  }
0x1e: {  	s7 =	smul.u32 @!p0 $0xF7A, s2;
	p2 =	seq.s32 @!p0 s5, $0x0  }
0x1f: {  	s9 =	smul.u32 $0xF7A, s1;
	s8 =	simm.s32 @!p0 $0x1BF5;
	p2 =	por !p2, p0  }
0x20: {  	[sflag:s8] =	ssyncset.s32 @!p0 $0xFFFFF086;
	s6 =	sadd.s32 @!p0 s3, s7;
	s7 =	simm.s32 @!p0 $0x108  }
0x21: {  	s3 =	sadd.s32 s3, s9;
	s6 =	sadd.s32 @!p0 $0x88, s6;
	s7 =	simm.s32 @p2 $0x1082  }
0x22: {  	[simem:s7], [sflag:s8] =	dma.local @!p0 [hbm:s6], $0xF7A  }
0x23: {  	s9 =	sor.u32 $0xD0000000, s2;
	s6 =	simm.s32 $0x108;
	_ =	swait.ge @!p0 [sflag:s8], $0x0  }
0x24: {  	s3 =	sadd.s32 $0x88, s3;
	s6 =	simm.s32 @!p1 $0x1082;
	[sflag:s4] =	ssyncset.s32 $0xFFFFF086  }
0x25: {  	[simem:s6], [sflag:s4] =	dma.local [hbm:s3], $0xF7A  }
0x26: {  	[smem:$0x3F98] =	sst s1;
	(tag) =	ssettag s2;
	_ =	strace s9  }
0x27: {  	s1 =	sld [smem:$0x3FA8]  }
0x28: {  	s2 =	sld [smem:$0x3FA9]  }
0x29: {  	s4 =	sld [smem:$0x3FAB]  }
0x2a: {  	p0 =	seq.s32 s5, $0x0;
	s5 =	sld [smem:$0x3FAC]  }
0x2b: {  	s6 =	sld [smem:$0x3FAD]  }
0x2c: {  	s7 =	sld [smem:$0x3FAE]  }
0x2d: {  	s3 =	simm.s32 $0x108;
	s8 =	sld [smem:$0x3FAF]  }
0x2e: {  	s3 =	simm.s32 @!p0 $0x1082;
	s9 =	sld [smem:$0x3FB0]  }
0x2f: {  	lr =	sadd.s32 s0, s3;
	s0 =	sld [smem:$0x3FA7]  }
0x30: {  	s3 =	sld [smem:$0x3FAA]  }
0x31: {  	[smem:$0x3FB3] =	sst s10  }
0x32: {  	s10 =	sld [smem:$0x3FB1];
	_ =	sdelay $0x3  }
0x33: {  	p0 =	seq.s32 s10, $0x1;
	s10 =	sld [smem:$0x3FB3];
	_ =	sdelay $0x3  }
0x34: {  	[smem:$0x3FB3] =	sst s10  }
0x35: {  	s10 =	sld [smem:$0x3FB2];
	_ =	sdelay $0x3  }
0x36: {  	p1 =	seq.s32 s10, $0x1;
	s10 =	sld [smem:$0x3FB3];
	_ =	sdelay $0x3  }
0x37: {  	[smem:$0x3FB3] =	sst s10  }
0x38: {  	s10 =	sld [smem:$0x3FB4]  }
0x39: {  	_ = 	snop;
	(pc) =	sbr.ind lr, $3  }
0x3a: {  	_ = 	snop  }
0x3b: {  	_ = 	snop  }
0x3c: {  	p2 =	seq.s32 s10, $0x1;
	s10 =	sld [smem:$0x3FB3]  }
0x3d: {  	_ =	shalt  }
0x3e: {  	_ =	shalt  }
0x3f: {  	_ =	shalt  }
0x40: {  	_ =	shalt  }
0x41: {  	_ =	shalt  }
0x42: {  	_ =	shalt  }
0x43: {  	_ =	shalt  }
0x44: {  	_ =	shalt  }
0x45: {  	_ =	shalt  }
0x46: {  	_ =	shalt  }
0x47: {  	_ =	shalt  }
0x48: {  	_ =	shalt  }
0x49: {  	_ =	shalt  }
0x4a: {  	_ =	shalt  }
0x4b: {  	_ =	shalt  }
0x4c: {  	_ =	shalt  }
0x4d: {  	_ =	shalt  }
0x4e: {  	_ =	shalt  }
0x4f: {  	_ =	shalt  }
0x50: {  	_ =	shalt  }
0x51: {  	_ =	shalt  }
0x52: {  	_ =	shalt  }
0x53: {  	_ =	shalt  }
0x54: {  	_ =	shalt  }
0x55: {  	_ =	shalt  }
0x56: {  	_ =	shalt  }
0x57: {  	_ =	shalt  }
0x58: {  	_ =	shalt  }
0x59: {  	_ =	shalt  }
0x5a: {  	_ =	shalt  }
0x5b: {  	_ =	shalt  }
0x5c: {  	_ =	shalt  }
0x5d: {  	_ =	shalt  }
0x5e: {  	_ =	shalt  }
0x5f: {  	_ =	shalt  }
0x60: {  	_ =	shalt  }
0x61: {  	_ =	shalt  }
0x62: {  	_ =	shalt  }
0x63: {  	_ =	shalt  }
0x64: {  	_ =	shalt  }
0x65: {  	_ =	shalt  }
0x66: {  	_ =	shalt  }
0x67: {  	_ =	shalt  }
0x68: {  	_ =	shalt  }
0x69: {  	_ =	shalt  }
0x6a: {  	_ =	shalt  }
0x6b: {  	_ =	shalt  }
0x6c: {  	_ =	shalt  }
0x6d: {  	_ =	shalt  }
0x6e: {  	_ =	shalt  }
0x6f: {  	_ =	shalt  }
0x70: {  	_ =	shalt  }
0x71: {  	_ =	shalt  }
0x72: {  	_ =	shalt  }
0x73: {  	_ =	shalt  }
0x74: {  	_ =	shalt  }
0x75: {  	_ =	shalt  }
0x76: {  	_ =	shalt  }
0x77: {  	_ =	shalt  }
0x78: {  	_ =	shalt  }
0x79: {  	_ =	shalt  }
0x7a: {  	_ =	shalt  }
0x7b: {  	_ =	shalt  }
0x7c: {  	_ =	shalt  }
0x7d: {  	_ =	shalt  }
0x7e: {  	_ =	shalt  }
0x7f: {  	_ =	shalt  }
0x80: {  	_ =	shalt  }
0x81: {  	_ =	shalt  }
0x82: {  	_ =	shalt  }
0x83: {  	_ =	shalt  }
0x84: {  	_ =	shalt  }
0x85: {  	_ =	shalt  }
0x86: {  	_ =	shalt  }
0x87: {  	_ =	shalt  }
.Lfunc_end0:
.L_simem_size_0:
called_computation.2_lowered:
.L_overlay_start_0:
0x88: {  	s2 =	sld [smem:$0x3FD9]  }
0x89: {  	s3 =	sld [smem:$0x3FFE];
	_ =	sdelay $0x1  }
0x8a: {  	s1 =	srdreg.scid  }
0x8b: {  	s0 =	sand.u32 $0x1, s1  }
0x8c: {  	s16 =	sshll.u32 s0, $0xA;
	s2 =	sadd.s32 s3, s2  }
0x8d: {  	s2 =	sadd.s32 s2, s16  }
0x8e: {  	[smem:$0x3FBF] =	sst s2  }
0x8f: {  	_ = 	snop  }
0x90: {  	(tm) =	ssettm $0x1  }
0x91: {  	s17 =	sld [smem:$0x3FFB];
	_ =	sdelay $0x3  }
0x92: {  	_ =	strace s17  }
0x93: {  	s2 =	sld [smem:$0x3FFC];
	_ =	sdelay $0x3  }
0x94: {  	_ =	strace s2  }
0x95: {  	s2 =	sld [smem:$0x3FFD];
	_ =	sdelay $0x3  }
0x96: {  	_ =	strace s2  }
0x97: {  	_ =	strace $0x8FFFFFFF  }
0x98: {  	s18 =	sld [smem:$0x3FDB];
	_ =	sdelay $0x1  }
0x99: {  	s19 =	simm.s32 $_scs_section_size  }
0x9a: {  	s4 =	simm.s32 $_size__tile_overlayer_lowered;
	s5 =	simm.s32 $_tile_overlayer_lowered  }
0x9b: {  	s22 =	simm.s32 $0x1BFF;
	s21 =	sshll.u32 s5, $0x1;
	s2 =	sadd.s32 s19, s18  }
0x9c: {  	s6 =	simm.s32 $0x0;
	s20 =	sshll.u32 s4, $0x1;
	s4 =	sadd.s32 s21, s2  }
0x9d: {  	[timem:s6], [sflag:s22] =	dma.local [hbm:s4], s20  }
0x9e: {  	_ =	swait.ge [sflag:s22], s20  }
0x9f: {  	s3 =	ssub.s32 $0x0, s20;
	[sflag:s22] =	ssyncset.done $0x0  }
0xa0: {  	[sflag:s22] =	ssyncadd.s32 s3;
	_ =	sdelay $0x1  }
0xa1: {  	s23 =	simm.s32 $0x1B8B  }
0xa2: {  	_ =	swait.ge [sflag:s23], $0x1  }
0xa3: {  	[sflag:s23] =	ssyncset.done $0x0  }
0xa4: {  	s25 =	simm.s32 $0x1B8E;
	s24 =	sld [smem:$0x3FFE];
	[sflag:s23] =	ssyncadd.s32 $0xFFFFFFFF  }
0xa5: {  	s26 =	simm.s32 $execute0_lowered;
	[smem:$0x3FD2] =	sst s25  }
0xa6: {  	s4 =	sshll.u32 s26, $0x1;
	_ =	strace $0x8000004C;
	[dreg:$0x1] =	wrdreg $0xFFFFFFFF  }
0xa7: {  	s28 =	simm.s32 $_size_execute0_lowered;
	s2 =	sadd.s32 s2, s4;
	[dreg:$0x0] =	wrdreg $0x0  }
0xa8: {  	s4 =	sshll.u32 s28, $0x1;
	[dreg:$0x2] =	wrdreg s2  }
0xa9: {  	[dreg:$0x3] =	wrdreg s4  }
0xaa: {  	[dreg:$0x4] =	wrdreg $0xC0  }
0xab: {  	_ =	task [dreg:s6], $0x5FFFF  }
0xac: {  	[dreg:$0x1] =	wrdreg $0xFFFFFFFF  }
0xad: {  	[dreg:$0x0] =	wrdreg $0x60  }
0xae: {  	[dreg:$0x2] =	wrdreg s24  }
0xaf: {  	[dreg:$0x3] =	wrdreg $0xA8000  }
0xb0: {  	[dreg:$0x4] =	wrdreg $0x9  }
0xb1: {  	_ =	task.clear_ibuf [dreg:s6], $0x5FFFF;
	_ =	strace $0x9000004C  }
0xb2: {  	s29 =	simm.s32 $0x9;
	_ =	strace $0x8000004E  }
0xb3: {  	_ =	swait.ge [sflag:s29], $0x1  }
0xb4: {  	[sflag:s29] =	ssyncadd.s32 $0xFFFFFFFF  }
0xb5: {  	_ =	strace $0x9000004E  }
0xb6: {  	_ =	sfence  }
0xb7: {  	s30 =	sld [smem:$0x0];
	_ =	sdelay $0x2  }
0xb8: {  	s31 =	sshll.u32 s1, $0xD;
	s1 =	sshrl.u32 s1, $0x2  }
0xb9: {  	s3 =	sand.u32 $0x4000, s31;
	s1 =	sadd.s32 s1, s30  }
0xba: {  	s0 =	sor.u32 s3, s0;
	s1 =	sshll.u32 s1, $0x11  }
0xbb: {  	s0 =	sor.u32 s1, s0  }
0xbc: {  	s0 =	sadd.s32 $0x8F2B, s0  }
0xbd: {  	[sflag:s0] =	ssyncadd.remote.s32 $0x1  }
0xbe: {  	_ =	sfence.sel $0xFFFF  }
0xbf: {  	[dreg:$0x0] =	wrdreg $0xFFFFFFFF;
	(pc) =	sbr.abs _section_cstart, $3  }
0xc0: {  	[dreg:$0x1] =	wrdreg $0xFFFFFFFF  }
0xc1: {  	_ =	task.clear_ibuf [dreg:s6], $0x2FFFF;
	_ =	strace $0x9FFFFFFF  }
0xc2: {  	(tm) =	ssettm $0x7FFFFFFF  }
0xc3: {  	_ =	shalt  }
tec
execute0_lowered:
.L_overlay_start_1:
0x0: {  	(tag) =	ssettag $0x1  }
0x1: {  	s5 =	rddreg [dreg:$0x0];
	s0 =	srdreg.scid  }
0x2: {  	s2 =	rddreg [dreg:$0x1];
	s1 =	stileid.u32;
	s3 =	simm.s32 $0x0  }
0x3: {  	s17 =	simm.s32 $0x3;
	s18 =	simm.s32 $0x1400;
	s19 =	simm.s32 $0x80  }
0x4: {  	s20 =	simm.s32 $0x6800;
	s21 =	simm.s32 $0x1;
	s22 =	simm.s32 $0x2  }
0x5: {  	s23 =	simm.s32 $0x1380;
	s24 =	simm.s32 $0x2700;
	s25 =	simm.s32 $0x2780  }
0x6: {  	s26 =	simm.s32 $0x0;
	s6 =	sand.u32 $0x1, s0;
	s7 =	smul.u32 $0x14000, s1  }
0x7: {  	[smem:$0x7FF] =	sst s3;
	s8 =	smul.u32 $0x50000, s1;
	s14 =	sadd.s32 $0x4200, s5  }
0x8: {  	s15 =	sadd.s32 $0xE200, s5;
	s31 =	sshll.u32 s1, $0x1;
	s4 =	smul.u32 $0x140000, s6  }
0x9: {  	_ =	strace $0x8000004D;
	s30 =	ssub.s32 $0x2, s6;
	s11 =	sor.u32 s6, s31  }
0xa: {  	s8 =	sshrl.u32 s8, $0x2;
	s9 =	sshrl.u32 s30, $0x1;
	s13 =	smul.u32 $0x500, s11  }
0xb: {  	s7 =	sadd.s32 s7, s4;
	s4 =	sadd.s32 $0x12D600, s5;
	s12 =	ssub.s32 s30, s9  }
0xc: {  	s7 =	sshrl.u32 s7, $0x3;
	s11 =	smax.u32 s12, $0x1;
	s16 =	sadd.s32 $0x280, s13  }
0xd: {  	s12 =	sadd.s32 s14, s13;
	s13 =	sadd.s32 s15, s13;
	s10 =	sadd.s32 s7, s5  }
0xe: {  	s5 =	sadd.s32 s8, s2;
	s14 =	sadd.s32 s14, s16;
	s15 =	sadd.s32 s15, s16  }
0xf: {  	s16 =	simm.s32 $0x2800;
	s6 =	sadd.s32 $0x4000, s5;
	s7 =	sadd.s32 $0x8000, s5  }
0x10: {  	v0 =	vimm.f32 $0.0e+00;
	s8 =	sadd.s32 $0xC000, s5;
	s9 =	sadd.s32 $0x10000, s5;
	s10 =	sadd.s32 $0x18200, s10  }
.LBB2_1:
0x11: {  	s28 =	simm.s32 $0x0;
	s29 =	simm.s32 $0x200  }
.LBB2_2:
0x12: {  	p0 =	sne.s32 s29, $0xFE00;
	[tilespmem:s28+$0x2870] =	vst v0  }
0x13: {  	[tilespmem:s28+$0x2800] =	vst v0  }
0x14: {  	[tilespmem:s28+$0x2810] =	vst v0  }
.Ltmp0:
0x15: {  	[tilespmem:s28+$0x2820] =	vst v0;
	(pc) =	sbr.rel @p0 .LBB2_2-.Ltmp0, $4  }
0x16: {  	[tilespmem:s28+$0x2830] =	vst v0  }
0x17: {  	[tilespmem:s28+$0x2840] =	vst v0  }
0x18: {  	[tilespmem:s28+$0x2850] =	vst v0  }
0x19: {  	[tilespmem:s28+$0x2860] =	vst v0;
	s28 =	sshra.s32 s29, $0x2;
	s29 =	sadd.s32 $0x200, s29  }
0x1a: {  	[tilespmem:s28+$0x2870] =	vst v0  }
0x1b: {  	[tilespmem:s28+$0x2800] =	vst v0  }
0x1c: {  	[tilespmem:s28+$0x2810] =	vst v0  }
0x1d: {  	[tilespmem:s28+$0x2820] =	vst v0  }
0x1e: {  	[tilespmem:s28+$0x2830] =	vst v0  }
0x1f: {  	[tilespmem:s28+$0x2840] =	vst v0  }
0x20: {  	[tilespmem:s28+$0x2850] =	vst v0  }
0x21: {  	[tilespmem:s28+$0x2860] =	vst v0  }
0x22: {  	[spmem:s5] =	stream.linear.scatter [tilespmem:s16], [sflag:$0x3], $0x4000, $0x38;
	[tilespmem:$0x1E800] =	vst v63  }
0x23: {  	_ =	swait.ge [sflag:s17], $0x4000  }
0x24: {  	[sflag:s17] =	ssyncset.done $0x0  }
0x25: {  	[sflag:s17] =	ssyncadd.s32 $0xFFFFC000  }
0x26: {  	[spmem:s6] =	stream.linear.scatter [tilespmem:s16], [sflag:$0x3], $0x4000, $0x38;
	[tilespmem:$0x1E800] =	vst v63  }
0x27: {  	_ =	swait.ge [sflag:s17], $0x4000  }
0x28: {  	[sflag:s17] =	ssyncset.done $0x0  }
0x29: {  	[sflag:s17] =	ssyncadd.s32 $0xFFFFC000  }
0x2a: {  	[spmem:s7] =	stream.linear.scatter [tilespmem:s16], [sflag:$0x3], $0x4000, $0x38;
	[tilespmem:$0x1E800] =	vst v63  }
0x2b: {  	_ =	swait.ge [sflag:s17], $0x4000  }
0x2c: {  	[sflag:s17] =	ssyncset.done $0x0  }
0x2d: {  	[sflag:s17] =	ssyncadd.s32 $0xFFFFC000  }
0x2e: {  	[spmem:s8] =	stream.linear.scatter [tilespmem:s16], [sflag:$0x3], $0x4000, $0x38;
	[tilespmem:$0x1E800] =	vst v63  }
0x2f: {  	_ =	swait.ge [sflag:s17], $0x4000  }
0x30: {  	[sflag:s17] =	ssyncset.done $0x0  }
0x31: {  	[sflag:s17] =	ssyncadd.s32 $0xFFFFC000  }
0x32: {  	[spmem:s9] =	stream.linear.scatter [tilespmem:s16], [sflag:$0x3], $0x4000, $0x38;
	[tilespmem:$0x1E800] =	vst v63  }
0x33: {  	_ =	swait.ge [sflag:s17], $0x4000  }
0x34: {  	[sflag:s17] =	ssyncset.done $0x0  }
0x35: {  	[sflag:s17] =	ssyncadd.s32 $0xFFFFC000  }
0x36: {  	[bflag:$0x0] =	sbarrier.arrive $0xFFFF  }
0x37: {  	[tilespmem:s3], [sflag:$0x3] =	stream.linear.gather [hbm4b:s12+s3], $0x1400, $0x38;
	[tilespmem:$0x1E800] =	vst v63  }
0x38: {  	_ =	swait.ge [sflag:s17], $0x1400  }
0x39: {  	[sflag:s17] =	ssyncset.done $0x0  }
0x3a: {  	[sflag:s17] =	ssyncadd.s32 $0xFFFFEC00  }
0x3b: {  	[tilespmem:s18], [sflag:$0x3] =	stream.linear.gather [hbm4b:s13+s3], $0x1400, $0x38;
	[tilespmem:$0x1E800] =	vst v63  }
0x3c: {  	_ =	swait.ge [sflag:s17], $0x1400  }
0x3d: {  	[sflag:s17] =	ssyncset.done $0x0  }
0x3e: {  	[sflag:s17] =	ssyncadd.s32 $0xFFFFEC00  }
0x3f: {  	[tilespmem:s16], [sflag:$0x1] =	stream.indirect.gather [hbm4b:s4+s19], $0x80, s3, s19, $0xb8;
	[tilespmem:$0x1E800] =	vst v63  }
0x40: {  	s28 =	simm.s32 $0x80  }
0x41: {  	[tilespmem:s20], [sflag:$0x2] =	stream.indirect.gather [hbm4b:s4+s19], $0x80, s28, s19, $0xb8;
	[tilespmem:$0x1E800] =	vst v63  }
0x42: {  	_ =	swait.ge [sflag:s21], $0x4000  }
0x43: {  	[sflag:s21] =	ssyncset.done $0x0  }
0x44: {  	s28 =	simm.s32 $0x1400;
	[sflag:s21] =	ssyncadd.s32 $0xFFFFC000  }
0x45: {  	[spmem:s2] =	stream.indirect.scatter.add.f32 [tilespmem:s16], [sflag:$0x3], $0x80, s28, s19, $0xb8;
	[tilespmem:$0x1E800] =	vst v63  }
0x46: {  	_ =	swait.ge [sflag:s17], $0x4000  }
0x47: {  	[sflag:s17] =	ssyncset.done $0x0  }
0x48: {  	s28 =	simm.s32 $0x100;
	[sflag:s17] =	ssyncadd.s32 $0xFFFFC000  }
0x49: {  	[tilespmem:s16], [sflag:$0x1] =	stream.indirect.gather [hbm4b:s4+s19], $0x80, s28, s19, $0xb8;
	[tilespmem:$0x1E800] =	vst v63  }
0x4a: {  	_ =	swait.ge [sflag:s22], $0x4000  }
0x4b: {  	[sflag:s22] =	ssyncset.done $0x0  }
0x4c: {  	s28 =	simm.s32 $0x1480;
	[sflag:s22] =	ssyncadd.s32 $0xFFFFC000  }
0x4d: {  	[spmem:s2] =	stream.indirect.scatter.add.f32 [tilespmem:s20], [sflag:$0x3], $0x80, s28, s19, $0xb8;
	[tilespmem:$0x1E800] =	vst v63  }
0x4e: {  	_ =	swait.ge [sflag:s17], $0x4000  }
0x4f: {  	s29 =	simm.s32 $0xC00;
	s28 =	simm.s32 $0x200;
	[sflag:s17] =	ssyncset.done $0x0  }
.LBB2_4:
0x50: {  	s30 =	sadd.s32 $0xFFFFFF80, s28  }
0x51: {  	[sflag:s17] =	ssyncadd.s32 $0xFFFFC000;
	s31 =	smov.u32 s29;
	s0 =	sadd.s32 $0x400, s29  }
0x52: {  	[tilespmem:s20], [sflag:$0x2] =	stream.indirect.gather [hbm4b:s4+s19], $0x80, s30, s19, $0xb8;
	[tilespmem:$0x1E800] =	vst v63  }
0x53: {  	p0 =	sne.s32 s29, $0x4C00;
	_ =	swait.ge [sflag:s21], $0x4000  }
0x54: {  	[sflag:s21] =	ssyncset.done $0x0  }
0x55: {  	s29 =	sadd.s32 $0x1300, s28;
	[sflag:s21] =	ssyncadd.s32 $0xFFFFC000  }
0x56: {  	[spmem:s2] =	stream.indirect.scatter.add.f32 [tilespmem:s16], [sflag:$0x3], $0x80, s29, s19, $0xb8;
	[tilespmem:$0x1E800] =	vst v63  }
0x57: {  	_ =	swait.ge [sflag:s17], $0x4000  }
0x58: {  	[sflag:s17] =	ssyncset.done $0x0  }
0x59: {  	[sflag:s17] =	ssyncadd.s32 $0xFFFFC000  }
0x5a: {  	[tilespmem:s16], [sflag:$0x1] =	stream.indirect.gather [hbm4b:s4+s19], $0x80, s28, s19, $0xb8;
	[tilespmem:$0x1E800] =	vst v63  }
0x5b: {  	_ =	swait.ge [sflag:s22], $0x4000  }
.Ltmp1:
0x5c: {  	[sflag:s22] =	ssyncset.done $0x0;
	(pc) =	sbr.rel @p0 .LBB2_4-.Ltmp1, $4  }
0x5d: {  	s28 =	sadd.s32 $0x1380, s28;
	[sflag:s22] =	ssyncadd.s32 $0xFFFFC000  }
0x5e: {  	[spmem:s2] =	stream.indirect.scatter.add.f32 [tilespmem:s20], [sflag:$0x3], $0x80, s28, s19, $0xb8;
	[tilespmem:$0x1E800] =	vst v63  }
0x5f: {  	_ =	swait.ge [sflag:s17], $0x4000  }
0x60: {  	s29 =	smov.u32 s0;
	s28 =	sshra.s32 s31, $0x2;
	[sflag:s17] =	ssyncset.done $0x0  }
0x61: {  	s0 =	sadd.s32 $0xFFFFFF80, s28;
	[sflag:s17] =	ssyncadd.s32 $0xFFFFC000  }
0x62: {  	[tilespmem:s20], [sflag:$0x2] =	stream.indirect.gather [hbm4b:s4+s19], $0x80, s0, s19, $0xb8;
	[tilespmem:$0x1E800] =	vst v63  }
0x63: {  	_ =	swait.ge [sflag:s21], $0x4000  }
0x64: {  	[sflag:s21] =	ssyncset.done $0x0  }
0x65: {  	s30 =	sadd.s32 $0x1300, s28;
	[sflag:s21] =	ssyncadd.s32 $0xFFFFC000  }
0x66: {  	[spmem:s2] =	stream.indirect.scatter.add.f32 [tilespmem:s16], [sflag:$0x3], $0x80, s30, s19, $0xb8;
	[tilespmem:$0x1E800] =	vst v63  }
0x67: {  	_ =	swait.ge [sflag:s17], $0x4000  }
0x68: {  	[sflag:s17] =	ssyncset.done $0x0  }
0x69: {  	[sflag:s17] =	ssyncadd.s32 $0xFFFFC000  }
0x6a: {  	[tilespmem:s16], [sflag:$0x1] =	stream.indirect.gather [hbm4b:s4+s19], $0x80, s28, s19, $0xb8;
	[tilespmem:$0x1E800] =	vst v63  }
0x6b: {  	_ =	swait.ge [sflag:s22], $0x4000  }
0x6c: {  	[sflag:s22] =	ssyncset.done $0x0  }
0x6d: {  	s31 =	sadd.s32 $0x1380, s28;
	[sflag:s22] =	ssyncadd.s32 $0xFFFFC000  }
0x6e: {  	[spmem:s2] =	stream.indirect.scatter.add.f32 [tilespmem:s20], [sflag:$0x3], $0x80, s31, s19, $0xb8;
	[tilespmem:$0x1E800] =	vst v63  }
0x6f: {  	_ =	swait.ge [sflag:s17], $0x4000  }
0x70: {  	[sflag:s17] =	ssyncset.done $0x0  }
0x71: {  	[sflag:s17] =	ssyncadd.s32 $0xFFFFC000  }
0x72: {  	[tilespmem:s20], [sflag:$0x2] =	stream.indirect.gather [hbm4b:s4+s19], $0x80, s23, s19, $0xb8;
	[tilespmem:$0x1E800] =	vst v63  }
0x73: {  	_ =	swait.ge [sflag:s21], $0x4000  }
0x74: {  	[sflag:s21] =	ssyncset.done $0x0  }
0x75: {  	[sflag:s21] =	ssyncadd.s32 $0xFFFFC000  }
0x76: {  	[spmem:s2] =	stream.indirect.scatter.add.f32 [tilespmem:s16], [sflag:$0x3], $0x80, s24, s19, $0xb8;
	[tilespmem:$0x1E800] =	vst v63  }
0x77: {  	_ =	swait.ge [sflag:s17], $0x4000  }
0x78: {  	[sflag:s17] =	ssyncset.done $0x0  }
0x79: {  	[sflag:s17] =	ssyncadd.s32 $0xFFFFC000  }
0x7a: {  	_ =	swait.ge [sflag:s22], $0x4000  }
0x7b: {  	[sflag:s22] =	ssyncset.done $0x0  }
0x7c: {  	[sflag:s22] =	ssyncadd.s32 $0xFFFFC000  }
0x7d: {  	[spmem:s2] =	stream.indirect.scatter.add.f32 [tilespmem:s20], [sflag:$0x3], $0x80, s25, s19, $0xb8;
	[tilespmem:$0x1E800] =	vst v63  }
0x7e: {  	_ =	swait.ge [sflag:s17], $0x4000  }
0x7f: {  	[sflag:s17] =	ssyncset.done $0x0  }
0x80: {  	[sflag:s17] =	ssyncadd.s32 $0xFFFFC000  }
0x81: {  	[tilespmem:s3], [sflag:$0x3] =	stream.linear.gather [hbm4b:s14+s3], $0x1400, $0x38;
	[tilespmem:$0x1E800] =	vst v63  }
0x82: {  	_ =	swait.ge [sflag:s17], $0x1400  }
0x83: {  	[sflag:s17] =	ssyncset.done $0x0  }
0x84: {  	[sflag:s17] =	ssyncadd.s32 $0xFFFFEC00  }
0x85: {  	[tilespmem:s18], [sflag:$0x3] =	stream.linear.gather [hbm4b:s15+s3], $0x1400, $0x38;
	[tilespmem:$0x1E800] =	vst v63  }
0x86: {  	_ =	swait.ge [sflag:s17], $0x1400  }
0x87: {  	[sflag:s17] =	ssyncset.done $0x0  }
0x88: {  	[sflag:s17] =	ssyncadd.s32 $0xFFFFEC00  }
0x89: {  	[tilespmem:s16], [sflag:$0x1] =	stream.indirect.gather [hbm4b:s4+s19], $0x80, s3, s19, $0xb8;
	[tilespmem:$0x1E800] =	vst v63  }
0x8a: {  	s30 =	simm.s32 $0x80  }
0x8b: {  	[tilespmem:s20], [sflag:$0x2] =	stream.indirect.gather [hbm4b:s4+s19], $0x80, s30, s19, $0xb8;
	[tilespmem:$0x1E800] =	vst v63  }
0x8c: {  	_ =	swait.ge [sflag:s21], $0x4000  }
0x8d: {  	[sflag:s21] =	ssyncset.done $0x0  }
0x8e: {  	s31 =	simm.s32 $0x1400;
	[sflag:s21] =	ssyncadd.s32 $0xFFFFC000  }
0x8f: {  	[spmem:s2] =	stream.indirect.scatter.add.f32 [tilespmem:s16], [sflag:$0x3], $0x80, s31, s19, $0xb8;
	[tilespmem:$0x1E800] =	vst v63  }
0x90: {  	_ =	swait.ge [sflag:s17], $0x4000  }
0x91: {  	[sflag:s17] =	ssyncset.done $0x0  }
0x92: {  	s30 =	simm.s32 $0x100;
	[sflag:s17] =	ssyncadd.s32 $0xFFFFC000  }
0x93: {  	[tilespmem:s16], [sflag:$0x1] =	stream.indirect.gather [hbm4b:s4+s19], $0x80, s30, s19, $0xb8;
	[tilespmem:$0x1E800] =	vst v63  }
0x94: {  	_ =	swait.ge [sflag:s22], $0x4000  }
0x95: {  	[sflag:s22] =	ssyncset.done $0x0  }
0x96: {  	s31 =	simm.s32 $0x1480;
	[sflag:s22] =	ssyncadd.s32 $0xFFFFC000  }
0x97: {  	[spmem:s2] =	stream.indirect.scatter.add.f32 [tilespmem:s20], [sflag:$0x3], $0x80, s31, s19, $0xb8;
	[tilespmem:$0x1E800] =	vst v63  }
0x98: {  	_ =	swait.ge [sflag:s17], $0x4000  }
0x99: {  	s29 =	simm.s32 $0xC00;
	s28 =	simm.s32 $0x200;
	[sflag:s17] =	ssyncset.done $0x0  }
.LBB2_6:
0x9a: {  	s0 =	sadd.s32 $0xFFFFFF80, s28  }
0x9b: {  	[sflag:s17] =	ssyncadd.s32 $0xFFFFC000;
	s30 =	smov.u32 s29;
	s31 =	sadd.s32 $0x400, s29  }
0x9c: {  	[tilespmem:s20], [sflag:$0x2] =	stream.indirect.gather [hbm4b:s4+s19], $0x80, s0, s19, $0xb8;
	[tilespmem:$0x1E800] =	vst v63  }
0x9d: {  	p0 =	sne.s32 s29, $0x4C00;
	_ =	swait.ge [sflag:s21], $0x4000  }
0x9e: {  	[sflag:s21] =	ssyncset.done $0x0  }
0x9f: {  	s0 =	sadd.s32 $0x1300, s28;
	[sflag:s21] =	ssyncadd.s32 $0xFFFFC000  }
0xa0: {  	[spmem:s2] =	stream.indirect.scatter.add.f32 [tilespmem:s16], [sflag:$0x3], $0x80, s0, s19, $0xb8;
	[tilespmem:$0x1E800] =	vst v63  }
0xa1: {  	_ =	swait.ge [sflag:s17], $0x4000  }
0xa2: {  	[sflag:s17] =	ssyncset.done $0x0  }
0xa3: {  	[sflag:s17] =	ssyncadd.s32 $0xFFFFC000  }
0xa4: {  	[tilespmem:s16], [sflag:$0x1] =	stream.indirect.gather [hbm4b:s4+s19], $0x80, s28, s19, $0xb8;
	[tilespmem:$0x1E800] =	vst v63  }
0xa5: {  	_ =	swait.ge [sflag:s22], $0x4000  }
.Ltmp2:
0xa6: {  	[sflag:s22] =	ssyncset.done $0x0;
	(pc) =	sbr.rel @p0 .LBB2_6-.Ltmp2, $4  }
0xa7: {  	s0 =	sadd.s32 $0x1380, s28;
	[sflag:s22] =	ssyncadd.s32 $0xFFFFC000  }
0xa8: {  	[spmem:s2] =	stream.indirect.scatter.add.f32 [tilespmem:s20], [sflag:$0x3], $0x80, s0, s19, $0xb8;
	[tilespmem:$0x1E800] =	vst v63  }
0xa9: {  	_ =	swait.ge [sflag:s17], $0x4000  }
0xaa: {  	s29 =	smov.u32 s31;
	s28 =	sshra.s32 s30, $0x2;
	[sflag:s17] =	ssyncset.done $0x0  }
0xab: {  	s0 =	sadd.s32 $0xFFFFFF80, s28;
	[sflag:s17] =	ssyncadd.s32 $0xFFFFC000  }
0xac: {  	[tilespmem:s20], [sflag:$0x2] =	stream.indirect.gather [hbm4b:s4+s19], $0x80, s0, s19, $0xb8;
	[tilespmem:$0x1E800] =	vst v63  }
0xad: {  	_ =	swait.ge [sflag:s21], $0x4000  }
0xae: {  	[sflag:s21] =	ssyncset.done $0x0  }
0xaf: {  	s31 =	sadd.s32 $0x1300, s28;
	[sflag:s21] =	ssyncadd.s32 $0xFFFFC000  }
0xb0: {  	[spmem:s2] =	stream.indirect.scatter.add.f32 [tilespmem:s16], [sflag:$0x3], $0x80, s31, s19, $0xb8;
	[tilespmem:$0x1E800] =	vst v63  }
0xb1: {  	_ =	swait.ge [sflag:s17], $0x4000  }
0xb2: {  	[sflag:s17] =	ssyncset.done $0x0  }
0xb3: {  	[sflag:s17] =	ssyncadd.s32 $0xFFFFC000  }
0xb4: {  	[tilespmem:s16], [sflag:$0x1] =	stream.indirect.gather [hbm4b:s4+s19], $0x80, s28, s19, $0xb8;
	[tilespmem:$0x1E800] =	vst v63  }
0xb5: {  	_ =	swait.ge [sflag:s22], $0x4000  }
0xb6: {  	[sflag:s22] =	ssyncset.done $0x0  }
0xb7: {  	s29 =	sadd.s32 $0x1380, s28;
	[sflag:s22] =	ssyncadd.s32 $0xFFFFC000  }
0xb8: {  	[spmem:s2] =	stream.indirect.scatter.add.f32 [tilespmem:s20], [sflag:$0x3], $0x80, s29, s19, $0xb8;
	[tilespmem:$0x1E800] =	vst v63  }
0xb9: {  	_ =	swait.ge [sflag:s17], $0x4000  }
0xba: {  	[sflag:s17] =	ssyncset.done $0x0  }
0xbb: {  	[sflag:s17] =	ssyncadd.s32 $0xFFFFC000  }
0xbc: {  	[tilespmem:s20], [sflag:$0x2] =	stream.indirect.gather [hbm4b:s4+s19], $0x80, s23, s19, $0xb8;
	[tilespmem:$0x1E800] =	vst v63  }
0xbd: {  	_ =	swait.ge [sflag:s21], $0x4000  }
0xbe: {  	[sflag:s21] =	ssyncset.done $0x0  }
0xbf: {  	[sflag:s21] =	ssyncadd.s32 $0xFFFFC000  }
0xc0: {  	[spmem:s2] =	stream.indirect.scatter.add.f32 [tilespmem:s16], [sflag:$0x3], $0x80, s24, s19, $0xb8;
	[tilespmem:$0x1E800] =	vst v63  }
0xc1: {  	_ =	swait.ge [sflag:s17], $0x4000  }
0xc2: {  	[sflag:s17] =	ssyncset.done $0x0  }
0xc3: {  	[sflag:s17] =	ssyncadd.s32 $0xFFFFC000  }
0xc4: {  	_ =	swait.ge [sflag:s22], $0x4000  }
0xc5: {  	[sflag:s22] =	ssyncset.done $0x0  }
0xc6: {  	[sflag:s22] =	ssyncadd.s32 $0xFFFFC000  }
0xc7: {  	[spmem:s2] =	stream.indirect.scatter.add.f32 [tilespmem:s20], [sflag:$0x3], $0x80, s25, s19, $0xb8;
	[tilespmem:$0x1E800] =	vst v63  }
0xc8: {  	_ =	swait.ge [sflag:s17], $0x4000  }
0xc9: {  	s30 =	sshll.u32 s1, $0x6;
	s26 =	sadd.s32 $0x1, s26;
	[sflag:s17] =	ssyncset.done $0x0  }
0xca: {  	s0 =	sor.u32 $0x1C03, s30;
	p0 =	sne.s32 s26, s11;
	[sflag:s17] =	ssyncadd.s32 $0xFFFFC000  }
.Ltmp3:
0xcb: {  	s31 =	sshrl.u32 s5, $0x3;
	[bflag:$0x0] =	sbarrier.arrive $0xFFFF;
	(pc) =	sbr.rel @p0 .LBB2_1-.Ltmp3, $4  }
0xcc: {  	[hbm:s10], [sflag:s0] =	dma.local [spmem:s31], $0x2800  }
0xcd: {  	_ =	swait.ge [sflag:s17], $0x2800  }
0xce: {  	[sflag:s17] =	ssyncset.done $0x0  }
0xcf: {  	[sflag:s17] =	ssyncadd.s32 $0xFFFFD800  }
0xd0: {  	_ =	sfence.sel $0x180000  }
0xd1: {  	[bflag:$0x0] =	sbarrier.arrive $0xFFFF  }
0xd2: {  	_ =	strace $0x9000004D  }
0xd3: {  	[bflag:$0x2] =	sbarrier.arrive $0xFFFF  }
0xd4: {  	p0 =	sne.s32 s1, $0x0;
	s0 =	rddreg [dreg:$0x2]  }
0xd5: {  	s0 =	sadd.s32 @!p0 $0x100000, s0  }
0xd6: {  	[sflag:s0] =	ssyncadd.tile.s32 @!p0 $0x1;
	_ =	shalt  }
.Lfunc_end2:
_tile_overlayer_lowered:
.L_overlay_start_2:
0xd7: {  	(tag) =	ssettag $0x2  }
0xd8: {  	s0 =	rddreg [dreg:$0x0];
	s2 =	stileid.u32  }
0xd9: {  	s1 =	rddreg [dreg:$0x1];
	p0 =	sne.s32 s2, $0x0  }
0xda: {  	s3 =	rddreg [dreg:$0x2];
	[bflag:$0x3] =	sbarrier.arrive $0xFFFF;
	s2 =	simm.s32 @!p0 $0x1C03  }
0xdb: {  	[timem:s3], [sflag:s2] =	dma.local @!p0 [hbm:s0], s1  }
0xdc: {  	s0 =	simm.s32 @!p0 $0x3  }
0xdd: {  	_ =	swait.ge @!p0 [sflag:s0], s1  }
0xde: {  	s1 =	ssub.s32 @!p0 $0x0, s1;
	[sflag:s0] =	ssyncset.done @!p0 $0x0  }
0xdf: {  	[sflag:s0] =	ssyncadd.s32 @!p0 s1  }
0xe0: {  	[bflag:$0x3] =	sbarrier.arrive $0xFFFF  }
0xe1: {  	_ =	shalt  }

// kernel: kernel.8.cloned.1.call-start
scs
__scs_entry_jumppad:
0x0: {  	(pc) =	sbr.rel $0x88, $3  }
0x1: {  	(tag) =	ssettag $0x0;
	lr =	simm.s32 $0x1  }
0x2: {  	[smem:$0x3F98] =	sst lr;
	_ =	strace $0xD0000000  }
0x3: {  	_ = 	snop  }
0x4: {  	_ = 	snop  }
0x5: {  	_ = 	snop  }
0x6: {  	_ = 	snop  }
0x7: {  	_ = 	snop  }
__scs_overlays_trampoline_lowered:
0x8: {  	[smem:$0x3FA7] =	sst s0  }
0x9: {  	[smem:$0x3FA8] =	sst s1  }
0xa: {  	[smem:$0x3FA9] =	sst s2  }
0xb: {  	[smem:$0x3FAA] =	sst s3  }
0xc: {  	[smem:$0x3FAB] =	sst s4  }
0xd: {  	[smem:$0x3FAC] =	sst s5  }
0xe: {  	[smem:$0x3FAD] =	sst s6  }
0xf: {  	[smem:$0x3FAE] =	sst s7  }
0x10: {  	[smem:$0x3FAF] =	sst s8  }
0x11: {  	[smem:$0x3FB0] =	sst s9;
	s0 =	simm.s32 @!p0 $0x0  }
0x12: {  	s1 =	sld [smem:$0x3F96];
	s0 =	simm.s32 @p0 $0x1  }
0x13: {  	[smem:$0x3FB1] =	sst s0;
	s0 =	simm.s32 @!p1 $0x0  }
0x14: {  	s2 =	sld [smem:$0x3F95];
	s0 =	simm.s32 @p1 $0x1  }
0x15: {  	[smem:$0x3FB2] =	sst s0;
	s0 =	simm.s32 @!p2 $0x0  }
0x16: {  	s3 =	sld [smem:$0x3FDB];
	s0 =	simm.s32 @p2 $0x1  }
0x17: {  	s4 =	simm.s32 $0x1BF5;
	[smem:$0x3FB4] =	sst s0  }
0x18: {  	s0 =	sld [smem:$0x3F97];
	_ =	swait.ge [sflag:s4], $0x0  }
0x19: {  	s7 =	sld [smem:$0x3F98]  }
0x1a: {  	s8 =	sadd.s32 $0xFFFFE003, lr  }
0x1b: {  	s9 =	sadd.s32 $0xFFFFFEF7, lr;
	s5 =	simm.s32 $0xFFFFFFFF;
	p2 =	slt.u32 s8, $0xFFFFF086  }
0x1c: {  	p1 =	slt.u32 s9, $0xF7A;
	s5 =	simm.s32 @!p2 $0x0  }
0x1d: {  	s5 =	simm.s32 @p1 $0x1;
	p0 =	seq.s32 s7, s2  }
0x1e: {  	s7 =	smul.u32 @!p0 $0xF7A, s2;
	p2 =	seq.s32 @!p0 s5, $0x0  }
0x1f: {  	s9 =	smul.u32 $0xF7A, s1;
	s8 =	simm.s32 @!p0 $0x1BF5;
	p2 =	por !p2, p0  }
0x20: {  	[sflag:s8] =	ssyncset.s32 @!p0 $0xFFFFF086;
	s6 =	sadd.s32 @!p0 s3, s7;
	s7 =	simm.s32 @!p0 $0x108  }
0x21: {  	s3 =	sadd.s32 s3, s9;
	s6 =	sadd.s32 @!p0 $0x88, s6;
	s7 =	simm.s32 @p2 $0x1082  }
0x22: {  	[simem:s7], [sflag:s8] =	dma.local @!p0 [hbm:s6], $0xF7A  }
0x23: {  	s9 =	sor.u32 $0xD0000000, s2;
	s6 =	simm.s32 $0x108;
	_ =	swait.ge @!p0 [sflag:s8], $0x0  }
0x24: {  	s3 =	sadd.s32 $0x88, s3;
	s6 =	simm.s32 @!p1 $0x1082;
	[sflag:s4] =	ssyncset.s32 $0xFFFFF086  }
0x25: {  	[simem:s6], [sflag:s4] =	dma.local [hbm:s3], $0xF7A  }
0x26: {  	[smem:$0x3F98] =	sst s1;
	(tag) =	ssettag s2;
	_ =	strace s9  }
0x27: {  	s1 =	sld [smem:$0x3FA8]  }
0x28: {  	s2 =	sld [smem:$0x3FA9]  }
0x29: {  	s4 =	sld [smem:$0x3FAB]  }
0x2a: {  	p0 =	seq.s32 s5, $0x0;
	s5 =	sld [smem:$0x3FAC]  }
0x2b: {  	s6 =	sld [smem:$0x3FAD]  }
0x2c: {  	s7 =	sld [smem:$0x3FAE]  }
0x2d: {  	s3 =	simm.s32 $0x108;
	s8 =	sld [smem:$0x3FAF]  }
0x2e: {  	s3 =	simm.s32 @!p0 $0x1082;
	s9 =	sld [smem:$0x3FB0]  }
0x2f: {  	lr =	sadd.s32 s0, s3;
	s0 =	sld [smem:$0x3FA7]  }
0x30: {  	s3 =	sld [smem:$0x3FAA]  }
0x31: {  	[smem:$0x3FB3] =	sst s10  }
0x32: {  	s10 =	sld [smem:$0x3FB1];
	_ =	sdelay $0x3  }
0x33: {  	p0 =	seq.s32 s10, $0x1;
	s10 =	sld [smem:$0x3FB3];
	_ =	sdelay $0x3  }
0x34: {  	[smem:$0x3FB3] =	sst s10  }
0x35: {  	s10 =	sld [smem:$0x3FB2];
	_ =	sdelay $0x3  }
0x36: {  	p1 =	seq.s32 s10, $0x1;
	s10 =	sld [smem:$0x3FB3];
	_ =	sdelay $0x3  }
0x37: {  	[smem:$0x3FB3] =	sst s10  }
0x38: {  	s10 =	sld [smem:$0x3FB4]  }
0x39: {  	_ = 	snop;
	(pc) =	sbr.ind lr, $3  }
0x3a: {  	_ = 	snop  }
0x3b: {  	_ = 	snop  }
0x3c: {  	p2 =	seq.s32 s10, $0x1;
	s10 =	sld [smem:$0x3FB3]  }
0x3d: {  	_ =	shalt  }
0x3e: {  	_ =	shalt  }
0x3f: {  	_ =	shalt  }
0x40: {  	_ =	shalt  }
0x41: {  	_ =	shalt  }
0x42: {  	_ =	shalt  }
0x43: {  	_ =	shalt  }
0x44: {  	_ =	shalt  }
0x45: {  	_ =	shalt  }
0x46: {  	_ =	shalt  }
0x47: {  	_ =	shalt  }
0x48: {  	_ =	shalt  }
0x49: {  	_ =	shalt  }
0x4a: {  	_ =	shalt  }
0x4b: {  	_ =	shalt  }
0x4c: {  	_ =	shalt  }
0x4d: {  	_ =	shalt  }
0x4e: {  	_ =	shalt  }
0x4f: {  	_ =	shalt  }
0x50: {  	_ =	shalt  }
0x51: {  	_ =	shalt  }
0x52: {  	_ =	shalt  }
0x53: {  	_ =	shalt  }
0x54: {  	_ =	shalt  }
0x55: {  	_ =	shalt  }
0x56: {  	_ =	shalt  }
0x57: {  	_ =	shalt  }
0x58: {  	_ =	shalt  }
0x59: {  	_ =	shalt  }
0x5a: {  	_ =	shalt  }
0x5b: {  	_ =	shalt  }
0x5c: {  	_ =	shalt  }
0x5d: {  	_ =	shalt  }
0x5e: {  	_ =	shalt  }
0x5f: {  	_ =	shalt  }
0x60: {  	_ =	shalt  }
0x61: {  	_ =	shalt  }
0x62: {  	_ =	shalt  }
0x63: {  	_ =	shalt  }
0x64: {  	_ =	shalt  }
0x65: {  	_ =	shalt  }
0x66: {  	_ =	shalt  }
0x67: {  	_ =	shalt  }
0x68: {  	_ =	shalt  }
0x69: {  	_ =	shalt  }
0x6a: {  	_ =	shalt  }
0x6b: {  	_ =	shalt  }
0x6c: {  	_ =	shalt  }
0x6d: {  	_ =	shalt  }
0x6e: {  	_ =	shalt  }
0x6f: {  	_ =	shalt  }
0x70: {  	_ =	shalt  }
0x71: {  	_ =	shalt  }
0x72: {  	_ =	shalt  }
0x73: {  	_ =	shalt  }
0x74: {  	_ =	shalt  }
0x75: {  	_ =	shalt  }
0x76: {  	_ =	shalt  }
0x77: {  	_ =	shalt  }
0x78: {  	_ =	shalt  }
0x79: {  	_ =	shalt  }
0x7a: {  	_ =	shalt  }
0x7b: {  	_ =	shalt  }
0x7c: {  	_ =	shalt  }
0x7d: {  	_ =	shalt  }
0x7e: {  	_ =	shalt  }
0x7f: {  	_ =	shalt  }
0x80: {  	_ =	shalt  }
0x81: {  	_ =	shalt  }
0x82: {  	_ =	shalt  }
0x83: {  	_ =	shalt  }
0x84: {  	_ =	shalt  }
0x85: {  	_ =	shalt  }
0x86: {  	_ =	shalt  }
0x87: {  	_ =	shalt  }
.Lfunc_end0:
.L_simem_size_0:
called_computation_lowered:
.L_overlay_start_0:
0x88: {  	s2 =	sld [smem:$0x3FD9]  }
0x89: {  	s3 =	sld [smem:$0x3FFE];
	_ =	sdelay $0x1  }
0x8a: {  	s1 =	srdreg.scid  }
0x8b: {  	s0 =	sand.u32 $0x1, s1  }
0x8c: {  	s17 =	sshll.u32 s0, $0xA;
	s2 =	sadd.s32 s3, s2  }
0x8d: {  	s2 =	sadd.s32 s2, s17  }
0x8e: {  	[smem:$0x3FBF] =	sst s2  }
0x8f: {  	_ = 	snop  }
0x90: {  	s2 =	sld [smem:$0x3FC7]  }
0x91: {  	s18 =	sld [smem:$0x3FD0];
	(tm) =	ssettm $0x1  }
0x92: {  	s4 =	sld [smem:$0x3FFB];
	_ =	sdelay $0x3  }
0x93: {  	_ =	strace s4  }
0x94: {  	s4 =	sld [smem:$0x3FFC];
	_ =	sdelay $0x3  }
0x95: {  	_ =	strace s4  }
0x96: {  	s4 =	sld [smem:$0x3FFD];
	_ =	sdelay $0x3  }
0x97: {  	_ =	strace s4  }
0x98: {  	_ =	strace $0x8FFFFFFF  }
0x99: {  	s19 =	sld [smem:$0x3FDB];
	_ =	sdelay $0x1  }
0x9a: {  	s5 =	simm.s32 $_scs_section_size  }
0x9b: {  	s6 =	simm.s32 $_size__tile_overlayer_lowered;
	s7 =	simm.s32 $_tile_overlayer_lowered  }
0x9c: {  	s22 =	simm.s32 $0x1BFF;
	s21 =	sshll.u32 s7, $0x1;
	s4 =	sadd.s32 s5, s19  }
0x9d: {  	s8 =	simm.s32 $0x0;
	s20 =	sshll.u32 s6, $0x1;
	s6 =	sadd.s32 s21, s4  }
0x9e: {  	[timem:s8], [sflag:s22] =	dma.local [hbm:s6], s20  }
0x9f: {  	_ =	swait.ge [sflag:s22], s20  }
0xa0: {  	s5 =	ssub.s32 $0x0, s20;
	[sflag:s22] =	ssyncset.done $0x0  }
0xa1: {  	[sflag:s22] =	ssyncadd.s32 s5;
	_ =	sdelay $0x1  }
0xa2: {  	s23 =	simm.s32 $0x1B8B  }
0xa3: {  	_ =	swait.ge [sflag:s23], $0x1  }
0xa4: {  	[sflag:s23] =	ssyncset.done $0x0  }
0xa5: {  	s25 =	simm.s32 $0x1B8E;
	s24 =	sld [smem:$0x3FFE];
	[sflag:s23] =	ssyncadd.s32 $0xFFFFFFFF  }
0xa6: {  	s26 =	simm.s32 $execute0_lowered;
	[smem:$0x3FD2] =	sst s25  }
0xa7: {  	s6 =	sshll.u32 s26, $0x1;
	_ =	strace $0x80000046;
	[dreg:$0x1] =	wrdreg $0xFFFFFFFF  }
0xa8: {  	s28 =	simm.s32 $_size_execute0_lowered;
	s4 =	sadd.s32 s4, s6;
	[dreg:$0x0] =	wrdreg $0x0  }
0xa9: {  	s6 =	sshll.u32 s28, $0x1;
	[dreg:$0x2] =	wrdreg s4  }
0xaa: {  	[dreg:$0x3] =	wrdreg s6  }
0xab: {  	[dreg:$0x4] =	wrdreg $0xC0  }
0xac: {  	_ =	task [dreg:s8], $0x5FFFF  }
0xad: {  	[dreg:$0x1] =	wrdreg $0xFFFFFFFF  }
0xae: {  	[dreg:$0x0] =	wrdreg $0x60  }
0xaf: {  	[dreg:$0x2] =	wrdreg s18  }
0xb0: {  	[dreg:$0x3] =	wrdreg s2  }
0xb1: {  	[dreg:$0x4] =	wrdreg s24  }
0xb2: {  	[dreg:$0x5] =	wrdreg $0xF2000  }
0xb3: {  	[dreg:$0x6] =	wrdreg $0x9  }
0xb4: {  	_ =	task.clear_ibuf [dreg:s8], $0x7FFFF;
	_ =	strace $0x90000046  }
0xb5: {  	s29 =	simm.s32 $0x9;
	_ =	strace $0x80000048  }
0xb6: {  	_ =	swait.ge [sflag:s29], $0x1  }
0xb7: {  	[sflag:s29] =	ssyncadd.s32 $0xFFFFFFFF  }
0xb8: {  	_ =	strace $0x90000048  }
0xb9: {  	_ =	sfence  }
0xba: {  	s30 =	sld [smem:$0x0];
	_ =	sdelay $0x2  }
0xbb: {  	s31 =	sshll.u32 s1, $0xD;
	s1 =	sshrl.u32 s1, $0x2  }
0xbc: {  	s3 =	sand.u32 $0x4000, s31;
	s1 =	sadd.s32 s1, s30  }
0xbd: {  	s0 =	sor.u32 s3, s0;
	s1 =	sshll.u32 s1, $0x11  }
0xbe: {  	s0 =	sor.u32 s1, s0  }
0xbf: {  	s0 =	sadd.s32 $0x8F2B, s0  }
0xc0: {  	[sflag:s0] =	ssyncadd.remote.s32 $0x1  }
0xc1: {  	_ =	sfence.sel $0xFFFF  }
0xc2: {  	[dreg:$0x0] =	wrdreg $0xFFFFFFFF;
	(pc) =	sbr.abs _section_cstart, $3  }
0xc3: {  	[dreg:$0x1] =	wrdreg $0xFFFFFFFF  }
0xc4: {  	_ =	task.clear_ibuf [dreg:s8], $0x2FFFF;
	_ =	strace $0x9FFFFFFF  }
0xc5: {  	(tm) =	ssettm $0x7FFFFFFF  }
tec
execute0_lowered:
.L_overlay_start_1:
0x0: {  	(tag) =	ssettag $0x1  }
0x1: {  	s0 =	rddreg [dreg:$0x0];
	s1 =	srdreg.scid  }
0x2: {  	s14 =	stileid.u32;
	s6 =	rddreg [dreg:$0x2]  }
0x3: {  	s3 =	rddreg [dreg:$0x3];
	s4 =	simm.s32 $0x0;
	s15 =	simm.s32 $0x2  }
0x4: {  	s18 =	simm.s32 $0x9F80;
	s19 =	simm.s32 $0x80;
	s20 =	simm.s32 $0xC680  }
0x5: {  	s21 =	simm.s32 $0xEE80;
	s22 =	simm.s32 $0xC700;
	s7 =	smul.u32 $0x500, s14  }
0x6: {  	s23 =	simm.s32 $0xEF00;
	s24 =	simm.s32 $0x1;
	s10 =	smul.u32 $0xA00, s14  }
0x7: {  	s1 =	sand.u32 $0x1, s1;
	s2 =	sshll.u32 s14, $0x1;
	s14 =	smul.u32 $0x5000, s14  }
0x8: {  	[smem:$0x7FF] =	sst s4;
	s2 =	sor.u32 s1, s2;
	s31 =	smul.u32 $0x2800, s1  }
0x9: {  	s8 =	sshll.u32 s1, $0x7;
	_ =	strace $0x80000047;
	s5 =	smul.u32 $0x500, s2  }
0xa: {  	s26 =	ssub.s32 $0x2, s1;
	s9 =	smul.u32 $0x2800, s2;
	s25 =	sor.u32 s8, s7  }
0xb: {  	s29 =	sshrl.u32 s26, $0x1;
	s30 =	sshrl.u32 s10, $0x2;
	s8 =	sadd.s32 $0x13740, s0  }
0xc: {  	p0 =	seq.s32 s2, $0x1F;
	s7 =	sshrl.u32 s25, $0x3;
	s13 =	ssub.s32 s26, s29  }
0xd: {  	s14 =	sadd.s32 s31, s14;
	s25 =	simm.s32 $0x20;
	s26 =	simm.s32 $0x0  }
0xe: {  	s11 =	sadd.s32 s5, s6;
	s28 =	sshrl.u32 s9, $0x3;
	s12 =	sadd.s32 s7, s6  }
0xf: {  	v0 =	vlaneseq.u32;
	s7 =	sadd.s32 $0x9B00, s0;
	s9 =	sadd.s32 s30, s3;
	s13 =	smax.u32 s13, $0x1  }
0x10: {  	v0 =	vand.u32 $0x7, v0;
	s5 =	sadd.s32 s0, s28;
	s10 =	sadd.s32 $0x4200, s11;
	s11 =	sadd.s32 $0xE200, s11  }
0x11: {  	v1 =	vimm.f32 $0.0e+00;
	v2 =	vor.u32 $0x2710, v0;
	s12 =	sadd.s32 $0x3800, s12;
	s0 =	simm.s32 $0x10;
	s6 =	sadd.s32 $0x9C40, s5  }
.LBB2_1:
0x12: {  	s1 =	rddreg [dreg:$0x1]  }
0x13: {  	[tilespmem:s4], [sflag:$0x2] =	stream.linear.gather [hbm4b:s1+s4], $0x2780, $0x38;
	[tilespmem:$0xF480] =	vst v63  }
0x14: {  	_ =	swait.ge [sflag:s15], $0x2780  }
0x15: {  	[sflag:s15] =	ssyncset.done $0x0  }
0x16: {  	s2 =	simm.s32 @p0 $0x2780;
	s1 =	simm.s32 @p0 $0x0;
	[sflag:s15] =	ssyncadd.s32 $0xFFFFD880  }
0x17: {  	[tilespmem:s2], [sflag:$0x2] =	stream.linear.gather @p0 [hbm4b:s7+s1], $0xA00, $0x38;
	[tilespmem:$0xF480] =	vst v63  }
0x18: {  	s2 =	simm.s32 @p0 $0x2  }
0x19: {  	_ =	swait.ge @p0 [sflag:s2], $0xA00  }
0x1a: {  	[sflag:s2] =	ssyncset.done @p0 $0x0  }
0x1b: {  	s16 =	simm.s32 @p0 $0x4F80;
	[sflag:s2] =	ssyncadd.s32 @p0 $0xFFFFF600  }
0x1c: {  	[tilespmem:s16], [sflag:$0x2] =	stream.linear.gather @p0 [hbm4b:s8+s1], $0xA00, $0x38;
	[tilespmem:$0xF480] =	vst v63  }
0x1d: {  	_ =	swait.ge @p0 [sflag:s2], $0xA00  }
0x1e: {  	[sflag:s2] =	ssyncset.done @p0 $0x0  }
0x1f: {  	s1 =	simm.s32 @!p0 $0x0;
	[sflag:s2] =	ssyncadd.s32 @p0 $0xFFFFF600;
	s2 =	simm.s32 @!p0 $0x2780  }
0x20: {  	[tilespmem:s2], [sflag:$0x2] =	stream.linear.gather @!p0 [hbm4b:s5+s1], $0x2800, $0x38;
	[tilespmem:$0xF480] =	vst v63  }
0x21: {  	s2 =	simm.s32 @!p0 $0x2  }
0x22: {  	_ =	swait.ge @!p0 [sflag:s2], $0x2800  }
0x23: {  	[sflag:s2] =	ssyncset.done @!p0 $0x0  }
0x24: {  	s16 =	simm.s32 @!p0 $0x4F80;
	[sflag:s2] =	ssyncadd.s32 @!p0 $0xFFFFD800  }
0x25: {  	[tilespmem:s16], [sflag:$0x2] =	stream.linear.gather @!p0 [hbm4b:s6+s1], $0x2800, $0x38;
	[tilespmem:$0xF480] =	vst v63  }
0x26: {  	_ =	swait.ge @!p0 [sflag:s2], $0x2800  }
0x27: {  	[sflag:s2] =	ssyncset.done @!p0 $0x0  }
0x28: {  	[sflag:s2] =	ssyncadd.s32 @!p0 $0xFFFFD800  }
0x29: {  	[tilespmem:$0xEF80] =	vst v1  }
0x2a: {  	[tilespmem:$0xEF90] =	vst v1  }
0x2b: {  	[tilespmem:$0xEFA0] =	vst v1  }
0x2c: {  	[tilespmem:$0xEFB0] =	vst v1  }
0x2d: {  	[tilespmem:$0xEFC0] =	vst v1  }
0x2e: {  	[tilespmem:$0xEFD0] =	vst v1  }
0x2f: {  	[tilespmem:$0xEFE0] =	vst v1  }
0x30: {  	[tilespmem:$0xEFF0] =	vst v1  }
0x31: {  	[tilespmem:$0xF000] =	vst v1  }
0x32: {  	[tilespmem:$0xF010] =	vst v1  }
0x33: {  	[tilespmem:$0xF020] =	vst v1  }
0x34: {  	[tilespmem:$0xF030] =	vst v1  }
0x35: {  	[tilespmem:$0xF040] =	vst v1  }
0x36: {  	[tilespmem:$0xF050] =	vst v1  }
0x37: {  	[tilespmem:$0xF060] =	vst v1  }
0x38: {  	[tilespmem:$0xF070] =	vst v1  }
0x39: {  	[tilespmem:$0xF080] =	vst v1  }
0x3a: {  	[tilespmem:$0xF090] =	vst v1  }
0x3b: {  	[tilespmem:$0xF0A0] =	vst v1  }
0x3c: {  	[tilespmem:$0xF0B0] =	vst v1  }
0x3d: {  	[tilespmem:$0xF0C0] =	vst v1  }
0x3e: {  	[tilespmem:$0xF0D0] =	vst v1  }
0x3f: {  	[tilespmem:$0xF0E0] =	vst v1  }
0x40: {  	[tilespmem:$0xF0F0] =	vst v1  }
0x41: {  	[tilespmem:$0xF100] =	vst v1  }
0x42: {  	[tilespmem:$0xF110] =	vst v1  }
0x43: {  	[tilespmem:$0xF120] =	vst v1  }
0x44: {  	[tilespmem:$0xF130] =	vst v1  }
0x45: {  	[tilespmem:$0xF140] =	vst v1  }
0x46: {  	[tilespmem:$0xF150] =	vst v1  }
0x47: {  	[tilespmem:$0xF160] =	vst v1  }
0x48: {  	[tilespmem:$0xF170] =	vst v1  }
0x49: {  	[tilespmem:$0xF180] =	vst v1  }
0x4a: {  	[tilespmem:$0xF190] =	vst v1  }
0x4b: {  	[tilespmem:$0xF1A0] =	vst v1  }
0x4c: {  	[tilespmem:$0xF1B0] =	vst v1  }
0x4d: {  	[tilespmem:$0xF1C0] =	vst v1  }
0x4e: {  	[tilespmem:$0xF1D0] =	vst v1  }
0x4f: {  	[tilespmem:$0xF1E0] =	vst v1  }
0x50: {  	s17 =	simm.s32 $0xEF80;
	[tilespmem:$0xF1F0] =	vst v1  }
0x51: {  	[spmem:s9] =	stream.linear.scatter [tilespmem:s17], [sflag:$0x2], $0x280, $0x38;
	[tilespmem:$0xF480] =	vst v63  }
0x52: {  	s28 =	simm.s32 $0x77C0;
	s29 =	simm.s32 $0x9FC0;
	_ =	swait.ge [sflag:s15], $0x280  }
0x53: {  	s30 =	simm.s32 $0xC7C0;
	s31 =	simm.s32 $0x27C0;
	[sflag:s15] =	ssyncset.done $0x0  }
0x54: {  	s1 =	simm.s32 $0x0;
	s2 =	simm.s32 $0x4FC0;
	[sflag:s15] =	ssyncadd.s32 $0xFFFFFD80  }
.LBB2_2:
0x55: {  	v3 =	vld [tilespmem:s31+$0xFFFFFFC0]  }
0x56: {  	v4 =	vld [tilespmem:s2+$0xFFFFFFC0];
	_ =	sdelay $0x1  }
0x57: {  	s16 =	sadd.s32 s1, s14  }
0x58: {  	p1 =	slt.u32 s16, $0x4E200  }
0x59: {  	v5 =	vpsel !p1, $0x0, v3  }
0x5a: {  	v6 =	vpsel !p1, $0x0, v4;
	_ =	sdelay $0x3  }
0x5b: {  	v5 =	vld.idx.msk [tilespmem:v5+s4+$0x0], $0xffff  }
0x5c: {  	v6 =	vld.idx.msk [tilespmem:v6+s4+$0x0], $0xffff;
	_ =	sdelay $0x4  }
0x5d: {  	v5 =	vsub.s32 v5, v6  }
0x5e: {  	v6 =	vsub.s32 $0x0, v5  }
0x5f: {  	v5 =	vmin.u32 v5, v6  }
0x60: {  	v6 =	vcvt.s32.f32 v5;
	_ =	sdelay $0x1  }
0x61: {  	v6 =	vadd.f32 $1.000000000e+00, v6;
	_ =	sdelay $0x1  }
0x62: {  	(erf) = vrcp.f32 v6;
	_ =	sdelay $0x4  }
0x63: {  	v5 =	vmul.u32 $0x2710, v5;
	_ =	sdelay $0x1  }
0x64: {  	v4 =	vadd.s32 v4, v5  }
0x65: {  	v4 =	vpsel p1, v4, v0  }
0x66: {  	v3 =	vpsel p1, v3, v2;
	[tilespmem:s28+$0xFFFFFFC0] =	vst v4;
	v34 =	vpop (erf)  }
0x67: {  	[tilespmem:s29+$0xFFFFFFC0] =	vst v3;
	v35 =	vpsel !p1, $0x0, v34  }
0x68: {  	[tilespmem:s30+$0xFFFFFFC0] =	vst v35  }
0x69: {  	v3 =	vld [tilespmem:s31+$0xFFFFFFD0]  }
0x6a: {  	v4 =	vld [tilespmem:s2+$0xFFFFFFD0];
	_ =	sdelay $0x1  }
0x6b: {  	s17 =	sadd.s32 $0x10, s16  }
0x6c: {  	p5 =	slt.u32 s17, $0x4E200  }
0x6d: {  	v36 =	vpsel !p5, $0x0, v3  }
0x6e: {  	v37 =	vpsel !p5, $0x0, v4;
	_ =	sdelay $0x3  }
0x6f: {  	v5 =	vld.idx.msk [tilespmem:v36+s4+$0x0], $0xffff  }
0x70: {  	v6 =	vld.idx.msk [tilespmem:v37+s4+$0x0], $0xffff;
	_ =	sdelay $0x4  }
0x71: {  	v5 =	vsub.s32 v5, v6  }
0x72: {  	v6 =	vsub.s32 $0x0, v5  }
0x73: {  	v5 =	vmin.u32 v5, v6  }
0x74: {  	v6 =	vcvt.s32.f32 v5;
	_ =	sdelay $0x1  }
0x75: {  	v6 =	vadd.f32 $1.000000000e+00, v6;
	_ =	sdelay $0x1  }
0x76: {  	(erf) = vrcp.f32 v6;
	_ =	sdelay $0x4  }
0x77: {  	v5 =	vmul.u32 $0x2710, v5;
	_ =	sdelay $0x1  }
0x78: {  	v4 =	vadd.s32 v4, v5  }
0x79: {  	v4 =	vpsel p5, v4, v0  }
0x7a: {  	v3 =	vpsel p5, v3, v2;
	[tilespmem:s28+$0xFFFFFFD0] =	vst v4;
	v38 =	vpop (erf)  }
0x7b: {  	[tilespmem:s29+$0xFFFFFFD0] =	vst v3;
	v39 =	vpsel !p5, $0x0, v38  }
0x7c: {  	[tilespmem:s30+$0xFFFFFFD0] =	vst v39  }
0x7d: {  	v3 =	vld [tilespmem:s31+$0xFFFFFFE0]  }
0x7e: {  	v4 =	vld [tilespmem:s2+$0xFFFFFFE0];
	_ =	sdelay $0x1  }
0x7f: {  	s17 =	sadd.s32 $0x20, s16  }
0x80: {  	p6 =	slt.u32 s17, $0x4E200  }
0x81: {  	v40 =	vpsel !p6, $0x0, v3  }
0x82: {  	v41 =	vpsel !p6, $0x0, v4;
	_ =	sdelay $0x3  }
0x83: {  	v5 =	vld.idx.msk [tilespmem:v40+s4+$0x0], $0xffff  }
0x84: {  	v6 =	vld.idx.msk [tilespmem:v41+s4+$0x0], $0xffff;
	_ =	sdelay $0x4  }
0x85: {  	v5 =	vsub.s32 v5, v6  }
0x86: {  	v6 =	vsub.s32 $0x0, v5  }
0x87: {  	v5 =	vmin.u32 v5, v6  }
0x88: {  	v6 =	vcvt.s32.f32 v5;
	_ =	sdelay $0x1  }
0x89: {  	v6 =	vadd.f32 $1.000000000e+00, v6;
	_ =	sdelay $0x1  }
0x8a: {  	(erf) = vrcp.f32 v6;
	_ =	sdelay $0x4  }
0x8b: {  	v5 =	vmul.u32 $0x2710, v5;
	_ =	sdelay $0x1  }
0x8c: {  	v4 =	vadd.s32 v4, v5  }
0x8d: {  	v4 =	vpsel p6, v4, v0  }
0x8e: {  	v3 =	vpsel p6, v3, v2;
	[tilespmem:s28+$0xFFFFFFE0] =	vst v4;
	v42 =	vpop (erf)  }
0x8f: {  	[tilespmem:s29+$0xFFFFFFE0] =	vst v3;
	v43 =	vpsel !p6, $0x0, v42  }
0x90: {  	[tilespmem:s30+$0xFFFFFFE0] =	vst v43  }
0x91: {  	v3 =	vld [tilespmem:s31+$0xFFFFFFF0]  }
0x92: {  	v4 =	vld [tilespmem:s2+$0xFFFFFFF0];
	_ =	sdelay $0x1  }
0x93: {  	s17 =	sadd.s32 $0x30, s16  }
0x94: {  	p2 =	slt.u32 s17, $0x4E200  }
0x95: {  	v44 =	vpsel !p2, $0x0, v3  }
0x96: {  	v45 =	vpsel !p2, $0x0, v4;
	_ =	sdelay $0x3  }
0x97: {  	v5 =	vld.idx.msk [tilespmem:v44+s4+$0x0], $0xffff  }
0x98: {  	v6 =	vld.idx.msk [tilespmem:v45+s4+$0x0], $0xffff;
	_ =	sdelay $0x4  }
0x99: {  	v5 =	vsub.s32 v5, v6  }
0x9a: {  	v6 =	vsub.s32 $0x0, v5  }
0x9b: {  	v5 =	vmin.u32 v5, v6  }
0x9c: {  	v6 =	vcvt.s32.f32 v5;
	_ =	sdelay $0x1  }
0x9d: {  	v6 =	vadd.f32 $1.000000000e+00, v6;
	_ =	sdelay $0x1  }
0x9e: {  	(erf) = vrcp.f32 v6;
	_ =	sdelay $0x4  }
0x9f: {  	v5 =	vmul.u32 $0x2710, v5;
	_ =	sdelay $0x1  }
0xa0: {  	v4 =	vadd.s32 v4, v5  }
0xa1: {  	v4 =	vpsel p2, v4, v0  }
0xa2: {  	v3 =	vpsel p2, v3, v2;
	[tilespmem:s28+$0xFFFFFFF0] =	vst v4;
	v46 =	vpop (erf)  }
0xa3: {  	[tilespmem:s29+$0xFFFFFFF0] =	vst v3;
	v47 =	vpsel !p2, $0x0, v46  }
0xa4: {  	[tilespmem:s30+$0xFFFFFFF0] =	vst v47  }
0xa5: {  	v3 =	vld [tilespmem:s31+$0x0]  }
0xa6: {  	v4 =	vld [tilespmem:s2+$0x0];
	_ =	sdelay $0x1  }
0xa7: {  	s17 =	sadd.s32 $0x40, s16  }
0xa8: {  	p3 =	slt.u32 s17, $0x4E200  }
0xa9: {  	v48 =	vpsel !p3, $0x0, v3  }
0xaa: {  	v49 =	vpsel !p3, $0x0, v4;
	_ =	sdelay $0x3  }
0xab: {  	v5 =	vld.idx.msk [tilespmem:v48+s4+$0x0], $0xffff  }
0xac: {  	v6 =	vld.idx.msk [tilespmem:v49+s4+$0x0], $0xffff;
	_ =	sdelay $0x4  }
0xad: {  	v5 =	vsub.s32 v5, v6  }
0xae: {  	v6 =	vsub.s32 $0x0, v5  }
0xaf: {  	v5 =	vmin.u32 v5, v6  }
0xb0: {  	v6 =	vcvt.s32.f32 v5;
	_ =	sdelay $0x1  }
0xb1: {  	v6 =	vadd.f32 $1.000000000e+00, v6;
	_ =	sdelay $0x1  }
0xb2: {  	(erf) = vrcp.f32 v6;
	_ =	sdelay $0x4  }
0xb3: {  	v5 =	vmul.u32 $0x2710, v5;
	_ =	sdelay $0x1  }
0xb4: {  	v4 =	vadd.s32 v4, v5  }
0xb5: {  	v4 =	vpsel p3, v4, v0  }
0xb6: {  	v3 =	vpsel p3, v3, v2;
	[tilespmem:s28+$0x0] =	vst v4;
	v50 =	vpop (erf)  }
0xb7: {  	[tilespmem:s29+$0x0] =	vst v3;
	v51 =	vpsel !p3, $0x0, v50  }
0xb8: {  	[tilespmem:s30+$0x0] =	vst v51  }
0xb9: {  	v3 =	vld [tilespmem:s31+$0x10]  }
0xba: {  	v4 =	vld [tilespmem:s2+$0x10];
	_ =	sdelay $0x1  }
0xbb: {  	s17 =	sadd.s32 $0x50, s16  }
0xbc: {  	p4 =	slt.u32 s17, $0x4E200  }
0xbd: {  	v52 =	vpsel !p4, $0x0, v3  }
0xbe: {  	v53 =	vpsel !p4, $0x0, v4;
	_ =	sdelay $0x3  }
0xbf: {  	v5 =	vld.idx.msk [tilespmem:v52+s4+$0x0], $0xffff  }
0xc0: {  	v6 =	vld.idx.msk [tilespmem:v53+s4+$0x0], $0xffff;
	_ =	sdelay $0x4  }
0xc1: {  	v5 =	vsub.s32 v5, v6  }
0xc2: {  	v6 =	vsub.s32 $0x0, v5  }
0xc3: {  	v5 =	vmin.u32 v5, v6  }
0xc4: {  	v6 =	vcvt.s32.f32 v5;
	_ =	sdelay $0x1  }
0xc5: {  	v6 =	vadd.f32 $1.000000000e+00, v6;
	_ =	sdelay $0x1  }
0xc6: {  	(erf) = vrcp.f32 v6;
	_ =	sdelay $0x4  }
0xc7: {  	v5 =	vmul.u32 $0x2710, v5;
	_ =	sdelay $0x1  }
0xc8: {  	v4 =	vadd.s32 v4, v5  }
0xc9: {  	v4 =	vpsel p4, v4, v0  }
0xca: {  	v3 =	vpsel p4, v3, v2;
	[tilespmem:s28+$0x10] =	vst v4;
	v54 =	vpop (erf)  }
0xcb: {  	[tilespmem:s29+$0x10] =	vst v3;
	v55 =	vpsel !p4, $0x0, v54  }
0xcc: {  	[tilespmem:s30+$0x10] =	vst v55  }
0xcd: {  	v3 =	vld [tilespmem:s31+$0x20]  }
0xce: {  	v4 =	vld [tilespmem:s2+$0x20];
	_ =	sdelay $0x1  }
0xcf: {  	s17 =	sadd.s32 $0x60, s16  }
0xd0: {  	p5 =	slt.u32 s17, $0x4E200  }
0xd1: {  	v56 =	vpsel !p5, $0x0, v3  }
0xd2: {  	v57 =	vpsel !p5, $0x0, v4;
	_ =	sdelay $0x3  }
0xd3: {  	v5 =	vld.idx.msk [tilespmem:v56+s4+$0x0], $0xffff  }
0xd4: {  	v6 =	vld.idx.msk [tilespmem:v57+s4+$0x0], $0xffff;
	_ =	sdelay $0x4  }
0xd5: {  	v5 =	vsub.s32 v5, v6  }
0xd6: {  	v6 =	vsub.s32 $0x0, v5  }
0xd7: {  	v5 =	vmin.u32 v5, v6  }
0xd8: {  	v6 =	vcvt.s32.f32 v5;
	_ =	sdelay $0x1  }
0xd9: {  	v6 =	vadd.f32 $1.000000000e+00, v6;
	_ =	sdelay $0x1  }
0xda: {  	(erf) = vrcp.f32 v6;
	_ =	sdelay $0x4  }
0xdb: {  	v5 =	vmul.u32 $0x2710, v5;
	_ =	sdelay $0x1  }
0xdc: {  	v4 =	vadd.s32 v4, v5  }
0xdd: {  	v4 =	vpsel p5, v4, v0  }
0xde: {  	v3 =	vpsel p5, v3, v2;
	[tilespmem:s28+$0x20] =	vst v4;
	v58 =	vpop (erf)  }
0xdf: {  	[tilespmem:s29+$0x20] =	vst v3;
	v59 =	vpsel !p5, $0x0, v58  }
0xe0: {  	[tilespmem:s30+$0x20] =	vst v59  }
0xe1: {  	v3 =	vld [tilespmem:s31+$0x30]  }
0xe2: {  	v4 =	vld [tilespmem:s2+$0x30];
	_ =	sdelay $0x1  }
0xe3: {  	s16 =	sadd.s32 $0x70, s16  }
0xe4: {  	p6 =	slt.u32 s16, $0x4E200  }
0xe5: {  	v60 =	vpsel !p6, $0x0, v3  }
0xe6: {  	v61 =	vpsel !p6, $0x0, v4;
	_ =	sdelay $0x3  }
0xe7: {  	v5 =	vld.idx.msk [tilespmem:v60+s4+$0x0], $0xffff  }
0xe8: {  	v6 =	vld.idx.msk [tilespmem:v61+s4+$0x0], $0xffff;
	_ =	sdelay $0x4  }
0xe9: {  	v5 =	vsub.s32 v5, v6  }
0xea: {  	v6 =	vsub.s32 $0x0, v5  }
0xeb: {  	v5 =	vmin.u32 v5, v6  }
0xec: {  	v6 =	vcvt.s32.f32 v5;
	_ =	sdelay $0x1  }
0xed: {  	v6 =	vadd.f32 $1.000000000e+00, v6;
	_ =	sdelay $0x1  }
0xee: {  	(erf) = vrcp.f32 v6;
	_ =	sdelay $0x4  }
0xef: {  	v5 =	vmul.u32 $0x2710, v5  }
0xf0: {  	p1 =	sne.s32 s1, $0x2780  }
.Ltmp0:
0xf1: {  	v4 =	vadd.s32 v4, v5;
	(pc) =	sbr.rel @p1 .LBB2_2-.Ltmp0, $4  }
0xf2: {  	v4 =	vpsel p6, v4, v0  }
0xf3: {  	v3 =	vpsel p6, v3, v2;
	[tilespmem:s28+$0x30] =	vst v4;
	v62 =	vpop (erf)  }
0xf4: {  	s1 =	sadd.s32 $0x80, s1;
	s31 =	sadd.s32 $0x80, s31;
	s2 =	sadd.s32 $0x80, s2;
	[tilespmem:s29+$0x30] =	vst v3;
	v63 =	vpsel !p6, $0x0, v62  }
0xf5: {  	s28 =	sadd.s32 $0x80, s28;
	s29 =	sadd.s32 $0x80, s29;
	[tilespmem:s30+$0x30] =	vst v63;
	s30 =	sadd.s32 $0x80, s30  }
0xf6: {  	s1 =	simm.s32 $0x7780  }
0xf7: {  	[hbm4b:s10+s4] =	stream.linear.scatter [tilespmem:s1], [sflag:$0x2], $0x2800, $0x38;
	[tilespmem:$0xF480] =	vst v63  }
0xf8: {  	_ =	swait.ge [sflag:s15], $0x2800  }
0xf9: {  	[sflag:s15] =	ssyncset.done $0x0  }
0xfa: {  	[sflag:s15] =	ssyncadd.s32 $0xFFFFD800  }
0xfb: {  	[hbm4b:s11+s4] =	stream.linear.scatter [tilespmem:s18], [sflag:$0x2], $0x2800, $0x38;
	[tilespmem:$0xF480] =	vst v63  }
0xfc: {  	_ =	swait.ge [sflag:s15], $0x2800  }
0xfd: {  	[sflag:s15] =	ssyncset.done $0x0  }
0xfe: {  	[sflag:s15] =	ssyncadd.s32 $0xFFFFD800  }
0xff: {  	s16 =	simm.s32 $0xC780;
	[bflag:$0x0] =	sbarrier.arrive $0xFFFF  }
0x100: {  	[spmem:s3] =	stream.indirect.scatter.add.f32 [tilespmem:s16], [sflag:$0x1], $0x1, s18, s19, $0xb8;
	[tilespmem:$0xF480] =	vst v63  }
0x101: {  	s17 =	simm.s32 $0xA000;
	s2 =	simm.s32 $0xC800  }
0x102: {  	[spmem:s3] =	stream.indirect.scatter.add.f32 [tilespmem:s2], [sflag:$0x1], $0x1, s17, s19, $0xb8;
	[tilespmem:$0xF480] =	vst v63  }
0x103: {  	s28 =	simm.s32 $0xA080;
	s29 =	simm.s32 $0xC880  }
0x104: {  	[spmem:s3] =	stream.indirect.scatter.add.f32 [tilespmem:s29], [sflag:$0x1], $0x1, s28, s19, $0xb8;
	[tilespmem:$0xF480] =	vst v63  }
0x105: {  	s30 =	simm.s32 $0xA100;
	s31 =	simm.s32 $0xC900  }
0x106: {  	[spmem:s3] =	stream.indirect.scatter.add.f32 [tilespmem:s31], [sflag:$0x1], $0x1, s30, s19, $0xb8;
	[tilespmem:$0xF480] =	vst v63  }
0x107: {  	s16 =	simm.s32 $0xA180;
	s17 =	simm.s32 $0xC980  }
0x108: {  	[spmem:s3] =	stream.indirect.scatter.add.f32 [tilespmem:s17], [sflag:$0x1], $0x1, s16, s19, $0xb8;
	[tilespmem:$0xF480] =	vst v63  }
0x109: {  	s28 =	simm.s32 $0xA200;
	s29 =	simm.s32 $0xCA00  }
0x10a: {  	[spmem:s3] =	stream.indirect.scatter.add.f32 [tilespmem:s29], [sflag:$0x1], $0x1, s28, s19, $0xb8;
	[tilespmem:$0xF480] =	vst v63  }
0x10b: {  	s30 =	simm.s32 $0xA280;
	s31 =	simm.s32 $0xCA80  }
0x10c: {  	[spmem:s3] =	stream.indirect.scatter.add.f32 [tilespmem:s31], [sflag:$0x1], $0x1, s30, s19, $0xb8;
	[tilespmem:$0xF480] =	vst v63  }
0x10d: {  	s16 =	simm.s32 $0xA300;
	s17 =	simm.s32 $0xCB00  }
0x10e: {  	[spmem:s3] =	stream.indirect.scatter.add.f32 [tilespmem:s17], [sflag:$0x1], $0x1, s16, s19, $0xb8;
	[tilespmem:$0xF480] =	vst v63  }
0x10f: {  	s28 =	simm.s32 $0xA380;
	s29 =	simm.s32 $0xCB80  }
0x110: {  	[spmem:s3] =	stream.indirect.scatter.add.f32 [tilespmem:s29], [sflag:$0x1], $0x1, s28, s19, $0xb8;
	[tilespmem:$0xF480] =	vst v63  }
0x111: {  	s30 =	simm.s32 $0xA400;
	s31 =	simm.s32 $0xCC00  }
0x112: {  	[spmem:s3] =	stream.indirect.scatter.add.f32 [tilespmem:s31], [sflag:$0x1], $0x1, s30, s19, $0xb8;
	[tilespmem:$0xF480] =	vst v63  }
0x113: {  	s16 =	simm.s32 $0xA480;
	s17 =	simm.s32 $0xCC80  }
0x114: {  	[spmem:s3] =	stream.indirect.scatter.add.f32 [tilespmem:s17], [sflag:$0x1], $0x1, s16, s19, $0xb8;
	[tilespmem:$0xF480] =	vst v63  }
0x115: {  	s28 =	simm.s32 $0xA500;
	s29 =	simm.s32 $0xCD00  }
0x116: {  	[spmem:s3] =	stream.indirect.scatter.add.f32 [tilespmem:s29], [sflag:$0x1], $0x1, s28, s19, $0xb8;
	[tilespmem:$0xF480] =	vst v63  }
0x117: {  	s30 =	simm.s32 $0xA580;
	s31 =	simm.s32 $0xCD80  }
0x118: {  	[spmem:s3] =	stream.indirect.scatter.add.f32 [tilespmem:s31], [sflag:$0x1], $0x1, s30, s19, $0xb8;
	[tilespmem:$0xF480] =	vst v63  }
0x119: {  	s16 =	simm.s32 $0xA600;
	s17 =	simm.s32 $0xCE00  }
0x11a: {  	[spmem:s3] =	stream.indirect.scatter.add.f32 [tilespmem:s17], [sflag:$0x1], $0x1, s16, s19, $0xb8;
	[tilespmem:$0xF480] =	vst v63  }
0x11b: {  	s28 =	simm.s32 $0xA680;
	s29 =	simm.s32 $0xCE80  }
0x11c: {  	[spmem:s3] =	stream.indirect.scatter.add.f32 [tilespmem:s29], [sflag:$0x1], $0x1, s28, s19, $0xb8;
	[tilespmem:$0xF480] =	vst v63  }
0x11d: {  	s30 =	simm.s32 $0xA700;
	s31 =	simm.s32 $0xCF00  }
0x11e: {  	[spmem:s3] =	stream.indirect.scatter.add.f32 [tilespmem:s31], [sflag:$0x1], $0x1, s30, s19, $0xb8;
	[tilespmem:$0xF480] =	vst v63  }
0x11f: {  	s16 =	simm.s32 $0xA780;
	s17 =	simm.s32 $0xCF80  }
0x120: {  	[spmem:s3] =	stream.indirect.scatter.add.f32 [tilespmem:s17], [sflag:$0x1], $0x1, s16, s19, $0xb8;
	[tilespmem:$0xF480] =	vst v63  }
0x121: {  	s28 =	simm.s32 $0xA800;
	s29 =	simm.s32 $0xD000  }
0x122: {  	[spmem:s3] =	stream.indirect.scatter.add.f32 [tilespmem:s29], [sflag:$0x1], $0x1, s28, s19, $0xb8;
	[tilespmem:$0xF480] =	vst v63  }
0x123: {  	s30 =	simm.s32 $0xA880;
	s31 =	simm.s32 $0xD080  }
0x124: {  	[spmem:s3] =	stream.indirect.scatter.add.f32 [tilespmem:s31], [sflag:$0x1], $0x1, s30, s19, $0xb8;
	[tilespmem:$0xF480] =	vst v63  }
0x125: {  	s16 =	simm.s32 $0xA900;
	s17 =	simm.s32 $0xD100  }
0x126: {  	[spmem:s3] =	stream.indirect.scatter.add.f32 [tilespmem:s17], [sflag:$0x1], $0x1, s16, s19, $0xb8;
	[tilespmem:$0xF480] =	vst v63  }
0x127: {  	s28 =	simm.s32 $0xA980;
	s29 =	simm.s32 $0xD180  }
0x128: {  	[spmem:s3] =	stream.indirect.scatter.add.f32 [tilespmem:s29], [sflag:$0x1], $0x1, s28, s19, $0xb8;
	[tilespmem:$0xF480] =	vst v63  }
0x129: {  	s30 =	simm.s32 $0xAA00;
	s31 =	simm.s32 $0xD200  }
0x12a: {  	[spmem:s3] =	stream.indirect.scatter.add.f32 [tilespmem:s31], [sflag:$0x1], $0x1, s30, s19, $0xb8;
	[tilespmem:$0xF480] =	vst v63  }
0x12b: {  	s16 =	simm.s32 $0xAA80;
	s17 =	simm.s32 $0xD280  }
0x12c: {  	[spmem:s3] =	stream.indirect.scatter.add.f32 [tilespmem:s17], [sflag:$0x1], $0x1, s16, s19, $0xb8;
	[tilespmem:$0xF480] =	vst v63  }
0x12d: {  	s28 =	simm.s32 $0xAB00;
	s29 =	simm.s32 $0xD300  }
0x12e: {  	[spmem:s3] =	stream.indirect.scatter.add.f32 [tilespmem:s29], [sflag:$0x1], $0x1, s28, s19, $0xb8;
	[tilespmem:$0xF480] =	vst v63  }
0x12f: {  	s30 =	simm.s32 $0xAB80;
	s31 =	simm.s32 $0xD380  }
0x130: {  	[spmem:s3] =	stream.indirect.scatter.add.f32 [tilespmem:s31], [sflag:$0x1], $0x1, s30, s19, $0xb8;
	[tilespmem:$0xF480] =	vst v63  }
0x131: {  	s16 =	simm.s32 $0xAC00;
	s17 =	simm.s32 $0xD400  }
0x132: {  	[spmem:s3] =	stream.indirect.scatter.add.f32 [tilespmem:s17], [sflag:$0x1], $0x1, s16, s19, $0xb8;
	[tilespmem:$0xF480] =	vst v63  }
0x133: {  	s28 =	simm.s32 $0xAC80;
	s29 =	simm.s32 $0xD480  }
0x134: {  	[spmem:s3] =	stream.indirect.scatter.add.f32 [tilespmem:s29], [sflag:$0x1], $0x1, s28, s19, $0xb8;
	[tilespmem:$0xF480] =	vst v63  }
0x135: {  	s30 =	simm.s32 $0xAD00;
	s31 =	simm.s32 $0xD500  }
0x136: {  	[spmem:s3] =	stream.indirect.scatter.add.f32 [tilespmem:s31], [sflag:$0x1], $0x1, s30, s19, $0xb8;
	[tilespmem:$0xF480] =	vst v63  }
0x137: {  	s16 =	simm.s32 $0xAD80;
	s17 =	simm.s32 $0xD580  }
0x138: {  	[spmem:s3] =	stream.indirect.scatter.add.f32 [tilespmem:s17], [sflag:$0x1], $0x1, s16, s19, $0xb8;
	[tilespmem:$0xF480] =	vst v63  }
0x139: {  	s28 =	simm.s32 $0xAE00;
	s29 =	simm.s32 $0xD600  }
0x13a: {  	[spmem:s3] =	stream.indirect.scatter.add.f32 [tilespmem:s29], [sflag:$0x1], $0x1, s28, s19, $0xb8;
	[tilespmem:$0xF480] =	vst v63  }
0x13b: {  	s30 =	simm.s32 $0xAE80;
	s31 =	simm.s32 $0xD680  }
0x13c: {  	[spmem:s3] =	stream.indirect.scatter.add.f32 [tilespmem:s31], [sflag:$0x1], $0x1, s30, s19, $0xb8;
	[tilespmem:$0xF480] =	vst v63  }
0x13d: {  	s16 =	simm.s32 $0xAF00;
	s17 =	simm.s32 $0xD700  }
0x13e: {  	[spmem:s3] =	stream.indirect.scatter.add.f32 [tilespmem:s17], [sflag:$0x1], $0x1, s16, s19, $0xb8;
	[tilespmem:$0xF480] =	vst v63  }
0x13f: {  	s28 =	simm.s32 $0xAF80;
	s29 =	simm.s32 $0xD780  }
0x140: {  	[spmem:s3] =	stream.indirect.scatter.add.f32 [tilespmem:s29], [sflag:$0x1], $0x1, s28, s19, $0xb8;
	[tilespmem:$0xF480] =	vst v63  }
0x141: {  	s30 =	simm.s32 $0xB000;
	s31 =	simm.s32 $0xD800  }
0x142: {  	[spmem:s3] =	stream.indirect.scatter.add.f32 [tilespmem:s31], [sflag:$0x1], $0x1, s30, s19, $0xb8;
	[tilespmem:$0xF480] =	vst v63  }
0x143: {  	s16 =	simm.s32 $0xB080;
	s17 =	simm.s32 $0xD880  }
0x144: {  	[spmem:s3] =	stream.indirect.scatter.add.f32 [tilespmem:s17], [sflag:$0x1], $0x1, s16, s19, $0xb8;
	[tilespmem:$0xF480] =	vst v63  }
0x145: {  	s28 =	simm.s32 $0xB100;
	s29 =	simm.s32 $0xD900  }
0x146: {  	[spmem:s3] =	stream.indirect.scatter.add.f32 [tilespmem:s29], [sflag:$0x1], $0x1, s28, s19, $0xb8;
	[tilespmem:$0xF480] =	vst v63  }
0x147: {  	s30 =	simm.s32 $0xB180;
	s31 =	simm.s32 $0xD980  }
0x148: {  	[spmem:s3] =	stream.indirect.scatter.add.f32 [tilespmem:s31], [sflag:$0x1], $0x1, s30, s19, $0xb8;
	[tilespmem:$0xF480] =	vst v63  }
0x149: {  	s16 =	simm.s32 $0xB200;
	s17 =	simm.s32 $0xDA00  }
0x14a: {  	[spmem:s3] =	stream.indirect.scatter.add.f32 [tilespmem:s17], [sflag:$0x1], $0x1, s16, s19, $0xb8;
	[tilespmem:$0xF480] =	vst v63  }
0x14b: {  	s28 =	simm.s32 $0xB280;
	s29 =	simm.s32 $0xDA80  }
0x14c: {  	[spmem:s3] =	stream.indirect.scatter.add.f32 [tilespmem:s29], [sflag:$0x1], $0x1, s28, s19, $0xb8;
	[tilespmem:$0xF480] =	vst v63  }
0x14d: {  	s30 =	simm.s32 $0xB300;
	s31 =	simm.s32 $0xDB00  }
0x14e: {  	[spmem:s3] =	stream.indirect.scatter.add.f32 [tilespmem:s31], [sflag:$0x1], $0x1, s30, s19, $0xb8;
	[tilespmem:$0xF480] =	vst v63  }
0x14f: {  	s16 =	simm.s32 $0xB380;
	s17 =	simm.s32 $0xDB80  }
0x150: {  	[spmem:s3] =	stream.indirect.scatter.add.f32 [tilespmem:s17], [sflag:$0x1], $0x1, s16, s19, $0xb8;
	[tilespmem:$0xF480] =	vst v63  }
0x151: {  	s28 =	simm.s32 $0xB400;
	s29 =	simm.s32 $0xDC00  }
0x152: {  	[spmem:s3] =	stream.indirect.scatter.add.f32 [tilespmem:s29], [sflag:$0x1], $0x1, s28, s19, $0xb8;
	[tilespmem:$0xF480] =	vst v63  }
0x153: {  	s30 =	simm.s32 $0xB480;
	s31 =	simm.s32 $0xDC80  }
0x154: {  	[spmem:s3] =	stream.indirect.scatter.add.f32 [tilespmem:s31], [sflag:$0x1], $0x1, s30, s19, $0xb8;
	[tilespmem:$0xF480] =	vst v63  }
0x155: {  	s16 =	simm.s32 $0xB500;
	s17 =	simm.s32 $0xDD00  }
0x156: {  	[spmem:s3] =	stream.indirect.scatter.add.f32 [tilespmem:s17], [sflag:$0x1], $0x1, s16, s19, $0xb8;
	[tilespmem:$0xF480] =	vst v63  }
0x157: {  	s28 =	simm.s32 $0xB580;
	s29 =	simm.s32 $0xDD80  }
0x158: {  	[spmem:s3] =	stream.indirect.scatter.add.f32 [tilespmem:s29], [sflag:$0x1], $0x1, s28, s19, $0xb8;
	[tilespmem:$0xF480] =	vst v63  }
0x159: {  	s30 =	simm.s32 $0xB600;
	s31 =	simm.s32 $0xDE00  }
0x15a: {  	[spmem:s3] =	stream.indirect.scatter.add.f32 [tilespmem:s31], [sflag:$0x1], $0x1, s30, s19, $0xb8;
	[tilespmem:$0xF480] =	vst v63  }
0x15b: {  	s16 =	simm.s32 $0xB680;
	s17 =	simm.s32 $0xDE80  }
0x15c: {  	[spmem:s3] =	stream.indirect.scatter.add.f32 [tilespmem:s17], [sflag:$0x1], $0x1, s16, s19, $0xb8;
	[tilespmem:$0xF480] =	vst v63  }
0x15d: {  	s28 =	simm.s32 $0xB700;
	s29 =	simm.s32 $0xDF00  }
0x15e: {  	[spmem:s3] =	stream.indirect.scatter.add.f32 [tilespmem:s29], [sflag:$0x1], $0x1, s28, s19, $0xb8;
	[tilespmem:$0xF480] =	vst v63  }
0x15f: {  	s30 =	simm.s32 $0xB780;
	s31 =	simm.s32 $0xDF80  }
0x160: {  	[spmem:s3] =	stream.indirect.scatter.add.f32 [tilespmem:s31], [sflag:$0x1], $0x1, s30, s19, $0xb8;
	[tilespmem:$0xF480] =	vst v63  }
0x161: {  	s16 =	simm.s32 $0xB800;
	s17 =	simm.s32 $0xE000  }
0x162: {  	[spmem:s3] =	stream.indirect.scatter.add.f32 [tilespmem:s17], [sflag:$0x1], $0x1, s16, s19, $0xb8;
	[tilespmem:$0xF480] =	vst v63  }
0x163: {  	s28 =	simm.s32 $0xB880;
	s29 =	simm.s32 $0xE080  }
0x164: {  	[spmem:s3] =	stream.indirect.scatter.add.f32 [tilespmem:s29], [sflag:$0x1], $0x1, s28, s19, $0xb8;
	[tilespmem:$0xF480] =	vst v63  }
0x165: {  	s30 =	simm.s32 $0xB900;
	s31 =	simm.s32 $0xE100  }
0x166: {  	[spmem:s3] =	stream.indirect.scatter.add.f32 [tilespmem:s31], [sflag:$0x1], $0x1, s30, s19, $0xb8;
	[tilespmem:$0xF480] =	vst v63  }
0x167: {  	s16 =	simm.s32 $0xB980;
	s17 =	simm.s32 $0xE180  }
0x168: {  	[spmem:s3] =	stream.indirect.scatter.add.f32 [tilespmem:s17], [sflag:$0x1], $0x1, s16, s19, $0xb8;
	[tilespmem:$0xF480] =	vst v63  }
0x169: {  	s28 =	simm.s32 $0xBA00;
	s29 =	simm.s32 $0xE200  }
0x16a: {  	[spmem:s3] =	stream.indirect.scatter.add.f32 [tilespmem:s29], [sflag:$0x1], $0x1, s28, s19, $0xb8;
	[tilespmem:$0xF480] =	vst v63  }
0x16b: {  	s30 =	simm.s32 $0xBA80;
	s31 =	simm.s32 $0xE280  }
0x16c: {  	[spmem:s3] =	stream.indirect.scatter.add.f32 [tilespmem:s31], [sflag:$0x1], $0x1, s30, s19, $0xb8;
	[tilespmem:$0xF480] =	vst v63  }
0x16d: {  	s16 =	simm.s32 $0xBB00;
	s17 =	simm.s32 $0xE300  }
0x16e: {  	[spmem:s3] =	stream.indirect.scatter.add.f32 [tilespmem:s17], [sflag:$0x1], $0x1, s16, s19, $0xb8;
	[tilespmem:$0xF480] =	vst v63  }
0x16f: {  	s28 =	simm.s32 $0xBB80;
	s29 =	simm.s32 $0xE380  }
0x170: {  	[spmem:s3] =	stream.indirect.scatter.add.f32 [tilespmem:s29], [sflag:$0x1], $0x1, s28, s19, $0xb8;
	[tilespmem:$0xF480] =	vst v63  }
0x171: {  	s30 =	simm.s32 $0xBC00;
	s31 =	simm.s32 $0xE400  }
0x172: {  	[spmem:s3] =	stream.indirect.scatter.add.f32 [tilespmem:s31], [sflag:$0x1], $0x1, s30, s19, $0xb8;
	[tilespmem:$0xF480] =	vst v63  }
0x173: {  	s16 =	simm.s32 $0xBC80;
	s17 =	simm.s32 $0xE480  }
0x174: {  	[spmem:s3] =	stream.indirect.scatter.add.f32 [tilespmem:s17], [sflag:$0x1], $0x1, s16, s19, $0xb8;
	[tilespmem:$0xF480] =	vst v63  }
0x175: {  	s28 =	simm.s32 $0xBD00;
	s29 =	simm.s32 $0xE500  }
0x176: {  	[spmem:s3] =	stream.indirect.scatter.add.f32 [tilespmem:s29], [sflag:$0x1], $0x1, s28, s19, $0xb8;
	[tilespmem:$0xF480] =	vst v63  }
0x177: {  	s30 =	simm.s32 $0xBD80;
	s31 =	simm.s32 $0xE580  }
0x178: {  	[spmem:s3] =	stream.indirect.scatter.add.f32 [tilespmem:s31], [sflag:$0x1], $0x1, s30, s19, $0xb8;
	[tilespmem:$0xF480] =	vst v63  }
0x179: {  	s16 =	simm.s32 $0xBE00;
	s17 =	simm.s32 $0xE600  }
0x17a: {  	[spmem:s3] =	stream.indirect.scatter.add.f32 [tilespmem:s17], [sflag:$0x1], $0x1, s16, s19, $0xb8;
	[tilespmem:$0xF480] =	vst v63  }
0x17b: {  	s28 =	simm.s32 $0xBE80;
	s29 =	simm.s32 $0xE680  }
0x17c: {  	[spmem:s3] =	stream.indirect.scatter.add.f32 [tilespmem:s29], [sflag:$0x1], $0x1, s28, s19, $0xb8;
	[tilespmem:$0xF480] =	vst v63  }
0x17d: {  	s30 =	simm.s32 $0xBF00;
	s31 =	simm.s32 $0xE700  }
0x17e: {  	[spmem:s3] =	stream.indirect.scatter.add.f32 [tilespmem:s31], [sflag:$0x1], $0x1, s30, s19, $0xb8;
	[tilespmem:$0xF480] =	vst v63  }
0x17f: {  	s16 =	simm.s32 $0xBF80;
	s17 =	simm.s32 $0xE780  }
0x180: {  	[spmem:s3] =	stream.indirect.scatter.add.f32 [tilespmem:s17], [sflag:$0x1], $0x1, s16, s19, $0xb8;
	[tilespmem:$0xF480] =	vst v63  }
0x181: {  	s28 =	simm.s32 $0xC000;
	s29 =	simm.s32 $0xE800  }
0x182: {  	[spmem:s3] =	stream.indirect.scatter.add.f32 [tilespmem:s29], [sflag:$0x1], $0x1, s28, s19, $0xb8;
	[tilespmem:$0xF480] =	vst v63  }
0x183: {  	s30 =	simm.s32 $0xC080;
	s31 =	simm.s32 $0xE880  }
0x184: {  	[spmem:s3] =	stream.indirect.scatter.add.f32 [tilespmem:s31], [sflag:$0x1], $0x1, s30, s19, $0xb8;
	[tilespmem:$0xF480] =	vst v63  }
0x185: {  	s16 =	simm.s32 $0xC100;
	s17 =	simm.s32 $0xE900  }
0x186: {  	[spmem:s3] =	stream.indirect.scatter.add.f32 [tilespmem:s17], [sflag:$0x1], $0x1, s16, s19, $0xb8;
	[tilespmem:$0xF480] =	vst v63  }
0x187: {  	s28 =	simm.s32 $0xC180;
	s29 =	simm.s32 $0xE980  }
0x188: {  	[spmem:s3] =	stream.indirect.scatter.add.f32 [tilespmem:s29], [sflag:$0x1], $0x1, s28, s19, $0xb8;
	[tilespmem:$0xF480] =	vst v63  }
0x189: {  	s30 =	simm.s32 $0xC200;
	s31 =	simm.s32 $0xEA00  }
0x18a: {  	[spmem:s3] =	stream.indirect.scatter.add.f32 [tilespmem:s31], [sflag:$0x1], $0x1, s30, s19, $0xb8;
	[tilespmem:$0xF480] =	vst v63  }
0x18b: {  	s16 =	simm.s32 $0xC280;
	s17 =	simm.s32 $0xEA80  }
0x18c: {  	[spmem:s3] =	stream.indirect.scatter.add.f32 [tilespmem:s17], [sflag:$0x1], $0x1, s16, s19, $0xb8;
	[tilespmem:$0xF480] =	vst v63  }
0x18d: {  	s28 =	simm.s32 $0xC300;
	s29 =	simm.s32 $0xEB00  }
0x18e: {  	[spmem:s3] =	stream.indirect.scatter.add.f32 [tilespmem:s29], [sflag:$0x1], $0x1, s28, s19, $0xb8;
	[tilespmem:$0xF480] =	vst v63  }
0x18f: {  	s30 =	simm.s32 $0xC380;
	s31 =	simm.s32 $0xEB80  }
0x190: {  	[spmem:s3] =	stream.indirect.scatter.add.f32 [tilespmem:s31], [sflag:$0x1], $0x1, s30, s19, $0xb8;
	[tilespmem:$0xF480] =	vst v63  }
0x191: {  	s16 =	simm.s32 $0xC400;
	s17 =	simm.s32 $0xEC00  }
0x192: {  	[spmem:s3] =	stream.indirect.scatter.add.f32 [tilespmem:s17], [sflag:$0x1], $0x1, s16, s19, $0xb8;
	[tilespmem:$0xF480] =	vst v63  }
0x193: {  	s28 =	simm.s32 $0xC480;
	s29 =	simm.s32 $0xEC80  }
0x194: {  	[spmem:s3] =	stream.indirect.scatter.add.f32 [tilespmem:s29], [sflag:$0x1], $0x1, s28, s19, $0xb8;
	[tilespmem:$0xF480] =	vst v63  }
0x195: {  	s30 =	simm.s32 $0xC500;
	s31 =	simm.s32 $0xED00  }
0x196: {  	[spmem:s3] =	stream.indirect.scatter.add.f32 [tilespmem:s31], [sflag:$0x1], $0x1, s30, s19, $0xb8;
	[tilespmem:$0xF480] =	vst v63  }
0x197: {  	s16 =	simm.s32 $0xC580;
	s17 =	simm.s32 $0xED80  }
0x198: {  	[spmem:s3] =	stream.indirect.scatter.add.f32 [tilespmem:s17], [sflag:$0x1], $0x1, s16, s19, $0xb8;
	[tilespmem:$0xF480] =	vst v63  }
0x199: {  	s28 =	simm.s32 $0xC600;
	s29 =	simm.s32 $0xEE00  }
0x19a: {  	[spmem:s3] =	stream.indirect.scatter.add.f32 [tilespmem:s29], [sflag:$0x1], $0x1, s28, s19, $0xb8;
	[tilespmem:$0xF480] =	vst v63  }
0x19b: {  	_ = 	snop  }
0x19c: {  	[spmem:s3] =	stream.indirect.scatter.add.f32 [tilespmem:s21], [sflag:$0x1], $0x1, s20, s19, $0xb8;
	[tilespmem:$0xF480] =	vst v63  }
0x19d: {  	_ = 	snop  }
0x19e: {  	[spmem:s3] =	stream.indirect.scatter.add.f32 [tilespmem:s23], [sflag:$0x1], $0x1, s22, s19, $0xb8;
	[tilespmem:$0xF480] =	vst v63  }
0x19f: {  	_ =	swait.ge [sflag:s24], $0x80  }
0x1a0: {  	[sflag:s24] =	ssyncset.done $0x0  }
0x1a1: {  	[sflag:s24] =	ssyncadd.s32 $0xFFFFFF80  }
0x1a2: {  	_ =	swait.ge [sflag:s24], $0x80  }
0x1a3: {  	[sflag:s24] =	ssyncset.done $0x0  }
0x1a4: {  	[sflag:s24] =	ssyncadd.s32 $0xFFFFFF80  }
0x1a5: {  	_ =	swait.ge [sflag:s24], $0x80  }
0x1a6: {  	[sflag:s24] =	ssyncset.done $0x0  }
0x1a7: {  	[sflag:s24] =	ssyncadd.s32 $0xFFFFFF80  }
0x1a8: {  	_ =	swait.ge [sflag:s24], $0x80  }
0x1a9: {  	[sflag:s24] =	ssyncset.done $0x0  }
0x1aa: {  	[sflag:s24] =	ssyncadd.s32 $0xFFFFFF80  }
0x1ab: {  	_ =	swait.ge [sflag:s24], $0x80  }
0x1ac: {  	[sflag:s24] =	ssyncset.done $0x0  }
0x1ad: {  	[sflag:s24] =	ssyncadd.s32 $0xFFFFFF80  }
0x1ae: {  	_ =	swait.ge [sflag:s24], $0x80  }
0x1af: {  	[sflag:s24] =	ssyncset.done $0x0  }
0x1b0: {  	[sflag:s24] =	ssyncadd.s32 $0xFFFFFF80  }
0x1b1: {  	_ =	swait.ge [sflag:s24], $0x80  }
0x1b2: {  	[sflag:s24] =	ssyncset.done $0x0  }
0x1b3: {  	[sflag:s24] =	ssyncadd.s32 $0xFFFFFF80  }
0x1b4: {  	_ =	swait.ge [sflag:s24], $0x80  }
0x1b5: {  	[sflag:s24] =	ssyncset.done $0x0  }
0x1b6: {  	[sflag:s24] =	ssyncadd.s32 $0xFFFFFF80  }
0x1b7: {  	_ =	swait.ge [sflag:s24], $0x80  }
0x1b8: {  	[sflag:s24] =	ssyncset.done $0x0  }
0x1b9: {  	[sflag:s24] =	ssyncadd.s32 $0xFFFFFF80  }
0x1ba: {  	_ =	swait.ge [sflag:s24], $0x80  }
0x1bb: {  	[sflag:s24] =	ssyncset.done $0x0  }
0x1bc: {  	[sflag:s24] =	ssyncadd.s32 $0xFFFFFF80  }
0x1bd: {  	_ =	swait.ge [sflag:s24], $0x80  }
0x1be: {  	[sflag:s24] =	ssyncset.done $0x0  }
0x1bf: {  	[sflag:s24] =	ssyncadd.s32 $0xFFFFFF80  }
0x1c0: {  	_ =	swait.ge [sflag:s24], $0x80  }
0x1c1: {  	[sflag:s24] =	ssyncset.done $0x0  }
0x1c2: {  	[sflag:s24] =	ssyncadd.s32 $0xFFFFFF80  }
0x1c3: {  	_ =	swait.ge [sflag:s24], $0x80  }
0x1c4: {  	[sflag:s24] =	ssyncset.done $0x0  }
0x1c5: {  	[sflag:s24] =	ssyncadd.s32 $0xFFFFFF80  }
0x1c6: {  	_ =	swait.ge [sflag:s24], $0x80  }
0x1c7: {  	[sflag:s24] =	ssyncset.done $0x0  }
0x1c8: {  	[sflag:s24] =	ssyncadd.s32 $0xFFFFFF80  }
0x1c9: {  	_ =	swait.ge [sflag:s24], $0x80  }
0x1ca: {  	[sflag:s24] =	ssyncset.done $0x0  }
0x1cb: {  	[sflag:s24] =	ssyncadd.s32 $0xFFFFFF80  }
0x1cc: {  	_ =	swait.ge [sflag:s24], $0x80  }
0x1cd: {  	[sflag:s24] =	ssyncset.done $0x0  }
0x1ce: {  	[sflag:s24] =	ssyncadd.s32 $0xFFFFFF80  }
0x1cf: {  	_ =	swait.ge [sflag:s24], $0x80  }
0x1d0: {  	[sflag:s24] =	ssyncset.done $0x0  }
0x1d1: {  	[sflag:s24] =	ssyncadd.s32 $0xFFFFFF80  }
0x1d2: {  	_ =	swait.ge [sflag:s24], $0x80  }
0x1d3: {  	[sflag:s24] =	ssyncset.done $0x0  }
0x1d4: {  	[sflag:s24] =	ssyncadd.s32 $0xFFFFFF80  }
0x1d5: {  	_ =	swait.ge [sflag:s24], $0x80  }
0x1d6: {  	[sflag:s24] =	ssyncset.done $0x0  }
0x1d7: {  	[sflag:s24] =	ssyncadd.s32 $0xFFFFFF80  }
0x1d8: {  	_ =	swait.ge [sflag:s24], $0x80  }
0x1d9: {  	[sflag:s24] =	ssyncset.done $0x0  }
0x1da: {  	[sflag:s24] =	ssyncadd.s32 $0xFFFFFF80  }
0x1db: {  	_ =	swait.ge [sflag:s24], $0x80  }
0x1dc: {  	[sflag:s24] =	ssyncset.done $0x0  }
0x1dd: {  	[sflag:s24] =	ssyncadd.s32 $0xFFFFFF80  }
0x1de: {  	_ =	swait.ge [sflag:s24], $0x80  }
0x1df: {  	[sflag:s24] =	ssyncset.done $0x0  }
0x1e0: {  	[sflag:s24] =	ssyncadd.s32 $0xFFFFFF80  }
0x1e1: {  	_ =	swait.ge [sflag:s24], $0x80  }
0x1e2: {  	[sflag:s24] =	ssyncset.done $0x0  }
0x1e3: {  	[sflag:s24] =	ssyncadd.s32 $0xFFFFFF80  }
0x1e4: {  	_ =	swait.ge [sflag:s24], $0x80  }
0x1e5: {  	[sflag:s24] =	ssyncset.done $0x0  }
0x1e6: {  	[sflag:s24] =	ssyncadd.s32 $0xFFFFFF80  }
0x1e7: {  	_ =	swait.ge [sflag:s24], $0x80  }
0x1e8: {  	[sflag:s24] =	ssyncset.done $0x0  }
0x1e9: {  	[sflag:s24] =	ssyncadd.s32 $0xFFFFFF80  }
0x1ea: {  	_ =	swait.ge [sflag:s24], $0x80  }
0x1eb: {  	[sflag:s24] =	ssyncset.done $0x0  }
0x1ec: {  	[sflag:s24] =	ssyncadd.s32 $0xFFFFFF80  }
0x1ed: {  	_ =	swait.ge [sflag:s24], $0x80  }
0x1ee: {  	[sflag:s24] =	ssyncset.done $0x0  }
0x1ef: {  	[sflag:s24] =	ssyncadd.s32 $0xFFFFFF80  }
0x1f0: {  	_ =	swait.ge [sflag:s24], $0x80  }
0x1f1: {  	[sflag:s24] =	ssyncset.done $0x0  }
0x1f2: {  	[sflag:s24] =	ssyncadd.s32 $0xFFFFFF80  }
0x1f3: {  	_ =	swait.ge [sflag:s24], $0x80  }
0x1f4: {  	[sflag:s24] =	ssyncset.done $0x0  }
0x1f5: {  	[sflag:s24] =	ssyncadd.s32 $0xFFFFFF80  }
0x1f6: {  	_ =	swait.ge [sflag:s24], $0x80  }
0x1f7: {  	[sflag:s24] =	ssyncset.done $0x0  }
0x1f8: {  	[sflag:s24] =	ssyncadd.s32 $0xFFFFFF80  }
0x1f9: {  	_ =	swait.ge [sflag:s24], $0x80  }
0x1fa: {  	[sflag:s24] =	ssyncset.done $0x0  }
0x1fb: {  	[sflag:s24] =	ssyncadd.s32 $0xFFFFFF80  }
0x1fc: {  	_ =	swait.ge [sflag:s24], $0x80  }
0x1fd: {  	[sflag:s24] =	ssyncset.done $0x0  }
0x1fe: {  	[sflag:s24] =	ssyncadd.s32 $0xFFFFFF80  }
0x1ff: {  	_ =	swait.ge [sflag:s24], $0x80  }
0x200: {  	[sflag:s24] =	ssyncset.done $0x0  }
0x201: {  	[sflag:s24] =	ssyncadd.s32 $0xFFFFFF80  }
0x202: {  	_ =	swait.ge [sflag:s24], $0x80  }
0x203: {  	[sflag:s24] =	ssyncset.done $0x0  }
0x204: {  	[sflag:s24] =	ssyncadd.s32 $0xFFFFFF80  }
0x205: {  	_ =	swait.ge [sflag:s24], $0x80  }
0x206: {  	[sflag:s24] =	ssyncset.done $0x0  }
0x207: {  	[sflag:s24] =	ssyncadd.s32 $0xFFFFFF80  }
0x208: {  	_ =	swait.ge [sflag:s24], $0x80  }
0x209: {  	[sflag:s24] =	ssyncset.done $0x0  }
0x20a: {  	[sflag:s24] =	ssyncadd.s32 $0xFFFFFF80  }
0x20b: {  	_ =	swait.ge [sflag:s24], $0x80  }
0x20c: {  	[sflag:s24] =	ssyncset.done $0x0  }
0x20d: {  	[sflag:s24] =	ssyncadd.s32 $0xFFFFFF80  }
0x20e: {  	_ =	swait.ge [sflag:s24], $0x80  }
0x20f: {  	[sflag:s24] =	ssyncset.done $0x0  }
0x210: {  	[sflag:s24] =	ssyncadd.s32 $0xFFFFFF80  }
0x211: {  	_ =	swait.ge [sflag:s24], $0x80  }
0x212: {  	[sflag:s24] =	ssyncset.done $0x0  }
0x213: {  	[sflag:s24] =	ssyncadd.s32 $0xFFFFFF80  }
0x214: {  	_ =	swait.ge [sflag:s24], $0x80  }
0x215: {  	[sflag:s24] =	ssyncset.done $0x0  }
0x216: {  	[sflag:s24] =	ssyncadd.s32 $0xFFFFFF80  }
0x217: {  	_ =	swait.ge [sflag:s24], $0x80  }
0x218: {  	[sflag:s24] =	ssyncset.done $0x0  }
0x219: {  	[sflag:s24] =	ssyncadd.s32 $0xFFFFFF80  }
0x21a: {  	_ =	swait.ge [sflag:s24], $0x80  }
0x21b: {  	[sflag:s24] =	ssyncset.done $0x0  }
0x21c: {  	[sflag:s24] =	ssyncadd.s32 $0xFFFFFF80  }
0x21d: {  	_ =	swait.ge [sflag:s24], $0x80  }
0x21e: {  	[sflag:s24] =	ssyncset.done $0x0  }
0x21f: {  	[sflag:s24] =	ssyncadd.s32 $0xFFFFFF80  }
0x220: {  	_ =	swait.ge [sflag:s24], $0x80  }
0x221: {  	[sflag:s24] =	ssyncset.done $0x0  }
0x222: {  	[sflag:s24] =	ssyncadd.s32 $0xFFFFFF80  }
0x223: {  	_ =	swait.ge [sflag:s24], $0x80  }
0x224: {  	[sflag:s24] =	ssyncset.done $0x0  }
0x225: {  	[sflag:s24] =	ssyncadd.s32 $0xFFFFFF80  }
0x226: {  	_ =	swait.ge [sflag:s24], $0x80  }
0x227: {  	[sflag:s24] =	ssyncset.done $0x0  }
0x228: {  	[sflag:s24] =	ssyncadd.s32 $0xFFFFFF80  }
0x229: {  	_ =	swait.ge [sflag:s24], $0x80  }
0x22a: {  	[sflag:s24] =	ssyncset.done $0x0  }
0x22b: {  	[sflag:s24] =	ssyncadd.s32 $0xFFFFFF80  }
0x22c: {  	_ =	swait.ge [sflag:s24], $0x80  }
0x22d: {  	[sflag:s24] =	ssyncset.done $0x0  }
0x22e: {  	[sflag:s24] =	ssyncadd.s32 $0xFFFFFF80  }
0x22f: {  	_ =	swait.ge [sflag:s24], $0x80  }
0x230: {  	[sflag:s24] =	ssyncset.done $0x0  }
0x231: {  	[sflag:s24] =	ssyncadd.s32 $0xFFFFFF80  }
0x232: {  	_ =	swait.ge [sflag:s24], $0x80  }
0x233: {  	[sflag:s24] =	ssyncset.done $0x0  }
0x234: {  	[sflag:s24] =	ssyncadd.s32 $0xFFFFFF80  }
0x235: {  	_ =	swait.ge [sflag:s24], $0x80  }
0x236: {  	[sflag:s24] =	ssyncset.done $0x0  }
0x237: {  	[sflag:s24] =	ssyncadd.s32 $0xFFFFFF80  }
0x238: {  	_ =	swait.ge [sflag:s24], $0x80  }
0x239: {  	[sflag:s24] =	ssyncset.done $0x0  }
0x23a: {  	[sflag:s24] =	ssyncadd.s32 $0xFFFFFF80  }
0x23b: {  	_ =	swait.ge [sflag:s24], $0x80  }
0x23c: {  	[sflag:s24] =	ssyncset.done $0x0  }
0x23d: {  	[sflag:s24] =	ssyncadd.s32 $0xFFFFFF80  }
0x23e: {  	_ =	swait.ge [sflag:s24], $0x80  }
0x23f: {  	[sflag:s24] =	ssyncset.done $0x0  }
0x240: {  	[sflag:s24] =	ssyncadd.s32 $0xFFFFFF80  }
0x241: {  	_ =	swait.ge [sflag:s24], $0x80  }
0x242: {  	[sflag:s24] =	ssyncset.done $0x0  }
0x243: {  	[sflag:s24] =	ssyncadd.s32 $0xFFFFFF80  }
0x244: {  	_ =	swait.ge [sflag:s24], $0x80  }
0x245: {  	[sflag:s24] =	ssyncset.done $0x0  }
0x246: {  	[sflag:s24] =	ssyncadd.s32 $0xFFFFFF80  }
0x247: {  	_ =	swait.ge [sflag:s24], $0x80  }
0x248: {  	[sflag:s24] =	ssyncset.done $0x0  }
0x249: {  	[sflag:s24] =	ssyncadd.s32 $0xFFFFFF80  }
0x24a: {  	_ =	swait.ge [sflag:s24], $0x80  }
0x24b: {  	[sflag:s24] =	ssyncset.done $0x0  }
0x24c: {  	[sflag:s24] =	ssyncadd.s32 $0xFFFFFF80  }
0x24d: {  	_ =	swait.ge [sflag:s24], $0x80  }
0x24e: {  	[sflag:s24] =	ssyncset.done $0x0  }
0x24f: {  	[sflag:s24] =	ssyncadd.s32 $0xFFFFFF80  }
0x250: {  	_ =	swait.ge [sflag:s24], $0x80  }
0x251: {  	[sflag:s24] =	ssyncset.done $0x0  }
0x252: {  	[sflag:s24] =	ssyncadd.s32 $0xFFFFFF80  }
0x253: {  	_ =	swait.ge [sflag:s24], $0x80  }
0x254: {  	[sflag:s24] =	ssyncset.done $0x0  }
0x255: {  	[sflag:s24] =	ssyncadd.s32 $0xFFFFFF80  }
0x256: {  	_ =	swait.ge [sflag:s24], $0x80  }
0x257: {  	[sflag:s24] =	ssyncset.done $0x0  }
0x258: {  	[sflag:s24] =	ssyncadd.s32 $0xFFFFFF80  }
0x259: {  	_ =	swait.ge [sflag:s24], $0x80  }
0x25a: {  	[sflag:s24] =	ssyncset.done $0x0  }
0x25b: {  	[sflag:s24] =	ssyncadd.s32 $0xFFFFFF80  }
0x25c: {  	_ =	swait.ge [sflag:s24], $0x80  }
0x25d: {  	[sflag:s24] =	ssyncset.done $0x0  }
0x25e: {  	[sflag:s24] =	ssyncadd.s32 $0xFFFFFF80  }
0x25f: {  	_ =	swait.ge [sflag:s24], $0x80  }
0x260: {  	[sflag:s24] =	ssyncset.done $0x0  }
0x261: {  	[sflag:s24] =	ssyncadd.s32 $0xFFFFFF80  }
0x262: {  	_ =	swait.ge [sflag:s24], $0x80  }
0x263: {  	[sflag:s24] =	ssyncset.done $0x0  }
0x264: {  	[sflag:s24] =	ssyncadd.s32 $0xFFFFFF80  }
0x265: {  	_ =	swait.ge [sflag:s24], $0x80  }
0x266: {  	[sflag:s24] =	ssyncset.done $0x0  }
0x267: {  	[sflag:s24] =	ssyncadd.s32 $0xFFFFFF80  }
0x268: {  	_ =	swait.ge [sflag:s24], $0x80  }
0x269: {  	[sflag:s24] =	ssyncset.done $0x0  }
0x26a: {  	[sflag:s24] =	ssyncadd.s32 $0xFFFFFF80  }
0x26b: {  	_ =	swait.ge [sflag:s24], $0x80  }
0x26c: {  	[sflag:s24] =	ssyncset.done $0x0  }
0x26d: {  	[sflag:s24] =	ssyncadd.s32 $0xFFFFFF80  }
0x26e: {  	_ =	swait.ge [sflag:s24], $0x80  }
0x26f: {  	[sflag:s24] =	ssyncset.done $0x0  }
0x270: {  	[sflag:s24] =	ssyncadd.s32 $0xFFFFFF80  }
0x271: {  	_ =	swait.ge [sflag:s24], $0x80  }
0x272: {  	[sflag:s24] =	ssyncset.done $0x0  }
0x273: {  	[sflag:s24] =	ssyncadd.s32 $0xFFFFFF80  }
0x274: {  	_ =	swait.ge [sflag:s24], $0x80  }
0x275: {  	[sflag:s24] =	ssyncset.done $0x0  }
0x276: {  	[sflag:s24] =	ssyncadd.s32 $0xFFFFFF80  }
0x277: {  	_ =	swait.ge [sflag:s24], $0x80  }
0x278: {  	[sflag:s24] =	ssyncset.done $0x0  }
0x279: {  	[sflag:s24] =	ssyncadd.s32 $0xFFFFFF80  }
0x27a: {  	_ =	swait.ge [sflag:s24], $0x80  }
0x27b: {  	[sflag:s24] =	ssyncset.done $0x0  }
0x27c: {  	[sflag:s24] =	ssyncadd.s32 $0xFFFFFF80  }
0x27d: {  	_ =	swait.ge [sflag:s24], $0x80  }
0x27e: {  	[sflag:s24] =	ssyncset.done $0x0  }
0x27f: {  	[sflag:s24] =	ssyncadd.s32 $0xFFFFFF80  }
0x280: {  	_ =	swait.ge [sflag:s24], $0x80  }
0x281: {  	[sflag:s24] =	ssyncset.done $0x0  }
0x282: {  	[sflag:s24] =	ssyncadd.s32 $0xFFFFFF80  }
0x283: {  	_ =	swait.ge [sflag:s24], $0x80  }
0x284: {  	[sflag:s24] =	ssyncset.done $0x0  }
0x285: {  	[sflag:s24] =	ssyncadd.s32 $0xFFFFFF80  }
0x286: {  	_ =	swait.ge [sflag:s24], $0x80  }
0x287: {  	[sflag:s24] =	ssyncset.done $0x0  }
0x288: {  	[sflag:s24] =	ssyncadd.s32 $0xFFFFFF80  }
0x289: {  	_ =	swait.ge [sflag:s24], $0x80  }
0x28a: {  	[sflag:s24] =	ssyncset.done $0x0  }
0x28b: {  	[sflag:s24] =	ssyncadd.s32 $0xFFFFFF80  }
0x28c: {  	s26 =	sadd.s32 $0x1, s26;
	_ =	swait.ge [sflag:s24], $0x80  }
0x28d: {  	p1 =	sne.s32 s26, s13;
	s30 =	stileid.u32;
	[sflag:s24] =	ssyncset.done $0x0  }
0x28e: {  	s31 =	sshrl.u32 s9, $0x3;
	s1 =	sshll.u32 s30, $0x6;
	[sflag:s24] =	ssyncadd.s32 $0xFFFFFF80  }
.Ltmp1:
0x28f: {  	s1 =	sor.u32 $0x1C02, s1;
	[bflag:$0x0] =	sbarrier.arrive $0xFFFF;
	(pc) =	sbr.rel @p1 .LBB2_1-.Ltmp1, $4  }
0x290: {  	[hbm:s12@s25], [sflag:s1] =	dma.strided [spmem:s31@s0], $0x50, s24, $0x10   }
0x291: {  	_ =	swait.ge [sflag:s15], $0x50  }
0x292: {  	[sflag:s15] =	ssyncset.done $0x0  }
0x293: {  	[sflag:s15] =	ssyncadd.s32 $0xFFFFFFB0  }
0x294: {  	_ =	sfence.sel $0x180000  }
0x295: {  	[bflag:$0x0] =	sbarrier.arrive $0xFFFF  }
0x296: {  	_ =	strace $0x90000047  }
0x297: {  	s0 =	stileid.u32;
	[bflag:$0x2] =	sbarrier.arrive $0xFFFF  }
0x298: {  	p0 =	sne.s32 s0, $0x0;
	s0 =	rddreg [dreg:$0x4]  }
0x299: {  	s0 =	sadd.s32 @!p0 $0x100000, s0  }
0x29a: {  	[sflag:s0] =	ssyncadd.tile.s32 @!p0 $0x1;
	_ =	shalt  }
.Lfunc_end2:
_tile_overlayer_lowered:
.L_overlay_start_2:
0x29b: {  	(tag) =	ssettag $0x2  }
0x29c: {  	s0 =	rddreg [dreg:$0x0];
	s2 =	stileid.u32  }
0x29d: {  	s1 =	rddreg [dreg:$0x1];
	p0 =	sne.s32 s2, $0x0  }
0x29e: {  	s3 =	rddreg [dreg:$0x2];
	[bflag:$0x3] =	sbarrier.arrive $0xFFFF;
	s2 =	simm.s32 @!p0 $0x1C02  }
0x29f: {  	[timem:s3], [sflag:s2] =	dma.local @!p0 [hbm:s0], s1  }
0x2a0: {  	s0 =	simm.s32 @!p0 $0x2  }
0x2a1: {  	_ =	swait.ge @!p0 [sflag:s0], s1  }
0x2a2: {  	s1 =	ssub.s32 @!p0 $0x0, s1;
	[sflag:s0] =	ssyncset.done @!p0 $0x0  }
0x2a3: {  	[sflag:s0] =	ssyncadd.s32 @!p0 s1  }
0x2a4: {  	[bflag:$0x3] =	sbarrier.arrive $0xFFFF  }
0x2a5: {  	_ =	shalt  }

</sc_bundles>
